<compile_context>
chip_gen: v7x
topology: tpu7x:2x2x1
jax: 0.10.2.dev20260603
libtpu: 0.0.44.dev20260713+nightly
codegen_flags: <defaults>
</compile_context>

<pallas_src>
import functools

import jax
import jax.numpy as jnp
from jax import lax
from jax.experimental import pallas as pl
from jax.experimental.pallas import tpu as pltpu
from jax.experimental.pallas import tpu_sc as plsc

NN = 16
XW = 128
DIM = 256
TQ = 128
L = 16
CAP = 512
GQ = 4


def _bf16_round(a):
    r = lax.bitcast_convert_type(a, jnp.int32)
    r = (r + 0x7FFF + ((r >> 16) & 1)) & (~0xFFFF)
    return lax.bitcast_convert_type(r, jnp.float32)


def _globals_body(lat_ref, wqs_ref, wkg_ref, wvg_ref, gw1_ref, gb1_ref,
                  gw2_ref, gb2_ref, qa_ref, vg_ref, ag_ref):
    lat = lat_ref[...]
    qa = jnp.dot(lat, wqs_ref[...], preferred_element_type=jnp.float32)
    kg = jnp.dot(lat, wkg_ref[...], preferred_element_type=jnp.float32)
    vg = jnp.dot(lat, wvg_ref[...], preferred_element_type=jnp.float32)
    h = jnp.maximum(
        jnp.dot(qa - kg, gw1_ref[...], preferred_element_type=jnp.float32)
        + gb1_ref[...], 0.0)
    ag = jnp.dot(h, gw2_ref[...], preferred_element_type=jnp.float32) + gb2_ref[...]
    qa_ref[...] = qa
    vg_ref[...] = vg
    ag_ref[...] = ag


def _compute_globals(lat_rep, w_qs, w_k_global, w_v_global,
                     fcg_w1, fcg_b1, fcg_w2, fcg_b2):
    b = lat_rep.shape[0]
    out_shapes = [jax.ShapeDtypeStruct((b, DIM), jnp.float32)] * 3
    return pl.pallas_call(
        _globals_body,
        out_shape=out_shapes,
    )(lat_rep, w_qs, w_k_global, w_v_global,
      fcg_w1, fcg_b1.reshape(1, DIM), fcg_w2, fcg_b2.reshape(1, DIM))


def _proj_body(pts_ref, wk_ref, wv_ref, pk_ref, pv_ref):
    pts = pts_ref[0]
    pk_ref[0] = jnp.dot(pts, wk_ref[...], preferred_element_type=jnp.float32)
    pv_ref[0] = jnp.dot(pts, wv_ref[...], preferred_element_type=jnp.float32)


def _project_points(points, w_ks, w_vs):
    b, n, dim_inp = points.shape
    tn = 512
    grid = (b, n // tn)
    return pl.pallas_call(
        _proj_body,
        grid=grid,
        in_specs=[
            pl.BlockSpec((1, tn, dim_inp), lambda i, j: (i, j, 0)),
            pl.BlockSpec((dim_inp, DIM), lambda i, j: (0, 0)),
            pl.BlockSpec((dim_inp, DIM), lambda i, j: (0, 0)),
        ],
        out_specs=[
            pl.BlockSpec((1, tn, DIM), lambda i, j: (i, j, 0)),
            pl.BlockSpec((1, tn, DIM), lambda i, j: (i, j, 0)),
        ],
        out_shape=[jax.ShapeDtypeStruct((b, n, DIM), jnp.float32)] * 2,
    )(points, w_ks, w_vs)


def _sc_knn_gather(xq_flat, xyz_flat, pk_flat, pv_flat, x16_flat, b, nq, n):
    info = plsc.get_sparse_core_info()
    nw = info.num_cores * info.num_subcores
    qpw = (b * nq) // nw
    ngr = qpw // GQ
    nchunk = n // L
    qrow = nq // nw if nq >= nw else 1
    del qrow
    mesh = plsc.VectorSubcoreMesh(core_axis_name="c", subcore_axis_name="s")

    @functools.partial(
        pl.kernel, mesh=mesh,
        out_type=[
            jax.ShapeDtypeStruct((b * nq * NN, DIM), jnp.float32),
            jax.ShapeDtypeStruct((b * nq * NN, DIM), jnp.float32),
            jax.ShapeDtypeStruct((b * nq * NN, XW), jnp.float32),
            jax.ShapeDtypeStruct((b * nq * NN,), jnp.int32),
        ],
        scratch_types=[
            pltpu.VMEM((4 * qpw + L,), jnp.float32),
            pltpu.VMEM((4 * n,), jnp.float32),
            pltpu.VMEM((GQ * n,), jnp.float32),
            pltpu.VMEM((L,), jnp.float32),
            pltpu.VMEM((L,), jnp.int32),
            pltpu.VMEM((GQ * NN,), jnp.int32),
            pltpu.VMEM((GQ * NN, DIM), jnp.float32),
            pltpu.VMEM((GQ * NN, DIM), jnp.float32),
            pltpu.VMEM((GQ * NN, XW), jnp.float32),
            pltpu.SemaphoreType.DMA,
            pltpu.SemaphoreType.DMA,
            pltpu.SemaphoreType.DMA,
            pltpu.SemaphoreType.DMA,
            pltpu.SemaphoreType.DMA,
            pltpu.SemaphoreType.DMA,
        ],
    )
    def sc_kernel(xq_hbm, xyz_hbm, pk_hbm, pv_hbm, x16_hbm,
                  kg_hbm, vg_hbm, xg_hbm, ki_hbm,
                  qv, pv_, dr, bq, bqi, gidx, krows, vrows, xrows,
                  sgk, sgv, sgx, swk, swv, swx):
        w = lax.axis_index("s") * info.num_cores + lax.axis_index("c")
        batch = w // (nw // b)
        iota = lax.iota(jnp.int32, L)
        inf = jnp.full((L,), jnp.inf, jnp.float32)

        for c in range(4):
            pltpu.sync_copy(xq_hbm.at[pl.ds(c * b * nq + w * qpw, qpw)],
                            qv.at[pl.ds(c * qpw, qpw)])
            pltpu.sync_copy(xyz_hbm.at[pl.ds(c * b * n + batch * n, n)],
                            pv_.at[pl.ds(c * n, n)])


        def group(g, _):
            base = g * GQ

            qxv = qv[pl.ds(base, L)]
            qyv = qv[pl.ds(qpw + base, L)]
            qzv = qv[pl.ds(2 * qpw + base, L)]
            qsv = qv[pl.ds(3 * qpw + base, L)]
            qb = []
            for qi in range(GQ):
                sel = jnp.full((L,), qi, jnp.int32)
                qb.append((qxv.at[sel].get(mode='promise_in_bounds'),
                           qyv.at[sel].get(mode='promise_in_bounds'),
                           qzv.at[sel].get(mode='promise_in_bounds'),
                           qsv.at[sel].get(mode='promise_in_bounds')))

            def p1(c, lm):
                xv = pv_[pl.ds(c * L, L)]
                yv = pv_[pl.ds(n + c * L, L)]
                zv = pv_[pl.ds(2 * n + c * L, L)]
                sv = pv_[pl.ds(3 * n + c * L, L)]
                out = []
                for qi in range(GQ):
                    dot = qb[qi][0] * xv + qb[qi][1] * yv + qb[qi][2] * zv
                    d = (qb[qi][3] + sv) - 2.0 * dot
                    dr[pl.ds(qi * n + c * L, L)] = d
                    out.append(jnp.minimum(lm[qi], d))
                return tuple(out)

            lm = lax.fori_loop(0, nchunk, p1, tuple(inf for _ in range(GQ)))

            for qi in range(GQ):
                t = lm[qi]
                for kk in (1, 2, 4, 8):
                    perm = jnp.bitwise_xor(iota, kk)
                    t = jnp.maximum(t, t.at[perm].get(mode='promise_in_bounds'))
                tau = t

                bq[...] = inf
                bqi[...] = jnp.zeros((L,), jnp.int32)
                tau0 = tau[0]

                one = jnp.ones((L,), jnp.int32)
                zero = jnp.zeros((L,), jnp.int32)

                def lessi(ak, av, bk, bv):
                    lt = jnp.where(ak < bk, one, zero)
                    eq = jnp.where(ak == bk, one, zero)
                    lv = jnp.where(av < bv, one, zero)
                    return lt | (eq & lv)

                def cmpstage(cd, ci, j, ab):
                    pp = jnp.bitwise_xor(iota, j)
                    pk = cd.at[pp].get(mode='promise_in_bounds')
                    pi = ci.at[pp].get(mode='promise_in_bounds')
                    lw = 1 - ((iota >> (j.bit_length() - 1)) & 1)
                    take = jnp.bitwise_xor(jnp.bitwise_xor(lw, ab),
                                           lessi(pk, pi, cd, ci))
                    keep = take == 1
                    return (jnp.where(keep, pk, cd),
                            jnp.where(keep, pi, ci))

                def p2(c, _):
                    d = dr[pl.ds(qi * n + c * L, L)]
                    bd = bq[...]
                    thr = jnp.minimum(tau0, bd[L - 1])
                    dmin = d
                    for kk in (1, 2, 4, 8):
                        pp = jnp.bitwise_xor(iota, kk)
                        dmin = jnp.minimum(
                            dmin, dmin.at[pp].get(mode='promise_in_bounds'))
                    hit = dmin[0] <= thr

                    @pl.when(hit)
                    def merge():
                        cd = d
                        ci = c * L + iota
                        for ksz in (2, 4, 8, 16):
                            ab = 1 - ((iota >> (ksz.bit_length() - 1)) & 1)
                            j = ksz // 2
                            while j:
                                cd, ci = cmpstage(cd, ci, j, ab)
                                j //= 2
                        bi = bqi[...]
                        rev = (L - 1) - iota
                        rcd = cd.at[rev].get(mode='promise_in_bounds')
                        rci = ci.at[rev].get(mode='promise_in_bounds')
                        keepb = lessi(bd, bi, rcd, rci) == 1
                        md = jnp.where(keepb, bd, rcd)
                        mi = jnp.where(keepb, bi, rci)
                        for j in (8, 4, 2, 1):
                            md, mi = cmpstage(md, mi, j, one)
                        bq[...] = md
                        bqi[...] = mi

                    return 0

                lax.fori_loop(0, nchunk, p2, 0)
                gidx[pl.ds(qi * NN, NN)] = bqi[...] + batch * n

            rowb = (w * qpw + base) * NN

            @pl.when(g > 0)
            def _():
                prowb = (w * qpw + base - GQ) * NN
                pltpu.make_async_copy(
                    krows, kg_hbm.at[pl.ds(prowb, GQ * NN)], swk).wait()
                pltpu.make_async_copy(
                    vrows, vg_hbm.at[pl.ds(prowb, GQ * NN)], swv).wait()
                pltpu.make_async_copy(
                    xrows, xg_hbm.at[pl.ds(prowb, GQ * NN)], swx).wait()

            pltpu.sync_copy(gidx, ki_hbm.at[pl.ds(rowb, GQ * NN)])
            ck = pltpu.async_copy(pk_hbm.at[gidx], krows, sgk)
            cv = pltpu.async_copy(pv_hbm.at[gidx], vrows, sgv)
            cx = pltpu.async_copy(x16_hbm.at[gidx], xrows, sgx)
            ck.wait()
            cv.wait()
            cx.wait()
            pltpu.async_copy(krows, kg_hbm.at[pl.ds(rowb, GQ * NN)], swk)
            pltpu.async_copy(vrows, vg_hbm.at[pl.ds(rowb, GQ * NN)], swv)
            pltpu.async_copy(xrows, xg_hbm.at[pl.ds(rowb, GQ * NN)], swx)
            return 0

        lax.fori_loop(0, ngr, group, 0)
        lrowb = (w * qpw + (ngr - 1) * GQ) * NN
        pltpu.make_async_copy(krows, kg_hbm.at[pl.ds(lrowb, GQ * NN)], swk).wait()
        pltpu.make_async_copy(vrows, vg_hbm.at[pl.ds(lrowb, GQ * NN)], swv).wait()
        pltpu.make_async_copy(xrows, xg_hbm.at[pl.ds(lrowb, GQ * NN)], swx).wait()

    return sc_kernel(xq_flat, xyz_flat, pk_flat, pv_flat, x16_flat)


def _mlp_body(kg_ref, vg_ref, xg_ref, xq_ref, qa_ref, vglob_ref, ag_ref,
              w1p_ref, db1_ref, dw2_ref, db2_ref,
              gw1_ref, gb1_ref, gw2_ref, gb2_ref, out_ref):
    kg = kg_ref[0]
    vg = vg_ref[0]
    xq = xq_ref[0]
    dd = (xq[:, None, :] - xg_ref[0].reshape(TQ, NN, XW)).reshape(TQ * NN, XW)
    h1 = jnp.maximum(
        jnp.dot(dd, w1p_ref[...], preferred_element_type=jnp.float32)
        + db1_ref[...], 0.0)
    pos = jnp.dot(h1, dw2_ref[...], preferred_element_type=jnp.float32) + db2_ref[...]
    x = qa_ref[0] - kg + pos
    h2 = jnp.maximum(
        jnp.dot(x, gw1_ref[...], preferred_element_type=jnp.float32)
        + gb1_ref[...], 0.0)
    a = jnp.dot(h2, gw2_ref[...], preferred_element_type=jnp.float32) + gb2_ref[...]
    a3 = a.reshape(TQ, NN, DIM)
    pos3 = pos.reshape(TQ, NN, DIM)
    vg3 = vg.reshape(TQ, NN, DIM)
    ag = ag_ref[0]
    m = jnp.maximum(jnp.max(a3, axis=1), ag)
    e = jnp.exp(a3 - m[:, None, :])
    eg = jnp.exp(ag - m)
    s = jnp.sum(e, axis=1) + eg
    num = jnp.sum(e * (vg3 + pos3), axis=1) + eg * vglob_ref[0]
    out_ref[0] = num / s


def _fused_mlp(kg, vg, xg, xyz_q, qa, vglob, ag,
               fcd_w1, fcd_b1, fcd_w2, fcd_b2,
               fcg_w1, fcg_b1, fcg_w2, fcg_b2):
    b, nq = kg.shape[0], kg.shape[1] // NN
    grid = (b, nq // TQ)
    w1p = jnp.pad(fcd_w1, ((0, XW - 3), (0, 0)))
    full = lambda shape: pl.BlockSpec(shape, lambda i, j: (0, 0))
    perb = pl.BlockSpec((1, 1, DIM), lambda i, j: (i, 0, 0))
    return pl.pallas_call(
        _mlp_body,
        grid=grid,
        in_specs=[
            pl.BlockSpec((1, TQ * NN, DIM), lambda i, j: (i, j, 0)),
            pl.BlockSpec((1, TQ * NN, DIM), lambda i, j: (i, j, 0)),
            pl.BlockSpec((1, TQ * NN, XW), lambda i, j: (i, j, 0)),
            pl.BlockSpec((1, TQ, XW), lambda i, j: (i, j, 0)),
            perb, perb, perb,
            full((XW, DIM)), full((1, DIM)),
            full((DIM, DIM)), full((1, DIM)),
            full((DIM, DIM)), full((1, DIM)), full((DIM, DIM)), full((1, DIM)),
        ],
        out_specs=pl.BlockSpec((1, TQ, DIM), lambda i, j: (i, j, 0)),
        out_shape=jax.ShapeDtypeStruct((b, nq, DIM), jnp.float32),
    )(kg, vg, xg, jnp.pad(xyz_q, ((0, 0), (0, 0), (0, XW - 3))),
      qa.reshape(b, 1, DIM), vglob.reshape(b, 1, DIM), ag.reshape(b, 1, DIM),
      w1p, fcd_b1.reshape(1, DIM), fcd_w2, fcd_b2.reshape(1, DIM),
      fcg_w1, fcg_b1.reshape(1, DIM), fcg_w2, fcg_b2.reshape(1, DIM))


def kernel(xyz_q, lat_rep, xyz, points,
           fcd_w1, fcd_b1, fcd_w2, fcd_b2,
           fcg_w1, fcg_b1, fcg_w2, fcg_b2,
           w_k_global, w_v_global, w_qs, w_ks, w_vs):
    b, nq, _ = xyz_q.shape
    n = xyz.shape[1]

    qa, vglob, ag = _compute_globals(lat_rep, w_qs, w_k_global, w_v_global,
                                     fcg_w1, fcg_b1, fcg_w2, fcg_b2)
    pk, pv = _project_points(points, w_ks, w_vs)

    xq_flat = jnp.concatenate(
        [_bf16_round(xyz_q.transpose(2, 0, 1).reshape(3, b * nq)),
         jnp.sum(xyz_q ** 2, -1).reshape(1, b * nq)], 0).reshape(4 * b * nq)
    xyz_flat = jnp.concatenate(
        [_bf16_round(xyz.transpose(2, 0, 1).reshape(3, b * n)),
         jnp.sum(xyz ** 2, -1).reshape(1, b * n)], 0).reshape(4 * b * n)
    x16 = jnp.pad(xyz, ((0, 0), (0, 0), (0, XW - 3))).reshape(b * n, XW)
    kg, vgr, xg, _ki = _sc_knn_gather(xq_flat, xyz_flat,
                                 pk.reshape(b * n, DIM),
                                 pv.reshape(b * n, DIM), x16, b, nq, n)

    return _fused_mlp(kg.reshape(b, nq * NN, DIM),
                      vgr.reshape(b, nq * NN, DIM),
                      xg.reshape(b, nq * NN, XW), xyz_q, qa, vglob, ag,
                      fcd_w1, fcd_b1, fcd_w2, fcd_b2,
                      fcg_w1, fcg_b1, fcg_w2, fcg_b2)

# --- scband reference (transcript-rebuilt; emitter-appended) ---
"""Pipeline reference for scband-cross-transformer-block-no-fine-31310311588317 (READ-ONLY COPY).

The authoritative reference and input builder live on the scoring server;
editing this copy changes nothing except your own understanding.
"""

import jax, jax.numpy as jnp
import numpy as np


def square_distance(src, dst):
    return (jnp.sum(src ** 2, -1)[:, :, None]
            + jnp.sum(dst ** 2, -1)[:, None, :]
            - 2.0 * jnp.einsum('bnc,bmc->bnm', src, dst))


def index_points(points, idx):
    b = points.shape[0]
    batch = jnp.arange(b).reshape(b, 1, 1)
    return points[batch, idx]


def setup_inputs(seed: int = 0):
    key = jax.random.key(seed)
    ks = jax.random.split(key, 16)
    b, nQ, N = 4, 2048, 4096
    dim_inp, dim = 256, 256
    s3 = 1.0 / np.sqrt(3.0)
    sd = 1.0 / np.sqrt(dim)
    si = 1.0 / np.sqrt(dim_inp)
    inp = {}
    inp['xyz_q'] = jax.random.normal(ks[0], (b, nQ, 3), dtype=jnp.float32)
    inp['lat_rep'] = jax.random.normal(ks[1], (b, dim_inp), dtype=jnp.float32)
    inp['xyz'] = jax.random.normal(ks[2], (b, N, 3), dtype=jnp.float32)
    inp['points'] = jax.random.normal(ks[3], (b, N, dim_inp), dtype=jnp.float32)
    inp['fcd_w1'] = jax.random.normal(ks[4], (3, dim), dtype=jnp.float32) * s3
    inp['fcd_b1'] = jnp.zeros((dim,), dtype=jnp.float32)
    inp['fcd_w2'] = jax.random.normal(ks[5], (dim, dim), dtype=jnp.float32) * sd
    inp['fcd_b2'] = jnp.zeros((dim,), dtype=jnp.float32)
    inp['fcg_w1'] = jax.random.normal(ks[6], (dim, dim), dtype=jnp.float32) * sd
    inp['fcg_b1'] = jnp.zeros((dim,), dtype=jnp.float32)
    inp['fcg_w2'] = jax.random.normal(ks[7], (dim, dim), dtype=jnp.float32) * sd
    inp['fcg_b2'] = jnp.zeros((dim,), dtype=jnp.float32)
    inp['w_k_global'] = jax.random.normal(ks[8], (dim_inp, dim), dtype=jnp.float32) * si
    inp['w_v_global'] = jax.random.normal(ks[9], (dim_inp, dim), dtype=jnp.float32) * si
    inp['w_qs'] = jax.random.normal(ks[10], (dim_inp, dim), dtype=jnp.float32) * si
    inp['w_ks'] = jax.random.normal(ks[11], (dim_inp, dim), dtype=jnp.float32) * si
    inp['w_vs'] = jax.random.normal(ks[12], (dim_inp, dim), dtype=jnp.float32) * si
    return inp


def reference(xyz_q, lat_rep, xyz, points,
              fcd_w1, fcd_b1, fcd_w2, fcd_b2,
              fcg_w1, fcg_b1, fcg_w2, fcg_b2,
              w_k_global, w_v_global, w_qs, w_ks, w_vs):
    nneigh = 16
    dim = fcg_w2.shape[1]
    b, nQ, _ = xyz_q.shape
    # no_grad kNN search
    dists = square_distance(jax.lax.stop_gradient(xyz_q), jax.lax.stop_gradient(xyz))
    sort_idx = jnp.argsort(dists, axis=-1)
    knn_idx = sort_idx[:, :, :nneigh]
    # 2D lat_rep path
    q_attn = jnp.broadcast_to((lat_rep @ w_qs)[:, None, :], (b, nQ, dim))
    k_global = jnp.broadcast_to((lat_rep @ w_k_global)[:, None, None, :], (b, nQ, 1, dim))
    v_global = jnp.broadcast_to((lat_rep @ w_v_global)[:, None, None, :], (b, nQ, 1, dim))
    k_attn = index_points(points @ w_ks, knn_idx)
    k_attn = jnp.concatenate([k_attn, k_global], axis=2)
    v_attn = index_points(points @ w_vs, knn_idx)
    v_attn = jnp.concatenate([v_attn, v_global], axis=2)
    xyz_k = index_points(xyz, knn_idx)
    d = xyz_q[:, :, None] - xyz_k
    pos = jax.nn.relu(d @ fcd_w1 + fcd_b1) @ fcd_w2 + fcd_b2
    pos = jnp.concatenate([pos, jnp.zeros((b, nQ, 1, dim), dtype=pos.dtype)], axis=2)
    attn = jax.nn.relu((q_attn[:, :, None] - k_attn + pos) @ fcg_w1 + fcg_b1) @ fcg_w2 + fcg_b2
    attn = jax.nn.softmax(attn, axis=-2)
    res = jnp.einsum('bmnf,bmnf->bmf', attn, v_attn + pos)
    return res

if __name__ == "__main__":
    import jax
    _d = setup_inputs()
    print(jax.jit(kernel)(*tuple(_d.values())))

</pallas_src>

<mosaic_0001>
#map = affine_map<(d0, d1) -> (0)>
#map1 = affine_map<(d0, d1) -> (0, 0)>
module attributes {stable_mosaic.version = 14 : i64} {
  func.func @sc_kernel(%arg0: i32, %arg1: i32, %arg2: memref<32768xf32, #tpu.memory_space<hbm>>, %arg3: memref<65536xf32, #tpu.memory_space<hbm>>, %arg4: memref<16384x256xf32, #tpu.memory_space<hbm>>, %arg5: memref<16384x256xf32, #tpu.memory_space<hbm>>, %arg6: memref<16384x128xf32, #tpu.memory_space<hbm>>, %arg7: memref<131072x256xf32, #tpu.memory_space<hbm>>, %arg8: memref<131072x256xf32, #tpu.memory_space<hbm>>, %arg9: memref<131072x128xf32, #tpu.memory_space<hbm>>, %arg10: memref<131072xi32, #tpu.memory_space<hbm>>, %arg11: memref<1040xf32, #tpu.memory_space<vmem>>, %arg12: memref<16384xf32, #tpu.memory_space<vmem>>, %arg13: memref<16384xf32, #tpu.memory_space<vmem>>, %arg14: memref<16xf32, #tpu.memory_space<vmem>>, %arg15: memref<16xi32, #tpu.memory_space<vmem>>, %arg16: memref<64xi32, #tpu.memory_space<vmem>>, %arg17: memref<64x256xf32, #tpu.memory_space<vmem>>, %arg18: memref<64x256xf32, #tpu.memory_space<vmem>>, %arg19: memref<64x128xf32, #tpu.memory_space<vmem>>, %arg20: memref<!tpu.dma_semaphore, #tpu.memory_space<semaphore_mem>>, %arg21: memref<!tpu.dma_semaphore, #tpu.memory_space<semaphore_mem>>, %arg22: memref<!tpu.dma_semaphore, #tpu.memory_space<semaphore_mem>>, %arg23: memref<!tpu.dma_semaphore, #tpu.memory_space<semaphore_mem>>, %arg24: memref<!tpu.dma_semaphore, #tpu.memory_space<semaphore_mem>>, %arg25: memref<!tpu.dma_semaphore, #tpu.memory_space<semaphore_mem>>) attributes {dimension_semantics = [#tpu.dimension_semantics<core_parallel>, #tpu.dimension_semantics<subcore_parallel>], iteration_bounds = array<i64: 2, 16>, scalar_prefetch = 0 : i64, scratch_operands = 15 : i64, tpu.core_type = #tpu.core_type<sc_vector_subcore>, window_params = [{transform_indices = #map}, {transform_indices = #map}, {transform_indices = #map1}, {transform_indices = #map1}, {transform_indices = #map1}, {transform_indices = #map1}, {transform_indices = #map1}, {transform_indices = #map1}, {transform_indices = #map}]} {
    %mul3A = arith.constant 2 : i32
    %mul3A_0 = arith.muli %arg1, %mul3A : i32
    %add3A = arith.addi %mul3A_0, %arg0 : i32
    %jit3A = arith.constant 8 : i32
    %div3A = arith.divsi %add3A, %jit3A : i32
    %sign3A = arith.constant 0 : i32
    %sign3A_1 = arith.cmpi sgt, %add3A, %sign3A : i32
    %sign3A_2 = arith.extui %sign3A_1 : i1 to i32
    %sign3A_3 = arith.constant 0 : i32
    %sign3A_4 = arith.cmpi slt, %add3A, %sign3A_3 : i32
    %sign3A_5 = arith.extui %sign3A_4 : i1 to i32
    %sign3A_6 = arith.subi %sign3A_2, %sign3A_5 : i32
    %sign3A_7 = arith.constant 0 : i32
    %sign3A_8 = arith.cmpi sgt, %jit3A, %sign3A_7 : i32
    %sign3A_9 = arith.extui %sign3A_8 : i1 to i32
    %sign3A_10 = arith.constant 0 : i32
    %sign3A_11 = arith.cmpi slt, %jit3A, %sign3A_10 : i32
    %sign3A_12 = arith.extui %sign3A_11 : i1 to i32
    %sign3A_13 = arith.subi %sign3A_9, %sign3A_12 : i32
    %ne3A = arith.cmpi ne, %sign3A_6, %sign3A_13 : i32
    %rem3A = arith.remsi %add3A, %jit3A : i32
    %ne3A_14 = arith.constant 0 : i32
    %ne3A_15 = arith.cmpi ne, %rem3A, %ne3A_14 : i32
    %and3A = arith.andi %ne3A, %ne3A_15 : i1
    %sub3A = arith.constant 1 : i32
    %sub3A_16 = arith.subi %div3A, %sub3A : i32
    %select_n3A = arith.select %and3A, %sub3A_16, %div3A : i32
    %iota3A = tpu.iota {dimensions = array<i32: 0>} : vector<16xi32>
    %broadcast_in_dim3A = arith.constant 0x7F800000 : f32
    %broadcast_in_dim3A_17 = vector.broadcast %broadcast_in_dim3A : f32 to vector<16xf32>
    %mul3A_18 = arith.constant 256 : i32
    %mul3A_19 = arith.muli %add3A, %mul3A_18 : i32
    %add3A_20 = arith.constant 0 : i32
    %add3A_21 = arith.addi %add3A_20, %mul3A_19 : i32
    "tpu.region"() ({
      %run_scoped3A = tpu.sem_alloc : memref<!tpu.dma_semaphore, #tpu.memory_space<semaphore_mem>>
      %dma_start3A = arith.constant 0 : i32
      %dma_start3A_73 = tpu.memref_slice %arg11[%dma_start3A] : memref<1040xf32, #tpu.memory_space<vmem>> -> memref<256xf32, #tpu.memory_space<vmem>>
      %dma_start3A_74 = tpu.memref_slice %arg2[%add3A_21] : memref<32768xf32, #tpu.memory_space<hbm>> -> memref<256xf32, #tpu.memory_space<hbm>>
      %dma_start3A_75 = arith.constant 0 : i32
      %dma_start3A_76 = tpu.memref_slice %arg11[%dma_start3A_75] : memref<1040xf32, #tpu.memory_space<vmem>> -> memref<256xf32, #tpu.memory_space<vmem>>
      %dma_start3A_77 = tpu.memref_slice %arg2[%add3A_21] : memref<32768xf32, #tpu.memory_space<hbm>> -> memref<256xf32, #tpu.memory_space<hbm>>
      tpu.enqueue_dma source(%dma_start3A_77 : memref<256xf32, #tpu.memory_space<hbm>>) target(%dma_start3A_76 : memref<256xf32, #tpu.memory_space<vmem>>) target_semaphore(%run_scoped3A : memref<!tpu.dma_semaphore, #tpu.memory_space<semaphore_mem>>)
      %dma_wait3A_78 = arith.constant 0 : i32
      %dma_wait3A_79 = tpu.memref_slice %arg11[%dma_wait3A_78] : memref<1040xf32, #tpu.memory_space<vmem>> -> memref<256xf32, #tpu.memory_space<vmem>>
      %dma_wait3A_80 = tpu.memref_slice %arg2[%add3A_21] : memref<32768xf32, #tpu.memory_space<hbm>> -> memref<256xf32, #tpu.memory_space<hbm>>
      %dma_wait3A_81 = arith.constant 0 : i32
      %dma_wait3A_82 = tpu.memref_slice %arg11[%dma_wait3A_81] : memref<1040xf32, #tpu.memory_space<vmem>> -> memref<256xf32, #tpu.memory_space<vmem>>
      %dma_wait3A_83 = tpu.memref_slice %arg2[%add3A_21] : memref<32768xf32, #tpu.memory_space<hbm>> -> memref<256xf32, #tpu.memory_space<hbm>>
      tpu.wait_dma2 semaphore(%run_scoped3A : memref<!tpu.dma_semaphore, #tpu.memory_space<semaphore_mem>>) src(%dma_wait3A_83 : memref<256xf32, #tpu.memory_space<hbm>>) dst(%dma_wait3A_82 : memref<256xf32, #tpu.memory_space<vmem>>)
      tpu.yield
    }) : () -> ()
    %mul3A_22 = arith.constant 4096 : i32
    %mul3A_23 = arith.muli %select_n3A, %mul3A_22 : i32
    %add3A_24 = arith.constant 0 : i32
    %add3A_25 = arith.addi %add3A_24, %mul3A_23 : i32
    "tpu.region"() ({
      %run_scoped3A = tpu.sem_alloc : memref<!tpu.dma_semaphore, #tpu.memory_space<semaphore_mem>>
      %dma_start3A = arith.constant 0 : i32
      %dma_start3A_73 = tpu.memref_slice %arg12[%dma_start3A] : memref<16384xf32, #tpu.memory_space<vmem>> -> memref<4096xf32, #tpu.memory_space<vmem>>
      %dma_start3A_74 = tpu.memref_slice %arg3[%add3A_25] : memref<65536xf32, #tpu.memory_space<hbm>> -> memref<4096xf32, #tpu.memory_space<hbm>>
      %dma_start3A_75 = arith.constant 0 : i32
      %dma_start3A_76 = tpu.memref_slice %arg12[%dma_start3A_75] : memref<16384xf32, #tpu.memory_space<vmem>> -> memref<4096xf32, #tpu.memory_space<vmem>>
      %dma_start3A_77 = tpu.memref_slice %arg3[%add3A_25] : memref<65536xf32, #tpu.memory_space<hbm>> -> memref<4096xf32, #tpu.memory_space<hbm>>
      tpu.enqueue_dma source(%dma_start3A_77 : memref<4096xf32, #tpu.memory_space<hbm>>) target(%dma_start3A_76 : memref<4096xf32, #tpu.memory_space<vmem>>) target_semaphore(%run_scoped3A : memref<!tpu.dma_semaphore, #tpu.memory_space<semaphore_mem>>)
      %dma_wait3A_78 = arith.constant 0 : i32
      %dma_wait3A_79 = tpu.memref_slice %arg12[%dma_wait3A_78] : memref<16384xf32, #tpu.memory_space<vmem>> -> memref<4096xf32, #tpu.memory_space<vmem>>
      %dma_wait3A_80 = tpu.memref_slice %arg3[%add3A_25] : memref<65536xf32, #tpu.memory_space<hbm>> -> memref<4096xf32, #tpu.memory_space<hbm>>
      %dma_wait3A_81 = arith.constant 0 : i32
      %dma_wait3A_82 = tpu.memref_slice %arg12[%dma_wait3A_81] : memref<16384xf32, #tpu.memory_space<vmem>> -> memref<4096xf32, #tpu.memory_space<vmem>>
      %dma_wait3A_83 = tpu.memref_slice %arg3[%add3A_25] : memref<65536xf32, #tpu.memory_space<hbm>> -> memref<4096xf32, #tpu.memory_space<hbm>>
      tpu.wait_dma2 semaphore(%run_scoped3A : memref<!tpu.dma_semaphore, #tpu.memory_space<semaphore_mem>>) src(%dma_wait3A_83 : memref<4096xf32, #tpu.memory_space<hbm>>) dst(%dma_wait3A_82 : memref<4096xf32, #tpu.memory_space<vmem>>)
      tpu.yield
    }) : () -> ()
    %mul3A_26 = arith.constant 256 : i32
    %mul3A_27 = arith.muli %add3A, %mul3A_26 : i32
    %add3A_28 = arith.constant 8192 : i32
    %add3A_29 = arith.addi %add3A_28, %mul3A_27 : i32
    "tpu.region"() ({
      %run_scoped3A = tpu.sem_alloc : memref<!tpu.dma_semaphore, #tpu.memory_space<semaphore_mem>>
      %dma_start3A = arith.constant 256 : i32
      %dma_start3A_73 = tpu.memref_slice %arg11[%dma_start3A] : memref<1040xf32, #tpu.memory_space<vmem>> -> memref<256xf32, #tpu.memory_space<vmem>>
      %dma_start3A_74 = tpu.memref_slice %arg2[%add3A_29] : memref<32768xf32, #tpu.memory_space<hbm>> -> memref<256xf32, #tpu.memory_space<hbm>>
      %dma_start3A_75 = arith.constant 256 : i32
      %dma_start3A_76 = tpu.memref_slice %arg11[%dma_start3A_75] : memref<1040xf32, #tpu.memory_space<vmem>> -> memref<256xf32, #tpu.memory_space<vmem>>
      %dma_start3A_77 = tpu.memref_slice %arg2[%add3A_29] : memref<32768xf32, #tpu.memory_space<hbm>> -> memref<256xf32, #tpu.memory_space<hbm>>
      tpu.enqueue_dma source(%dma_start3A_77 : memref<256xf32, #tpu.memory_space<hbm>>) target(%dma_start3A_76 : memref<256xf32, #tpu.memory_space<vmem>>) target_semaphore(%run_scoped3A : memref<!tpu.dma_semaphore, #tpu.memory_space<semaphore_mem>>)
      %dma_wait3A_78 = arith.constant 256 : i32
      %dma_wait3A_79 = tpu.memref_slice %arg11[%dma_wait3A_78] : memref<1040xf32, #tpu.memory_space<vmem>> -> memref<256xf32, #tpu.memory_space<vmem>>
      %dma_wait3A_80 = tpu.memref_slice %arg2[%add3A_29] : memref<32768xf32, #tpu.memory_space<hbm>> -> memref<256xf32, #tpu.memory_space<hbm>>
      %dma_wait3A_81 = arith.constant 256 : i32
      %dma_wait3A_82 = tpu.memref_slice %arg11[%dma_wait3A_81] : memref<1040xf32, #tpu.memory_space<vmem>> -> memref<256xf32, #tpu.memory_space<vmem>>
      %dma_wait3A_83 = tpu.memref_slice %arg2[%add3A_29] : memref<32768xf32, #tpu.memory_space<hbm>> -> memref<256xf32, #tpu.memory_space<hbm>>
      tpu.wait_dma2 semaphore(%run_scoped3A : memref<!tpu.dma_semaphore, #tpu.memory_space<semaphore_mem>>) src(%dma_wait3A_83 : memref<256xf32, #tpu.memory_space<hbm>>) dst(%dma_wait3A_82 : memref<256xf32, #tpu.memory_space<vmem>>)
      tpu.yield
    }) : () -> ()
    %mul3A_30 = arith.constant 4096 : i32
    %mul3A_31 = arith.muli %select_n3A, %mul3A_30 : i32
    %add3A_32 = arith.constant 16384 : i32
    %add3A_33 = arith.addi %add3A_32, %mul3A_31 : i32
    "tpu.region"() ({
      %run_scoped3A = tpu.sem_alloc : memref<!tpu.dma_semaphore, #tpu.memory_space<semaphore_mem>>
      %dma_start3A = arith.constant 4096 : i32
      %dma_start3A_73 = tpu.memref_slice %arg12[%dma_start3A] : memref<16384xf32, #tpu.memory_space<vmem>> -> memref<4096xf32, #tpu.memory_space<vmem>>
      %dma_start3A_74 = tpu.memref_slice %arg3[%add3A_33] : memref<65536xf32, #tpu.memory_space<hbm>> -> memref<4096xf32, #tpu.memory_space<hbm>>
      %dma_start3A_75 = arith.constant 4096 : i32
      %dma_start3A_76 = tpu.memref_slice %arg12[%dma_start3A_75] : memref<16384xf32, #tpu.memory_space<vmem>> -> memref<4096xf32, #tpu.memory_space<vmem>>
      %dma_start3A_77 = tpu.memref_slice %arg3[%add3A_33] : memref<65536xf32, #tpu.memory_space<hbm>> -> memref<4096xf32, #tpu.memory_space<hbm>>
      tpu.enqueue_dma source(%dma_start3A_77 : memref<4096xf32, #tpu.memory_space<hbm>>) target(%dma_start3A_76 : memref<4096xf32, #tpu.memory_space<vmem>>) target_semaphore(%run_scoped3A : memref<!tpu.dma_semaphore, #tpu.memory_space<semaphore_mem>>)
      %dma_wait3A_78 = arith.constant 4096 : i32
      %dma_wait3A_79 = tpu.memref_slice %arg12[%dma_wait3A_78] : memref<16384xf32, #tpu.memory_space<vmem>> -> memref<4096xf32, #tpu.memory_space<vmem>>
      %dma_wait3A_80 = tpu.memref_slice %arg3[%add3A_33] : memref<65536xf32, #tpu.memory_space<hbm>> -> memref<4096xf32, #tpu.memory_space<hbm>>
      %dma_wait3A_81 = arith.constant 4096 : i32
      %dma_wait3A_82 = tpu.memref_slice %arg12[%dma_wait3A_81] : memref<16384xf32, #tpu.memory_space<vmem>> -> memref<4096xf32, #tpu.memory_space<vmem>>
      %dma_wait3A_83 = tpu.memref_slice %arg3[%add3A_33] : memref<65536xf32, #tpu.memory_space<hbm>> -> memref<4096xf32, #tpu.memory_space<hbm>>
      tpu.wait_dma2 semaphore(%run_scoped3A : memref<!tpu.dma_semaphore, #tpu.memory_space<semaphore_mem>>) src(%dma_wait3A_83 : memref<4096xf32, #tpu.memory_space<hbm>>) dst(%dma_wait3A_82 : memref<4096xf32, #tpu.memory_space<vmem>>)
      tpu.yield
    }) : () -> ()
    %mul3A_34 = arith.constant 256 : i32
    %mul3A_35 = arith.muli %add3A, %mul3A_34 : i32
    %add3A_36 = arith.constant 16384 : i32
    %add3A_37 = arith.addi %add3A_36, %mul3A_35 : i32
    "tpu.region"() ({
      %run_scoped3A = tpu.sem_alloc : memref<!tpu.dma_semaphore, #tpu.memory_space<semaphore_mem>>
      %dma_start3A = arith.constant 512 : i32
      %dma_start3A_73 = tpu.memref_slice %arg11[%dma_start3A] : memref<1040xf32, #tpu.memory_space<vmem>> -> memref<256xf32, #tpu.memory_space<vmem>>
      %dma_start3A_74 = tpu.memref_slice %arg2[%add3A_37] : memref<32768xf32, #tpu.memory_space<hbm>> -> memref<256xf32, #tpu.memory_space<hbm>>
      %dma_start3A_75 = arith.constant 512 : i32
      %dma_start3A_76 = tpu.memref_slice %arg11[%dma_start3A_75] : memref<1040xf32, #tpu.memory_space<vmem>> -> memref<256xf32, #tpu.memory_space<vmem>>
      %dma_start3A_77 = tpu.memref_slice %arg2[%add3A_37] : memref<32768xf32, #tpu.memory_space<hbm>> -> memref<256xf32, #tpu.memory_space<hbm>>
      tpu.enqueue_dma source(%dma_start3A_77 : memref<256xf32, #tpu.memory_space<hbm>>) target(%dma_start3A_76 : memref<256xf32, #tpu.memory_space<vmem>>) target_semaphore(%run_scoped3A : memref<!tpu.dma_semaphore, #tpu.memory_space<semaphore_mem>>)
      %dma_wait3A_78 = arith.constant 512 : i32
      %dma_wait3A_79 = tpu.memref_slice %arg11[%dma_wait3A_78] : memref<1040xf32, #tpu.memory_space<vmem>> -> memref<256xf32, #tpu.memory_space<vmem>>
      %dma_wait3A_80 = tpu.memref_slice %arg2[%add3A_37] : memref<32768xf32, #tpu.memory_space<hbm>> -> memref<256xf32, #tpu.memory_space<hbm>>
      %dma_wait3A_81 = arith.constant 512 : i32
      %dma_wait3A_82 = tpu.memref_slice %arg11[%dma_wait3A_81] : memref<1040xf32, #tpu.memory_space<vmem>> -> memref<256xf32, #tpu.memory_space<vmem>>
      %dma_wait3A_83 = tpu.memref_slice %arg2[%add3A_37] : memref<32768xf32, #tpu.memory_space<hbm>> -> memref<256xf32, #tpu.memory_space<hbm>>
      tpu.wait_dma2 semaphore(%run_scoped3A : memref<!tpu.dma_semaphore, #tpu.memory_space<semaphore_mem>>) src(%dma_wait3A_83 : memref<256xf32, #tpu.memory_space<hbm>>) dst(%dma_wait3A_82 : memref<256xf32, #tpu.memory_space<vmem>>)
      tpu.yield
    }) : () -> ()
    %mul3A_38 = arith.constant 4096 : i32
    %mul3A_39 = arith.muli %select_n3A, %mul3A_38 : i32
    %add3A_40 = arith.constant 32768 : i32
    %add3A_41 = arith.addi %add3A_40, %mul3A_39 : i32
    "tpu.region"() ({
      %run_scoped3A = tpu.sem_alloc : memref<!tpu.dma_semaphore, #tpu.memory_space<semaphore_mem>>
      %dma_start3A = arith.constant 8192 : i32
      %dma_start3A_73 = tpu.memref_slice %arg12[%dma_start3A] : memref<16384xf32, #tpu.memory_space<vmem>> -> memref<4096xf32, #tpu.memory_space<vmem>>
      %dma_start3A_74 = tpu.memref_slice %arg3[%add3A_41] : memref<65536xf32, #tpu.memory_space<hbm>> -> memref<4096xf32, #tpu.memory_space<hbm>>
      %dma_start3A_75 = arith.constant 8192 : i32
      %dma_start3A_76 = tpu.memref_slice %arg12[%dma_start3A_75] : memref<16384xf32, #tpu.memory_space<vmem>> -> memref<4096xf32, #tpu.memory_space<vmem>>
      %dma_start3A_77 = tpu.memref_slice %arg3[%add3A_41] : memref<65536xf32, #tpu.memory_space<hbm>> -> memref<4096xf32, #tpu.memory_space<hbm>>
      tpu.enqueue_dma source(%dma_start3A_77 : memref<4096xf32, #tpu.memory_space<hbm>>) target(%dma_start3A_76 : memref<4096xf32, #tpu.memory_space<vmem>>) target_semaphore(%run_scoped3A : memref<!tpu.dma_semaphore, #tpu.memory_space<semaphore_mem>>)
      %dma_wait3A_78 = arith.constant 8192 : i32
      %dma_wait3A_79 = tpu.memref_slice %arg12[%dma_wait3A_78] : memref<16384xf32, #tpu.memory_space<vmem>> -> memref<4096xf32, #tpu.memory_space<vmem>>
      %dma_wait3A_80 = tpu.memref_slice %arg3[%add3A_41] : memref<65536xf32, #tpu.memory_space<hbm>> -> memref<4096xf32, #tpu.memory_space<hbm>>
      %dma_wait3A_81 = arith.constant 8192 : i32
      %dma_wait3A_82 = tpu.memref_slice %arg12[%dma_wait3A_81] : memref<16384xf32, #tpu.memory_space<vmem>> -> memref<4096xf32, #tpu.memory_space<vmem>>
      %dma_wait3A_83 = tpu.memref_slice %arg3[%add3A_41] : memref<65536xf32, #tpu.memory_space<hbm>> -> memref<4096xf32, #tpu.memory_space<hbm>>
      tpu.wait_dma2 semaphore(%run_scoped3A : memref<!tpu.dma_semaphore, #tpu.memory_space<semaphore_mem>>) src(%dma_wait3A_83 : memref<4096xf32, #tpu.memory_space<hbm>>) dst(%dma_wait3A_82 : memref<4096xf32, #tpu.memory_space<vmem>>)
      tpu.yield
    }) : () -> ()
    %mul3A_42 = arith.constant 256 : i32
    %mul3A_43 = arith.muli %add3A, %mul3A_42 : i32
    %add3A_44 = arith.constant 24576 : i32
    %add3A_45 = arith.addi %add3A_44, %mul3A_43 : i32
    "tpu.region"() ({
      %run_scoped3A = tpu.sem_alloc : memref<!tpu.dma_semaphore, #tpu.memory_space<semaphore_mem>>
      %dma_start3A = arith.constant 768 : i32
      %dma_start3A_73 = tpu.memref_slice %arg11[%dma_start3A] : memref<1040xf32, #tpu.memory_space<vmem>> -> memref<256xf32, #tpu.memory_space<vmem>>
      %dma_start3A_74 = tpu.memref_slice %arg2[%add3A_45] : memref<32768xf32, #tpu.memory_space<hbm>> -> memref<256xf32, #tpu.memory_space<hbm>>
      %dma_start3A_75 = arith.constant 768 : i32
      %dma_start3A_76 = tpu.memref_slice %arg11[%dma_start3A_75] : memref<1040xf32, #tpu.memory_space<vmem>> -> memref<256xf32, #tpu.memory_space<vmem>>
      %dma_start3A_77 = tpu.memref_slice %arg2[%add3A_45] : memref<32768xf32, #tpu.memory_space<hbm>> -> memref<256xf32, #tpu.memory_space<hbm>>
      tpu.enqueue_dma source(%dma_start3A_77 : memref<256xf32, #tpu.memory_space<hbm>>) target(%dma_start3A_76 : memref<256xf32, #tpu.memory_space<vmem>>) target_semaphore(%run_scoped3A : memref<!tpu.dma_semaphore, #tpu.memory_space<semaphore_mem>>)
      %dma_wait3A_78 = arith.constant 768 : i32
      %dma_wait3A_79 = tpu.memref_slice %arg11[%dma_wait3A_78] : memref<1040xf32, #tpu.memory_space<vmem>> -> memref<256xf32, #tpu.memory_space<vmem>>
      %dma_wait3A_80 = tpu.memref_slice %arg2[%add3A_45] : memref<32768xf32, #tpu.memory_space<hbm>> -> memref<256xf32, #tpu.memory_space<hbm>>
      %dma_wait3A_81 = arith.constant 768 : i32
      %dma_wait3A_82 = tpu.memref_slice %arg11[%dma_wait3A_81] : memref<1040xf32, #tpu.memory_space<vmem>> -> memref<256xf32, #tpu.memory_space<vmem>>
      %dma_wait3A_83 = tpu.memref_slice %arg2[%add3A_45] : memref<32768xf32, #tpu.memory_space<hbm>> -> memref<256xf32, #tpu.memory_space<hbm>>
      tpu.wait_dma2 semaphore(%run_scoped3A : memref<!tpu.dma_semaphore, #tpu.memory_space<semaphore_mem>>) src(%dma_wait3A_83 : memref<256xf32, #tpu.memory_space<hbm>>) dst(%dma_wait3A_82 : memref<256xf32, #tpu.memory_space<vmem>>)
      tpu.yield
    }) : () -> ()
    %mul3A_46 = arith.constant 4096 : i32
    %mul3A_47 = arith.muli %select_n3A, %mul3A_46 : i32
    %add3A_48 = arith.constant 49152 : i32
    %add3A_49 = arith.addi %add3A_48, %mul3A_47 : i32
    "tpu.region"() ({
      %run_scoped3A = tpu.sem_alloc : memref<!tpu.dma_semaphore, #tpu.memory_space<semaphore_mem>>
      %dma_start3A = arith.constant 12288 : i32
      %dma_start3A_73 = tpu.memref_slice %arg12[%dma_start3A] : memref<16384xf32, #tpu.memory_space<vmem>> -> memref<4096xf32, #tpu.memory_space<vmem>>
      %dma_start3A_74 = tpu.memref_slice %arg3[%add3A_49] : memref<65536xf32, #tpu.memory_space<hbm>> -> memref<4096xf32, #tpu.memory_space<hbm>>
      %dma_start3A_75 = arith.constant 12288 : i32
      %dma_start3A_76 = tpu.memref_slice %arg12[%dma_start3A_75] : memref<16384xf32, #tpu.memory_space<vmem>> -> memref<4096xf32, #tpu.memory_space<vmem>>
      %dma_start3A_77 = tpu.memref_slice %arg3[%add3A_49] : memref<65536xf32, #tpu.memory_space<hbm>> -> memref<4096xf32, #tpu.memory_space<hbm>>
      tpu.enqueue_dma source(%dma_start3A_77 : memref<4096xf32, #tpu.memory_space<hbm>>) target(%dma_start3A_76 : memref<4096xf32, #tpu.memory_space<vmem>>) target_semaphore(%run_scoped3A : memref<!tpu.dma_semaphore, #tpu.memory_space<semaphore_mem>>)
      %dma_wait3A_78 = arith.constant 12288 : i32
      %dma_wait3A_79 = tpu.memref_slice %arg12[%dma_wait3A_78] : memref<16384xf32, #tpu.memory_space<vmem>> -> memref<4096xf32, #tpu.memory_space<vmem>>
      %dma_wait3A_80 = tpu.memref_slice %arg3[%add3A_49] : memref<65536xf32, #tpu.memory_space<hbm>> -> memref<4096xf32, #tpu.memory_space<hbm>>
      %dma_wait3A_81 = arith.constant 12288 : i32
      %dma_wait3A_82 = tpu.memref_slice %arg12[%dma_wait3A_81] : memref<16384xf32, #tpu.memory_space<vmem>> -> memref<4096xf32, #tpu.memory_space<vmem>>
      %dma_wait3A_83 = tpu.memref_slice %arg3[%add3A_49] : memref<65536xf32, #tpu.memory_space<hbm>> -> memref<4096xf32, #tpu.memory_space<hbm>>
      tpu.wait_dma2 semaphore(%run_scoped3A : memref<!tpu.dma_semaphore, #tpu.memory_space<semaphore_mem>>) src(%dma_wait3A_83 : memref<4096xf32, #tpu.memory_space<hbm>>) dst(%dma_wait3A_82 : memref<4096xf32, #tpu.memory_space<vmem>>)
      tpu.yield
    }) : () -> ()
    %scan3A = arith.constant 0 : i32
    %scan3A_50 = arith.constant 0 : i32
    %scan3A_51 = arith.constant 64 : i32
    %scan3A_52 = arith.addi %scan3A_50, %scan3A_51 : i32
    %scan3A_53 = arith.constant 1 : i32
    %scan3A_54 = scf.for %scan3A_73 = %scan3A_50 to %scan3A_52 step %scan3A_53 iter_args(%scan3A_74 = %scan3A) -> (i32)  : i32 {
      %mul3A_75 = arith.constant 4 : i32
      %mul3A_76 = arith.muli %scan3A_73, %mul3A_75 : i32
      %get3A = arith.index_cast %mul3A_76 : i32 to index
      %get3A_77 = tpu.vector_load %arg11[%get3A] {strides = array<i32>} : memref<1040xf32, #tpu.memory_space<vmem>>, vector<16xf32>,
      %get3A_78 = vector.shape_cast %get3A_77 : vector<16xf32> to vector<16xf32>
      %add3A_79 = arith.constant 256 : i32
      %add3A_80 = arith.addi %add3A_79, %mul3A_76 : i32
      %get3A_81 = arith.index_cast %add3A_80 : i32 to index
      %get3A_82 = tpu.vector_load %arg11[%get3A_81] {strides = array<i32>} : memref<1040xf32, #tpu.memory_space<vmem>>, vector<16xf32>,
      %get3A_83 = vector.shape_cast %get3A_82 : vector<16xf32> to vector<16xf32>
      %add3A_84 = arith.constant 512 : i32
      %add3A_85 = arith.addi %add3A_84, %mul3A_76 : i32
      %get3A_86 = arith.index_cast %add3A_85 : i32 to index
      %get3A_87 = tpu.vector_load %arg11[%get3A_86] {strides = array<i32>} : memref<1040xf32, #tpu.memory_space<vmem>>, vector<16xf32>,
      %get3A_88 = vector.shape_cast %get3A_87 : vector<16xf32> to vector<16xf32>
      %add3A_89 = arith.constant 768 : i32
      %add3A_90 = arith.addi %add3A_89, %mul3A_76 : i32
      %get3A_91 = arith.index_cast %add3A_90 : i32 to index
      %get3A_92 = tpu.vector_load %arg11[%get3A_91] {strides = array<i32>} : memref<1040xf32, #tpu.memory_space<vmem>>, vector<16xf32>,
      %get3A_93 = vector.shape_cast %get3A_92 : vector<16xf32> to vector<16xf32>
      %broadcast_in_dim3A_94 = arith.constant 0 : i32
      %broadcast_in_dim3A_95 = vector.broadcast %broadcast_in_dim3A_94 : i32 to vector<16xi32>
      %lt3A = arith.constant 0 : i32
      %lt3A_96 = vector.broadcast %lt3A : i32 to vector<16xi32>
      %lt3A_97 = arith.cmpi slt, %broadcast_in_dim3A_95, %lt3A_96 : vector<16xi32>
      %add3A_98 = arith.constant 16 : i32
      %add3A_99 = vector.broadcast %add3A_98 : i32 to vector<16xi32>
      %add3A_100 = arith.addi %broadcast_in_dim3A_95, %add3A_99 : vector<16xi32>
      %select_n3A_101 = arith.select %lt3A_97, %add3A_100, %broadcast_in_dim3A_95 : vector<16xi1>, vector<16xi32>
      %broadcast_in_dim3A_102 = vector.shape_cast %select_n3A_101 : vector<16xi32> to vector<16x1xi32>
      %gather3A = vector.shape_cast %broadcast_in_dim3A_102 : vector<16x1xi32> to vector<16xi32>
      %gather3A_103 = tpu.dynamic_gather %get3A_78[%gather3A] in [0] : vector<16xf32>, vector<16xi32> -> vector<16xf32>
      %lt3A_104 = arith.constant 0 : i32
      %lt3A_105 = vector.broadcast %lt3A_104 : i32 to vector<16xi32>
      %lt3A_106 = arith.cmpi slt, %broadcast_in_dim3A_95, %lt3A_105 : vector<16xi32>
      %add3A_107 = arith.constant 16 : i32
      %add3A_108 = vector.broadcast %add3A_107 : i32 to vector<16xi32>
      %add3A_109 = arith.addi %broadcast_in_dim3A_95, %add3A_108 : vector<16xi32>
      %select_n3A_110 = arith.select %lt3A_106, %add3A_109, %broadcast_in_dim3A_95 : vector<16xi1>, vector<16xi32>
      %broadcast_in_dim3A_111 = vector.shape_cast %select_n3A_110 : vector<16xi32> to vector<16x1xi32>
      %gather3A_112 = vector.shape_cast %broadcast_in_dim3A_111 : vector<16x1xi32> to vector<16xi32>
      %gather3A_113 = tpu.dynamic_gather %get3A_83[%gather3A_112] in [0] : vector<16xf32>, vector<16xi32> -> vector<16xf32>
      %lt3A_114 = arith.constant 0 : i32
      %lt3A_115 = vector.broadcast %lt3A_114 : i32 to vector<16xi32>
      %lt3A_116 = arith.cmpi slt, %broadcast_in_dim3A_95, %lt3A_115 : vector<16xi32>
      %add3A_117 = arith.constant 16 : i32
      %add3A_118 = vector.broadcast %add3A_117 : i32 to vector<16xi32>
      %add3A_119 = arith.addi %broadcast_in_dim3A_95, %add3A_118 : vector<16xi32>
      %select_n3A_120 = arith.select %lt3A_116, %add3A_119, %broadcast_in_dim3A_95 : vector<16xi1>, vector<16xi32>
      %broadcast_in_dim3A_121 = vector.shape_cast %select_n3A_120 : vector<16xi32> to vector<16x1xi32>
      %gather3A_122 = vector.shape_cast %broadcast_in_dim3A_121 : vector<16x1xi32> to vector<16xi32>
      %gather3A_123 = tpu.dynamic_gather %get3A_88[%gather3A_122] in [0] : vector<16xf32>, vector<16xi32> -> vector<16xf32>
      %lt3A_124 = arith.constant 0 : i32
      %lt3A_125 = vector.broadcast %lt3A_124 : i32 to vector<16xi32>
      %lt3A_126 = arith.cmpi slt, %broadcast_in_dim3A_95, %lt3A_125 : vector<16xi32>
      %add3A_127 = arith.constant 16 : i32
      %add3A_128 = vector.broadcast %add3A_127 : i32 to vector<16xi32>
      %add3A_129 = arith.addi %broadcast_in_dim3A_95, %add3A_128 : vector<16xi32>
      %select_n3A_130 = arith.select %lt3A_126, %add3A_129, %broadcast_in_dim3A_95 : vector<16xi1>, vector<16xi32>
      %broadcast_in_dim3A_131 = vector.shape_cast %select_n3A_130 : vector<16xi32> to vector<16x1xi32>
      %gather3A_132 = vector.shape_cast %broadcast_in_dim3A_131 : vector<16x1xi32> to vector<16xi32>
      %gather3A_133 = tpu.dynamic_gather %get3A_93[%gather3A_132] in [0] : vector<16xf32>, vector<16xi32> -> vector<16xf32>
      %broadcast_in_dim3A_134 = arith.constant 1 : i32
      %broadcast_in_dim3A_135 = vector.broadcast %broadcast_in_dim3A_134 : i32 to vector<16xi32>
      %lt3A_136 = arith.constant 0 : i32
      %lt3A_137 = vector.broadcast %lt3A_136 : i32 to vector<16xi32>
      %lt3A_138 = arith.cmpi slt, %broadcast_in_dim3A_135, %lt3A_137 : vector<16xi32>
      %add3A_139 = arith.constant 16 : i32
      %add3A_140 = vector.broadcast %add3A_139 : i32 to vector<16xi32>
      %add3A_141 = arith.addi %broadcast_in_dim3A_135, %add3A_140 : vector<16xi32>
      %select_n3A_142 = arith.select %lt3A_138, %add3A_141, %broadcast_in_dim3A_135 : vector<16xi1>, vector<16xi32>
      %broadcast_in_dim3A_143 = vector.shape_cast %select_n3A_142 : vector<16xi32> to vector<16x1xi32>
      %gather3A_144 = vector.shape_cast %broadcast_in_dim3A_143 : vector<16x1xi32> to vector<16xi32>
      %gather3A_145 = tpu.dynamic_gather %get3A_78[%gather3A_144] in [0] : vector<16xf32>, vector<16xi32> -> vector<16xf32>
      %lt3A_146 = arith.constant 0 : i32
      %lt3A_147 = vector.broadcast %lt3A_146 : i32 to vector<16xi32>
      %lt3A_148 = arith.cmpi slt, %broadcast_in_dim3A_135, %lt3A_147 : vector<16xi32>
      %add3A_149 = arith.constant 16 : i32
      %add3A_150 = vector.broadcast %add3A_149 : i32 to vector<16xi32>
      %add3A_151 = arith.addi %broadcast_in_dim3A_135, %add3A_150 : vector<16xi32>
      %select_n3A_152 = arith.select %lt3A_148, %add3A_151, %broadcast_in_dim3A_135 : vector<16xi1>, vector<16xi32>
      %broadcast_in_dim3A_153 = vector.shape_cast %select_n3A_152 : vector<16xi32> to vector<16x1xi32>
      %gather3A_154 = vector.shape_cast %broadcast_in_dim3A_153 : vector<16x1xi32> to vector<16xi32>
      %gather3A_155 = tpu.dynamic_gather %get3A_83[%gather3A_154] in [0] : vector<16xf32>, vector<16xi32> -> vector<16xf32>
      %lt3A_156 = arith.constant 0 : i32
      %lt3A_157 = vector.broadcast %lt3A_156 : i32 to vector<16xi32>
      %lt3A_158 = arith.cmpi slt, %broadcast_in_dim3A_135, %lt3A_157 : vector<16xi32>
      %add3A_159 = arith.constant 16 : i32
      %add3A_160 = vector.broadcast %add3A_159 : i32 to vector<16xi32>
      %add3A_161 = arith.addi %broadcast_in_dim3A_135, %add3A_160 : vector<16xi32>
      %select_n3A_162 = arith.select %lt3A_158, %add3A_161, %broadcast_in_dim3A_135 : vector<16xi1>, vector<16xi32>
      %broadcast_in_dim3A_163 = vector.shape_cast %select_n3A_162 : vector<16xi32> to vector<16x1xi32>
      %gather3A_164 = vector.shape_cast %broadcast_in_dim3A_163 : vector<16x1xi32> to vector<16xi32>
      %gather3A_165 = tpu.dynamic_gather %get3A_88[%gather3A_164] in [0] : vector<16xf32>, vector<16xi32> -> vector<16xf32>
      %lt3A_166 = arith.constant 0 : i32
      %lt3A_167 = vector.broadcast %lt3A_166 : i32 to vector<16xi32>
      %lt3A_168 = arith.cmpi slt, %broadcast_in_dim3A_135, %lt3A_167 : vector<16xi32>
      %add3A_169 = arith.constant 16 : i32
      %add3A_170 = vector.broadcast %add3A_169 : i32 to vector<16xi32>
      %add3A_171 = arith.addi %broadcast_in_dim3A_135, %add3A_170 : vector<16xi32>
      %select_n3A_172 = arith.select %lt3A_168, %add3A_171, %broadcast_in_dim3A_135 : vector<16xi1>, vector<16xi32>
      %broadcast_in_dim3A_173 = vector.shape_cast %select_n3A_172 : vector<16xi32> to vector<16x1xi32>
      %gather3A_174 = vector.shape_cast %broadcast_in_dim3A_173 : vector<16x1xi32> to vector<16xi32>
      %gather3A_175 = tpu.dynamic_gather %get3A_93[%gather3A_174] in [0] : vector<16xf32>, vector<16xi32> -> vector<16xf32>
      %broadcast_in_dim3A_176 = arith.constant 2 : i32
      %broadcast_in_dim3A_177 = vector.broadcast %broadcast_in_dim3A_176 : i32 to vector<16xi32>
      %lt3A_178 = arith.constant 0 : i32
      %lt3A_179 = vector.broadcast %lt3A_178 : i32 to vector<16xi32>
      %lt3A_180 = arith.cmpi slt, %broadcast_in_dim3A_177, %lt3A_179 : vector<16xi32>
      %add3A_181 = arith.constant 16 : i32
      %add3A_182 = vector.broadcast %add3A_181 : i32 to vector<16xi32>
      %add3A_183 = arith.addi %broadcast_in_dim3A_177, %add3A_182 : vector<16xi32>
      %select_n3A_184 = arith.select %lt3A_180, %add3A_183, %broadcast_in_dim3A_177 : vector<16xi1>, vector<16xi32>
      %broadcast_in_dim3A_185 = vector.shape_cast %select_n3A_184 : vector<16xi32> to vector<16x1xi32>
      %gather3A_186 = vector.shape_cast %broadcast_in_dim3A_185 : vector<16x1xi32> to vector<16xi32>
      %gather3A_187 = tpu.dynamic_gather %get3A_78[%gather3A_186] in [0] : vector<16xf32>, vector<16xi32> -> vector<16xf32>
      %lt3A_188 = arith.constant 0 : i32
      %lt3A_189 = vector.broadcast %lt3A_188 : i32 to vector<16xi32>
      %lt3A_190 = arith.cmpi slt, %broadcast_in_dim3A_177, %lt3A_189 : vector<16xi32>
      %add3A_191 = arith.constant 16 : i32
      %add3A_192 = vector.broadcast %add3A_191 : i32 to vector<16xi32>
      %add3A_193 = arith.addi %broadcast_in_dim3A_177, %add3A_192 : vector<16xi32>
      %select_n3A_194 = arith.select %lt3A_190, %add3A_193, %broadcast_in_dim3A_177 : vector<16xi1>, vector<16xi32>
      %broadcast_in_dim3A_195 = vector.shape_cast %select_n3A_194 : vector<16xi32> to vector<16x1xi32>
      %gather3A_196 = vector.shape_cast %broadcast_in_dim3A_195 : vector<16x1xi32> to vector<16xi32>
      %gather3A_197 = tpu.dynamic_gather %get3A_83[%gather3A_196] in [0] : vector<16xf32>, vector<16xi32> -> vector<16xf32>
      %lt3A_198 = arith.constant 0 : i32
      %lt3A_199 = vector.broadcast %lt3A_198 : i32 to vector<16xi32>
      %lt3A_200 = arith.cmpi slt, %broadcast_in_dim3A_177, %lt3A_199 : vector<16xi32>
      %add3A_201 = arith.constant 16 : i32
      %add3A_202 = vector.broadcast %add3A_201 : i32 to vector<16xi32>
      %add3A_203 = arith.addi %broadcast_in_dim3A_177, %add3A_202 : vector<16xi32>
      %select_n3A_204 = arith.select %lt3A_200, %add3A_203, %broadcast_in_dim3A_177 : vector<16xi1>, vector<16xi32>
      %broadcast_in_dim3A_205 = vector.shape_cast %select_n3A_204 : vector<16xi32> to vector<16x1xi32>
      %gather3A_206 = vector.shape_cast %broadcast_in_dim3A_205 : vector<16x1xi32> to vector<16xi32>
      %gather3A_207 = tpu.dynamic_gather %get3A_88[%gather3A_206] in [0] : vector<16xf32>, vector<16xi32> -> vector<16xf32>
      %lt3A_208 = arith.constant 0 : i32
      %lt3A_209 = vector.broadcast %lt3A_208 : i32 to vector<16xi32>
      %lt3A_210 = arith.cmpi slt, %broadcast_in_dim3A_177, %lt3A_209 : vector<16xi32>
      %add3A_211 = arith.constant 16 : i32
      %add3A_212 = vector.broadcast %add3A_211 : i32 to vector<16xi32>
      %add3A_213 = arith.addi %broadcast_in_dim3A_177, %add3A_212 : vector<16xi32>
      %select_n3A_214 = arith.select %lt3A_210, %add3A_213, %broadcast_in_dim3A_177 : vector<16xi1>, vector<16xi32>
      %broadcast_in_dim3A_215 = vector.shape_cast %select_n3A_214 : vector<16xi32> to vector<16x1xi32>
      %gather3A_216 = vector.shape_cast %broadcast_in_dim3A_215 : vector<16x1xi32> to vector<16xi32>
      %gather3A_217 = tpu.dynamic_gather %get3A_93[%gather3A_216] in [0] : vector<16xf32>, vector<16xi32> -> vector<16xf32>
      %broadcast_in_dim3A_218 = arith.constant 3 : i32
      %broadcast_in_dim3A_219 = vector.broadcast %broadcast_in_dim3A_218 : i32 to vector<16xi32>
      %lt3A_220 = arith.constant 0 : i32
      %lt3A_221 = vector.broadcast %lt3A_220 : i32 to vector<16xi32>
      %lt3A_222 = arith.cmpi slt, %broadcast_in_dim3A_219, %lt3A_221 : vector<16xi32>
      %add3A_223 = arith.constant 16 : i32
      %add3A_224 = vector.broadcast %add3A_223 : i32 to vector<16xi32>
      %add3A_225 = arith.addi %broadcast_in_dim3A_219, %add3A_224 : vector<16xi32>
      %select_n3A_226 = arith.select %lt3A_222, %add3A_225, %broadcast_in_dim3A_219 : vector<16xi1>, vector<16xi32>
      %broadcast_in_dim3A_227 = vector.shape_cast %select_n3A_226 : vector<16xi32> to vector<16x1xi32>
      %gather3A_228 = vector.shape_cast %broadcast_in_dim3A_227 : vector<16x1xi32> to vector<16xi32>
      %gather3A_229 = tpu.dynamic_gather %get3A_78[%gather3A_228] in [0] : vector<16xf32>, vector<16xi32> -> vector<16xf32>
      %lt3A_230 = arith.constant 0 : i32
      %lt3A_231 = vector.broadcast %lt3A_230 : i32 to vector<16xi32>
      %lt3A_232 = arith.cmpi slt, %broadcast_in_dim3A_219, %lt3A_231 : vector<16xi32>
      %add3A_233 = arith.constant 16 : i32
      %add3A_234 = vector.broadcast %add3A_233 : i32 to vector<16xi32>
      %add3A_235 = arith.addi %broadcast_in_dim3A_219, %add3A_234 : vector<16xi32>
      %select_n3A_236 = arith.select %lt3A_232, %add3A_235, %broadcast_in_dim3A_219 : vector<16xi1>, vector<16xi32>
      %broadcast_in_dim3A_237 = vector.shape_cast %select_n3A_236 : vector<16xi32> to vector<16x1xi32>
      %gather3A_238 = vector.shape_cast %broadcast_in_dim3A_237 : vector<16x1xi32> to vector<16xi32>
      %gather3A_239 = tpu.dynamic_gather %get3A_83[%gather3A_238] in [0] : vector<16xf32>, vector<16xi32> -> vector<16xf32>
      %lt3A_240 = arith.constant 0 : i32
      %lt3A_241 = vector.broadcast %lt3A_240 : i32 to vector<16xi32>
      %lt3A_242 = arith.cmpi slt, %broadcast_in_dim3A_219, %lt3A_241 : vector<16xi32>
      %add3A_243 = arith.constant 16 : i32
      %add3A_244 = vector.broadcast %add3A_243 : i32 to vector<16xi32>
      %add3A_245 = arith.addi %broadcast_in_dim3A_219, %add3A_244 : vector<16xi32>
      %select_n3A_246 = arith.select %lt3A_242, %add3A_245, %broadcast_in_dim3A_219 : vector<16xi1>, vector<16xi32>
      %broadcast_in_dim3A_247 = vector.shape_cast %select_n3A_246 : vector<16xi32> to vector<16x1xi32>
      %gather3A_248 = vector.shape_cast %broadcast_in_dim3A_247 : vector<16x1xi32> to vector<16xi32>
      %gather3A_249 = tpu.dynamic_gather %get3A_88[%gather3A_248] in [0] : vector<16xf32>, vector<16xi32> -> vector<16xf32>
      %lt3A_250 = arith.constant 0 : i32
      %lt3A_251 = vector.broadcast %lt3A_250 : i32 to vector<16xi32>
      %lt3A_252 = arith.cmpi slt, %broadcast_in_dim3A_219, %lt3A_251 : vector<16xi32>
      %add3A_253 = arith.constant 16 : i32
      %add3A_254 = vector.broadcast %add3A_253 : i32 to vector<16xi32>
      %add3A_255 = arith.addi %broadcast_in_dim3A_219, %add3A_254 : vector<16xi32>
      %select_n3A_256 = arith.select %lt3A_252, %add3A_255, %broadcast_in_dim3A_219 : vector<16xi1>, vector<16xi32>
      %broadcast_in_dim3A_257 = vector.shape_cast %select_n3A_256 : vector<16xi32> to vector<16x1xi32>
      %gather3A_258 = vector.shape_cast %broadcast_in_dim3A_257 : vector<16x1xi32> to vector<16xi32>
      %gather3A_259 = tpu.dynamic_gather %get3A_93[%gather3A_258] in [0] : vector<16xf32>, vector<16xi32> -> vector<16xf32>
      %scan3A_260 = arith.constant 0 : i32
      %scan3A_261 = arith.constant 256 : i32
      %scan3A_262 = arith.addi %scan3A_260, %scan3A_261 : i32
      %scan3A_263 = arith.constant 1 : i32
      %scan3A_264:4 = scf.for %scan3A_658 = %scan3A_260 to %scan3A_262 step %scan3A_263 iter_args(%scan3A_659 = %broadcast_in_dim3A_17, %scan3A_660 = %broadcast_in_dim3A_17, %scan3A_661 = %broadcast_in_dim3A_17, %scan3A_662 = %broadcast_in_dim3A_17) -> (vector<16xf32>, vector<16xf32>, vector<16xf32>, vector<16xf32>)  : i32 {
        %mul3A_663 = arith.constant 16 : i32
        %mul3A_664 = arith.muli %scan3A_658, %mul3A_663 : i32
        %get3A_665 = arith.index_cast %mul3A_664 : i32 to index
        %get3A_666 = tpu.vector_load %arg12[%get3A_665] {strides = array<i32>} : memref<16384xf32, #tpu.memory_space<vmem>>, vector<16xf32>,
        %get3A_667 = vector.shape_cast %get3A_666 : vector<16xf32> to vector<16xf32>
        %mul3A_668 = arith.constant 16 : i32
        %mul3A_669 = arith.muli %scan3A_658, %mul3A_668 : i32
        %add3A_670 = arith.constant 4096 : i32
        %add3A_671 = arith.addi %add3A_670, %mul3A_669 : i32
        %get3A_672 = arith.index_cast %add3A_671 : i32 to index
        %get3A_673 = tpu.vector_load %arg12[%get3A_672] {strides = array<i32>} : memref<16384xf32, #tpu.memory_space<vmem>>, vector<16xf32>,
        %get3A_674 = vector.shape_cast %get3A_673 : vector<16xf32> to vector<16xf32>
        %mul3A_675 = arith.constant 16 : i32
        %mul3A_676 = arith.muli %scan3A_658, %mul3A_675 : i32
        %add3A_677 = arith.constant 8192 : i32
        %add3A_678 = arith.addi %add3A_677, %mul3A_676 : i32
        %get3A_679 = arith.index_cast %add3A_678 : i32 to index
        %get3A_680 = tpu.vector_load %arg12[%get3A_679] {strides = array<i32>} : memref<16384xf32, #tpu.memory_space<vmem>>, vector<16xf32>,
        %get3A_681 = vector.shape_cast %get3A_680 : vector<16xf32> to vector<16xf32>
        %mul3A_682 = arith.constant 16 : i32
        %mul3A_683 = arith.muli %scan3A_658, %mul3A_682 : i32
        %add3A_684 = arith.constant 12288 : i32
        %add3A_685 = arith.addi %add3A_684, %mul3A_683 : i32
        %get3A_686 = arith.index_cast %add3A_685 : i32 to index
        %get3A_687 = tpu.vector_load %arg12[%get3A_686] {strides = array<i32>} : memref<16384xf32, #tpu.memory_space<vmem>>, vector<16xf32>,
        %get3A_688 = vector.shape_cast %get3A_687 : vector<16xf32> to vector<16xf32>
        %mul3A_689 = arith.mulf %gather3A_103, %get3A_667 : vector<16xf32>
        %mul3A_690 = arith.mulf %gather3A_113, %get3A_674 : vector<16xf32>
        %add3A_691 = arith.addf %mul3A_689, %mul3A_690 : vector<16xf32>
        %mul3A_692 = arith.mulf %gather3A_123, %get3A_681 : vector<16xf32>
        %add3A_693 = arith.addf %add3A_691, %mul3A_692 : vector<16xf32>
        %add3A_694 = arith.addf %gather3A_133, %get3A_688 : vector<16xf32>
        %mul3A_695 = arith.constant 2.000000e+00 : f32
        %mul3A_696 = vector.broadcast %mul3A_695 : f32 to vector<16xf32>
        %mul3A_697 = arith.mulf %mul3A_696, %add3A_693 : vector<16xf32>
        %sub3A_698 = arith.subf %add3A_694, %mul3A_697 : vector<16xf32>
        %mul3A_699 = arith.constant 16 : i32
        %mul3A_700 = arith.muli %scan3A_658, %mul3A_699 : i32
        %add3A_701 = arith.constant 0 : i32
        %add3A_702 = arith.addi %add3A_701, %mul3A_700 : i32
        %swap3A_703 = arith.index_cast %add3A_702 : i32 to index
        %swap3A_704 = tpu.vector_load %arg13[%swap3A_703] {strides = array<i32>} : memref<16384xf32, #tpu.memory_space<vmem>>, vector<16xf32>,
        %swap3A_705 = vector.shape_cast %swap3A_704 : vector<16xf32> to vector<16xf32>
        %swap3A_706 = vector.shape_cast %sub3A_698 : vector<16xf32> to vector<16xf32>
        tpu.vector_store %arg13[%swap3A_703], %swap3A_706 {strides = array<i32>} : memref<16384xf32, #tpu.memory_space<vmem>>, vector<16xf32>,
        %min3A = arith.minimumf %scan3A_659, %sub3A_698 : vector<16xf32>
        %mul3A_707 = arith.mulf %gather3A_145, %get3A_667 : vector<16xf32>
        %mul3A_708 = arith.mulf %gather3A_155, %get3A_674 : vector<16xf32>
        %add3A_709 = arith.addf %mul3A_707, %mul3A_708 : vector<16xf32>
        %mul3A_710 = arith.mulf %gather3A_165, %get3A_681 : vector<16xf32>
        %add3A_711 = arith.addf %add3A_709, %mul3A_710 : vector<16xf32>
        %add3A_712 = arith.addf %gather3A_175, %get3A_688 : vector<16xf32>
        %mul3A_713 = arith.constant 2.000000e+00 : f32
        %mul3A_714 = vector.broadcast %mul3A_713 : f32 to vector<16xf32>
        %mul3A_715 = arith.mulf %mul3A_714, %add3A_711 : vector<16xf32>
        %sub3A_716 = arith.subf %add3A_712, %mul3A_715 : vector<16xf32>
        %mul3A_717 = arith.constant 16 : i32
        %mul3A_718 = arith.muli %scan3A_658, %mul3A_717 : i32
        %add3A_719 = arith.constant 4096 : i32
        %add3A_720 = arith.addi %add3A_719, %mul3A_718 : i32
        %swap3A_721 = arith.index_cast %add3A_720 : i32 to index
        %swap3A_722 = tpu.vector_load %arg13[%swap3A_721] {strides = array<i32>} : memref<16384xf32, #tpu.memory_space<vmem>>, vector<16xf32>,
        %swap3A_723 = vector.shape_cast %swap3A_722 : vector<16xf32> to vector<16xf32>
        %swap3A_724 = vector.shape_cast %sub3A_716 : vector<16xf32> to vector<16xf32>
        tpu.vector_store %arg13[%swap3A_721], %swap3A_724 {strides = array<i32>} : memref<16384xf32, #tpu.memory_space<vmem>>, vector<16xf32>,
        %min3A_725 = arith.minimumf %scan3A_660, %sub3A_716 : vector<16xf32>
        %mul3A_726 = arith.mulf %gather3A_187, %get3A_667 : vector<16xf32>
        %mul3A_727 = arith.mulf %gather3A_197, %get3A_674 : vector<16xf32>
        %add3A_728 = arith.addf %mul3A_726, %mul3A_727 : vector<16xf32>
        %mul3A_729 = arith.mulf %gather3A_207, %get3A_681 : vector<16xf32>
        %add3A_730 = arith.addf %add3A_728, %mul3A_729 : vector<16xf32>
        %add3A_731 = arith.addf %gather3A_217, %get3A_688 : vector<16xf32>
        %mul3A_732 = arith.constant 2.000000e+00 : f32
        %mul3A_733 = vector.broadcast %mul3A_732 : f32 to vector<16xf32>
        %mul3A_734 = arith.mulf %mul3A_733, %add3A_730 : vector<16xf32>
        %sub3A_735 = arith.subf %add3A_731, %mul3A_734 : vector<16xf32>
        %mul3A_736 = arith.constant 16 : i32
        %mul3A_737 = arith.muli %scan3A_658, %mul3A_736 : i32
        %add3A_738 = arith.constant 8192 : i32
        %add3A_739 = arith.addi %add3A_738, %mul3A_737 : i32
        %swap3A_740 = arith.index_cast %add3A_739 : i32 to index
        %swap3A_741 = tpu.vector_load %arg13[%swap3A_740] {strides = array<i32>} : memref<16384xf32, #tpu.memory_space<vmem>>, vector<16xf32>,
        %swap3A_742 = vector.shape_cast %swap3A_741 : vector<16xf32> to vector<16xf32>
        %swap3A_743 = vector.shape_cast %sub3A_735 : vector<16xf32> to vector<16xf32>
        tpu.vector_store %arg13[%swap3A_740], %swap3A_743 {strides = array<i32>} : memref<16384xf32, #tpu.memory_space<vmem>>, vector<16xf32>,
        %min3A_744 = arith.minimumf %scan3A_661, %sub3A_735 : vector<16xf32>
        %mul3A_745 = arith.mulf %gather3A_229, %get3A_667 : vector<16xf32>
        %mul3A_746 = arith.mulf %gather3A_239, %get3A_674 : vector<16xf32>
        %add3A_747 = arith.addf %mul3A_745, %mul3A_746 : vector<16xf32>
        %mul3A_748 = arith.mulf %gather3A_249, %get3A_681 : vector<16xf32>
        %add3A_749 = arith.addf %add3A_747, %mul3A_748 : vector<16xf32>
        %add3A_750 = arith.addf %gather3A_259, %get3A_688 : vector<16xf32>
        %mul3A_751 = arith.constant 2.000000e+00 : f32
        %mul3A_752 = vector.broadcast %mul3A_751 : f32 to vector<16xf32>
        %mul3A_753 = arith.mulf %mul3A_752, %add3A_749 : vector<16xf32>
        %sub3A_754 = arith.subf %add3A_750, %mul3A_753 : vector<16xf32>
        %mul3A_755 = arith.constant 16 : i32
        %mul3A_756 = arith.muli %scan3A_658, %mul3A_755 : i32
        %add3A_757 = arith.constant 12288 : i32
        %add3A_758 = arith.addi %add3A_757, %mul3A_756 : i32
        %swap3A_759 = arith.index_cast %add3A_758 : i32 to index
        %swap3A_760 = tpu.vector_load %arg13[%swap3A_759] {strides = array<i32>} : memref<16384xf32, #tpu.memory_space<vmem>>, vector<16xf32>,
        %swap3A_761 = vector.shape_cast %swap3A_760 : vector<16xf32> to vector<16xf32>
        %swap3A_762 = vector.shape_cast %sub3A_754 : vector<16xf32> to vector<16xf32>
        tpu.vector_store %arg13[%swap3A_759], %swap3A_762 {strides = array<i32>} : memref<16384xf32, #tpu.memory_space<vmem>>, vector<16xf32>,
        %min3A_763 = arith.minimumf %scan3A_662, %sub3A_754 : vector<16xf32>
        scf.yield %min3A, %min3A_725, %min3A_744, %min3A_763 : vector<16xf32>, vector<16xf32>, vector<16xf32>, vector<16xf32>
      }
      %scan3A_265 = arith.constant 256 : i32
      %xor3A = arith.constant 1 : i32
      %xor3A_266 = vector.broadcast %xor3A : i32 to vector<16xi32>
      %xor3A_267 = arith.xori %iota3A, %xor3A_266 : vector<16xi32>
      %lt3A_268 = arith.constant 0 : i32
      %lt3A_269 = vector.broadcast %lt3A_268 : i32 to vector<16xi32>
      %lt3A_270 = arith.cmpi slt, %xor3A_267, %lt3A_269 : vector<16xi32>
      %add3A_271 = arith.constant 16 : i32
      %add3A_272 = vector.broadcast %add3A_271 : i32 to vector<16xi32>
      %add3A_273 = arith.addi %xor3A_267, %add3A_272 : vector<16xi32>
      %select_n3A_274 = arith.select %lt3A_270, %add3A_273, %xor3A_267 : vector<16xi1>, vector<16xi32>
      %broadcast_in_dim3A_275 = vector.shape_cast %select_n3A_274 : vector<16xi32> to vector<16x1xi32>
      %gather3A_276 = vector.shape_cast %broadcast_in_dim3A_275 : vector<16x1xi32> to vector<16xi32>
      %gather3A_277 = tpu.dynamic_gather %scan3A_264#0[%gather3A_276] in [0] : vector<16xf32>, vector<16xi32> -> vector<16xf32>
      %max3A = arith.maximumf %scan3A_264#0, %gather3A_277 : vector<16xf32>
      %xor3A_278 = arith.constant 2 : i32
      %xor3A_279 = vector.broadcast %xor3A_278 : i32 to vector<16xi32>
      %xor3A_280 = arith.xori %iota3A, %xor3A_279 : vector<16xi32>
      %lt3A_281 = arith.constant 0 : i32
      %lt3A_282 = vector.broadcast %lt3A_281 : i32 to vector<16xi32>
      %lt3A_283 = arith.cmpi slt, %xor3A_280, %lt3A_282 : vector<16xi32>
      %add3A_284 = arith.constant 16 : i32
      %add3A_285 = vector.broadcast %add3A_284 : i32 to vector<16xi32>
      %add3A_286 = arith.addi %xor3A_280, %add3A_285 : vector<16xi32>
      %select_n3A_287 = arith.select %lt3A_283, %add3A_286, %xor3A_280 : vector<16xi1>, vector<16xi32>
      %broadcast_in_dim3A_288 = vector.shape_cast %select_n3A_287 : vector<16xi32> to vector<16x1xi32>
      %gather3A_289 = vector.shape_cast %broadcast_in_dim3A_288 : vector<16x1xi32> to vector<16xi32>
      %gather3A_290 = tpu.dynamic_gather %max3A[%gather3A_289] in [0] : vector<16xf32>, vector<16xi32> -> vector<16xf32>
      %max3A_291 = arith.maximumf %max3A, %gather3A_290 : vector<16xf32>
      %xor3A_292 = arith.constant 4 : i32
      %xor3A_293 = vector.broadcast %xor3A_292 : i32 to vector<16xi32>
      %xor3A_294 = arith.xori %iota3A, %xor3A_293 : vector<16xi32>
      %lt3A_295 = arith.constant 0 : i32
      %lt3A_296 = vector.broadcast %lt3A_295 : i32 to vector<16xi32>
      %lt3A_297 = arith.cmpi slt, %xor3A_294, %lt3A_296 : vector<16xi32>
      %add3A_298 = arith.constant 16 : i32
      %add3A_299 = vector.broadcast %add3A_298 : i32 to vector<16xi32>
      %add3A_300 = arith.addi %xor3A_294, %add3A_299 : vector<16xi32>
      %select_n3A_301 = arith.select %lt3A_297, %add3A_300, %xor3A_294 : vector<16xi1>, vector<16xi32>
      %broadcast_in_dim3A_302 = vector.shape_cast %select_n3A_301 : vector<16xi32> to vector<16x1xi32>
      %gather3A_303 = vector.shape_cast %broadcast_in_dim3A_302 : vector<16x1xi32> to vector<16xi32>
      %gather3A_304 = tpu.dynamic_gather %max3A_291[%gather3A_303] in [0] : vector<16xf32>, vector<16xi32> -> vector<16xf32>
      %max3A_305 = arith.maximumf %max3A_291, %gather3A_304 : vector<16xf32>
      %xor3A_306 = arith.constant 8 : i32
      %xor3A_307 = vector.broadcast %xor3A_306 : i32 to vector<16xi32>
      %xor3A_308 = arith.xori %iota3A, %xor3A_307 : vector<16xi32>
      %lt3A_309 = arith.constant 0 : i32
      %lt3A_310 = vector.broadcast %lt3A_309 : i32 to vector<16xi32>
      %lt3A_311 = arith.cmpi slt, %xor3A_308, %lt3A_310 : vector<16xi32>
      %add3A_312 = arith.constant 16 : i32
      %add3A_313 = vector.broadcast %add3A_312 : i32 to vector<16xi32>
      %add3A_314 = arith.addi %xor3A_308, %add3A_313 : vector<16xi32>
      %select_n3A_315 = arith.select %lt3A_311, %add3A_314, %xor3A_308 : vector<16xi1>, vector<16xi32>
      %broadcast_in_dim3A_316 = vector.shape_cast %select_n3A_315 : vector<16xi32> to vector<16x1xi32>
      %gather3A_317 = vector.shape_cast %broadcast_in_dim3A_316 : vector<16x1xi32> to vector<16xi32>
      %gather3A_318 = tpu.dynamic_gather %max3A_305[%gather3A_317] in [0] : vector<16xf32>, vector<16xi32> -> vector<16xf32>
      %max3A_319 = arith.maximumf %max3A_305, %gather3A_318 : vector<16xf32>
      %swap3A = arith.constant 0 : index
      %swap3A_320 = tpu.vector_load %arg14[%swap3A] {strides = array<i32>} : memref<16xf32, #tpu.memory_space<vmem>>, vector<16xf32>,
      %swap3A_321 = vector.shape_cast %swap3A_320 : vector<16xf32> to vector<16xf32>
      %swap3A_322 = vector.shape_cast %broadcast_in_dim3A_17 : vector<16xf32> to vector<16xf32>
      tpu.vector_store %arg14[%swap3A], %swap3A_322 {strides = array<i32>} : memref<16xf32, #tpu.memory_space<vmem>>, vector<16xf32>,
      %broadcast_in_dim3A_323 = arith.constant 0 : i32
      %broadcast_in_dim3A_324 = vector.broadcast %broadcast_in_dim3A_323 : i32 to vector<16xi32>
      %swap3A_325 = arith.constant 0 : index
      %swap3A_326 = tpu.vector_load %arg15[%swap3A_325] {strides = array<i32>} : memref<16xi32, #tpu.memory_space<vmem>>, vector<16xi32>,
      %swap3A_327 = vector.shape_cast %swap3A_326 : vector<16xi32> to vector<16xi32>
      %swap3A_328 = vector.shape_cast %broadcast_in_dim3A_324 : vector<16xi32> to vector<16xi32>
      tpu.vector_store %arg15[%swap3A_325], %swap3A_328 {strides = array<i32>} : memref<16xi32, #tpu.memory_space<vmem>>, vector<16xi32>,
      %slice3A = vector.extract_strided_slice %max3A_319 {offsets = [0], sizes = [1], strides = [1]} : vector<16xf32> to vector<1xf32>
      %squeeze3A = vector.extract %slice3A[0] : f32 from vector<1xf32>
      %broadcast_in_dim3A_329 = arith.constant 1 : i32
      %broadcast_in_dim3A_330 = vector.broadcast %broadcast_in_dim3A_329 : i32 to vector<16xi32>
      %broadcast_in_dim3A_331 = arith.constant 0 : i32
      %broadcast_in_dim3A_332 = vector.broadcast %broadcast_in_dim3A_331 : i32 to vector<16xi32>
      %scan3A_333 = arith.constant 0 : i32
      %scan3A_334 = arith.constant 0 : i32
      %scan3A_335 = arith.constant 256 : i32
      %scan3A_336 = arith.addi %scan3A_334, %scan3A_335 : i32
      %scan3A_337 = arith.constant 1 : i32
      %scan3A_338 = scf.for %scan3A_658 = %scan3A_334 to %scan3A_336 step %scan3A_337 iter_args(%scan3A_659 = %scan3A_333) -> (i32)  : i32 {
        %mul3A_660 = arith.constant 16 : i32
        %mul3A_661 = arith.muli %scan3A_658, %mul3A_660 : i32
        %add3A_662 = arith.constant 0 : i32
        %add3A_663 = arith.addi %add3A_662, %mul3A_661 : i32
        %get3A_664 = arith.index_cast %add3A_663 : i32 to index
        %get3A_665 = tpu.vector_load %arg13[%get3A_664] {strides = array<i32>} : memref<16384xf32, #tpu.memory_space<vmem>>, vector<16xf32>,
        %get3A_666 = vector.shape_cast %get3A_665 : vector<16xf32> to vector<16xf32>
        %get3A_667 = arith.constant 0 : index
        %get3A_668 = tpu.vector_load %arg14[%get3A_667] {strides = array<i32>} : memref<16xf32, #tpu.memory_space<vmem>>, vector<16xf32>,
        %get3A_669 = vector.shape_cast %get3A_668 : vector<16xf32> to vector<16xf32>
        %slice3A_670 = vector.extract_strided_slice %get3A_669 {offsets = [15], sizes = [1], strides = [1]} : vector<16xf32> to vector<1xf32>
        %squeeze3A_671 = vector.extract %slice3A_670[0] : f32 from vector<1xf32>
        %min3A = arith.minimumf %squeeze3A, %squeeze3A_671 : f32
        %xor3A_672 = arith.constant 1 : i32
        %xor3A_673 = vector.broadcast %xor3A_672 : i32 to vector<16xi32>
        %xor3A_674 = arith.xori %iota3A, %xor3A_673 : vector<16xi32>
        %lt3A_675 = arith.constant 0 : i32
        %lt3A_676 = vector.broadcast %lt3A_675 : i32 to vector<16xi32>
        %lt3A_677 = arith.cmpi slt, %xor3A_674, %lt3A_676 : vector<16xi32>
        %add3A_678 = arith.constant 16 : i32
        %add3A_679 = vector.broadcast %add3A_678 : i32 to vector<16xi32>
        %add3A_680 = arith.addi %xor3A_674, %add3A_679 : vector<16xi32>
        %select_n3A_681 = arith.select %lt3A_677, %add3A_680, %xor3A_674 : vector<16xi1>, vector<16xi32>
        %broadcast_in_dim3A_682 = vector.shape_cast %select_n3A_681 : vector<16xi32> to vector<16x1xi32>
        %gather3A_683 = vector.shape_cast %broadcast_in_dim3A_682 : vector<16x1xi32> to vector<16xi32>
        %gather3A_684 = tpu.dynamic_gather %get3A_666[%gather3A_683] in [0] : vector<16xf32>, vector<16xi32> -> vector<16xf32>
        %min3A_685 = arith.minimumf %get3A_666, %gather3A_684 : vector<16xf32>
        %xor3A_686 = arith.constant 2 : i32
        %xor3A_687 = vector.broadcast %xor3A_686 : i32 to vector<16xi32>
        %xor3A_688 = arith.xori %iota3A, %xor3A_687 : vector<16xi32>
        %lt3A_689 = arith.constant 0 : i32
        %lt3A_690 = vector.broadcast %lt3A_689 : i32 to vector<16xi32>
        %lt3A_691 = arith.cmpi slt, %xor3A_688, %lt3A_690 : vector<16xi32>
        %add3A_692 = arith.constant 16 : i32
        %add3A_693 = vector.broadcast %add3A_692 : i32 to vector<16xi32>
        %add3A_694 = arith.addi %xor3A_688, %add3A_693 : vector<16xi32>
        %select_n3A_695 = arith.select %lt3A_691, %add3A_694, %xor3A_688 : vector<16xi1>, vector<16xi32>
        %broadcast_in_dim3A_696 = vector.shape_cast %select_n3A_695 : vector<16xi32> to vector<16x1xi32>
        %gather3A_697 = vector.shape_cast %broadcast_in_dim3A_696 : vector<16x1xi32> to vector<16xi32>
        %gather3A_698 = tpu.dynamic_gather %min3A_685[%gather3A_697] in [0] : vector<16xf32>, vector<16xi32> -> vector<16xf32>
        %min3A_699 = arith.minimumf %min3A_685, %gather3A_698 : vector<16xf32>
        %xor3A_700 = arith.constant 4 : i32
        %xor3A_701 = vector.broadcast %xor3A_700 : i32 to vector<16xi32>
        %xor3A_702 = arith.xori %iota3A, %xor3A_701 : vector<16xi32>
        %lt3A_703 = arith.constant 0 : i32
        %lt3A_704 = vector.broadcast %lt3A_703 : i32 to vector<16xi32>
        %lt3A_705 = arith.cmpi slt, %xor3A_702, %lt3A_704 : vector<16xi32>
        %add3A_706 = arith.constant 16 : i32
        %add3A_707 = vector.broadcast %add3A_706 : i32 to vector<16xi32>
        %add3A_708 = arith.addi %xor3A_702, %add3A_707 : vector<16xi32>
        %select_n3A_709 = arith.select %lt3A_705, %add3A_708, %xor3A_702 : vector<16xi1>, vector<16xi32>
        %broadcast_in_dim3A_710 = vector.shape_cast %select_n3A_709 : vector<16xi32> to vector<16x1xi32>
        %gather3A_711 = vector.shape_cast %broadcast_in_dim3A_710 : vector<16x1xi32> to vector<16xi32>
        %gather3A_712 = tpu.dynamic_gather %min3A_699[%gather3A_711] in [0] : vector<16xf32>, vector<16xi32> -> vector<16xf32>
        %min3A_713 = arith.minimumf %min3A_699, %gather3A_712 : vector<16xf32>
        %xor3A_714 = arith.constant 8 : i32
        %xor3A_715 = vector.broadcast %xor3A_714 : i32 to vector<16xi32>
        %xor3A_716 = arith.xori %iota3A, %xor3A_715 : vector<16xi32>
        %lt3A_717 = arith.constant 0 : i32
        %lt3A_718 = vector.broadcast %lt3A_717 : i32 to vector<16xi32>
        %lt3A_719 = arith.cmpi slt, %xor3A_716, %lt3A_718 : vector<16xi32>
        %add3A_720 = arith.constant 16 : i32
        %add3A_721 = vector.broadcast %add3A_720 : i32 to vector<16xi32>
        %add3A_722 = arith.addi %xor3A_716, %add3A_721 : vector<16xi32>
        %select_n3A_723 = arith.select %lt3A_719, %add3A_722, %xor3A_716 : vector<16xi1>, vector<16xi32>
        %broadcast_in_dim3A_724 = vector.shape_cast %select_n3A_723 : vector<16xi32> to vector<16x1xi32>
        %gather3A_725 = vector.shape_cast %broadcast_in_dim3A_724 : vector<16x1xi32> to vector<16xi32>
        %gather3A_726 = tpu.dynamic_gather %min3A_713[%gather3A_725] in [0] : vector<16xf32>, vector<16xi32> -> vector<16xf32>
        %min3A_727 = arith.minimumf %min3A_713, %gather3A_726 : vector<16xf32>
        %slice3A_728 = vector.extract_strided_slice %min3A_727 {offsets = [0], sizes = [1], strides = [1]} : vector<16xf32> to vector<1xf32>
        %squeeze3A_729 = vector.extract %slice3A_728[0] : f32 from vector<1xf32>
        %le3A = arith.cmpf ole, %squeeze3A_729, %min3A : f32
        %convert_element_type3A_730 = arith.extui %le3A : i1 to i32
        %cond3A_731 = arith.constant 0 : i32
        %cond3A_732 = arith.cmpi ne, %convert_element_type3A_730, %cond3A_731 : i32
        scf.if %cond3A_732 {
          %mul3A_734 = arith.constant 16 : i32
          %mul3A_735 = arith.muli %scan3A_658, %mul3A_734 : i32
          %add3A_736 = vector.broadcast %mul3A_735 : i32 to vector<16xi32>
          %add3A_737 = arith.addi %add3A_736, %iota3A : vector<16xi32>
          %shift_right_arithmetic3A = arith.constant 1 : i32
          %shift_right_arithmetic3A_738 = vector.broadcast %shift_right_arithmetic3A : i32 to vector<16xi32>
          %shift_right_arithmetic3A_739 = arith.shrsi %iota3A, %shift_right_arithmetic3A_738 : vector<16xi32>
          %and3A_740 = arith.constant 1 : i32
          %and3A_741 = vector.broadcast %and3A_740 : i32 to vector<16xi32>
          %and3A_742 = arith.andi %shift_right_arithmetic3A_739, %and3A_741 : vector<16xi32>
          %sub3A_743 = arith.constant 1 : i32
          %sub3A_744 = vector.broadcast %sub3A_743 : i32 to vector<16xi32>
          %sub3A_745 = arith.subi %sub3A_744, %and3A_742 : vector<16xi32>
          %xor3A_746 = arith.constant 1 : i32
          %xor3A_747 = vector.broadcast %xor3A_746 : i32 to vector<16xi32>
          %xor3A_748 = arith.xori %iota3A, %xor3A_747 : vector<16xi32>
          %lt3A_749 = arith.constant 0 : i32
          %lt3A_750 = vector.broadcast %lt3A_749 : i32 to vector<16xi32>
          %lt3A_751 = arith.cmpi slt, %xor3A_748, %lt3A_750 : vector<16xi32>
          %add3A_752 = arith.constant 16 : i32
          %add3A_753 = vector.broadcast %add3A_752 : i32 to vector<16xi32>
          %add3A_754 = arith.addi %xor3A_748, %add3A_753 : vector<16xi32>
          %select_n3A_755 = arith.select %lt3A_751, %add3A_754, %xor3A_748 : vector<16xi1>, vector<16xi32>
          %broadcast_in_dim3A_756 = vector.shape_cast %select_n3A_755 : vector<16xi32> to vector<16x1xi32>
          %gather3A_757 = vector.shape_cast %broadcast_in_dim3A_756 : vector<16x1xi32> to vector<16xi32>
          %gather3A_758 = tpu.dynamic_gather %get3A_666[%gather3A_757] in [0] : vector<16xf32>, vector<16xi32> -> vector<16xf32>
          %lt3A_759 = arith.constant 0 : i32
          %lt3A_760 = vector.broadcast %lt3A_759 : i32 to vector<16xi32>
          %lt3A_761 = arith.cmpi slt, %xor3A_748, %lt3A_760 : vector<16xi32>
          %add3A_762 = arith.constant 16 : i32
          %add3A_763 = vector.broadcast %add3A_762 : i32 to vector<16xi32>
          %add3A_764 = arith.addi %xor3A_748, %add3A_763 : vector<16xi32>
          %select_n3A_765 = arith.select %lt3A_761, %add3A_764, %xor3A_748 : vector<16xi1>, vector<16xi32>
          %broadcast_in_dim3A_766 = vector.shape_cast %select_n3A_765 : vector<16xi32> to vector<16x1xi32>
          %gather3A_767 = vector.shape_cast %broadcast_in_dim3A_766 : vector<16x1xi32> to vector<16xi32>
          %gather3A_768 = tpu.dynamic_gather %add3A_737[%gather3A_767] in [0] : vector<16xi32>, vector<16xi32> -> vector<16xi32>
          %shift_right_arithmetic3A_769 = arith.constant 0 : i32
          %shift_right_arithmetic3A_770 = vector.broadcast %shift_right_arithmetic3A_769 : i32 to vector<16xi32>
          %shift_right_arithmetic3A_771 = arith.shrsi %iota3A, %shift_right_arithmetic3A_770 : vector<16xi32>
          %and3A_772 = arith.constant 1 : i32
          %and3A_773 = vector.broadcast %and3A_772 : i32 to vector<16xi32>
          %and3A_774 = arith.andi %shift_right_arithmetic3A_771, %and3A_773 : vector<16xi32>
          %sub3A_775 = arith.constant 1 : i32
          %sub3A_776 = vector.broadcast %sub3A_775 : i32 to vector<16xi32>
          %sub3A_777 = arith.subi %sub3A_776, %and3A_774 : vector<16xi32>
          %xor3A_778 = arith.xori %sub3A_777, %sub3A_745 : vector<16xi32>
          %lt3A_779 = arith.cmpf olt, %gather3A_758, %get3A_666 : vector<16xf32>
          %select_n3A_780 = arith.select %lt3A_779, %broadcast_in_dim3A_330, %broadcast_in_dim3A_332 : vector<16xi1>, vector<16xi32>
          %eq3A = arith.cmpf oeq, %gather3A_758, %get3A_666 : vector<16xf32>
          %select_n3A_781 = arith.select %eq3A, %broadcast_in_dim3A_330, %broadcast_in_dim3A_332 : vector<16xi1>, vector<16xi32>
          %lt3A_782 = arith.cmpi slt, %gather3A_768, %add3A_737 : vector<16xi32>
          %select_n3A_783 = arith.select %lt3A_782, %broadcast_in_dim3A_330, %broadcast_in_dim3A_332 : vector<16xi1>, vector<16xi32>
          %and3A_784 = arith.andi %select_n3A_781, %select_n3A_783 : vector<16xi32>
          %or3A = arith.ori %select_n3A_780, %and3A_784 : vector<16xi32>
          %xor3A_785 = arith.xori %xor3A_778, %or3A : vector<16xi32>
          %eq3A_786 = arith.constant 1 : i32
          %eq3A_787 = vector.broadcast %eq3A_786 : i32 to vector<16xi32>
          %eq3A_788 = arith.cmpi eq, %xor3A_785, %eq3A_787 : vector<16xi32>
          %select_n3A_789 = arith.select %eq3A_788, %gather3A_758, %get3A_666 : vector<16xi1>, vector<16xf32>
          %select_n3A_790 = arith.select %eq3A_788, %gather3A_768, %add3A_737 : vector<16xi1>, vector<16xi32>
          %shift_right_arithmetic3A_791 = arith.constant 2 : i32
          %shift_right_arithmetic3A_792 = vector.broadcast %shift_right_arithmetic3A_791 : i32 to vector<16xi32>
          %shift_right_arithmetic3A_793 = arith.shrsi %iota3A, %shift_right_arithmetic3A_792 : vector<16xi32>
          %and3A_794 = arith.constant 1 : i32
          %and3A_795 = vector.broadcast %and3A_794 : i32 to vector<16xi32>
          %and3A_796 = arith.andi %shift_right_arithmetic3A_793, %and3A_795 : vector<16xi32>
          %sub3A_797 = arith.constant 1 : i32
          %sub3A_798 = vector.broadcast %sub3A_797 : i32 to vector<16xi32>
          %sub3A_799 = arith.subi %sub3A_798, %and3A_796 : vector<16xi32>
          %xor3A_800 = arith.constant 2 : i32
          %xor3A_801 = vector.broadcast %xor3A_800 : i32 to vector<16xi32>
          %xor3A_802 = arith.xori %iota3A, %xor3A_801 : vector<16xi32>
          %lt3A_803 = arith.constant 0 : i32
          %lt3A_804 = vector.broadcast %lt3A_803 : i32 to vector<16xi32>
          %lt3A_805 = arith.cmpi slt, %xor3A_802, %lt3A_804 : vector<16xi32>
          %add3A_806 = arith.constant 16 : i32
          %add3A_807 = vector.broadcast %add3A_806 : i32 to vector<16xi32>
          %add3A_808 = arith.addi %xor3A_802, %add3A_807 : vector<16xi32>
          %select_n3A_809 = arith.select %lt3A_805, %add3A_808, %xor3A_802 : vector<16xi1>, vector<16xi32>
          %broadcast_in_dim3A_810 = vector.shape_cast %select_n3A_809 : vector<16xi32> to vector<16x1xi32>
          %gather3A_811 = vector.shape_cast %broadcast_in_dim3A_810 : vector<16x1xi32> to vector<16xi32>
          %gather3A_812 = tpu.dynamic_gather %select_n3A_789[%gather3A_811] in [0] : vector<16xf32>, vector<16xi32> -> vector<16xf32>
          %lt3A_813 = arith.constant 0 : i32
          %lt3A_814 = vector.broadcast %lt3A_813 : i32 to vector<16xi32>
          %lt3A_815 = arith.cmpi slt, %xor3A_802, %lt3A_814 : vector<16xi32>
          %add3A_816 = arith.constant 16 : i32
          %add3A_817 = vector.broadcast %add3A_816 : i32 to vector<16xi32>
          %add3A_818 = arith.addi %xor3A_802, %add3A_817 : vector<16xi32>
          %select_n3A_819 = arith.select %lt3A_815, %add3A_818, %xor3A_802 : vector<16xi1>, vector<16xi32>
          %broadcast_in_dim3A_820 = vector.shape_cast %select_n3A_819 : vector<16xi32> to vector<16x1xi32>
          %gather3A_821 = vector.shape_cast %broadcast_in_dim3A_820 : vector<16x1xi32> to vector<16xi32>
          %gather3A_822 = tpu.dynamic_gather %select_n3A_790[%gather3A_821] in [0] : vector<16xi32>, vector<16xi32> -> vector<16xi32>
          %shift_right_arithmetic3A_823 = arith.constant 1 : i32
          %shift_right_arithmetic3A_824 = vector.broadcast %shift_right_arithmetic3A_823 : i32 to vector<16xi32>
          %shift_right_arithmetic3A_825 = arith.shrsi %iota3A, %shift_right_arithmetic3A_824 : vector<16xi32>
          %and3A_826 = arith.constant 1 : i32
          %and3A_827 = vector.broadcast %and3A_826 : i32 to vector<16xi32>
          %and3A_828 = arith.andi %shift_right_arithmetic3A_825, %and3A_827 : vector<16xi32>
          %sub3A_829 = arith.constant 1 : i32
          %sub3A_830 = vector.broadcast %sub3A_829 : i32 to vector<16xi32>
          %sub3A_831 = arith.subi %sub3A_830, %and3A_828 : vector<16xi32>
          %xor3A_832 = arith.xori %sub3A_831, %sub3A_799 : vector<16xi32>
          %lt3A_833 = arith.cmpf olt, %gather3A_812, %select_n3A_789 : vector<16xf32>
          %select_n3A_834 = arith.select %lt3A_833, %broadcast_in_dim3A_330, %broadcast_in_dim3A_332 : vector<16xi1>, vector<16xi32>
          %eq3A_835 = arith.cmpf oeq, %gather3A_812, %select_n3A_789 : vector<16xf32>
          %select_n3A_836 = arith.select %eq3A_835, %broadcast_in_dim3A_330, %broadcast_in_dim3A_332 : vector<16xi1>, vector<16xi32>
          %lt3A_837 = arith.cmpi slt, %gather3A_822, %select_n3A_790 : vector<16xi32>
          %select_n3A_838 = arith.select %lt3A_837, %broadcast_in_dim3A_330, %broadcast_in_dim3A_332 : vector<16xi1>, vector<16xi32>
          %and3A_839 = arith.andi %select_n3A_836, %select_n3A_838 : vector<16xi32>
          %or3A_840 = arith.ori %select_n3A_834, %and3A_839 : vector<16xi32>
          %xor3A_841 = arith.xori %xor3A_832, %or3A_840 : vector<16xi32>
          %eq3A_842 = arith.constant 1 : i32
          %eq3A_843 = vector.broadcast %eq3A_842 : i32 to vector<16xi32>
          %eq3A_844 = arith.cmpi eq, %xor3A_841, %eq3A_843 : vector<16xi32>
          %select_n3A_845 = arith.select %eq3A_844, %gather3A_812, %select_n3A_789 : vector<16xi1>, vector<16xf32>
          %select_n3A_846 = arith.select %eq3A_844, %gather3A_822, %select_n3A_790 : vector<16xi1>, vector<16xi32>
          %xor3A_847 = arith.constant 1 : i32
          %xor3A_848 = vector.broadcast %xor3A_847 : i32 to vector<16xi32>
          %xor3A_849 = arith.xori %iota3A, %xor3A_848 : vector<16xi32>
          %lt3A_850 = arith.constant 0 : i32
          %lt3A_851 = vector.broadcast %lt3A_850 : i32 to vector<16xi32>
          %lt3A_852 = arith.cmpi slt, %xor3A_849, %lt3A_851 : vector<16xi32>
          %add3A_853 = arith.constant 16 : i32
          %add3A_854 = vector.broadcast %add3A_853 : i32 to vector<16xi32>
          %add3A_855 = arith.addi %xor3A_849, %add3A_854 : vector<16xi32>
          %select_n3A_856 = arith.select %lt3A_852, %add3A_855, %xor3A_849 : vector<16xi1>, vector<16xi32>
          %broadcast_in_dim3A_857 = vector.shape_cast %select_n3A_856 : vector<16xi32> to vector<16x1xi32>
          %gather3A_858 = vector.shape_cast %broadcast_in_dim3A_857 : vector<16x1xi32> to vector<16xi32>
          %gather3A_859 = tpu.dynamic_gather %select_n3A_845[%gather3A_858] in [0] : vector<16xf32>, vector<16xi32> -> vector<16xf32>
          %lt3A_860 = arith.constant 0 : i32
          %lt3A_861 = vector.broadcast %lt3A_860 : i32 to vector<16xi32>
          %lt3A_862 = arith.cmpi slt, %xor3A_849, %lt3A_861 : vector<16xi32>
          %add3A_863 = arith.constant 16 : i32
          %add3A_864 = vector.broadcast %add3A_863 : i32 to vector<16xi32>
          %add3A_865 = arith.addi %xor3A_849, %add3A_864 : vector<16xi32>
          %select_n3A_866 = arith.select %lt3A_862, %add3A_865, %xor3A_849 : vector<16xi1>, vector<16xi32>
          %broadcast_in_dim3A_867 = vector.shape_cast %select_n3A_866 : vector<16xi32> to vector<16x1xi32>
          %gather3A_868 = vector.shape_cast %broadcast_in_dim3A_867 : vector<16x1xi32> to vector<16xi32>
          %gather3A_869 = tpu.dynamic_gather %select_n3A_846[%gather3A_868] in [0] : vector<16xi32>, vector<16xi32> -> vector<16xi32>
          %shift_right_arithmetic3A_870 = arith.constant 0 : i32
          %shift_right_arithmetic3A_871 = vector.broadcast %shift_right_arithmetic3A_870 : i32 to vector<16xi32>
          %shift_right_arithmetic3A_872 = arith.shrsi %iota3A, %shift_right_arithmetic3A_871 : vector<16xi32>
          %and3A_873 = arith.constant 1 : i32
          %and3A_874 = vector.broadcast %and3A_873 : i32 to vector<16xi32>
          %and3A_875 = arith.andi %shift_right_arithmetic3A_872, %and3A_874 : vector<16xi32>
          %sub3A_876 = arith.constant 1 : i32
          %sub3A_877 = vector.broadcast %sub3A_876 : i32 to vector<16xi32>
          %sub3A_878 = arith.subi %sub3A_877, %and3A_875 : vector<16xi32>
          %xor3A_879 = arith.xori %sub3A_878, %sub3A_799 : vector<16xi32>
          %lt3A_880 = arith.cmpf olt, %gather3A_859, %select_n3A_845 : vector<16xf32>
          %select_n3A_881 = arith.select %lt3A_880, %broadcast_in_dim3A_330, %broadcast_in_dim3A_332 : vector<16xi1>, vector<16xi32>
          %eq3A_882 = arith.cmpf oeq, %gather3A_859, %select_n3A_845 : vector<16xf32>
          %select_n3A_883 = arith.select %eq3A_882, %broadcast_in_dim3A_330, %broadcast_in_dim3A_332 : vector<16xi1>, vector<16xi32>
          %lt3A_884 = arith.cmpi slt, %gather3A_869, %select_n3A_846 : vector<16xi32>
          %select_n3A_885 = arith.select %lt3A_884, %broadcast_in_dim3A_330, %broadcast_in_dim3A_332 : vector<16xi1>, vector<16xi32>
          %and3A_886 = arith.andi %select_n3A_883, %select_n3A_885 : vector<16xi32>
          %or3A_887 = arith.ori %select_n3A_881, %and3A_886 : vector<16xi32>
          %xor3A_888 = arith.xori %xor3A_879, %or3A_887 : vector<16xi32>
          %eq3A_889 = arith.constant 1 : i32
          %eq3A_890 = vector.broadcast %eq3A_889 : i32 to vector<16xi32>
          %eq3A_891 = arith.cmpi eq, %xor3A_888, %eq3A_890 : vector<16xi32>
          %select_n3A_892 = arith.select %eq3A_891, %gather3A_859, %select_n3A_845 : vector<16xi1>, vector<16xf32>
          %select_n3A_893 = arith.select %eq3A_891, %gather3A_869, %select_n3A_846 : vector<16xi1>, vector<16xi32>
          %shift_right_arithmetic3A_894 = arith.constant 3 : i32
          %shift_right_arithmetic3A_895 = vector.broadcast %shift_right_arithmetic3A_894 : i32 to vector<16xi32>
          %shift_right_arithmetic3A_896 = arith.shrsi %iota3A, %shift_right_arithmetic3A_895 : vector<16xi32>
          %and3A_897 = arith.constant 1 : i32
          %and3A_898 = vector.broadcast %and3A_897 : i32 to vector<16xi32>
          %and3A_899 = arith.andi %shift_right_arithmetic3A_896, %and3A_898 : vector<16xi32>
          %sub3A_900 = arith.constant 1 : i32
          %sub3A_901 = vector.broadcast %sub3A_900 : i32 to vector<16xi32>
          %sub3A_902 = arith.subi %sub3A_901, %and3A_899 : vector<16xi32>
          %xor3A_903 = arith.constant 4 : i32
          %xor3A_904 = vector.broadcast %xor3A_903 : i32 to vector<16xi32>
          %xor3A_905 = arith.xori %iota3A, %xor3A_904 : vector<16xi32>
          %lt3A_906 = arith.constant 0 : i32
          %lt3A_907 = vector.broadcast %lt3A_906 : i32 to vector<16xi32>
          %lt3A_908 = arith.cmpi slt, %xor3A_905, %lt3A_907 : vector<16xi32>
          %add3A_909 = arith.constant 16 : i32
          %add3A_910 = vector.broadcast %add3A_909 : i32 to vector<16xi32>
          %add3A_911 = arith.addi %xor3A_905, %add3A_910 : vector<16xi32>
          %select_n3A_912 = arith.select %lt3A_908, %add3A_911, %xor3A_905 : vector<16xi1>, vector<16xi32>
          %broadcast_in_dim3A_913 = vector.shape_cast %select_n3A_912 : vector<16xi32> to vector<16x1xi32>
          %gather3A_914 = vector.shape_cast %broadcast_in_dim3A_913 : vector<16x1xi32> to vector<16xi32>
          %gather3A_915 = tpu.dynamic_gather %select_n3A_892[%gather3A_914] in [0] : vector<16xf32>, vector<16xi32> -> vector<16xf32>
          %lt3A_916 = arith.constant 0 : i32
          %lt3A_917 = vector.broadcast %lt3A_916 : i32 to vector<16xi32>
          %lt3A_918 = arith.cmpi slt, %xor3A_905, %lt3A_917 : vector<16xi32>
          %add3A_919 = arith.constant 16 : i32
          %add3A_920 = vector.broadcast %add3A_919 : i32 to vector<16xi32>
          %add3A_921 = arith.addi %xor3A_905, %add3A_920 : vector<16xi32>
          %select_n3A_922 = arith.select %lt3A_918, %add3A_921, %xor3A_905 : vector<16xi1>, vector<16xi32>
          %broadcast_in_dim3A_923 = vector.shape_cast %select_n3A_922 : vector<16xi32> to vector<16x1xi32>
          %gather3A_924 = vector.shape_cast %broadcast_in_dim3A_923 : vector<16x1xi32> to vector<16xi32>
          %gather3A_925 = tpu.dynamic_gather %select_n3A_893[%gather3A_924] in [0] : vector<16xi32>, vector<16xi32> -> vector<16xi32>
          %shift_right_arithmetic3A_926 = arith.constant 2 : i32
          %shift_right_arithmetic3A_927 = vector.broadcast %shift_right_arithmetic3A_926 : i32 to vector<16xi32>
          %shift_right_arithmetic3A_928 = arith.shrsi %iota3A, %shift_right_arithmetic3A_927 : vector<16xi32>
          %and3A_929 = arith.constant 1 : i32
          %and3A_930 = vector.broadcast %and3A_929 : i32 to vector<16xi32>
          %and3A_931 = arith.andi %shift_right_arithmetic3A_928, %and3A_930 : vector<16xi32>
          %sub3A_932 = arith.constant 1 : i32
          %sub3A_933 = vector.broadcast %sub3A_932 : i32 to vector<16xi32>
          %sub3A_934 = arith.subi %sub3A_933, %and3A_931 : vector<16xi32>
          %xor3A_935 = arith.xori %sub3A_934, %sub3A_902 : vector<16xi32>
          %lt3A_936 = arith.cmpf olt, %gather3A_915, %select_n3A_892 : vector<16xf32>
          %select_n3A_937 = arith.select %lt3A_936, %broadcast_in_dim3A_330, %broadcast_in_dim3A_332 : vector<16xi1>, vector<16xi32>
          %eq3A_938 = arith.cmpf oeq, %gather3A_915, %select_n3A_892 : vector<16xf32>
          %select_n3A_939 = arith.select %eq3A_938, %broadcast_in_dim3A_330, %broadcast_in_dim3A_332 : vector<16xi1>, vector<16xi32>
          %lt3A_940 = arith.cmpi slt, %gather3A_925, %select_n3A_893 : vector<16xi32>
          %select_n3A_941 = arith.select %lt3A_940, %broadcast_in_dim3A_330, %broadcast_in_dim3A_332 : vector<16xi1>, vector<16xi32>
          %and3A_942 = arith.andi %select_n3A_939, %select_n3A_941 : vector<16xi32>
          %or3A_943 = arith.ori %select_n3A_937, %and3A_942 : vector<16xi32>
          %xor3A_944 = arith.xori %xor3A_935, %or3A_943 : vector<16xi32>
          %eq3A_945 = arith.constant 1 : i32
          %eq3A_946 = vector.broadcast %eq3A_945 : i32 to vector<16xi32>
          %eq3A_947 = arith.cmpi eq, %xor3A_944, %eq3A_946 : vector<16xi32>
          %select_n3A_948 = arith.select %eq3A_947, %gather3A_915, %select_n3A_892 : vector<16xi1>, vector<16xf32>
          %select_n3A_949 = arith.select %eq3A_947, %gather3A_925, %select_n3A_893 : vector<16xi1>, vector<16xi32>
          %xor3A_950 = arith.constant 2 : i32
          %xor3A_951 = vector.broadcast %xor3A_950 : i32 to vector<16xi32>
          %xor3A_952 = arith.xori %iota3A, %xor3A_951 : vector<16xi32>
          %lt3A_953 = arith.constant 0 : i32
          %lt3A_954 = vector.broadcast %lt3A_953 : i32 to vector<16xi32>
          %lt3A_955 = arith.cmpi slt, %xor3A_952, %lt3A_954 : vector<16xi32>
          %add3A_956 = arith.constant 16 : i32
          %add3A_957 = vector.broadcast %add3A_956 : i32 to vector<16xi32>
          %add3A_958 = arith.addi %xor3A_952, %add3A_957 : vector<16xi32>
          %select_n3A_959 = arith.select %lt3A_955, %add3A_958, %xor3A_952 : vector<16xi1>, vector<16xi32>
          %broadcast_in_dim3A_960 = vector.shape_cast %select_n3A_959 : vector<16xi32> to vector<16x1xi32>
          %gather3A_961 = vector.shape_cast %broadcast_in_dim3A_960 : vector<16x1xi32> to vector<16xi32>
          %gather3A_962 = tpu.dynamic_gather %select_n3A_948[%gather3A_961] in [0] : vector<16xf32>, vector<16xi32> -> vector<16xf32>
          %lt3A_963 = arith.constant 0 : i32
          %lt3A_964 = vector.broadcast %lt3A_963 : i32 to vector<16xi32>
          %lt3A_965 = arith.cmpi slt, %xor3A_952, %lt3A_964 : vector<16xi32>
          %add3A_966 = arith.constant 16 : i32
          %add3A_967 = vector.broadcast %add3A_966 : i32 to vector<16xi32>
          %add3A_968 = arith.addi %xor3A_952, %add3A_967 : vector<16xi32>
          %select_n3A_969 = arith.select %lt3A_965, %add3A_968, %xor3A_952 : vector<16xi1>, vector<16xi32>
          %broadcast_in_dim3A_970 = vector.shape_cast %select_n3A_969 : vector<16xi32> to vector<16x1xi32>
          %gather3A_971 = vector.shape_cast %broadcast_in_dim3A_970 : vector<16x1xi32> to vector<16xi32>
          %gather3A_972 = tpu.dynamic_gather %select_n3A_949[%gather3A_971] in [0] : vector<16xi32>, vector<16xi32> -> vector<16xi32>
          %shift_right_arithmetic3A_973 = arith.constant 1 : i32
          %shift_right_arithmetic3A_974 = vector.broadcast %shift_right_arithmetic3A_973 : i32 to vector<16xi32>
          %shift_right_arithmetic3A_975 = arith.shrsi %iota3A, %shift_right_arithmetic3A_974 : vector<16xi32>
          %and3A_976 = arith.constant 1 : i32
          %and3A_977 = vector.broadcast %and3A_976 : i32 to vector<16xi32>
          %and3A_978 = arith.andi %shift_right_arithmetic3A_975, %and3A_977 : vector<16xi32>
          %sub3A_979 = arith.constant 1 : i32
          %sub3A_980 = vector.broadcast %sub3A_979 : i32 to vector<16xi32>
          %sub3A_981 = arith.subi %sub3A_980, %and3A_978 : vector<16xi32>
          %xor3A_982 = arith.xori %sub3A_981, %sub3A_902 : vector<16xi32>
          %lt3A_983 = arith.cmpf olt, %gather3A_962, %select_n3A_948 : vector<16xf32>
          %select_n3A_984 = arith.select %lt3A_983, %broadcast_in_dim3A_330, %broadcast_in_dim3A_332 : vector<16xi1>, vector<16xi32>
          %eq3A_985 = arith.cmpf oeq, %gather3A_962, %select_n3A_948 : vector<16xf32>
          %select_n3A_986 = arith.select %eq3A_985, %broadcast_in_dim3A_330, %broadcast_in_dim3A_332 : vector<16xi1>, vector<16xi32>
          %lt3A_987 = arith.cmpi slt, %gather3A_972, %select_n3A_949 : vector<16xi32>
          %select_n3A_988 = arith.select %lt3A_987, %broadcast_in_dim3A_330, %broadcast_in_dim3A_332 : vector<16xi1>, vector<16xi32>
          %and3A_989 = arith.andi %select_n3A_986, %select_n3A_988 : vector<16xi32>
          %or3A_990 = arith.ori %select_n3A_984, %and3A_989 : vector<16xi32>
          %xor3A_991 = arith.xori %xor3A_982, %or3A_990 : vector<16xi32>
          %eq3A_992 = arith.constant 1 : i32
          %eq3A_993 = vector.broadcast %eq3A_992 : i32 to vector<16xi32>
          %eq3A_994 = arith.cmpi eq, %xor3A_991, %eq3A_993 : vector<16xi32>
          %select_n3A_995 = arith.select %eq3A_994, %gather3A_962, %select_n3A_948 : vector<16xi1>, vector<16xf32>
          %select_n3A_996 = arith.select %eq3A_994, %gather3A_972, %select_n3A_949 : vector<16xi1>, vector<16xi32>
          %xor3A_997 = arith.constant 1 : i32
          %xor3A_998 = vector.broadcast %xor3A_997 : i32 to vector<16xi32>
          %xor3A_999 = arith.xori %iota3A, %xor3A_998 : vector<16xi32>
          %lt3A_1000 = arith.constant 0 : i32
          %lt3A_1001 = vector.broadcast %lt3A_1000 : i32 to vector<16xi32>
          %lt3A_1002 = arith.cmpi slt, %xor3A_999, %lt3A_1001 : vector<16xi32>
          %add3A_1003 = arith.constant 16 : i32
          %add3A_1004 = vector.broadcast %add3A_1003 : i32 to vector<16xi32>
          %add3A_1005 = arith.addi %xor3A_999, %add3A_1004 : vector<16xi32>
          %select_n3A_1006 = arith.select %lt3A_1002, %add3A_1005, %xor3A_999 : vector<16xi1>, vector<16xi32>
          %broadcast_in_dim3A_1007 = vector.shape_cast %select_n3A_1006 : vector<16xi32> to vector<16x1xi32>
          %gather3A_1008 = vector.shape_cast %broadcast_in_dim3A_1007 : vector<16x1xi32> to vector<16xi32>
          %gather3A_1009 = tpu.dynamic_gather %select_n3A_995[%gather3A_1008] in [0] : vector<16xf32>, vector<16xi32> -> vector<16xf32>
          %lt3A_1010 = arith.constant 0 : i32
          %lt3A_1011 = vector.broadcast %lt3A_1010 : i32 to vector<16xi32>
          %lt3A_1012 = arith.cmpi slt, %xor3A_999, %lt3A_1011 : vector<16xi32>
          %add3A_1013 = arith.constant 16 : i32
          %add3A_1014 = vector.broadcast %add3A_1013 : i32 to vector<16xi32>
          %add3A_1015 = arith.addi %xor3A_999, %add3A_1014 : vector<16xi32>
          %select_n3A_1016 = arith.select %lt3A_1012, %add3A_1015, %xor3A_999 : vector<16xi1>, vector<16xi32>
          %broadcast_in_dim3A_1017 = vector.shape_cast %select_n3A_1016 : vector<16xi32> to vector<16x1xi32>
          %gather3A_1018 = vector.shape_cast %broadcast_in_dim3A_1017 : vector<16x1xi32> to vector<16xi32>
          %gather3A_1019 = tpu.dynamic_gather %select_n3A_996[%gather3A_1018] in [0] : vector<16xi32>, vector<16xi32> -> vector<16xi32>
          %shift_right_arithmetic3A_1020 = arith.constant 0 : i32
          %shift_right_arithmetic3A_1021 = vector.broadcast %shift_right_arithmetic3A_1020 : i32 to vector<16xi32>
          %shift_right_arithmetic3A_1022 = arith.shrsi %iota3A, %shift_right_arithmetic3A_1021 : vector<16xi32>
          %and3A_1023 = arith.constant 1 : i32
          %and3A_1024 = vector.broadcast %and3A_1023 : i32 to vector<16xi32>
          %and3A_1025 = arith.andi %shift_right_arithmetic3A_1022, %and3A_1024 : vector<16xi32>
          %sub3A_1026 = arith.constant 1 : i32
          %sub3A_1027 = vector.broadcast %sub3A_1026 : i32 to vector<16xi32>
          %sub3A_1028 = arith.subi %sub3A_1027, %and3A_1025 : vector<16xi32>
          %xor3A_1029 = arith.xori %sub3A_1028, %sub3A_902 : vector<16xi32>
          %lt3A_1030 = arith.cmpf olt, %gather3A_1009, %select_n3A_995 : vector<16xf32>
          %select_n3A_1031 = arith.select %lt3A_1030, %broadcast_in_dim3A_330, %broadcast_in_dim3A_332 : vector<16xi1>, vector<16xi32>
          %eq3A_1032 = arith.cmpf oeq, %gather3A_1009, %select_n3A_995 : vector<16xf32>
          %select_n3A_1033 = arith.select %eq3A_1032, %broadcast_in_dim3A_330, %broadcast_in_dim3A_332 : vector<16xi1>, vector<16xi32>
          %lt3A_1034 = arith.cmpi slt, %gather3A_1019, %select_n3A_996 : vector<16xi32>
          %select_n3A_1035 = arith.select %lt3A_1034, %broadcast_in_dim3A_330, %broadcast_in_dim3A_332 : vector<16xi1>, vector<16xi32>
          %and3A_1036 = arith.andi %select_n3A_1033, %select_n3A_1035 : vector<16xi32>
          %or3A_1037 = arith.ori %select_n3A_1031, %and3A_1036 : vector<16xi32>
          %xor3A_1038 = arith.xori %xor3A_1029, %or3A_1037 : vector<16xi32>
          %eq3A_1039 = arith.constant 1 : i32
          %eq3A_1040 = vector.broadcast %eq3A_1039 : i32 to vector<16xi32>
          %eq3A_1041 = arith.cmpi eq, %xor3A_1038, %eq3A_1040 : vector<16xi32>
          %select_n3A_1042 = arith.select %eq3A_1041, %gather3A_1009, %select_n3A_995 : vector<16xi1>, vector<16xf32>
          %select_n3A_1043 = arith.select %eq3A_1041, %gather3A_1019, %select_n3A_996 : vector<16xi1>, vector<16xi32>
          %shift_right_arithmetic3A_1044 = arith.constant 4 : i32
          %shift_right_arithmetic3A_1045 = vector.broadcast %shift_right_arithmetic3A_1044 : i32 to vector<16xi32>
          %shift_right_arithmetic3A_1046 = arith.shrsi %iota3A, %shift_right_arithmetic3A_1045 : vector<16xi32>
          %and3A_1047 = arith.constant 1 : i32
          %and3A_1048 = vector.broadcast %and3A_1047 : i32 to vector<16xi32>
          %and3A_1049 = arith.andi %shift_right_arithmetic3A_1046, %and3A_1048 : vector<16xi32>
          %sub3A_1050 = arith.constant 1 : i32
          %sub3A_1051 = vector.broadcast %sub3A_1050 : i32 to vector<16xi32>
          %sub3A_1052 = arith.subi %sub3A_1051, %and3A_1049 : vector<16xi32>
          %xor3A_1053 = arith.constant 8 : i32
          %xor3A_1054 = vector.broadcast %xor3A_1053 : i32 to vector<16xi32>
          %xor3A_1055 = arith.xori %iota3A, %xor3A_1054 : vector<16xi32>
          %lt3A_1056 = arith.constant 0 : i32
          %lt3A_1057 = vector.broadcast %lt3A_1056 : i32 to vector<16xi32>
          %lt3A_1058 = arith.cmpi slt, %xor3A_1055, %lt3A_1057 : vector<16xi32>
          %add3A_1059 = arith.constant 16 : i32
          %add3A_1060 = vector.broadcast %add3A_1059 : i32 to vector<16xi32>
          %add3A_1061 = arith.addi %xor3A_1055, %add3A_1060 : vector<16xi32>
          %select_n3A_1062 = arith.select %lt3A_1058, %add3A_1061, %xor3A_1055 : vector<16xi1>, vector<16xi32>
          %broadcast_in_dim3A_1063 = vector.shape_cast %select_n3A_1062 : vector<16xi32> to vector<16x1xi32>
          %gather3A_1064 = vector.shape_cast %broadcast_in_dim3A_1063 : vector<16x1xi32> to vector<16xi32>
          %gather3A_1065 = tpu.dynamic_gather %select_n3A_1042[%gather3A_1064] in [0] : vector<16xf32>, vector<16xi32> -> vector<16xf32>
          %lt3A_1066 = arith.constant 0 : i32
          %lt3A_1067 = vector.broadcast %lt3A_1066 : i32 to vector<16xi32>
          %lt3A_1068 = arith.cmpi slt, %xor3A_1055, %lt3A_1067 : vector<16xi32>
          %add3A_1069 = arith.constant 16 : i32
          %add3A_1070 = vector.broadcast %add3A_1069 : i32 to vector<16xi32>
          %add3A_1071 = arith.addi %xor3A_1055, %add3A_1070 : vector<16xi32>
          %select_n3A_1072 = arith.select %lt3A_1068, %add3A_1071, %xor3A_1055 : vector<16xi1>, vector<16xi32>
          %broadcast_in_dim3A_1073 = vector.shape_cast %select_n3A_1072 : vector<16xi32> to vector<16x1xi32>
          %gather3A_1074 = vector.shape_cast %broadcast_in_dim3A_1073 : vector<16x1xi32> to vector<16xi32>
          %gather3A_1075 = tpu.dynamic_gather %select_n3A_1043[%gather3A_1074] in [0] : vector<16xi32>, vector<16xi32> -> vector<16xi32>
          %shift_right_arithmetic3A_1076 = arith.constant 3 : i32
          %shift_right_arithmetic3A_1077 = vector.broadcast %shift_right_arithmetic3A_1076 : i32 to vector<16xi32>
          %shift_right_arithmetic3A_1078 = arith.shrsi %iota3A, %shift_right_arithmetic3A_1077 : vector<16xi32>
          %and3A_1079 = arith.constant 1 : i32
          %and3A_1080 = vector.broadcast %and3A_1079 : i32 to vector<16xi32>
          %and3A_1081 = arith.andi %shift_right_arithmetic3A_1078, %and3A_1080 : vector<16xi32>
          %sub3A_1082 = arith.constant 1 : i32
          %sub3A_1083 = vector.broadcast %sub3A_1082 : i32 to vector<16xi32>
          %sub3A_1084 = arith.subi %sub3A_1083, %and3A_1081 : vector<16xi32>
          %xor3A_1085 = arith.xori %sub3A_1084, %sub3A_1052 : vector<16xi32>
          %lt3A_1086 = arith.cmpf olt, %gather3A_1065, %select_n3A_1042 : vector<16xf32>
          %select_n3A_1087 = arith.select %lt3A_1086, %broadcast_in_dim3A_330, %broadcast_in_dim3A_332 : vector<16xi1>, vector<16xi32>
          %eq3A_1088 = arith.cmpf oeq, %gather3A_1065, %select_n3A_1042 : vector<16xf32>
          %select_n3A_1089 = arith.select %eq3A_1088, %broadcast_in_dim3A_330, %broadcast_in_dim3A_332 : vector<16xi1>, vector<16xi32>
          %lt3A_1090 = arith.cmpi slt, %gather3A_1075, %select_n3A_1043 : vector<16xi32>
          %select_n3A_1091 = arith.select %lt3A_1090, %broadcast_in_dim3A_330, %broadcast_in_dim3A_332 : vector<16xi1>, vector<16xi32>
          %and3A_1092 = arith.andi %select_n3A_1089, %select_n3A_1091 : vector<16xi32>
          %or3A_1093 = arith.ori %select_n3A_1087, %and3A_1092 : vector<16xi32>
          %xor3A_1094 = arith.xori %xor3A_1085, %or3A_1093 : vector<16xi32>
          %eq3A_1095 = arith.constant 1 : i32
          %eq3A_1096 = vector.broadcast %eq3A_1095 : i32 to vector<16xi32>
          %eq3A_1097 = arith.cmpi eq, %xor3A_1094, %eq3A_1096 : vector<16xi32>
          %select_n3A_1098 = arith.select %eq3A_1097, %gather3A_1065, %select_n3A_1042 : vector<16xi1>, vector<16xf32>
          %select_n3A_1099 = arith.select %eq3A_1097, %gather3A_1075, %select_n3A_1043 : vector<16xi1>, vector<16xi32>
          %xor3A_1100 = arith.constant 4 : i32
          %xor3A_1101 = vector.broadcast %xor3A_1100 : i32 to vector<16xi32>
          %xor3A_1102 = arith.xori %iota3A, %xor3A_1101 : vector<16xi32>
          %lt3A_1103 = arith.constant 0 : i32
          %lt3A_1104 = vector.broadcast %lt3A_1103 : i32 to vector<16xi32>
          %lt3A_1105 = arith.cmpi slt, %xor3A_1102, %lt3A_1104 : vector<16xi32>
          %add3A_1106 = arith.constant 16 : i32
          %add3A_1107 = vector.broadcast %add3A_1106 : i32 to vector<16xi32>
          %add3A_1108 = arith.addi %xor3A_1102, %add3A_1107 : vector<16xi32>
          %select_n3A_1109 = arith.select %lt3A_1105, %add3A_1108, %xor3A_1102 : vector<16xi1>, vector<16xi32>
          %broadcast_in_dim3A_1110 = vector.shape_cast %select_n3A_1109 : vector<16xi32> to vector<16x1xi32>
          %gather3A_1111 = vector.shape_cast %broadcast_in_dim3A_1110 : vector<16x1xi32> to vector<16xi32>
          %gather3A_1112 = tpu.dynamic_gather %select_n3A_1098[%gather3A_1111] in [0] : vector<16xf32>, vector<16xi32> -> vector<16xf32>
          %lt3A_1113 = arith.constant 0 : i32
          %lt3A_1114 = vector.broadcast %lt3A_1113 : i32 to vector<16xi32>
          %lt3A_1115 = arith.cmpi slt, %xor3A_1102, %lt3A_1114 : vector<16xi32>
          %add3A_1116 = arith.constant 16 : i32
          %add3A_1117 = vector.broadcast %add3A_1116 : i32 to vector<16xi32>
          %add3A_1118 = arith.addi %xor3A_1102, %add3A_1117 : vector<16xi32>
          %select_n3A_1119 = arith.select %lt3A_1115, %add3A_1118, %xor3A_1102 : vector<16xi1>, vector<16xi32>
          %broadcast_in_dim3A_1120 = vector.shape_cast %select_n3A_1119 : vector<16xi32> to vector<16x1xi32>
          %gather3A_1121 = vector.shape_cast %broadcast_in_dim3A_1120 : vector<16x1xi32> to vector<16xi32>
          %gather3A_1122 = tpu.dynamic_gather %select_n3A_1099[%gather3A_1121] in [0] : vector<16xi32>, vector<16xi32> -> vector<16xi32>
          %shift_right_arithmetic3A_1123 = arith.constant 2 : i32
          %shift_right_arithmetic3A_1124 = vector.broadcast %shift_right_arithmetic3A_1123 : i32 to vector<16xi32>
          %shift_right_arithmetic3A_1125 = arith.shrsi %iota3A, %shift_right_arithmetic3A_1124 : vector<16xi32>
          %and3A_1126 = arith.constant 1 : i32
          %and3A_1127 = vector.broadcast %and3A_1126 : i32 to vector<16xi32>
          %and3A_1128 = arith.andi %shift_right_arithmetic3A_1125, %and3A_1127 : vector<16xi32>
          %sub3A_1129 = arith.constant 1 : i32
          %sub3A_1130 = vector.broadcast %sub3A_1129 : i32 to vector<16xi32>
          %sub3A_1131 = arith.subi %sub3A_1130, %and3A_1128 : vector<16xi32>
          %xor3A_1132 = arith.xori %sub3A_1131, %sub3A_1052 : vector<16xi32>
          %lt3A_1133 = arith.cmpf olt, %gather3A_1112, %select_n3A_1098 : vector<16xf32>
          %select_n3A_1134 = arith.select %lt3A_1133, %broadcast_in_dim3A_330, %broadcast_in_dim3A_332 : vector<16xi1>, vector<16xi32>
          %eq3A_1135 = arith.cmpf oeq, %gather3A_1112, %select_n3A_1098 : vector<16xf32>
          %select_n3A_1136 = arith.select %eq3A_1135, %broadcast_in_dim3A_330, %broadcast_in_dim3A_332 : vector<16xi1>, vector<16xi32>
          %lt3A_1137 = arith.cmpi slt, %gather3A_1122, %select_n3A_1099 : vector<16xi32>
          %select_n3A_1138 = arith.select %lt3A_1137, %broadcast_in_dim3A_330, %broadcast_in_dim3A_332 : vector<16xi1>, vector<16xi32>
          %and3A_1139 = arith.andi %select_n3A_1136, %select_n3A_1138 : vector<16xi32>
          %or3A_1140 = arith.ori %select_n3A_1134, %and3A_1139 : vector<16xi32>
          %xor3A_1141 = arith.xori %xor3A_1132, %or3A_1140 : vector<16xi32>
          %eq3A_1142 = arith.constant 1 : i32
          %eq3A_1143 = vector.broadcast %eq3A_1142 : i32 to vector<16xi32>
          %eq3A_1144 = arith.cmpi eq, %xor3A_1141, %eq3A_1143 : vector<16xi32>
          %select_n3A_1145 = arith.select %eq3A_1144, %gather3A_1112, %select_n3A_1098 : vector<16xi1>, vector<16xf32>
          %select_n3A_1146 = arith.select %eq3A_1144, %gather3A_1122, %select_n3A_1099 : vector<16xi1>, vector<16xi32>
          %xor3A_1147 = arith.constant 2 : i32
          %xor3A_1148 = vector.broadcast %xor3A_1147 : i32 to vector<16xi32>
          %xor3A_1149 = arith.xori %iota3A, %xor3A_1148 : vector<16xi32>
          %lt3A_1150 = arith.constant 0 : i32
          %lt3A_1151 = vector.broadcast %lt3A_1150 : i32 to vector<16xi32>
          %lt3A_1152 = arith.cmpi slt, %xor3A_1149, %lt3A_1151 : vector<16xi32>
          %add3A_1153 = arith.constant 16 : i32
          %add3A_1154 = vector.broadcast %add3A_1153 : i32 to vector<16xi32>
          %add3A_1155 = arith.addi %xor3A_1149, %add3A_1154 : vector<16xi32>
          %select_n3A_1156 = arith.select %lt3A_1152, %add3A_1155, %xor3A_1149 : vector<16xi1>, vector<16xi32>
          %broadcast_in_dim3A_1157 = vector.shape_cast %select_n3A_1156 : vector<16xi32> to vector<16x1xi32>
          %gather3A_1158 = vector.shape_cast %broadcast_in_dim3A_1157 : vector<16x1xi32> to vector<16xi32>
          %gather3A_1159 = tpu.dynamic_gather %select_n3A_1145[%gather3A_1158] in [0] : vector<16xf32>, vector<16xi32> -> vector<16xf32>
          %lt3A_1160 = arith.constant 0 : i32
          %lt3A_1161 = vector.broadcast %lt3A_1160 : i32 to vector<16xi32>
          %lt3A_1162 = arith.cmpi slt, %xor3A_1149, %lt3A_1161 : vector<16xi32>
          %add3A_1163 = arith.constant 16 : i32
          %add3A_1164 = vector.broadcast %add3A_1163 : i32 to vector<16xi32>
          %add3A_1165 = arith.addi %xor3A_1149, %add3A_1164 : vector<16xi32>
          %select_n3A_1166 = arith.select %lt3A_1162, %add3A_1165, %xor3A_1149 : vector<16xi1>, vector<16xi32>
          %broadcast_in_dim3A_1167 = vector.shape_cast %select_n3A_1166 : vector<16xi32> to vector<16x1xi32>
          %gather3A_1168 = vector.shape_cast %broadcast_in_dim3A_1167 : vector<16x1xi32> to vector<16xi32>
          %gather3A_1169 = tpu.dynamic_gather %select_n3A_1146[%gather3A_1168] in [0] : vector<16xi32>, vector<16xi32> -> vector<16xi32>
          %shift_right_arithmetic3A_1170 = arith.constant 1 : i32
          %shift_right_arithmetic3A_1171 = vector.broadcast %shift_right_arithmetic3A_1170 : i32 to vector<16xi32>
          %shift_right_arithmetic3A_1172 = arith.shrsi %iota3A, %shift_right_arithmetic3A_1171 : vector<16xi32>
          %and3A_1173 = arith.constant 1 : i32
          %and3A_1174 = vector.broadcast %and3A_1173 : i32 to vector<16xi32>
          %and3A_1175 = arith.andi %shift_right_arithmetic3A_1172, %and3A_1174 : vector<16xi32>
          %sub3A_1176 = arith.constant 1 : i32
          %sub3A_1177 = vector.broadcast %sub3A_1176 : i32 to vector<16xi32>
          %sub3A_1178 = arith.subi %sub3A_1177, %and3A_1175 : vector<16xi32>
          %xor3A_1179 = arith.xori %sub3A_1178, %sub3A_1052 : vector<16xi32>
          %lt3A_1180 = arith.cmpf olt, %gather3A_1159, %select_n3A_1145 : vector<16xf32>
          %select_n3A_1181 = arith.select %lt3A_1180, %broadcast_in_dim3A_330, %broadcast_in_dim3A_332 : vector<16xi1>, vector<16xi32>
          %eq3A_1182 = arith.cmpf oeq, %gather3A_1159, %select_n3A_1145 : vector<16xf32>
          %select_n3A_1183 = arith.select %eq3A_1182, %broadcast_in_dim3A_330, %broadcast_in_dim3A_332 : vector<16xi1>, vector<16xi32>
          %lt3A_1184 = arith.cmpi slt, %gather3A_1169, %select_n3A_1146 : vector<16xi32>
          %select_n3A_1185 = arith.select %lt3A_1184, %broadcast_in_dim3A_330, %broadcast_in_dim3A_332 : vector<16xi1>, vector<16xi32>
          %and3A_1186 = arith.andi %select_n3A_1183, %select_n3A_1185 : vector<16xi32>
          %or3A_1187 = arith.ori %select_n3A_1181, %and3A_1186 : vector<16xi32>
          %xor3A_1188 = arith.xori %xor3A_1179, %or3A_1187 : vector<16xi32>
          %eq3A_1189 = arith.constant 1 : i32
          %eq3A_1190 = vector.broadcast %eq3A_1189 : i32 to vector<16xi32>
          %eq3A_1191 = arith.cmpi eq, %xor3A_1188, %eq3A_1190 : vector<16xi32>
          %select_n3A_1192 = arith.select %eq3A_1191, %gather3A_1159, %select_n3A_1145 : vector<16xi1>, vector<16xf32>
          %select_n3A_1193 = arith.select %eq3A_1191, %gather3A_1169, %select_n3A_1146 : vector<16xi1>, vector<16xi32>
          %xor3A_1194 = arith.constant 1 : i32
          %xor3A_1195 = vector.broadcast %xor3A_1194 : i32 to vector<16xi32>
          %xor3A_1196 = arith.xori %iota3A, %xor3A_1195 : vector<16xi32>
          %lt3A_1197 = arith.constant 0 : i32
          %lt3A_1198 = vector.broadcast %lt3A_1197 : i32 to vector<16xi32>
          %lt3A_1199 = arith.cmpi slt, %xor3A_1196, %lt3A_1198 : vector<16xi32>
          %add3A_1200 = arith.constant 16 : i32
          %add3A_1201 = vector.broadcast %add3A_1200 : i32 to vector<16xi32>
          %add3A_1202 = arith.addi %xor3A_1196, %add3A_1201 : vector<16xi32>
          %select_n3A_1203 = arith.select %lt3A_1199, %add3A_1202, %xor3A_1196 : vector<16xi1>, vector<16xi32>
          %broadcast_in_dim3A_1204 = vector.shape_cast %select_n3A_1203 : vector<16xi32> to vector<16x1xi32>
          %gather3A_1205 = vector.shape_cast %broadcast_in_dim3A_1204 : vector<16x1xi32> to vector<16xi32>
          %gather3A_1206 = tpu.dynamic_gather %select_n3A_1192[%gather3A_1205] in [0] : vector<16xf32>, vector<16xi32> -> vector<16xf32>
          %lt3A_1207 = arith.constant 0 : i32
          %lt3A_1208 = vector.broadcast %lt3A_1207 : i32 to vector<16xi32>
          %lt3A_1209 = arith.cmpi slt, %xor3A_1196, %lt3A_1208 : vector<16xi32>
          %add3A_1210 = arith.constant 16 : i32
          %add3A_1211 = vector.broadcast %add3A_1210 : i32 to vector<16xi32>
          %add3A_1212 = arith.addi %xor3A_1196, %add3A_1211 : vector<16xi32>
          %select_n3A_1213 = arith.select %lt3A_1209, %add3A_1212, %xor3A_1196 : vector<16xi1>, vector<16xi32>
          %broadcast_in_dim3A_1214 = vector.shape_cast %select_n3A_1213 : vector<16xi32> to vector<16x1xi32>
          %gather3A_1215 = vector.shape_cast %broadcast_in_dim3A_1214 : vector<16x1xi32> to vector<16xi32>
          %gather3A_1216 = tpu.dynamic_gather %select_n3A_1193[%gather3A_1215] in [0] : vector<16xi32>, vector<16xi32> -> vector<16xi32>
          %shift_right_arithmetic3A_1217 = arith.constant 0 : i32
          %shift_right_arithmetic3A_1218 = vector.broadcast %shift_right_arithmetic3A_1217 : i32 to vector<16xi32>
          %shift_right_arithmetic3A_1219 = arith.shrsi %iota3A, %shift_right_arithmetic3A_1218 : vector<16xi32>
          %and3A_1220 = arith.constant 1 : i32
          %and3A_1221 = vector.broadcast %and3A_1220 : i32 to vector<16xi32>
          %and3A_1222 = arith.andi %shift_right_arithmetic3A_1219, %and3A_1221 : vector<16xi32>
          %sub3A_1223 = arith.constant 1 : i32
          %sub3A_1224 = vector.broadcast %sub3A_1223 : i32 to vector<16xi32>
          %sub3A_1225 = arith.subi %sub3A_1224, %and3A_1222 : vector<16xi32>
          %xor3A_1226 = arith.xori %sub3A_1225, %sub3A_1052 : vector<16xi32>
          %lt3A_1227 = arith.cmpf olt, %gather3A_1206, %select_n3A_1192 : vector<16xf32>
          %select_n3A_1228 = arith.select %lt3A_1227, %broadcast_in_dim3A_330, %broadcast_in_dim3A_332 : vector<16xi1>, vector<16xi32>
          %eq3A_1229 = arith.cmpf oeq, %gather3A_1206, %select_n3A_1192 : vector<16xf32>
          %select_n3A_1230 = arith.select %eq3A_1229, %broadcast_in_dim3A_330, %broadcast_in_dim3A_332 : vector<16xi1>, vector<16xi32>
          %lt3A_1231 = arith.cmpi slt, %gather3A_1216, %select_n3A_1193 : vector<16xi32>
          %select_n3A_1232 = arith.select %lt3A_1231, %broadcast_in_dim3A_330, %broadcast_in_dim3A_332 : vector<16xi1>, vector<16xi32>
          %and3A_1233 = arith.andi %select_n3A_1230, %select_n3A_1232 : vector<16xi32>
          %or3A_1234 = arith.ori %select_n3A_1228, %and3A_1233 : vector<16xi32>
          %xor3A_1235 = arith.xori %xor3A_1226, %or3A_1234 : vector<16xi32>
          %eq3A_1236 = arith.constant 1 : i32
          %eq3A_1237 = vector.broadcast %eq3A_1236 : i32 to vector<16xi32>
          %eq3A_1238 = arith.cmpi eq, %xor3A_1235, %eq3A_1237 : vector<16xi32>
          %select_n3A_1239 = arith.select %eq3A_1238, %gather3A_1206, %select_n3A_1192 : vector<16xi1>, vector<16xf32>
          %select_n3A_1240 = arith.select %eq3A_1238, %gather3A_1216, %select_n3A_1193 : vector<16xi1>, vector<16xi32>
          %get3A_1241 = arith.constant 0 : index
          %get3A_1242 = tpu.vector_load %arg15[%get3A_1241] {strides = array<i32>} : memref<16xi32, #tpu.memory_space<vmem>>, vector<16xi32>,
          %get3A_1243 = vector.shape_cast %get3A_1242 : vector<16xi32> to vector<16xi32>
          %sub3A_1244 = arith.constant 15 : i32
          %sub3A_1245 = vector.broadcast %sub3A_1244 : i32 to vector<16xi32>
          %sub3A_1246 = arith.subi %sub3A_1245, %iota3A : vector<16xi32>
          %lt3A_1247 = arith.constant 0 : i32
          %lt3A_1248 = vector.broadcast %lt3A_1247 : i32 to vector<16xi32>
          %lt3A_1249 = arith.cmpi slt, %sub3A_1246, %lt3A_1248 : vector<16xi32>
          %add3A_1250 = arith.constant 16 : i32
          %add3A_1251 = vector.broadcast %add3A_1250 : i32 to vector<16xi32>
          %add3A_1252 = arith.addi %sub3A_1246, %add3A_1251 : vector<16xi32>
          %select_n3A_1253 = arith.select %lt3A_1249, %add3A_1252, %sub3A_1246 : vector<16xi1>, vector<16xi32>
          %broadcast_in_dim3A_1254 = vector.shape_cast %select_n3A_1253 : vector<16xi32> to vector<16x1xi32>
          %gather3A_1255 = vector.shape_cast %broadcast_in_dim3A_1254 : vector<16x1xi32> to vector<16xi32>
          %gather3A_1256 = tpu.dynamic_gather %select_n3A_1239[%gather3A_1255] in [0] : vector<16xf32>, vector<16xi32> -> vector<16xf32>
          %lt3A_1257 = arith.constant 0 : i32
          %lt3A_1258 = vector.broadcast %lt3A_1257 : i32 to vector<16xi32>
          %lt3A_1259 = arith.cmpi slt, %sub3A_1246, %lt3A_1258 : vector<16xi32>
          %add3A_1260 = arith.constant 16 : i32
          %add3A_1261 = vector.broadcast %add3A_1260 : i32 to vector<16xi32>
          %add3A_1262 = arith.addi %sub3A_1246, %add3A_1261 : vector<16xi32>
          %select_n3A_1263 = arith.select %lt3A_1259, %add3A_1262, %sub3A_1246 : vector<16xi1>, vector<16xi32>
          %broadcast_in_dim3A_1264 = vector.shape_cast %select_n3A_1263 : vector<16xi32> to vector<16x1xi32>
          %gather3A_1265 = vector.shape_cast %broadcast_in_dim3A_1264 : vector<16x1xi32> to vector<16xi32>
          %gather3A_1266 = tpu.dynamic_gather %select_n3A_1240[%gather3A_1265] in [0] : vector<16xi32>, vector<16xi32> -> vector<16xi32>
          %lt3A_1267 = arith.cmpf olt, %get3A_669, %gather3A_1256 : vector<16xf32>
          %select_n3A_1268 = arith.select %lt3A_1267, %broadcast_in_dim3A_330, %broadcast_in_dim3A_332 : vector<16xi1>, vector<16xi32>
          %eq3A_1269 = arith.cmpf oeq, %get3A_669, %gather3A_1256 : vector<16xf32>
          %select_n3A_1270 = arith.select %eq3A_1269, %broadcast_in_dim3A_330, %broadcast_in_dim3A_332 : vector<16xi1>, vector<16xi32>
          %lt3A_1271 = arith.cmpi slt, %get3A_1243, %gather3A_1266 : vector<16xi32>
          %select_n3A_1272 = arith.select %lt3A_1271, %broadcast_in_dim3A_330, %broadcast_in_dim3A_332 : vector<16xi1>, vector<16xi32>
          %and3A_1273 = arith.andi %select_n3A_1270, %select_n3A_1272 : vector<16xi32>
          %or3A_1274 = arith.ori %select_n3A_1268, %and3A_1273 : vector<16xi32>
          %eq3A_1275 = arith.constant 1 : i32
          %eq3A_1276 = vector.broadcast %eq3A_1275 : i32 to vector<16xi32>
          %eq3A_1277 = arith.cmpi eq, %or3A_1274, %eq3A_1276 : vector<16xi32>
          %select_n3A_1278 = arith.select %eq3A_1277, %get3A_669, %gather3A_1256 : vector<16xi1>, vector<16xf32>
          %select_n3A_1279 = arith.select %eq3A_1277, %get3A_1243, %gather3A_1266 : vector<16xi1>, vector<16xi32>
          %xor3A_1280 = arith.constant 8 : i32
          %xor3A_1281 = vector.broadcast %xor3A_1280 : i32 to vector<16xi32>
          %xor3A_1282 = arith.xori %iota3A, %xor3A_1281 : vector<16xi32>
          %lt3A_1283 = arith.constant 0 : i32
          %lt3A_1284 = vector.broadcast %lt3A_1283 : i32 to vector<16xi32>
          %lt3A_1285 = arith.cmpi slt, %xor3A_1282, %lt3A_1284 : vector<16xi32>
          %add3A_1286 = arith.constant 16 : i32
          %add3A_1287 = vector.broadcast %add3A_1286 : i32 to vector<16xi32>
          %add3A_1288 = arith.addi %xor3A_1282, %add3A_1287 : vector<16xi32>
          %select_n3A_1289 = arith.select %lt3A_1285, %add3A_1288, %xor3A_1282 : vector<16xi1>, vector<16xi32>
          %broadcast_in_dim3A_1290 = vector.shape_cast %select_n3A_1289 : vector<16xi32> to vector<16x1xi32>
          %gather3A_1291 = vector.shape_cast %broadcast_in_dim3A_1290 : vector<16x1xi32> to vector<16xi32>
          %gather3A_1292 = tpu.dynamic_gather %select_n3A_1278[%gather3A_1291] in [0] : vector<16xf32>, vector<16xi32> -> vector<16xf32>
          %lt3A_1293 = arith.constant 0 : i32
          %lt3A_1294 = vector.broadcast %lt3A_1293 : i32 to vector<16xi32>
          %lt3A_1295 = arith.cmpi slt, %xor3A_1282, %lt3A_1294 : vector<16xi32>
          %add3A_1296 = arith.constant 16 : i32
          %add3A_1297 = vector.broadcast %add3A_1296 : i32 to vector<16xi32>
          %add3A_1298 = arith.addi %xor3A_1282, %add3A_1297 : vector<16xi32>
          %select_n3A_1299 = arith.select %lt3A_1295, %add3A_1298, %xor3A_1282 : vector<16xi1>, vector<16xi32>
          %broadcast_in_dim3A_1300 = vector.shape_cast %select_n3A_1299 : vector<16xi32> to vector<16x1xi32>
          %gather3A_1301 = vector.shape_cast %broadcast_in_dim3A_1300 : vector<16x1xi32> to vector<16xi32>
          %gather3A_1302 = tpu.dynamic_gather %select_n3A_1279[%gather3A_1301] in [0] : vector<16xi32>, vector<16xi32> -> vector<16xi32>
          %shift_right_arithmetic3A_1303 = arith.constant 3 : i32
          %shift_right_arithmetic3A_1304 = vector.broadcast %shift_right_arithmetic3A_1303 : i32 to vector<16xi32>
          %shift_right_arithmetic3A_1305 = arith.shrsi %iota3A, %shift_right_arithmetic3A_1304 : vector<16xi32>
          %and3A_1306 = arith.constant 1 : i32
          %and3A_1307 = vector.broadcast %and3A_1306 : i32 to vector<16xi32>
          %and3A_1308 = arith.andi %shift_right_arithmetic3A_1305, %and3A_1307 : vector<16xi32>
          %sub3A_1309 = arith.constant 1 : i32
          %sub3A_1310 = vector.broadcast %sub3A_1309 : i32 to vector<16xi32>
          %sub3A_1311 = arith.subi %sub3A_1310, %and3A_1308 : vector<16xi32>
          %xor3A_1312 = arith.xori %sub3A_1311, %broadcast_in_dim3A_330 : vector<16xi32>
          %lt3A_1313 = arith.cmpf olt, %gather3A_1292, %select_n3A_1278 : vector<16xf32>
          %select_n3A_1314 = arith.select %lt3A_1313, %broadcast_in_dim3A_330, %broadcast_in_dim3A_332 : vector<16xi1>, vector<16xi32>
          %eq3A_1315 = arith.cmpf oeq, %gather3A_1292, %select_n3A_1278 : vector<16xf32>
          %select_n3A_1316 = arith.select %eq3A_1315, %broadcast_in_dim3A_330, %broadcast_in_dim3A_332 : vector<16xi1>, vector<16xi32>
          %lt3A_1317 = arith.cmpi slt, %gather3A_1302, %select_n3A_1279 : vector<16xi32>
          %select_n3A_1318 = arith.select %lt3A_1317, %broadcast_in_dim3A_330, %broadcast_in_dim3A_332 : vector<16xi1>, vector<16xi32>
          %and3A_1319 = arith.andi %select_n3A_1316, %select_n3A_1318 : vector<16xi32>
          %or3A_1320 = arith.ori %select_n3A_1314, %and3A_1319 : vector<16xi32>
          %xor3A_1321 = arith.xori %xor3A_1312, %or3A_1320 : vector<16xi32>
          %eq3A_1322 = arith.constant 1 : i32
          %eq3A_1323 = vector.broadcast %eq3A_1322 : i32 to vector<16xi32>
          %eq3A_1324 = arith.cmpi eq, %xor3A_1321, %eq3A_1323 : vector<16xi32>
          %select_n3A_1325 = arith.select %eq3A_1324, %gather3A_1292, %select_n3A_1278 : vector<16xi1>, vector<16xf32>
          %select_n3A_1326 = arith.select %eq3A_1324, %gather3A_1302, %select_n3A_1279 : vector<16xi1>, vector<16xi32>
          %xor3A_1327 = arith.constant 4 : i32
          %xor3A_1328 = vector.broadcast %xor3A_1327 : i32 to vector<16xi32>
          %xor3A_1329 = arith.xori %iota3A, %xor3A_1328 : vector<16xi32>
          %lt3A_1330 = arith.constant 0 : i32
          %lt3A_1331 = vector.broadcast %lt3A_1330 : i32 to vector<16xi32>
          %lt3A_1332 = arith.cmpi slt, %xor3A_1329, %lt3A_1331 : vector<16xi32>
          %add3A_1333 = arith.constant 16 : i32
          %add3A_1334 = vector.broadcast %add3A_1333 : i32 to vector<16xi32>
          %add3A_1335 = arith.addi %xor3A_1329, %add3A_1334 : vector<16xi32>
          %select_n3A_1336 = arith.select %lt3A_1332, %add3A_1335, %xor3A_1329 : vector<16xi1>, vector<16xi32>
          %broadcast_in_dim3A_1337 = vector.shape_cast %select_n3A_1336 : vector<16xi32> to vector<16x1xi32>
          %gather3A_1338 = vector.shape_cast %broadcast_in_dim3A_1337 : vector<16x1xi32> to vector<16xi32>
          %gather3A_1339 = tpu.dynamic_gather %select_n3A_1325[%gather3A_1338] in [0] : vector<16xf32>, vector<16xi32> -> vector<16xf32>
          %lt3A_1340 = arith.constant 0 : i32
          %lt3A_1341 = vector.broadcast %lt3A_1340 : i32 to vector<16xi32>
          %lt3A_1342 = arith.cmpi slt, %xor3A_1329, %lt3A_1341 : vector<16xi32>
          %add3A_1343 = arith.constant 16 : i32
          %add3A_1344 = vector.broadcast %add3A_1343 : i32 to vector<16xi32>
          %add3A_1345 = arith.addi %xor3A_1329, %add3A_1344 : vector<16xi32>
          %select_n3A_1346 = arith.select %lt3A_1342, %add3A_1345, %xor3A_1329 : vector<16xi1>, vector<16xi32>
          %broadcast_in_dim3A_1347 = vector.shape_cast %select_n3A_1346 : vector<16xi32> to vector<16x1xi32>
          %gather3A_1348 = vector.shape_cast %broadcast_in_dim3A_1347 : vector<16x1xi32> to vector<16xi32>
          %gather3A_1349 = tpu.dynamic_gather %select_n3A_1326[%gather3A_1348] in [0] : vector<16xi32>, vector<16xi32> -> vector<16xi32>
          %shift_right_arithmetic3A_1350 = arith.constant 2 : i32
          %shift_right_arithmetic3A_1351 = vector.broadcast %shift_right_arithmetic3A_1350 : i32 to vector<16xi32>
          %shift_right_arithmetic3A_1352 = arith.shrsi %iota3A, %shift_right_arithmetic3A_1351 : vector<16xi32>
          %and3A_1353 = arith.constant 1 : i32
          %and3A_1354 = vector.broadcast %and3A_1353 : i32 to vector<16xi32>
          %and3A_1355 = arith.andi %shift_right_arithmetic3A_1352, %and3A_1354 : vector<16xi32>
          %sub3A_1356 = arith.constant 1 : i32
          %sub3A_1357 = vector.broadcast %sub3A_1356 : i32 to vector<16xi32>
          %sub3A_1358 = arith.subi %sub3A_1357, %and3A_1355 : vector<16xi32>
          %xor3A_1359 = arith.xori %sub3A_1358, %broadcast_in_dim3A_330 : vector<16xi32>
          %lt3A_1360 = arith.cmpf olt, %gather3A_1339, %select_n3A_1325 : vector<16xf32>
          %select_n3A_1361 = arith.select %lt3A_1360, %broadcast_in_dim3A_330, %broadcast_in_dim3A_332 : vector<16xi1>, vector<16xi32>
          %eq3A_1362 = arith.cmpf oeq, %gather3A_1339, %select_n3A_1325 : vector<16xf32>
          %select_n3A_1363 = arith.select %eq3A_1362, %broadcast_in_dim3A_330, %broadcast_in_dim3A_332 : vector<16xi1>, vector<16xi32>
          %lt3A_1364 = arith.cmpi slt, %gather3A_1349, %select_n3A_1326 : vector<16xi32>
          %select_n3A_1365 = arith.select %lt3A_1364, %broadcast_in_dim3A_330, %broadcast_in_dim3A_332 : vector<16xi1>, vector<16xi32>
          %and3A_1366 = arith.andi %select_n3A_1363, %select_n3A_1365 : vector<16xi32>
          %or3A_1367 = arith.ori %select_n3A_1361, %and3A_1366 : vector<16xi32>
          %xor3A_1368 = arith.xori %xor3A_1359, %or3A_1367 : vector<16xi32>
          %eq3A_1369 = arith.constant 1 : i32
          %eq3A_1370 = vector.broadcast %eq3A_1369 : i32 to vector<16xi32>
          %eq3A_1371 = arith.cmpi eq, %xor3A_1368, %eq3A_1370 : vector<16xi32>
          %select_n3A_1372 = arith.select %eq3A_1371, %gather3A_1339, %select_n3A_1325 : vector<16xi1>, vector<16xf32>
          %select_n3A_1373 = arith.select %eq3A_1371, %gather3A_1349, %select_n3A_1326 : vector<16xi1>, vector<16xi32>
          %xor3A_1374 = arith.constant 2 : i32
          %xor3A_1375 = vector.broadcast %xor3A_1374 : i32 to vector<16xi32>
          %xor3A_1376 = arith.xori %iota3A, %xor3A_1375 : vector<16xi32>
          %lt3A_1377 = arith.constant 0 : i32
          %lt3A_1378 = vector.broadcast %lt3A_1377 : i32 to vector<16xi32>
          %lt3A_1379 = arith.cmpi slt, %xor3A_1376, %lt3A_1378 : vector<16xi32>
          %add3A_1380 = arith.constant 16 : i32
          %add3A_1381 = vector.broadcast %add3A_1380 : i32 to vector<16xi32>
          %add3A_1382 = arith.addi %xor3A_1376, %add3A_1381 : vector<16xi32>
          %select_n3A_1383 = arith.select %lt3A_1379, %add3A_1382, %xor3A_1376 : vector<16xi1>, vector<16xi32>
          %broadcast_in_dim3A_1384 = vector.shape_cast %select_n3A_1383 : vector<16xi32> to vector<16x1xi32>
          %gather3A_1385 = vector.shape_cast %broadcast_in_dim3A_1384 : vector<16x1xi32> to vector<16xi32>
          %gather3A_1386 = tpu.dynamic_gather %select_n3A_1372[%gather3A_1385] in [0] : vector<16xf32>, vector<16xi32> -> vector<16xf32>
          %lt3A_1387 = arith.constant 0 : i32
          %lt3A_1388 = vector.broadcast %lt3A_1387 : i32 to vector<16xi32>
          %lt3A_1389 = arith.cmpi slt, %xor3A_1376, %lt3A_1388 : vector<16xi32>
          %add3A_1390 = arith.constant 16 : i32
          %add3A_1391 = vector.broadcast %add3A_1390 : i32 to vector<16xi32>
          %add3A_1392 = arith.addi %xor3A_1376, %add3A_1391 : vector<16xi32>
          %select_n3A_1393 = arith.select %lt3A_1389, %add3A_1392, %xor3A_1376 : vector<16xi1>, vector<16xi32>
          %broadcast_in_dim3A_1394 = vector.shape_cast %select_n3A_1393 : vector<16xi32> to vector<16x1xi32>
          %gather3A_1395 = vector.shape_cast %broadcast_in_dim3A_1394 : vector<16x1xi32> to vector<16xi32>
          %gather3A_1396 = tpu.dynamic_gather %select_n3A_1373[%gather3A_1395] in [0] : vector<16xi32>, vector<16xi32> -> vector<16xi32>
          %shift_right_arithmetic3A_1397 = arith.constant 1 : i32
          %shift_right_arithmetic3A_1398 = vector.broadcast %shift_right_arithmetic3A_1397 : i32 to vector<16xi32>
          %shift_right_arithmetic3A_1399 = arith.shrsi %iota3A, %shift_right_arithmetic3A_1398 : vector<16xi32>
          %and3A_1400 = arith.constant 1 : i32
          %and3A_1401 = vector.broadcast %and3A_1400 : i32 to vector<16xi32>
          %and3A_1402 = arith.andi %shift_right_arithmetic3A_1399, %and3A_1401 : vector<16xi32>
          %sub3A_1403 = arith.constant 1 : i32
          %sub3A_1404 = vector.broadcast %sub3A_1403 : i32 to vector<16xi32>
          %sub3A_1405 = arith.subi %sub3A_1404, %and3A_1402 : vector<16xi32>
          %xor3A_1406 = arith.xori %sub3A_1405, %broadcast_in_dim3A_330 : vector<16xi32>
          %lt3A_1407 = arith.cmpf olt, %gather3A_1386, %select_n3A_1372 : vector<16xf32>
          %select_n3A_1408 = arith.select %lt3A_1407, %broadcast_in_dim3A_330, %broadcast_in_dim3A_332 : vector<16xi1>, vector<16xi32>
          %eq3A_1409 = arith.cmpf oeq, %gather3A_1386, %select_n3A_1372 : vector<16xf32>
          %select_n3A_1410 = arith.select %eq3A_1409, %broadcast_in_dim3A_330, %broadcast_in_dim3A_332 : vector<16xi1>, vector<16xi32>
          %lt3A_1411 = arith.cmpi slt, %gather3A_1396, %select_n3A_1373 : vector<16xi32>
          %select_n3A_1412 = arith.select %lt3A_1411, %broadcast_in_dim3A_330, %broadcast_in_dim3A_332 : vector<16xi1>, vector<16xi32>
          %and3A_1413 = arith.andi %select_n3A_1410, %select_n3A_1412 : vector<16xi32>
          %or3A_1414 = arith.ori %select_n3A_1408, %and3A_1413 : vector<16xi32>
          %xor3A_1415 = arith.xori %xor3A_1406, %or3A_1414 : vector<16xi32>
          %eq3A_1416 = arith.constant 1 : i32
          %eq3A_1417 = vector.broadcast %eq3A_1416 : i32 to vector<16xi32>
          %eq3A_1418 = arith.cmpi eq, %xor3A_1415, %eq3A_1417 : vector<16xi32>
          %select_n3A_1419 = arith.select %eq3A_1418, %gather3A_1386, %select_n3A_1372 : vector<16xi1>, vector<16xf32>
          %select_n3A_1420 = arith.select %eq3A_1418, %gather3A_1396, %select_n3A_1373 : vector<16xi1>, vector<16xi32>
          %xor3A_1421 = arith.constant 1 : i32
          %xor3A_1422 = vector.broadcast %xor3A_1421 : i32 to vector<16xi32>
          %xor3A_1423 = arith.xori %iota3A, %xor3A_1422 : vector<16xi32>
          %lt3A_1424 = arith.constant 0 : i32
          %lt3A_1425 = vector.broadcast %lt3A_1424 : i32 to vector<16xi32>
          %lt3A_1426 = arith.cmpi slt, %xor3A_1423, %lt3A_1425 : vector<16xi32>
          %add3A_1427 = arith.constant 16 : i32
          %add3A_1428 = vector.broadcast %add3A_1427 : i32 to vector<16xi32>
          %add3A_1429 = arith.addi %xor3A_1423, %add3A_1428 : vector<16xi32>
          %select_n3A_1430 = arith.select %lt3A_1426, %add3A_1429, %xor3A_1423 : vector<16xi1>, vector<16xi32>
          %broadcast_in_dim3A_1431 = vector.shape_cast %select_n3A_1430 : vector<16xi32> to vector<16x1xi32>
          %gather3A_1432 = vector.shape_cast %broadcast_in_dim3A_1431 : vector<16x1xi32> to vector<16xi32>
          %gather3A_1433 = tpu.dynamic_gather %select_n3A_1419[%gather3A_1432] in [0] : vector<16xf32>, vector<16xi32> -> vector<16xf32>
          %lt3A_1434 = arith.constant 0 : i32
          %lt3A_1435 = vector.broadcast %lt3A_1434 : i32 to vector<16xi32>
          %lt3A_1436 = arith.cmpi slt, %xor3A_1423, %lt3A_1435 : vector<16xi32>
          %add3A_1437 = arith.constant 16 : i32
          %add3A_1438 = vector.broadcast %add3A_1437 : i32 to vector<16xi32>
          %add3A_1439 = arith.addi %xor3A_1423, %add3A_1438 : vector<16xi32>
          %select_n3A_1440 = arith.select %lt3A_1436, %add3A_1439, %xor3A_1423 : vector<16xi1>, vector<16xi32>
          %broadcast_in_dim3A_1441 = vector.shape_cast %select_n3A_1440 : vector<16xi32> to vector<16x1xi32>
          %gather3A_1442 = vector.shape_cast %broadcast_in_dim3A_1441 : vector<16x1xi32> to vector<16xi32>
          %gather3A_1443 = tpu.dynamic_gather %select_n3A_1420[%gather3A_1442] in [0] : vector<16xi32>, vector<16xi32> -> vector<16xi32>
          %shift_right_arithmetic3A_1444 = arith.constant 0 : i32
          %shift_right_arithmetic3A_1445 = vector.broadcast %shift_right_arithmetic3A_1444 : i32 to vector<16xi32>
          %shift_right_arithmetic3A_1446 = arith.shrsi %iota3A, %shift_right_arithmetic3A_1445 : vector<16xi32>
          %and3A_1447 = arith.constant 1 : i32
          %and3A_1448 = vector.broadcast %and3A_1447 : i32 to vector<16xi32>
          %and3A_1449 = arith.andi %shift_right_arithmetic3A_1446, %and3A_1448 : vector<16xi32>
          %sub3A_1450 = arith.constant 1 : i32
          %sub3A_1451 = vector.broadcast %sub3A_1450 : i32 to vector<16xi32>
          %sub3A_1452 = arith.subi %sub3A_1451, %and3A_1449 : vector<16xi32>
          %xor3A_1453 = arith.xori %sub3A_1452, %broadcast_in_dim3A_330 : vector<16xi32>
          %lt3A_1454 = arith.cmpf olt, %gather3A_1433, %select_n3A_1419 : vector<16xf32>
          %select_n3A_1455 = arith.select %lt3A_1454, %broadcast_in_dim3A_330, %broadcast_in_dim3A_332 : vector<16xi1>, vector<16xi32>
          %eq3A_1456 = arith.cmpf oeq, %gather3A_1433, %select_n3A_1419 : vector<16xf32>
          %select_n3A_1457 = arith.select %eq3A_1456, %broadcast_in_dim3A_330, %broadcast_in_dim3A_332 : vector<16xi1>, vector<16xi32>
          %lt3A_1458 = arith.cmpi slt, %gather3A_1443, %select_n3A_1420 : vector<16xi32>
          %select_n3A_1459 = arith.select %lt3A_1458, %broadcast_in_dim3A_330, %broadcast_in_dim3A_332 : vector<16xi1>, vector<16xi32>
          %and3A_1460 = arith.andi %select_n3A_1457, %select_n3A_1459 : vector<16xi32>
          %or3A_1461 = arith.ori %select_n3A_1455, %and3A_1460 : vector<16xi32>
          %xor3A_1462 = arith.xori %xor3A_1453, %or3A_1461 : vector<16xi32>
          %eq3A_1463 = arith.constant 1 : i32
          %eq3A_1464 = vector.broadcast %eq3A_1463 : i32 to vector<16xi32>
          %eq3A_1465 = arith.cmpi eq, %xor3A_1462, %eq3A_1464 : vector<16xi32>
          %select_n3A_1466 = arith.select %eq3A_1465, %gather3A_1433, %select_n3A_1419 : vector<16xi1>, vector<16xf32>
          %select_n3A_1467 = arith.select %eq3A_1465, %gather3A_1443, %select_n3A_1420 : vector<16xi1>, vector<16xi32>
          %swap3A_1468 = arith.constant 0 : index
          %swap3A_1469 = tpu.vector_load %arg14[%swap3A_1468] {strides = array<i32>} : memref<16xf32, #tpu.memory_space<vmem>>, vector<16xf32>,
          %swap3A_1470 = vector.shape_cast %swap3A_1469 : vector<16xf32> to vector<16xf32>
          %swap3A_1471 = vector.shape_cast %select_n3A_1466 : vector<16xf32> to vector<16xf32>
          tpu.vector_store %arg14[%swap3A_1468], %swap3A_1471 {strides = array<i32>} : memref<16xf32, #tpu.memory_space<vmem>>, vector<16xf32>,
          %swap3A_1472 = arith.constant 0 : index
          %swap3A_1473 = tpu.vector_load %arg15[%swap3A_1472] {strides = array<i32>} : memref<16xi32, #tpu.memory_space<vmem>>, vector<16xi32>,
          %swap3A_1474 = vector.shape_cast %swap3A_1473 : vector<16xi32> to vector<16xi32>
          %swap3A_1475 = vector.shape_cast %select_n3A_1467 : vector<16xi32> to vector<16xi32>
          tpu.vector_store %arg15[%swap3A_1472], %swap3A_1475 {strides = array<i32>} : memref<16xi32, #tpu.memory_space<vmem>>, vector<16xi32>,
        } else {
        }
        %scan3A_733 = arith.constant 0 : i32
        scf.yield %scan3A_733 : i32
      }
      %scan3A_339 = arith.constant 256 : i32
      %get3A_340 = arith.constant 0 : index
      %get3A_341 = tpu.vector_load %arg15[%get3A_340] {strides = array<i32>} : memref<16xi32, #tpu.memory_space<vmem>>, vector<16xi32>,
      %get3A_342 = vector.shape_cast %get3A_341 : vector<16xi32> to vector<16xi32>
      %mul3A_343 = arith.constant 4096 : i32
      %mul3A_344 = arith.muli %select_n3A, %mul3A_343 : i32
      %add3A_345 = vector.broadcast %mul3A_344 : i32 to vector<16xi32>
      %add3A_346 = arith.addi %get3A_342, %add3A_345 : vector<16xi32>
      %swap3A_347 = arith.constant 0 : index
      %swap3A_348 = tpu.vector_load %arg16[%swap3A_347] {strides = array<i32>} : memref<64xi32, #tpu.memory_space<vmem>>, vector<16xi32>,
      %swap3A_349 = vector.shape_cast %swap3A_348 : vector<16xi32> to vector<16xi32>
      %swap3A_350 = vector.shape_cast %add3A_346 : vector<16xi32> to vector<16xi32>
      tpu.vector_store %arg16[%swap3A_347], %swap3A_350 {strides = array<i32>} : memref<64xi32, #tpu.memory_space<vmem>>, vector<16xi32>,
      %xor3A_351 = arith.constant 1 : i32
      %xor3A_352 = vector.broadcast %xor3A_351 : i32 to vector<16xi32>
      %xor3A_353 = arith.xori %iota3A, %xor3A_352 : vector<16xi32>
      %lt3A_354 = arith.constant 0 : i32
      %lt3A_355 = vector.broadcast %lt3A_354 : i32 to vector<16xi32>
      %lt3A_356 = arith.cmpi slt, %xor3A_353, %lt3A_355 : vector<16xi32>
      %add3A_357 = arith.constant 16 : i32
      %add3A_358 = vector.broadcast %add3A_357 : i32 to vector<16xi32>
      %add3A_359 = arith.addi %xor3A_353, %add3A_358 : vector<16xi32>
      %select_n3A_360 = arith.select %lt3A_356, %add3A_359, %xor3A_353 : vector<16xi1>, vector<16xi32>
      %broadcast_in_dim3A_361 = vector.shape_cast %select_n3A_360 : vector<16xi32> to vector<16x1xi32>
      %gather3A_362 = vector.shape_cast %broadcast_in_dim3A_361 : vector<16x1xi32> to vector<16xi32>
      %gather3A_363 = tpu.dynamic_gather %scan3A_264#1[%gather3A_362] in [0] : vector<16xf32>, vector<16xi32> -> vector<16xf32>
      %max3A_364 = arith.maximumf %scan3A_264#1, %gather3A_363 : vector<16xf32>
      %xor3A_365 = arith.constant 2 : i32
      %xor3A_366 = vector.broadcast %xor3A_365 : i32 to vector<16xi32>
      %xor3A_367 = arith.xori %iota3A, %xor3A_366 : vector<16xi32>
      %lt3A_368 = arith.constant 0 : i32
      %lt3A_369 = vector.broadcast %lt3A_368 : i32 to vector<16xi32>
      %lt3A_370 = arith.cmpi slt, %xor3A_367, %lt3A_369 : vector<16xi32>
      %add3A_371 = arith.constant 16 : i32
      %add3A_372 = vector.broadcast %add3A_371 : i32 to vector<16xi32>
      %add3A_373 = arith.addi %xor3A_367, %add3A_372 : vector<16xi32>
      %select_n3A_374 = arith.select %lt3A_370, %add3A_373, %xor3A_367 : vector<16xi1>, vector<16xi32>
      %broadcast_in_dim3A_375 = vector.shape_cast %select_n3A_374 : vector<16xi32> to vector<16x1xi32>
      %gather3A_376 = vector.shape_cast %broadcast_in_dim3A_375 : vector<16x1xi32> to vector<16xi32>
      %gather3A_377 = tpu.dynamic_gather %max3A_364[%gather3A_376] in [0] : vector<16xf32>, vector<16xi32> -> vector<16xf32>
      %max3A_378 = arith.maximumf %max3A_364, %gather3A_377 : vector<16xf32>
      %xor3A_379 = arith.constant 4 : i32
      %xor3A_380 = vector.broadcast %xor3A_379 : i32 to vector<16xi32>
      %xor3A_381 = arith.xori %iota3A, %xor3A_380 : vector<16xi32>
      %lt3A_382 = arith.constant 0 : i32
      %lt3A_383 = vector.broadcast %lt3A_382 : i32 to vector<16xi32>
      %lt3A_384 = arith.cmpi slt, %xor3A_381, %lt3A_383 : vector<16xi32>
      %add3A_385 = arith.constant 16 : i32
      %add3A_386 = vector.broadcast %add3A_385 : i32 to vector<16xi32>
      %add3A_387 = arith.addi %xor3A_381, %add3A_386 : vector<16xi32>
      %select_n3A_388 = arith.select %lt3A_384, %add3A_387, %xor3A_381 : vector<16xi1>, vector<16xi32>
      %broadcast_in_dim3A_389 = vector.shape_cast %select_n3A_388 : vector<16xi32> to vector<16x1xi32>
      %gather3A_390 = vector.shape_cast %broadcast_in_dim3A_389 : vector<16x1xi32> to vector<16xi32>
      %gather3A_391 = tpu.dynamic_gather %max3A_378[%gather3A_390] in [0] : vector<16xf32>, vector<16xi32> -> vector<16xf32>
      %max3A_392 = arith.maximumf %max3A_378, %gather3A_391 : vector<16xf32>
      %xor3A_393 = arith.constant 8 : i32
      %xor3A_394 = vector.broadcast %xor3A_393 : i32 to vector<16xi32>
      %xor3A_395 = arith.xori %iota3A, %xor3A_394 : vector<16xi32>
      %lt3A_396 = arith.constant 0 : i32
      %lt3A_397 = vector.broadcast %lt3A_396 : i32 to vector<16xi32>
      %lt3A_398 = arith.cmpi slt, %xor3A_395, %lt3A_397 : vector<16xi32>
      %add3A_399 = arith.constant 16 : i32
      %add3A_400 = vector.broadcast %add3A_399 : i32 to vector<16xi32>
      %add3A_401 = arith.addi %xor3A_395, %add3A_400 : vector<16xi32>
      %select_n3A_402 = arith.select %lt3A_398, %add3A_401, %xor3A_395 : vector<16xi1>, vector<16xi32>
      %broadcast_in_dim3A_403 = vector.shape_cast %select_n3A_402 : vector<16xi32> to vector<16x1xi32>
      %gather3A_404 = vector.shape_cast %broadcast_in_dim3A_403 : vector<16x1xi32> to vector<16xi32>
      %gather3A_405 = tpu.dynamic_gather %max3A_392[%gather3A_404] in [0] : vector<16xf32>, vector<16xi32> -> vector<16xf32>
      %max3A_406 = arith.maximumf %max3A_392, %gather3A_405 : vector<16xf32>
      %swap3A_407 = arith.constant 0 : index
      %swap3A_408 = tpu.vector_load %arg14[%swap3A_407] {strides = array<i32>} : memref<16xf32, #tpu.memory_space<vmem>>, vector<16xf32>,
      %swap3A_409 = vector.shape_cast %swap3A_408 : vector<16xf32> to vector<16xf32>
      %swap3A_410 = vector.shape_cast %broadcast_in_dim3A_17 : vector<16xf32> to vector<16xf32>
      tpu.vector_store %arg14[%swap3A_407], %swap3A_410 {strides = array<i32>} : memref<16xf32, #tpu.memory_space<vmem>>, vector<16xf32>,
      %broadcast_in_dim3A_411 = arith.constant 0 : i32
      %broadcast_in_dim3A_412 = vector.broadcast %broadcast_in_dim3A_411 : i32 to vector<16xi32>
      %swap3A_413 = arith.constant 0 : index
      %swap3A_414 = tpu.vector_load %arg15[%swap3A_413] {strides = array<i32>} : memref<16xi32, #tpu.memory_space<vmem>>, vector<16xi32>,
      %swap3A_415 = vector.shape_cast %swap3A_414 : vector<16xi32> to vector<16xi32>
      %swap3A_416 = vector.shape_cast %broadcast_in_dim3A_412 : vector<16xi32> to vector<16xi32>
      tpu.vector_store %arg15[%swap3A_413], %swap3A_416 {strides = array<i32>} : memref<16xi32, #tpu.memory_space<vmem>>, vector<16xi32>,
      %slice3A_417 = vector.extract_strided_slice %max3A_406 {offsets = [0], sizes = [1], strides = [1]} : vector<16xf32> to vector<1xf32>
      %squeeze3A_418 = vector.extract %slice3A_417[0] : f32 from vector<1xf32>
      %broadcast_in_dim3A_419 = arith.constant 1 : i32
      %broadcast_in_dim3A_420 = vector.broadcast %broadcast_in_dim3A_419 : i32 to vector<16xi32>
      %broadcast_in_dim3A_421 = arith.constant 0 : i32
      %broadcast_in_dim3A_422 = vector.broadcast %broadcast_in_dim3A_421 : i32 to vector<16xi32>
      %scan3A_423 = arith.constant 0 : i32
      %scan3A_424 = arith.constant 0 : i32
      %scan3A_425 = arith.constant 256 : i32
      %scan3A_426 = arith.addi %scan3A_424, %scan3A_425 : i32
      %scan3A_427 = arith.constant 1 : i32
      %scan3A_428 = scf.for %scan3A_658 = %scan3A_424 to %scan3A_426 step %scan3A_427 iter_args(%scan3A_659 = %scan3A_423) -> (i32)  : i32 {
        %mul3A_660 = arith.constant 16 : i32
        %mul3A_661 = arith.muli %scan3A_658, %mul3A_660 : i32
        %add3A_662 = arith.constant 4096 : i32
        %add3A_663 = arith.addi %add3A_662, %mul3A_661 : i32
        %get3A_664 = arith.index_cast %add3A_663 : i32 to index
        %get3A_665 = tpu.vector_load %arg13[%get3A_664] {strides = array<i32>} : memref<16384xf32, #tpu.memory_space<vmem>>, vector<16xf32>,
        %get3A_666 = vector.shape_cast %get3A_665 : vector<16xf32> to vector<16xf32>
        %get3A_667 = arith.constant 0 : index
        %get3A_668 = tpu.vector_load %arg14[%get3A_667] {strides = array<i32>} : memref<16xf32, #tpu.memory_space<vmem>>, vector<16xf32>,
        %get3A_669 = vector.shape_cast %get3A_668 : vector<16xf32> to vector<16xf32>
        %slice3A_670 = vector.extract_strided_slice %get3A_669 {offsets = [15], sizes = [1], strides = [1]} : vector<16xf32> to vector<1xf32>
        %squeeze3A_671 = vector.extract %slice3A_670[0] : f32 from vector<1xf32>
        %min3A = arith.minimumf %squeeze3A_418, %squeeze3A_671 : f32
        %xor3A_672 = arith.constant 1 : i32
        %xor3A_673 = vector.broadcast %xor3A_672 : i32 to vector<16xi32>
        %xor3A_674 = arith.xori %iota3A, %xor3A_673 : vector<16xi32>
        %lt3A_675 = arith.constant 0 : i32
        %lt3A_676 = vector.broadcast %lt3A_675 : i32 to vector<16xi32>
        %lt3A_677 = arith.cmpi slt, %xor3A_674, %lt3A_676 : vector<16xi32>
        %add3A_678 = arith.constant 16 : i32
        %add3A_679 = vector.broadcast %add3A_678 : i32 to vector<16xi32>
        %add3A_680 = arith.addi %xor3A_674, %add3A_679 : vector<16xi32>
        %select_n3A_681 = arith.select %lt3A_677, %add3A_680, %xor3A_674 : vector<16xi1>, vector<16xi32>
        %broadcast_in_dim3A_682 = vector.shape_cast %select_n3A_681 : vector<16xi32> to vector<16x1xi32>
        %gather3A_683 = vector.shape_cast %broadcast_in_dim3A_682 : vector<16x1xi32> to vector<16xi32>
        %gather3A_684 = tpu.dynamic_gather %get3A_666[%gather3A_683] in [0] : vector<16xf32>, vector<16xi32> -> vector<16xf32>
        %min3A_685 = arith.minimumf %get3A_666, %gather3A_684 : vector<16xf32>
        %xor3A_686 = arith.constant 2 : i32
        %xor3A_687 = vector.broadcast %xor3A_686 : i32 to vector<16xi32>
        %xor3A_688 = arith.xori %iota3A, %xor3A_687 : vector<16xi32>
        %lt3A_689 = arith.constant 0 : i32
        %lt3A_690 = vector.broadcast %lt3A_689 : i32 to vector<16xi32>
        %lt3A_691 = arith.cmpi slt, %xor3A_688, %lt3A_690 : vector<16xi32>
        %add3A_692 = arith.constant 16 : i32
        %add3A_693 = vector.broadcast %add3A_692 : i32 to vector<16xi32>
        %add3A_694 = arith.addi %xor3A_688, %add3A_693 : vector<16xi32>
        %select_n3A_695 = arith.select %lt3A_691, %add3A_694, %xor3A_688 : vector<16xi1>, vector<16xi32>
        %broadcast_in_dim3A_696 = vector.shape_cast %select_n3A_695 : vector<16xi32> to vector<16x1xi32>
        %gather3A_697 = vector.shape_cast %broadcast_in_dim3A_696 : vector<16x1xi32> to vector<16xi32>
        %gather3A_698 = tpu.dynamic_gather %min3A_685[%gather3A_697] in [0] : vector<16xf32>, vector<16xi32> -> vector<16xf32>
        %min3A_699 = arith.minimumf %min3A_685, %gather3A_698 : vector<16xf32>
        %xor3A_700 = arith.constant 4 : i32
        %xor3A_701 = vector.broadcast %xor3A_700 : i32 to vector<16xi32>
        %xor3A_702 = arith.xori %iota3A, %xor3A_701 : vector<16xi32>
        %lt3A_703 = arith.constant 0 : i32
        %lt3A_704 = vector.broadcast %lt3A_703 : i32 to vector<16xi32>
        %lt3A_705 = arith.cmpi slt, %xor3A_702, %lt3A_704 : vector<16xi32>
        %add3A_706 = arith.constant 16 : i32
        %add3A_707 = vector.broadcast %add3A_706 : i32 to vector<16xi32>
        %add3A_708 = arith.addi %xor3A_702, %add3A_707 : vector<16xi32>
        %select_n3A_709 = arith.select %lt3A_705, %add3A_708, %xor3A_702 : vector<16xi1>, vector<16xi32>
        %broadcast_in_dim3A_710 = vector.shape_cast %select_n3A_709 : vector<16xi32> to vector<16x1xi32>
        %gather3A_711 = vector.shape_cast %broadcast_in_dim3A_710 : vector<16x1xi32> to vector<16xi32>
        %gather3A_712 = tpu.dynamic_gather %min3A_699[%gather3A_711] in [0] : vector<16xf32>, vector<16xi32> -> vector<16xf32>
        %min3A_713 = arith.minimumf %min3A_699, %gather3A_712 : vector<16xf32>
        %xor3A_714 = arith.constant 8 : i32
        %xor3A_715 = vector.broadcast %xor3A_714 : i32 to vector<16xi32>
        %xor3A_716 = arith.xori %iota3A, %xor3A_715 : vector<16xi32>
        %lt3A_717 = arith.constant 0 : i32
        %lt3A_718 = vector.broadcast %lt3A_717 : i32 to vector<16xi32>
        %lt3A_719 = arith.cmpi slt, %xor3A_716, %lt3A_718 : vector<16xi32>
        %add3A_720 = arith.constant 16 : i32
        %add3A_721 = vector.broadcast %add3A_720 : i32 to vector<16xi32>
        %add3A_722 = arith.addi %xor3A_716, %add3A_721 : vector<16xi32>
        %select_n3A_723 = arith.select %lt3A_719, %add3A_722, %xor3A_716 : vector<16xi1>, vector<16xi32>
        %broadcast_in_dim3A_724 = vector.shape_cast %select_n3A_723 : vector<16xi32> to vector<16x1xi32>
        %gather3A_725 = vector.shape_cast %broadcast_in_dim3A_724 : vector<16x1xi32> to vector<16xi32>
        %gather3A_726 = tpu.dynamic_gather %min3A_713[%gather3A_725] in [0] : vector<16xf32>, vector<16xi32> -> vector<16xf32>
        %min3A_727 = arith.minimumf %min3A_713, %gather3A_726 : vector<16xf32>
        %slice3A_728 = vector.extract_strided_slice %min3A_727 {offsets = [0], sizes = [1], strides = [1]} : vector<16xf32> to vector<1xf32>
        %squeeze3A_729 = vector.extract %slice3A_728[0] : f32 from vector<1xf32>
        %le3A = arith.cmpf ole, %squeeze3A_729, %min3A : f32
        %convert_element_type3A_730 = arith.extui %le3A : i1 to i32
        %cond3A_731 = arith.constant 0 : i32
        %cond3A_732 = arith.cmpi ne, %convert_element_type3A_730, %cond3A_731 : i32
        scf.if %cond3A_732 {
          %mul3A_734 = arith.constant 16 : i32
          %mul3A_735 = arith.muli %scan3A_658, %mul3A_734 : i32
          %add3A_736 = vector.broadcast %mul3A_735 : i32 to vector<16xi32>
          %add3A_737 = arith.addi %add3A_736, %iota3A : vector<16xi32>
          %shift_right_arithmetic3A = arith.constant 1 : i32
          %shift_right_arithmetic3A_738 = vector.broadcast %shift_right_arithmetic3A : i32 to vector<16xi32>
          %shift_right_arithmetic3A_739 = arith.shrsi %iota3A, %shift_right_arithmetic3A_738 : vector<16xi32>
          %and3A_740 = arith.constant 1 : i32
          %and3A_741 = vector.broadcast %and3A_740 : i32 to vector<16xi32>
          %and3A_742 = arith.andi %shift_right_arithmetic3A_739, %and3A_741 : vector<16xi32>
          %sub3A_743 = arith.constant 1 : i32
          %sub3A_744 = vector.broadcast %sub3A_743 : i32 to vector<16xi32>
          %sub3A_745 = arith.subi %sub3A_744, %and3A_742 : vector<16xi32>
          %xor3A_746 = arith.constant 1 : i32
          %xor3A_747 = vector.broadcast %xor3A_746 : i32 to vector<16xi32>
          %xor3A_748 = arith.xori %iota3A, %xor3A_747 : vector<16xi32>
          %lt3A_749 = arith.constant 0 : i32
          %lt3A_750 = vector.broadcast %lt3A_749 : i32 to vector<16xi32>
          %lt3A_751 = arith.cmpi slt, %xor3A_748, %lt3A_750 : vector<16xi32>
          %add3A_752 = arith.constant 16 : i32
          %add3A_753 = vector.broadcast %add3A_752 : i32 to vector<16xi32>
          %add3A_754 = arith.addi %xor3A_748, %add3A_753 : vector<16xi32>
          %select_n3A_755 = arith.select %lt3A_751, %add3A_754, %xor3A_748 : vector<16xi1>, vector<16xi32>
          %broadcast_in_dim3A_756 = vector.shape_cast %select_n3A_755 : vector<16xi32> to vector<16x1xi32>
          %gather3A_757 = vector.shape_cast %broadcast_in_dim3A_756 : vector<16x1xi32> to vector<16xi32>
          %gather3A_758 = tpu.dynamic_gather %get3A_666[%gather3A_757] in [0] : vector<16xf32>, vector<16xi32> -> vector<16xf32>
          %lt3A_759 = arith.constant 0 : i32
          %lt3A_760 = vector.broadcast %lt3A_759 : i32 to vector<16xi32>
          %lt3A_761 = arith.cmpi slt, %xor3A_748, %lt3A_760 : vector<16xi32>
          %add3A_762 = arith.constant 16 : i32
          %add3A_763 = vector.broadcast %add3A_762 : i32 to vector<16xi32>
          %add3A_764 = arith.addi %xor3A_748, %add3A_763 : vector<16xi32>
          %select_n3A_765 = arith.select %lt3A_761, %add3A_764, %xor3A_748 : vector<16xi1>, vector<16xi32>
          %broadcast_in_dim3A_766 = vector.shape_cast %select_n3A_765 : vector<16xi32> to vector<16x1xi32>
          %gather3A_767 = vector.shape_cast %broadcast_in_dim3A_766 : vector<16x1xi32> to vector<16xi32>
          %gather3A_768 = tpu.dynamic_gather %add3A_737[%gather3A_767] in [0] : vector<16xi32>, vector<16xi32> -> vector<16xi32>
          %shift_right_arithmetic3A_769 = arith.constant 0 : i32
          %shift_right_arithmetic3A_770 = vector.broadcast %shift_right_arithmetic3A_769 : i32 to vector<16xi32>
          %shift_right_arithmetic3A_771 = arith.shrsi %iota3A, %shift_right_arithmetic3A_770 : vector<16xi32>
          %and3A_772 = arith.constant 1 : i32
          %and3A_773 = vector.broadcast %and3A_772 : i32 to vector<16xi32>
          %and3A_774 = arith.andi %shift_right_arithmetic3A_771, %and3A_773 : vector<16xi32>
          %sub3A_775 = arith.constant 1 : i32
          %sub3A_776 = vector.broadcast %sub3A_775 : i32 to vector<16xi32>
          %sub3A_777 = arith.subi %sub3A_776, %and3A_774 : vector<16xi32>
          %xor3A_778 = arith.xori %sub3A_777, %sub3A_745 : vector<16xi32>
          %lt3A_779 = arith.cmpf olt, %gather3A_758, %get3A_666 : vector<16xf32>
          %select_n3A_780 = arith.select %lt3A_779, %broadcast_in_dim3A_420, %broadcast_in_dim3A_422 : vector<16xi1>, vector<16xi32>
          %eq3A = arith.cmpf oeq, %gather3A_758, %get3A_666 : vector<16xf32>
          %select_n3A_781 = arith.select %eq3A, %broadcast_in_dim3A_420, %broadcast_in_dim3A_422 : vector<16xi1>, vector<16xi32>
          %lt3A_782 = arith.cmpi slt, %gather3A_768, %add3A_737 : vector<16xi32>
          %select_n3A_783 = arith.select %lt3A_782, %broadcast_in_dim3A_420, %broadcast_in_dim3A_422 : vector<16xi1>, vector<16xi32>
          %and3A_784 = arith.andi %select_n3A_781, %select_n3A_783 : vector<16xi32>
          %or3A = arith.ori %select_n3A_780, %and3A_784 : vector<16xi32>
          %xor3A_785 = arith.xori %xor3A_778, %or3A : vector<16xi32>
          %eq3A_786 = arith.constant 1 : i32
          %eq3A_787 = vector.broadcast %eq3A_786 : i32 to vector<16xi32>
          %eq3A_788 = arith.cmpi eq, %xor3A_785, %eq3A_787 : vector<16xi32>
          %select_n3A_789 = arith.select %eq3A_788, %gather3A_758, %get3A_666 : vector<16xi1>, vector<16xf32>
          %select_n3A_790 = arith.select %eq3A_788, %gather3A_768, %add3A_737 : vector<16xi1>, vector<16xi32>
          %shift_right_arithmetic3A_791 = arith.constant 2 : i32
          %shift_right_arithmetic3A_792 = vector.broadcast %shift_right_arithmetic3A_791 : i32 to vector<16xi32>
          %shift_right_arithmetic3A_793 = arith.shrsi %iota3A, %shift_right_arithmetic3A_792 : vector<16xi32>
          %and3A_794 = arith.constant 1 : i32
          %and3A_795 = vector.broadcast %and3A_794 : i32 to vector<16xi32>
          %and3A_796 = arith.andi %shift_right_arithmetic3A_793, %and3A_795 : vector<16xi32>
          %sub3A_797 = arith.constant 1 : i32
          %sub3A_798 = vector.broadcast %sub3A_797 : i32 to vector<16xi32>
          %sub3A_799 = arith.subi %sub3A_798, %and3A_796 : vector<16xi32>
          %xor3A_800 = arith.constant 2 : i32
          %xor3A_801 = vector.broadcast %xor3A_800 : i32 to vector<16xi32>
          %xor3A_802 = arith.xori %iota3A, %xor3A_801 : vector<16xi32>
          %lt3A_803 = arith.constant 0 : i32
          %lt3A_804 = vector.broadcast %lt3A_803 : i32 to vector<16xi32>
          %lt3A_805 = arith.cmpi slt, %xor3A_802, %lt3A_804 : vector<16xi32>
          %add3A_806 = arith.constant 16 : i32
          %add3A_807 = vector.broadcast %add3A_806 : i32 to vector<16xi32>
          %add3A_808 = arith.addi %xor3A_802, %add3A_807 : vector<16xi32>
          %select_n3A_809 = arith.select %lt3A_805, %add3A_808, %xor3A_802 : vector<16xi1>, vector<16xi32>
          %broadcast_in_dim3A_810 = vector.shape_cast %select_n3A_809 : vector<16xi32> to vector<16x1xi32>
          %gather3A_811 = vector.shape_cast %broadcast_in_dim3A_810 : vector<16x1xi32> to vector<16xi32>
          %gather3A_812 = tpu.dynamic_gather %select_n3A_789[%gather3A_811] in [0] : vector<16xf32>, vector<16xi32> -> vector<16xf32>
          %lt3A_813 = arith.constant 0 : i32
          %lt3A_814 = vector.broadcast %lt3A_813 : i32 to vector<16xi32>
          %lt3A_815 = arith.cmpi slt, %xor3A_802, %lt3A_814 : vector<16xi32>
          %add3A_816 = arith.constant 16 : i32
          %add3A_817 = vector.broadcast %add3A_816 : i32 to vector<16xi32>
          %add3A_818 = arith.addi %xor3A_802, %add3A_817 : vector<16xi32>
          %select_n3A_819 = arith.select %lt3A_815, %add3A_818, %xor3A_802 : vector<16xi1>, vector<16xi32>
          %broadcast_in_dim3A_820 = vector.shape_cast %select_n3A_819 : vector<16xi32> to vector<16x1xi32>
          %gather3A_821 = vector.shape_cast %broadcast_in_dim3A_820 : vector<16x1xi32> to vector<16xi32>
          %gather3A_822 = tpu.dynamic_gather %select_n3A_790[%gather3A_821] in [0] : vector<16xi32>, vector<16xi32> -> vector<16xi32>
          %shift_right_arithmetic3A_823 = arith.constant 1 : i32
          %shift_right_arithmetic3A_824 = vector.broadcast %shift_right_arithmetic3A_823 : i32 to vector<16xi32>
          %shift_right_arithmetic3A_825 = arith.shrsi %iota3A, %shift_right_arithmetic3A_824 : vector<16xi32>
          %and3A_826 = arith.constant 1 : i32
          %and3A_827 = vector.broadcast %and3A_826 : i32 to vector<16xi32>
          %and3A_828 = arith.andi %shift_right_arithmetic3A_825, %and3A_827 : vector<16xi32>
          %sub3A_829 = arith.constant 1 : i32
          %sub3A_830 = vector.broadcast %sub3A_829 : i32 to vector<16xi32>
          %sub3A_831 = arith.subi %sub3A_830, %and3A_828 : vector<16xi32>
          %xor3A_832 = arith.xori %sub3A_831, %sub3A_799 : vector<16xi32>
          %lt3A_833 = arith.cmpf olt, %gather3A_812, %select_n3A_789 : vector<16xf32>
          %select_n3A_834 = arith.select %lt3A_833, %broadcast_in_dim3A_420, %broadcast_in_dim3A_422 : vector<16xi1>, vector<16xi32>
          %eq3A_835 = arith.cmpf oeq, %gather3A_812, %select_n3A_789 : vector<16xf32>
          %select_n3A_836 = arith.select %eq3A_835, %broadcast_in_dim3A_420, %broadcast_in_dim3A_422 : vector<16xi1>, vector<16xi32>
          %lt3A_837 = arith.cmpi slt, %gather3A_822, %select_n3A_790 : vector<16xi32>
          %select_n3A_838 = arith.select %lt3A_837, %broadcast_in_dim3A_420, %broadcast_in_dim3A_422 : vector<16xi1>, vector<16xi32>
          %and3A_839 = arith.andi %select_n3A_836, %select_n3A_838 : vector<16xi32>
          %or3A_840 = arith.ori %select_n3A_834, %and3A_839 : vector<16xi32>
          %xor3A_841 = arith.xori %xor3A_832, %or3A_840 : vector<16xi32>
          %eq3A_842 = arith.constant 1 : i32
          %eq3A_843 = vector.broadcast %eq3A_842 : i32 to vector<16xi32>
          %eq3A_844 = arith.cmpi eq, %xor3A_841, %eq3A_843 : vector<16xi32>
          %select_n3A_845 = arith.select %eq3A_844, %gather3A_812, %select_n3A_789 : vector<16xi1>, vector<16xf32>
          %select_n3A_846 = arith.select %eq3A_844, %gather3A_822, %select_n3A_790 : vector<16xi1>, vector<16xi32>
          %xor3A_847 = arith.constant 1 : i32
          %xor3A_848 = vector.broadcast %xor3A_847 : i32 to vector<16xi32>
          %xor3A_849 = arith.xori %iota3A, %xor3A_848 : vector<16xi32>
          %lt3A_850 = arith.constant 0 : i32
          %lt3A_851 = vector.broadcast %lt3A_850 : i32 to vector<16xi32>
          %lt3A_852 = arith.cmpi slt, %xor3A_849, %lt3A_851 : vector<16xi32>
          %add3A_853 = arith.constant 16 : i32
          %add3A_854 = vector.broadcast %add3A_853 : i32 to vector<16xi32>
          %add3A_855 = arith.addi %xor3A_849, %add3A_854 : vector<16xi32>
          %select_n3A_856 = arith.select %lt3A_852, %add3A_855, %xor3A_849 : vector<16xi1>, vector<16xi32>
          %broadcast_in_dim3A_857 = vector.shape_cast %select_n3A_856 : vector<16xi32> to vector<16x1xi32>
          %gather3A_858 = vector.shape_cast %broadcast_in_dim3A_857 : vector<16x1xi32> to vector<16xi32>
          %gather3A_859 = tpu.dynamic_gather %select_n3A_845[%gather3A_858] in [0] : vector<16xf32>, vector<16xi32> -> vector<16xf32>
          %lt3A_860 = arith.constant 0 : i32
          %lt3A_861 = vector.broadcast %lt3A_860 : i32 to vector<16xi32>
          %lt3A_862 = arith.cmpi slt, %xor3A_849, %lt3A_861 : vector<16xi32>
          %add3A_863 = arith.constant 16 : i32
          %add3A_864 = vector.broadcast %add3A_863 : i32 to vector<16xi32>
          %add3A_865 = arith.addi %xor3A_849, %add3A_864 : vector<16xi32>
          %select_n3A_866 = arith.select %lt3A_862, %add3A_865, %xor3A_849 : vector<16xi1>, vector<16xi32>
          %broadcast_in_dim3A_867 = vector.shape_cast %select_n3A_866 : vector<16xi32> to vector<16x1xi32>
          %gather3A_868 = vector.shape_cast %broadcast_in_dim3A_867 : vector<16x1xi32> to vector<16xi32>
          %gather3A_869 = tpu.dynamic_gather %select_n3A_846[%gather3A_868] in [0] : vector<16xi32>, vector<16xi32> -> vector<16xi32>
          %shift_right_arithmetic3A_870 = arith.constant 0 : i32
          %shift_right_arithmetic3A_871 = vector.broadcast %shift_right_arithmetic3A_870 : i32 to vector<16xi32>
          %shift_right_arithmetic3A_872 = arith.shrsi %iota3A, %shift_right_arithmetic3A_871 : vector<16xi32>
          %and3A_873 = arith.constant 1 : i32
          %and3A_874 = vector.broadcast %and3A_873 : i32 to vector<16xi32>
          %and3A_875 = arith.andi %shift_right_arithmetic3A_872, %and3A_874 : vector<16xi32>
          %sub3A_876 = arith.constant 1 : i32
          %sub3A_877 = vector.broadcast %sub3A_876 : i32 to vector<16xi32>
          %sub3A_878 = arith.subi %sub3A_877, %and3A_875 : vector<16xi32>
          %xor3A_879 = arith.xori %sub3A_878, %sub3A_799 : vector<16xi32>
          %lt3A_880 = arith.cmpf olt, %gather3A_859, %select_n3A_845 : vector<16xf32>
          %select_n3A_881 = arith.select %lt3A_880, %broadcast_in_dim3A_420, %broadcast_in_dim3A_422 : vector<16xi1>, vector<16xi32>
          %eq3A_882 = arith.cmpf oeq, %gather3A_859, %select_n3A_845 : vector<16xf32>
          %select_n3A_883 = arith.select %eq3A_882, %broadcast_in_dim3A_420, %broadcast_in_dim3A_422 : vector<16xi1>, vector<16xi32>
          %lt3A_884 = arith.cmpi slt, %gather3A_869, %select_n3A_846 : vector<16xi32>
          %select_n3A_885 = arith.select %lt3A_884, %broadcast_in_dim3A_420, %broadcast_in_dim3A_422 : vector<16xi1>, vector<16xi32>
          %and3A_886 = arith.andi %select_n3A_883, %select_n3A_885 : vector<16xi32>
          %or3A_887 = arith.ori %select_n3A_881, %and3A_886 : vector<16xi32>
          %xor3A_888 = arith.xori %xor3A_879, %or3A_887 : vector<16xi32>
          %eq3A_889 = arith.constant 1 : i32
          %eq3A_890 = vector.broadcast %eq3A_889 : i32 to vector<16xi32>
          %eq3A_891 = arith.cmpi eq, %xor3A_888, %eq3A_890 : vector<16xi32>
          %select_n3A_892 = arith.select %eq3A_891, %gather3A_859, %select_n3A_845 : vector<16xi1>, vector<16xf32>
          %select_n3A_893 = arith.select %eq3A_891, %gather3A_869, %select_n3A_846 : vector<16xi1>, vector<16xi32>
          %shift_right_arithmetic3A_894 = arith.constant 3 : i32
          %shift_right_arithmetic3A_895 = vector.broadcast %shift_right_arithmetic3A_894 : i32 to vector<16xi32>
          %shift_right_arithmetic3A_896 = arith.shrsi %iota3A, %shift_right_arithmetic3A_895 : vector<16xi32>
          %and3A_897 = arith.constant 1 : i32
          %and3A_898 = vector.broadcast %and3A_897 : i32 to vector<16xi32>
          %and3A_899 = arith.andi %shift_right_arithmetic3A_896, %and3A_898 : vector<16xi32>
          %sub3A_900 = arith.constant 1 : i32
          %sub3A_901 = vector.broadcast %sub3A_900 : i32 to vector<16xi32>
          %sub3A_902 = arith.subi %sub3A_901, %and3A_899 : vector<16xi32>
          %xor3A_903 = arith.constant 4 : i32
          %xor3A_904 = vector.broadcast %xor3A_903 : i32 to vector<16xi32>
          %xor3A_905 = arith.xori %iota3A, %xor3A_904 : vector<16xi32>
          %lt3A_906 = arith.constant 0 : i32
          %lt3A_907 = vector.broadcast %lt3A_906 : i32 to vector<16xi32>
          %lt3A_908 = arith.cmpi slt, %xor3A_905, %lt3A_907 : vector<16xi32>
          %add3A_909 = arith.constant 16 : i32
          %add3A_910 = vector.broadcast %add3A_909 : i32 to vector<16xi32>
          %add3A_911 = arith.addi %xor3A_905, %add3A_910 : vector<16xi32>
          %select_n3A_912 = arith.select %lt3A_908, %add3A_911, %xor3A_905 : vector<16xi1>, vector<16xi32>
          %broadcast_in_dim3A_913 = vector.shape_cast %select_n3A_912 : vector<16xi32> to vector<16x1xi32>
          %gather3A_914 = vector.shape_cast %broadcast_in_dim3A_913 : vector<16x1xi32> to vector<16xi32>
          %gather3A_915 = tpu.dynamic_gather %select_n3A_892[%gather3A_914] in [0] : vector<16xf32>, vector<16xi32> -> vector<16xf32>
          %lt3A_916 = arith.constant 0 : i32
          %lt3A_917 = vector.broadcast %lt3A_916 : i32 to vector<16xi32>
          %lt3A_918 = arith.cmpi slt, %xor3A_905, %lt3A_917 : vector<16xi32>
          %add3A_919 = arith.constant 16 : i32
          %add3A_920 = vector.broadcast %add3A_919 : i32 to vector<16xi32>
          %add3A_921 = arith.addi %xor3A_905, %add3A_920 : vector<16xi32>
          %select_n3A_922 = arith.select %lt3A_918, %add3A_921, %xor3A_905 : vector<16xi1>, vector<16xi32>
          %broadcast_in_dim3A_923 = vector.shape_cast %select_n3A_922 : vector<16xi32> to vector<16x1xi32>
          %gather3A_924 = vector.shape_cast %broadcast_in_dim3A_923 : vector<16x1xi32> to vector<16xi32>
          %gather3A_925 = tpu.dynamic_gather %select_n3A_893[%gather3A_924] in [0] : vector<16xi32>, vector<16xi32> -> vector<16xi32>
          %shift_right_arithmetic3A_926 = arith.constant 2 : i32
          %shift_right_arithmetic3A_927 = vector.broadcast %shift_right_arithmetic3A_926 : i32 to vector<16xi32>
          %shift_right_arithmetic3A_928 = arith.shrsi %iota3A, %shift_right_arithmetic3A_927 : vector<16xi32>
          %and3A_929 = arith.constant 1 : i32
          %and3A_930 = vector.broadcast %and3A_929 : i32 to vector<16xi32>
          %and3A_931 = arith.andi %shift_right_arithmetic3A_928, %and3A_930 : vector<16xi32>
          %sub3A_932 = arith.constant 1 : i32
          %sub3A_933 = vector.broadcast %sub3A_932 : i32 to vector<16xi32>
          %sub3A_934 = arith.subi %sub3A_933, %and3A_931 : vector<16xi32>
          %xor3A_935 = arith.xori %sub3A_934, %sub3A_902 : vector<16xi32>
          %lt3A_936 = arith.cmpf olt, %gather3A_915, %select_n3A_892 : vector<16xf32>
          %select_n3A_937 = arith.select %lt3A_936, %broadcast_in_dim3A_420, %broadcast_in_dim3A_422 : vector<16xi1>, vector<16xi32>
          %eq3A_938 = arith.cmpf oeq, %gather3A_915, %select_n3A_892 : vector<16xf32>
          %select_n3A_939 = arith.select %eq3A_938, %broadcast_in_dim3A_420, %broadcast_in_dim3A_422 : vector<16xi1>, vector<16xi32>
          %lt3A_940 = arith.cmpi slt, %gather3A_925, %select_n3A_893 : vector<16xi32>
          %select_n3A_941 = arith.select %lt3A_940, %broadcast_in_dim3A_420, %broadcast_in_dim3A_422 : vector<16xi1>, vector<16xi32>
          %and3A_942 = arith.andi %select_n3A_939, %select_n3A_941 : vector<16xi32>
          %or3A_943 = arith.ori %select_n3A_937, %and3A_942 : vector<16xi32>
          %xor3A_944 = arith.xori %xor3A_935, %or3A_943 : vector<16xi32>
          %eq3A_945 = arith.constant 1 : i32
          %eq3A_946 = vector.broadcast %eq3A_945 : i32 to vector<16xi32>
          %eq3A_947 = arith.cmpi eq, %xor3A_944, %eq3A_946 : vector<16xi32>
          %select_n3A_948 = arith.select %eq3A_947, %gather3A_915, %select_n3A_892 : vector<16xi1>, vector<16xf32>
          %select_n3A_949 = arith.select %eq3A_947, %gather3A_925, %select_n3A_893 : vector<16xi1>, vector<16xi32>
          %xor3A_950 = arith.constant 2 : i32
          %xor3A_951 = vector.broadcast %xor3A_950 : i32 to vector<16xi32>
          %xor3A_952 = arith.xori %iota3A, %xor3A_951 : vector<16xi32>
          %lt3A_953 = arith.constant 0 : i32
          %lt3A_954 = vector.broadcast %lt3A_953 : i32 to vector<16xi32>
          %lt3A_955 = arith.cmpi slt, %xor3A_952, %lt3A_954 : vector<16xi32>
          %add3A_956 = arith.constant 16 : i32
          %add3A_957 = vector.broadcast %add3A_956 : i32 to vector<16xi32>
          %add3A_958 = arith.addi %xor3A_952, %add3A_957 : vector<16xi32>
          %select_n3A_959 = arith.select %lt3A_955, %add3A_958, %xor3A_952 : vector<16xi1>, vector<16xi32>
          %broadcast_in_dim3A_960 = vector.shape_cast %select_n3A_959 : vector<16xi32> to vector<16x1xi32>
          %gather3A_961 = vector.shape_cast %broadcast_in_dim3A_960 : vector<16x1xi32> to vector<16xi32>
          %gather3A_962 = tpu.dynamic_gather %select_n3A_948[%gather3A_961] in [0] : vector<16xf32>, vector<16xi32> -> vector<16xf32>
          %lt3A_963 = arith.constant 0 : i32
          %lt3A_964 = vector.broadcast %lt3A_963 : i32 to vector<16xi32>
          %lt3A_965 = arith.cmpi slt, %xor3A_952, %lt3A_964 : vector<16xi32>
          %add3A_966 = arith.constant 16 : i32
          %add3A_967 = vector.broadcast %add3A_966 : i32 to vector<16xi32>
          %add3A_968 = arith.addi %xor3A_952, %add3A_967 : vector<16xi32>
          %select_n3A_969 = arith.select %lt3A_965, %add3A_968, %xor3A_952 : vector<16xi1>, vector<16xi32>
          %broadcast_in_dim3A_970 = vector.shape_cast %select_n3A_969 : vector<16xi32> to vector<16x1xi32>
          %gather3A_971 = vector.shape_cast %broadcast_in_dim3A_970 : vector<16x1xi32> to vector<16xi32>
          %gather3A_972 = tpu.dynamic_gather %select_n3A_949[%gather3A_971] in [0] : vector<16xi32>, vector<16xi32> -> vector<16xi32>
          %shift_right_arithmetic3A_973 = arith.constant 1 : i32
          %shift_right_arithmetic3A_974 = vector.broadcast %shift_right_arithmetic3A_973 : i32 to vector<16xi32>
          %shift_right_arithmetic3A_975 = arith.shrsi %iota3A, %shift_right_arithmetic3A_974 : vector<16xi32>
          %and3A_976 = arith.constant 1 : i32
          %and3A_977 = vector.broadcast %and3A_976 : i32 to vector<16xi32>
          %and3A_978 = arith.andi %shift_right_arithmetic3A_975, %and3A_977 : vector<16xi32>
          %sub3A_979 = arith.constant 1 : i32
          %sub3A_980 = vector.broadcast %sub3A_979 : i32 to vector<16xi32>
          %sub3A_981 = arith.subi %sub3A_980, %and3A_978 : vector<16xi32>
          %xor3A_982 = arith.xori %sub3A_981, %sub3A_902 : vector<16xi32>
          %lt3A_983 = arith.cmpf olt, %gather3A_962, %select_n3A_948 : vector<16xf32>
          %select_n3A_984 = arith.select %lt3A_983, %broadcast_in_dim3A_420, %broadcast_in_dim3A_422 : vector<16xi1>, vector<16xi32>
          %eq3A_985 = arith.cmpf oeq, %gather3A_962, %select_n3A_948 : vector<16xf32>
          %select_n3A_986 = arith.select %eq3A_985, %broadcast_in_dim3A_420, %broadcast_in_dim3A_422 : vector<16xi1>, vector<16xi32>
          %lt3A_987 = arith.cmpi slt, %gather3A_972, %select_n3A_949 : vector<16xi32>
          %select_n3A_988 = arith.select %lt3A_987, %broadcast_in_dim3A_420, %broadcast_in_dim3A_422 : vector<16xi1>, vector<16xi32>
          %and3A_989 = arith.andi %select_n3A_986, %select_n3A_988 : vector<16xi32>
          %or3A_990 = arith.ori %select_n3A_984, %and3A_989 : vector<16xi32>
          %xor3A_991 = arith.xori %xor3A_982, %or3A_990 : vector<16xi32>
          %eq3A_992 = arith.constant 1 : i32
          %eq3A_993 = vector.broadcast %eq3A_992 : i32 to vector<16xi32>
          %eq3A_994 = arith.cmpi eq, %xor3A_991, %eq3A_993 : vector<16xi32>
          %select_n3A_995 = arith.select %eq3A_994, %gather3A_962, %select_n3A_948 : vector<16xi1>, vector<16xf32>
          %select_n3A_996 = arith.select %eq3A_994, %gather3A_972, %select_n3A_949 : vector<16xi1>, vector<16xi32>
          %xor3A_997 = arith.constant 1 : i32
          %xor3A_998 = vector.broadcast %xor3A_997 : i32 to vector<16xi32>
          %xor3A_999 = arith.xori %iota3A, %xor3A_998 : vector<16xi32>
          %lt3A_1000 = arith.constant 0 : i32
          %lt3A_1001 = vector.broadcast %lt3A_1000 : i32 to vector<16xi32>
          %lt3A_1002 = arith.cmpi slt, %xor3A_999, %lt3A_1001 : vector<16xi32>
          %add3A_1003 = arith.constant 16 : i32
          %add3A_1004 = vector.broadcast %add3A_1003 : i32 to vector<16xi32>
          %add3A_1005 = arith.addi %xor3A_999, %add3A_1004 : vector<16xi32>
          %select_n3A_1006 = arith.select %lt3A_1002, %add3A_1005, %xor3A_999 : vector<16xi1>, vector<16xi32>
          %broadcast_in_dim3A_1007 = vector.shape_cast %select_n3A_1006 : vector<16xi32> to vector<16x1xi32>
          %gather3A_1008 = vector.shape_cast %broadcast_in_dim3A_1007 : vector<16x1xi32> to vector<16xi32>
          %gather3A_1009 = tpu.dynamic_gather %select_n3A_995[%gather3A_1008] in [0] : vector<16xf32>, vector<16xi32> -> vector<16xf32>
          %lt3A_1010 = arith.constant 0 : i32
          %lt3A_1011 = vector.broadcast %lt3A_1010 : i32 to vector<16xi32>
          %lt3A_1012 = arith.cmpi slt, %xor3A_999, %lt3A_1011 : vector<16xi32>
          %add3A_1013 = arith.constant 16 : i32
          %add3A_1014 = vector.broadcast %add3A_1013 : i32 to vector<16xi32>
          %add3A_1015 = arith.addi %xor3A_999, %add3A_1014 : vector<16xi32>
          %select_n3A_1016 = arith.select %lt3A_1012, %add3A_1015, %xor3A_999 : vector<16xi1>, vector<16xi32>
          %broadcast_in_dim3A_1017 = vector.shape_cast %select_n3A_1016 : vector<16xi32> to vector<16x1xi32>
          %gather3A_1018 = vector.shape_cast %broadcast_in_dim3A_1017 : vector<16x1xi32> to vector<16xi32>
          %gather3A_1019 = tpu.dynamic_gather %select_n3A_996[%gather3A_1018] in [0] : vector<16xi32>, vector<16xi32> -> vector<16xi32>
          %shift_right_arithmetic3A_1020 = arith.constant 0 : i32
          %shift_right_arithmetic3A_1021 = vector.broadcast %shift_right_arithmetic3A_1020 : i32 to vector<16xi32>
          %shift_right_arithmetic3A_1022 = arith.shrsi %iota3A, %shift_right_arithmetic3A_1021 : vector<16xi32>
          %and3A_1023 = arith.constant 1 : i32
          %and3A_1024 = vector.broadcast %and3A_1023 : i32 to vector<16xi32>
          %and3A_1025 = arith.andi %shift_right_arithmetic3A_1022, %and3A_1024 : vector<16xi32>
          %sub3A_1026 = arith.constant 1 : i32
          %sub3A_1027 = vector.broadcast %sub3A_1026 : i32 to vector<16xi32>
          %sub3A_1028 = arith.subi %sub3A_1027, %and3A_1025 : vector<16xi32>
          %xor3A_1029 = arith.xori %sub3A_1028, %sub3A_902 : vector<16xi32>
          %lt3A_1030 = arith.cmpf olt, %gather3A_1009, %select_n3A_995 : vector<16xf32>
          %select_n3A_1031 = arith.select %lt3A_1030, %broadcast_in_dim3A_420, %broadcast_in_dim3A_422 : vector<16xi1>, vector<16xi32>
          %eq3A_1032 = arith.cmpf oeq, %gather3A_1009, %select_n3A_995 : vector<16xf32>
          %select_n3A_1033 = arith.select %eq3A_1032, %broadcast_in_dim3A_420, %broadcast_in_dim3A_422 : vector<16xi1>, vector<16xi32>
          %lt3A_1034 = arith.cmpi slt, %gather3A_1019, %select_n3A_996 : vector<16xi32>
          %select_n3A_1035 = arith.select %lt3A_1034, %broadcast_in_dim3A_420, %broadcast_in_dim3A_422 : vector<16xi1>, vector<16xi32>
          %and3A_1036 = arith.andi %select_n3A_1033, %select_n3A_1035 : vector<16xi32>
          %or3A_1037 = arith.ori %select_n3A_1031, %and3A_1036 : vector<16xi32>
          %xor3A_1038 = arith.xori %xor3A_1029, %or3A_1037 : vector<16xi32>
          %eq3A_1039 = arith.constant 1 : i32
          %eq3A_1040 = vector.broadcast %eq3A_1039 : i32 to vector<16xi32>
          %eq3A_1041 = arith.cmpi eq, %xor3A_1038, %eq3A_1040 : vector<16xi32>
          %select_n3A_1042 = arith.select %eq3A_1041, %gather3A_1009, %select_n3A_995 : vector<16xi1>, vector<16xf32>
          %select_n3A_1043 = arith.select %eq3A_1041, %gather3A_1019, %select_n3A_996 : vector<16xi1>, vector<16xi32>
          %shift_right_arithmetic3A_1044 = arith.constant 4 : i32
          %shift_right_arithmetic3A_1045 = vector.broadcast %shift_right_arithmetic3A_1044 : i32 to vector<16xi32>
          %shift_right_arithmetic3A_1046 = arith.shrsi %iota3A, %shift_right_arithmetic3A_1045 : vector<16xi32>
          %and3A_1047 = arith.constant 1 : i32
          %and3A_1048 = vector.broadcast %and3A_1047 : i32 to vector<16xi32>
          %and3A_1049 = arith.andi %shift_right_arithmetic3A_1046, %and3A_1048 : vector<16xi32>
          %sub3A_1050 = arith.constant 1 : i32
          %sub3A_1051 = vector.broadcast %sub3A_1050 : i32 to vector<16xi32>
          %sub3A_1052 = arith.subi %sub3A_1051, %and3A_1049 : vector<16xi32>
          %xor3A_1053 = arith.constant 8 : i32
          %xor3A_1054 = vector.broadcast %xor3A_1053 : i32 to vector<16xi32>
          %xor3A_1055 = arith.xori %iota3A, %xor3A_1054 : vector<16xi32>
          %lt3A_1056 = arith.constant 0 : i32
          %lt3A_1057 = vector.broadcast %lt3A_1056 : i32 to vector<16xi32>
          %lt3A_1058 = arith.cmpi slt, %xor3A_1055, %lt3A_1057 : vector<16xi32>
          %add3A_1059 = arith.constant 16 : i32
          %add3A_1060 = vector.broadcast %add3A_1059 : i32 to vector<16xi32>
          %add3A_1061 = arith.addi %xor3A_1055, %add3A_1060 : vector<16xi32>
          %select_n3A_1062 = arith.select %lt3A_1058, %add3A_1061, %xor3A_1055 : vector<16xi1>, vector<16xi32>
          %broadcast_in_dim3A_1063 = vector.shape_cast %select_n3A_1062 : vector<16xi32> to vector<16x1xi32>
          %gather3A_1064 = vector.shape_cast %broadcast_in_dim3A_1063 : vector<16x1xi32> to vector<16xi32>
          %gather3A_1065 = tpu.dynamic_gather %select_n3A_1042[%gather3A_1064] in [0] : vector<16xf32>, vector<16xi32> -> vector<16xf32>
          %lt3A_1066 = arith.constant 0 : i32
          %lt3A_1067 = vector.broadcast %lt3A_1066 : i32 to vector<16xi32>
          %lt3A_1068 = arith.cmpi slt, %xor3A_1055, %lt3A_1067 : vector<16xi32>
          %add3A_1069 = arith.constant 16 : i32
          %add3A_1070 = vector.broadcast %add3A_1069 : i32 to vector<16xi32>
          %add3A_1071 = arith.addi %xor3A_1055, %add3A_1070 : vector<16xi32>
          %select_n3A_1072 = arith.select %lt3A_1068, %add3A_1071, %xor3A_1055 : vector<16xi1>, vector<16xi32>
          %broadcast_in_dim3A_1073 = vector.shape_cast %select_n3A_1072 : vector<16xi32> to vector<16x1xi32>
          %gather3A_1074 = vector.shape_cast %broadcast_in_dim3A_1073 : vector<16x1xi32> to vector<16xi32>
          %gather3A_1075 = tpu.dynamic_gather %select_n3A_1043[%gather3A_1074] in [0] : vector<16xi32>, vector<16xi32> -> vector<16xi32>
          %shift_right_arithmetic3A_1076 = arith.constant 3 : i32
          %shift_right_arithmetic3A_1077 = vector.broadcast %shift_right_arithmetic3A_1076 : i32 to vector<16xi32>
          %shift_right_arithmetic3A_1078 = arith.shrsi %iota3A, %shift_right_arithmetic3A_1077 : vector<16xi32>
          %and3A_1079 = arith.constant 1 : i32
          %and3A_1080 = vector.broadcast %and3A_1079 : i32 to vector<16xi32>
          %and3A_1081 = arith.andi %shift_right_arithmetic3A_1078, %and3A_1080 : vector<16xi32>
          %sub3A_1082 = arith.constant 1 : i32
          %sub3A_1083 = vector.broadcast %sub3A_1082 : i32 to vector<16xi32>
          %sub3A_1084 = arith.subi %sub3A_1083, %and3A_1081 : vector<16xi32>
          %xor3A_1085 = arith.xori %sub3A_1084, %sub3A_1052 : vector<16xi32>
          %lt3A_1086 = arith.cmpf olt, %gather3A_1065, %select_n3A_1042 : vector<16xf32>
          %select_n3A_1087 = arith.select %lt3A_1086, %broadcast_in_dim3A_420, %broadcast_in_dim3A_422 : vector<16xi1>, vector<16xi32>
          %eq3A_1088 = arith.cmpf oeq, %gather3A_1065, %select_n3A_1042 : vector<16xf32>
          %select_n3A_1089 = arith.select %eq3A_1088, %broadcast_in_dim3A_420, %broadcast_in_dim3A_422 : vector<16xi1>, vector<16xi32>
          %lt3A_1090 = arith.cmpi slt, %gather3A_1075, %select_n3A_1043 : vector<16xi32>
          %select_n3A_1091 = arith.select %lt3A_1090, %broadcast_in_dim3A_420, %broadcast_in_dim3A_422 : vector<16xi1>, vector<16xi32>
          %and3A_1092 = arith.andi %select_n3A_1089, %select_n3A_1091 : vector<16xi32>
          %or3A_1093 = arith.ori %select_n3A_1087, %and3A_1092 : vector<16xi32>
          %xor3A_1094 = arith.xori %xor3A_1085, %or3A_1093 : vector<16xi32>
          %eq3A_1095 = arith.constant 1 : i32
          %eq3A_1096 = vector.broadcast %eq3A_1095 : i32 to vector<16xi32>
          %eq3A_1097 = arith.cmpi eq, %xor3A_1094, %eq3A_1096 : vector<16xi32>
          %select_n3A_1098 = arith.select %eq3A_1097, %gather3A_1065, %select_n3A_1042 : vector<16xi1>, vector<16xf32>
          %select_n3A_1099 = arith.select %eq3A_1097, %gather3A_1075, %select_n3A_1043 : vector<16xi1>, vector<16xi32>
          %xor3A_1100 = arith.constant 4 : i32
          %xor3A_1101 = vector.broadcast %xor3A_1100 : i32 to vector<16xi32>
          %xor3A_1102 = arith.xori %iota3A, %xor3A_1101 : vector<16xi32>
          %lt3A_1103 = arith.constant 0 : i32
          %lt3A_1104 = vector.broadcast %lt3A_1103 : i32 to vector<16xi32>
          %lt3A_1105 = arith.cmpi slt, %xor3A_1102, %lt3A_1104 : vector<16xi32>
          %add3A_1106 = arith.constant 16 : i32
          %add3A_1107 = vector.broadcast %add3A_1106 : i32 to vector<16xi32>
          %add3A_1108 = arith.addi %xor3A_1102, %add3A_1107 : vector<16xi32>
          %select_n3A_1109 = arith.select %lt3A_1105, %add3A_1108, %xor3A_1102 : vector<16xi1>, vector<16xi32>
          %broadcast_in_dim3A_1110 = vector.shape_cast %select_n3A_1109 : vector<16xi32> to vector<16x1xi32>
          %gather3A_1111 = vector.shape_cast %broadcast_in_dim3A_1110 : vector<16x1xi32> to vector<16xi32>
          %gather3A_1112 = tpu.dynamic_gather %select_n3A_1098[%gather3A_1111] in [0] : vector<16xf32>, vector<16xi32> -> vector<16xf32>
          %lt3A_1113 = arith.constant 0 : i32
          %lt3A_1114 = vector.broadcast %lt3A_1113 : i32 to vector<16xi32>
          %lt3A_1115 = arith.cmpi slt, %xor3A_1102, %lt3A_1114 : vector<16xi32>
          %add3A_1116 = arith.constant 16 : i32
          %add3A_1117 = vector.broadcast %add3A_1116 : i32 to vector<16xi32>
          %add3A_1118 = arith.addi %xor3A_1102, %add3A_1117 : vector<16xi32>
          %select_n3A_1119 = arith.select %lt3A_1115, %add3A_1118, %xor3A_1102 : vector<16xi1>, vector<16xi32>
          %broadcast_in_dim3A_1120 = vector.shape_cast %select_n3A_1119 : vector<16xi32> to vector<16x1xi32>
          %gather3A_1121 = vector.shape_cast %broadcast_in_dim3A_1120 : vector<16x1xi32> to vector<16xi32>
          %gather3A_1122 = tpu.dynamic_gather %select_n3A_1099[%gather3A_1121] in [0] : vector<16xi32>, vector<16xi32> -> vector<16xi32>
          %shift_right_arithmetic3A_1123 = arith.constant 2 : i32
          %shift_right_arithmetic3A_1124 = vector.broadcast %shift_right_arithmetic3A_1123 : i32 to vector<16xi32>
          %shift_right_arithmetic3A_1125 = arith.shrsi %iota3A, %shift_right_arithmetic3A_1124 : vector<16xi32>
          %and3A_1126 = arith.constant 1 : i32
          %and3A_1127 = vector.broadcast %and3A_1126 : i32 to vector<16xi32>
          %and3A_1128 = arith.andi %shift_right_arithmetic3A_1125, %and3A_1127 : vector<16xi32>
          %sub3A_1129 = arith.constant 1 : i32
          %sub3A_1130 = vector.broadcast %sub3A_1129 : i32 to vector<16xi32>
          %sub3A_1131 = arith.subi %sub3A_1130, %and3A_1128 : vector<16xi32>
          %xor3A_1132 = arith.xori %sub3A_1131, %sub3A_1052 : vector<16xi32>
          %lt3A_1133 = arith.cmpf olt, %gather3A_1112, %select_n3A_1098 : vector<16xf32>
          %select_n3A_1134 = arith.select %lt3A_1133, %broadcast_in_dim3A_420, %broadcast_in_dim3A_422 : vector<16xi1>, vector<16xi32>
          %eq3A_1135 = arith.cmpf oeq, %gather3A_1112, %select_n3A_1098 : vector<16xf32>
          %select_n3A_1136 = arith.select %eq3A_1135, %broadcast_in_dim3A_420, %broadcast_in_dim3A_422 : vector<16xi1>, vector<16xi32>
          %lt3A_1137 = arith.cmpi slt, %gather3A_1122, %select_n3A_1099 : vector<16xi32>
          %select_n3A_1138 = arith.select %lt3A_1137, %broadcast_in_dim3A_420, %broadcast_in_dim3A_422 : vector<16xi1>, vector<16xi32>
          %and3A_1139 = arith.andi %select_n3A_1136, %select_n3A_1138 : vector<16xi32>
          %or3A_1140 = arith.ori %select_n3A_1134, %and3A_1139 : vector<16xi32>
          %xor3A_1141 = arith.xori %xor3A_1132, %or3A_1140 : vector<16xi32>
          %eq3A_1142 = arith.constant 1 : i32
          %eq3A_1143 = vector.broadcast %eq3A_1142 : i32 to vector<16xi32>
          %eq3A_1144 = arith.cmpi eq, %xor3A_1141, %eq3A_1143 : vector<16xi32>
          %select_n3A_1145 = arith.select %eq3A_1144, %gather3A_1112, %select_n3A_1098 : vector<16xi1>, vector<16xf32>
          %select_n3A_1146 = arith.select %eq3A_1144, %gather3A_1122, %select_n3A_1099 : vector<16xi1>, vector<16xi32>
          %xor3A_1147 = arith.constant 2 : i32
          %xor3A_1148 = vector.broadcast %xor3A_1147 : i32 to vector<16xi32>
          %xor3A_1149 = arith.xori %iota3A, %xor3A_1148 : vector<16xi32>
          %lt3A_1150 = arith.constant 0 : i32
          %lt3A_1151 = vector.broadcast %lt3A_1150 : i32 to vector<16xi32>
          %lt3A_1152 = arith.cmpi slt, %xor3A_1149, %lt3A_1151 : vector<16xi32>
          %add3A_1153 = arith.constant 16 : i32
          %add3A_1154 = vector.broadcast %add3A_1153 : i32 to vector<16xi32>
          %add3A_1155 = arith.addi %xor3A_1149, %add3A_1154 : vector<16xi32>
          %select_n3A_1156 = arith.select %lt3A_1152, %add3A_1155, %xor3A_1149 : vector<16xi1>, vector<16xi32>
          %broadcast_in_dim3A_1157 = vector.shape_cast %select_n3A_1156 : vector<16xi32> to vector<16x1xi32>
          %gather3A_1158 = vector.shape_cast %broadcast_in_dim3A_1157 : vector<16x1xi32> to vector<16xi32>
          %gather3A_1159 = tpu.dynamic_gather %select_n3A_1145[%gather3A_1158] in [0] : vector<16xf32>, vector<16xi32> -> vector<16xf32>
          %lt3A_1160 = arith.constant 0 : i32
          %lt3A_1161 = vector.broadcast %lt3A_1160 : i32 to vector<16xi32>
          %lt3A_1162 = arith.cmpi slt, %xor3A_1149, %lt3A_1161 : vector<16xi32>
          %add3A_1163 = arith.constant 16 : i32
          %add3A_1164 = vector.broadcast %add3A_1163 : i32 to vector<16xi32>
          %add3A_1165 = arith.addi %xor3A_1149, %add3A_1164 : vector<16xi32>
          %select_n3A_1166 = arith.select %lt3A_1162, %add3A_1165, %xor3A_1149 : vector<16xi1>, vector<16xi32>
          %broadcast_in_dim3A_1167 = vector.shape_cast %select_n3A_1166 : vector<16xi32> to vector<16x1xi32>
          %gather3A_1168 = vector.shape_cast %broadcast_in_dim3A_1167 : vector<16x1xi32> to vector<16xi32>
          %gather3A_1169 = tpu.dynamic_gather %select_n3A_1146[%gather3A_1168] in [0] : vector<16xi32>, vector<16xi32> -> vector<16xi32>
          %shift_right_arithmetic3A_1170 = arith.constant 1 : i32
          %shift_right_arithmetic3A_1171 = vector.broadcast %shift_right_arithmetic3A_1170 : i32 to vector<16xi32>
          %shift_right_arithmetic3A_1172 = arith.shrsi %iota3A, %shift_right_arithmetic3A_1171 : vector<16xi32>
          %and3A_1173 = arith.constant 1 : i32
          %and3A_1174 = vector.broadcast %and3A_1173 : i32 to vector<16xi32>
          %and3A_1175 = arith.andi %shift_right_arithmetic3A_1172, %and3A_1174 : vector<16xi32>
          %sub3A_1176 = arith.constant 1 : i32
          %sub3A_1177 = vector.broadcast %sub3A_1176 : i32 to vector<16xi32>
          %sub3A_1178 = arith.subi %sub3A_1177, %and3A_1175 : vector<16xi32>
          %xor3A_1179 = arith.xori %sub3A_1178, %sub3A_1052 : vector<16xi32>
          %lt3A_1180 = arith.cmpf olt, %gather3A_1159, %select_n3A_1145 : vector<16xf32>
          %select_n3A_1181 = arith.select %lt3A_1180, %broadcast_in_dim3A_420, %broadcast_in_dim3A_422 : vector<16xi1>, vector<16xi32>
          %eq3A_1182 = arith.cmpf oeq, %gather3A_1159, %select_n3A_1145 : vector<16xf32>
          %select_n3A_1183 = arith.select %eq3A_1182, %broadcast_in_dim3A_420, %broadcast_in_dim3A_422 : vector<16xi1>, vector<16xi32>
          %lt3A_1184 = arith.cmpi slt, %gather3A_1169, %select_n3A_1146 : vector<16xi32>
          %select_n3A_1185 = arith.select %lt3A_1184, %broadcast_in_dim3A_420, %broadcast_in_dim3A_422 : vector<16xi1>, vector<16xi32>
          %and3A_1186 = arith.andi %select_n3A_1183, %select_n3A_1185 : vector<16xi32>
          %or3A_1187 = arith.ori %select_n3A_1181, %and3A_1186 : vector<16xi32>
          %xor3A_1188 = arith.xori %xor3A_1179, %or3A_1187 : vector<16xi32>
          %eq3A_1189 = arith.constant 1 : i32
          %eq3A_1190 = vector.broadcast %eq3A_1189 : i32 to vector<16xi32>
          %eq3A_1191 = arith.cmpi eq, %xor3A_1188, %eq3A_1190 : vector<16xi32>
          %select_n3A_1192 = arith.select %eq3A_1191, %gather3A_1159, %select_n3A_1145 : vector<16xi1>, vector<16xf32>
          %select_n3A_1193 = arith.select %eq3A_1191, %gather3A_1169, %select_n3A_1146 : vector<16xi1>, vector<16xi32>
          %xor3A_1194 = arith.constant 1 : i32
          %xor3A_1195 = vector.broadcast %xor3A_1194 : i32 to vector<16xi32>
          %xor3A_1196 = arith.xori %iota3A, %xor3A_1195 : vector<16xi32>
          %lt3A_1197 = arith.constant 0 : i32
          %lt3A_1198 = vector.broadcast %lt3A_1197 : i32 to vector<16xi32>
          %lt3A_1199 = arith.cmpi slt, %xor3A_1196, %lt3A_1198 : vector<16xi32>
          %add3A_1200 = arith.constant 16 : i32
          %add3A_1201 = vector.broadcast %add3A_1200 : i32 to vector<16xi32>
          %add3A_1202 = arith.addi %xor3A_1196, %add3A_1201 : vector<16xi32>
          %select_n3A_1203 = arith.select %lt3A_1199, %add3A_1202, %xor3A_1196 : vector<16xi1>, vector<16xi32>
          %broadcast_in_dim3A_1204 = vector.shape_cast %select_n3A_1203 : vector<16xi32> to vector<16x1xi32>
          %gather3A_1205 = vector.shape_cast %broadcast_in_dim3A_1204 : vector<16x1xi32> to vector<16xi32>
          %gather3A_1206 = tpu.dynamic_gather %select_n3A_1192[%gather3A_1205] in [0] : vector<16xf32>, vector<16xi32> -> vector<16xf32>
          %lt3A_1207 = arith.constant 0 : i32
          %lt3A_1208 = vector.broadcast %lt3A_1207 : i32 to vector<16xi32>
          %lt3A_1209 = arith.cmpi slt, %xor3A_1196, %lt3A_1208 : vector<16xi32>
          %add3A_1210 = arith.constant 16 : i32
          %add3A_1211 = vector.broadcast %add3A_1210 : i32 to vector<16xi32>
          %add3A_1212 = arith.addi %xor3A_1196, %add3A_1211 : vector<16xi32>
          %select_n3A_1213 = arith.select %lt3A_1209, %add3A_1212, %xor3A_1196 : vector<16xi1>, vector<16xi32>
          %broadcast_in_dim3A_1214 = vector.shape_cast %select_n3A_1213 : vector<16xi32> to vector<16x1xi32>
          %gather3A_1215 = vector.shape_cast %broadcast_in_dim3A_1214 : vector<16x1xi32> to vector<16xi32>
          %gather3A_1216 = tpu.dynamic_gather %select_n3A_1193[%gather3A_1215] in [0] : vector<16xi32>, vector<16xi32> -> vector<16xi32>
          %shift_right_arithmetic3A_1217 = arith.constant 0 : i32
          %shift_right_arithmetic3A_1218 = vector.broadcast %shift_right_arithmetic3A_1217 : i32 to vector<16xi32>
          %shift_right_arithmetic3A_1219 = arith.shrsi %iota3A, %shift_right_arithmetic3A_1218 : vector<16xi32>
          %and3A_1220 = arith.constant 1 : i32
          %and3A_1221 = vector.broadcast %and3A_1220 : i32 to vector<16xi32>
          %and3A_1222 = arith.andi %shift_right_arithmetic3A_1219, %and3A_1221 : vector<16xi32>
          %sub3A_1223 = arith.constant 1 : i32
          %sub3A_1224 = vector.broadcast %sub3A_1223 : i32 to vector<16xi32>
          %sub3A_1225 = arith.subi %sub3A_1224, %and3A_1222 : vector<16xi32>
          %xor3A_1226 = arith.xori %sub3A_1225, %sub3A_1052 : vector<16xi32>
          %lt3A_1227 = arith.cmpf olt, %gather3A_1206, %select_n3A_1192 : vector<16xf32>
          %select_n3A_1228 = arith.select %lt3A_1227, %broadcast_in_dim3A_420, %broadcast_in_dim3A_422 : vector<16xi1>, vector<16xi32>
          %eq3A_1229 = arith.cmpf oeq, %gather3A_1206, %select_n3A_1192 : vector<16xf32>
          %select_n3A_1230 = arith.select %eq3A_1229, %broadcast_in_dim3A_420, %broadcast_in_dim3A_422 : vector<16xi1>, vector<16xi32>
          %lt3A_1231 = arith.cmpi slt, %gather3A_1216, %select_n3A_1193 : vector<16xi32>
          %select_n3A_1232 = arith.select %lt3A_1231, %broadcast_in_dim3A_420, %broadcast_in_dim3A_422 : vector<16xi1>, vector<16xi32>
          %and3A_1233 = arith.andi %select_n3A_1230, %select_n3A_1232 : vector<16xi32>
          %or3A_1234 = arith.ori %select_n3A_1228, %and3A_1233 : vector<16xi32>
          %xor3A_1235 = arith.xori %xor3A_1226, %or3A_1234 : vector<16xi32>
          %eq3A_1236 = arith.constant 1 : i32
          %eq3A_1237 = vector.broadcast %eq3A_1236 : i32 to vector<16xi32>
          %eq3A_1238 = arith.cmpi eq, %xor3A_1235, %eq3A_1237 : vector<16xi32>
          %select_n3A_1239 = arith.select %eq3A_1238, %gather3A_1206, %select_n3A_1192 : vector<16xi1>, vector<16xf32>
          %select_n3A_1240 = arith.select %eq3A_1238, %gather3A_1216, %select_n3A_1193 : vector<16xi1>, vector<16xi32>
          %get3A_1241 = arith.constant 0 : index
          %get3A_1242 = tpu.vector_load %arg15[%get3A_1241] {strides = array<i32>} : memref<16xi32, #tpu.memory_space<vmem>>, vector<16xi32>,
          %get3A_1243 = vector.shape_cast %get3A_1242 : vector<16xi32> to vector<16xi32>
          %sub3A_1244 = arith.constant 15 : i32
          %sub3A_1245 = vector.broadcast %sub3A_1244 : i32 to vector<16xi32>
          %sub3A_1246 = arith.subi %sub3A_1245, %iota3A : vector<16xi32>
          %lt3A_1247 = arith.constant 0 : i32
          %lt3A_1248 = vector.broadcast %lt3A_1247 : i32 to vector<16xi32>
          %lt3A_1249 = arith.cmpi slt, %sub3A_1246, %lt3A_1248 : vector<16xi32>
          %add3A_1250 = arith.constant 16 : i32
          %add3A_1251 = vector.broadcast %add3A_1250 : i32 to vector<16xi32>
          %add3A_1252 = arith.addi %sub3A_1246, %add3A_1251 : vector<16xi32>
          %select_n3A_1253 = arith.select %lt3A_1249, %add3A_1252, %sub3A_1246 : vector<16xi1>, vector<16xi32>
          %broadcast_in_dim3A_1254 = vector.shape_cast %select_n3A_1253 : vector<16xi32> to vector<16x1xi32>
          %gather3A_1255 = vector.shape_cast %broadcast_in_dim3A_1254 : vector<16x1xi32> to vector<16xi32>
          %gather3A_1256 = tpu.dynamic_gather %select_n3A_1239[%gather3A_1255] in [0] : vector<16xf32>, vector<16xi32> -> vector<16xf32>
          %lt3A_1257 = arith.constant 0 : i32
          %lt3A_1258 = vector.broadcast %lt3A_1257 : i32 to vector<16xi32>
          %lt3A_1259 = arith.cmpi slt, %sub3A_1246, %lt3A_1258 : vector<16xi32>
          %add3A_1260 = arith.constant 16 : i32
          %add3A_1261 = vector.broadcast %add3A_1260 : i32 to vector<16xi32>
          %add3A_1262 = arith.addi %sub3A_1246, %add3A_1261 : vector<16xi32>
          %select_n3A_1263 = arith.select %lt3A_1259, %add3A_1262, %sub3A_1246 : vector<16xi1>, vector<16xi32>
          %broadcast_in_dim3A_1264 = vector.shape_cast %select_n3A_1263 : vector<16xi32> to vector<16x1xi32>
          %gather3A_1265 = vector.shape_cast %broadcast_in_dim3A_1264 : vector<16x1xi32> to vector<16xi32>
          %gather3A_1266 = tpu.dynamic_gather %select_n3A_1240[%gather3A_1265] in [0] : vector<16xi32>, vector<16xi32> -> vector<16xi32>
          %lt3A_1267 = arith.cmpf olt, %get3A_669, %gather3A_1256 : vector<16xf32>
          %select_n3A_1268 = arith.select %lt3A_1267, %broadcast_in_dim3A_420, %broadcast_in_dim3A_422 : vector<16xi1>, vector<16xi32>
          %eq3A_1269 = arith.cmpf oeq, %get3A_669, %gather3A_1256 : vector<16xf32>
          %select_n3A_1270 = arith.select %eq3A_1269, %broadcast_in_dim3A_420, %broadcast_in_dim3A_422 : vector<16xi1>, vector<16xi32>
          %lt3A_1271 = arith.cmpi slt, %get3A_1243, %gather3A_1266 : vector<16xi32>
          %select_n3A_1272 = arith.select %lt3A_1271, %broadcast_in_dim3A_420, %broadcast_in_dim3A_422 : vector<16xi1>, vector<16xi32>
          %and3A_1273 = arith.andi %select_n3A_1270, %select_n3A_1272 : vector<16xi32>
          %or3A_1274 = arith.ori %select_n3A_1268, %and3A_1273 : vector<16xi32>
          %eq3A_1275 = arith.constant 1 : i32
          %eq3A_1276 = vector.broadcast %eq3A_1275 : i32 to vector<16xi32>
          %eq3A_1277 = arith.cmpi eq, %or3A_1274, %eq3A_1276 : vector<16xi32>
          %select_n3A_1278 = arith.select %eq3A_1277, %get3A_669, %gather3A_1256 : vector<16xi1>, vector<16xf32>
          %select_n3A_1279 = arith.select %eq3A_1277, %get3A_1243, %gather3A_1266 : vector<16xi1>, vector<16xi32>
          %xor3A_1280 = arith.constant 8 : i32
          %xor3A_1281 = vector.broadcast %xor3A_1280 : i32 to vector<16xi32>
          %xor3A_1282 = arith.xori %iota3A, %xor3A_1281 : vector<16xi32>
          %lt3A_1283 = arith.constant 0 : i32
          %lt3A_1284 = vector.broadcast %lt3A_1283 : i32 to vector<16xi32>
          %lt3A_1285 = arith.cmpi slt, %xor3A_1282, %lt3A_1284 : vector<16xi32>
          %add3A_1286 = arith.constant 16 : i32
          %add3A_1287 = vector.broadcast %add3A_1286 : i32 to vector<16xi32>
          %add3A_1288 = arith.addi %xor3A_1282, %add3A_1287 : vector<16xi32>
          %select_n3A_1289 = arith.select %lt3A_1285, %add3A_1288, %xor3A_1282 : vector<16xi1>, vector<16xi32>
          %broadcast_in_dim3A_1290 = vector.shape_cast %select_n3A_1289 : vector<16xi32> to vector<16x1xi32>
          %gather3A_1291 = vector.shape_cast %broadcast_in_dim3A_1290 : vector<16x1xi32> to vector<16xi32>
          %gather3A_1292 = tpu.dynamic_gather %select_n3A_1278[%gather3A_1291] in [0] : vector<16xf32>, vector<16xi32> -> vector<16xf32>
          %lt3A_1293 = arith.constant 0 : i32
          %lt3A_1294 = vector.broadcast %lt3A_1293 : i32 to vector<16xi32>
          %lt3A_1295 = arith.cmpi slt, %xor3A_1282, %lt3A_1294 : vector<16xi32>
          %add3A_1296 = arith.constant 16 : i32
          %add3A_1297 = vector.broadcast %add3A_1296 : i32 to vector<16xi32>
          %add3A_1298 = arith.addi %xor3A_1282, %add3A_1297 : vector<16xi32>
          %select_n3A_1299 = arith.select %lt3A_1295, %add3A_1298, %xor3A_1282 : vector<16xi1>, vector<16xi32>
          %broadcast_in_dim3A_1300 = vector.shape_cast %select_n3A_1299 : vector<16xi32> to vector<16x1xi32>
          %gather3A_1301 = vector.shape_cast %broadcast_in_dim3A_1300 : vector<16x1xi32> to vector<16xi32>
          %gather3A_1302 = tpu.dynamic_gather %select_n3A_1279[%gather3A_1301] in [0] : vector<16xi32>, vector<16xi32> -> vector<16xi32>
          %shift_right_arithmetic3A_1303 = arith.constant 3 : i32
          %shift_right_arithmetic3A_1304 = vector.broadcast %shift_right_arithmetic3A_1303 : i32 to vector<16xi32>
          %shift_right_arithmetic3A_1305 = arith.shrsi %iota3A, %shift_right_arithmetic3A_1304 : vector<16xi32>
          %and3A_1306 = arith.constant 1 : i32
          %and3A_1307 = vector.broadcast %and3A_1306 : i32 to vector<16xi32>
          %and3A_1308 = arith.andi %shift_right_arithmetic3A_1305, %and3A_1307 : vector<16xi32>
          %sub3A_1309 = arith.constant 1 : i32
          %sub3A_1310 = vector.broadcast %sub3A_1309 : i32 to vector<16xi32>
          %sub3A_1311 = arith.subi %sub3A_1310, %and3A_1308 : vector<16xi32>
          %xor3A_1312 = arith.xori %sub3A_1311, %broadcast_in_dim3A_420 : vector<16xi32>
          %lt3A_1313 = arith.cmpf olt, %gather3A_1292, %select_n3A_1278 : vector<16xf32>
          %select_n3A_1314 = arith.select %lt3A_1313, %broadcast_in_dim3A_420, %broadcast_in_dim3A_422 : vector<16xi1>, vector<16xi32>
          %eq3A_1315 = arith.cmpf oeq, %gather3A_1292, %select_n3A_1278 : vector<16xf32>
          %select_n3A_1316 = arith.select %eq3A_1315, %broadcast_in_dim3A_420, %broadcast_in_dim3A_422 : vector<16xi1>, vector<16xi32>
          %lt3A_1317 = arith.cmpi slt, %gather3A_1302, %select_n3A_1279 : vector<16xi32>
          %select_n3A_1318 = arith.select %lt3A_1317, %broadcast_in_dim3A_420, %broadcast_in_dim3A_422 : vector<16xi1>, vector<16xi32>
          %and3A_1319 = arith.andi %select_n3A_1316, %select_n3A_1318 : vector<16xi32>
          %or3A_1320 = arith.ori %select_n3A_1314, %and3A_1319 : vector<16xi32>
          %xor3A_1321 = arith.xori %xor3A_1312, %or3A_1320 : vector<16xi32>
          %eq3A_1322 = arith.constant 1 : i32
          %eq3A_1323 = vector.broadcast %eq3A_1322 : i32 to vector<16xi32>
          %eq3A_1324 = arith.cmpi eq, %xor3A_1321, %eq3A_1323 : vector<16xi32>
          %select_n3A_1325 = arith.select %eq3A_1324, %gather3A_1292, %select_n3A_1278 : vector<16xi1>, vector<16xf32>
          %select_n3A_1326 = arith.select %eq3A_1324, %gather3A_1302, %select_n3A_1279 : vector<16xi1>, vector<16xi32>
          %xor3A_1327 = arith.constant 4 : i32
          %xor3A_1328 = vector.broadcast %xor3A_1327 : i32 to vector<16xi32>
          %xor3A_1329 = arith.xori %iota3A, %xor3A_1328 : vector<16xi32>
          %lt3A_1330 = arith.constant 0 : i32
          %lt3A_1331 = vector.broadcast %lt3A_1330 : i32 to vector<16xi32>
          %lt3A_1332 = arith.cmpi slt, %xor3A_1329, %lt3A_1331 : vector<16xi32>
          %add3A_1333 = arith.constant 16 : i32
          %add3A_1334 = vector.broadcast %add3A_1333 : i32 to vector<16xi32>
          %add3A_1335 = arith.addi %xor3A_1329, %add3A_1334 : vector<16xi32>
          %select_n3A_1336 = arith.select %lt3A_1332, %add3A_1335, %xor3A_1329 : vector<16xi1>, vector<16xi32>
          %broadcast_in_dim3A_1337 = vector.shape_cast %select_n3A_1336 : vector<16xi32> to vector<16x1xi32>
          %gather3A_1338 = vector.shape_cast %broadcast_in_dim3A_1337 : vector<16x1xi32> to vector<16xi32>
          %gather3A_1339 = tpu.dynamic_gather %select_n3A_1325[%gather3A_1338] in [0] : vector<16xf32>, vector<16xi32> -> vector<16xf32>
          %lt3A_1340 = arith.constant 0 : i32
          %lt3A_1341 = vector.broadcast %lt3A_1340 : i32 to vector<16xi32>
          %lt3A_1342 = arith.cmpi slt, %xor3A_1329, %lt3A_1341 : vector<16xi32>
          %add3A_1343 = arith.constant 16 : i32
          %add3A_1344 = vector.broadcast %add3A_1343 : i32 to vector<16xi32>
          %add3A_1345 = arith.addi %xor3A_1329, %add3A_1344 : vector<16xi32>
          %select_n3A_1346 = arith.select %lt3A_1342, %add3A_1345, %xor3A_1329 : vector<16xi1>, vector<16xi32>
          %broadcast_in_dim3A_1347 = vector.shape_cast %select_n3A_1346 : vector<16xi32> to vector<16x1xi32>
          %gather3A_1348 = vector.shape_cast %broadcast_in_dim3A_1347 : vector<16x1xi32> to vector<16xi32>
          %gather3A_1349 = tpu.dynamic_gather %select_n3A_1326[%gather3A_1348] in [0] : vector<16xi32>, vector<16xi32> -> vector<16xi32>
          %shift_right_arithmetic3A_1350 = arith.constant 2 : i32
          %shift_right_arithmetic3A_1351 = vector.broadcast %shift_right_arithmetic3A_1350 : i32 to vector<16xi32>
          %shift_right_arithmetic3A_1352 = arith.shrsi %iota3A, %shift_right_arithmetic3A_1351 : vector<16xi32>
          %and3A_1353 = arith.constant 1 : i32
          %and3A_1354 = vector.broadcast %and3A_1353 : i32 to vector<16xi32>
          %and3A_1355 = arith.andi %shift_right_arithmetic3A_1352, %and3A_1354 : vector<16xi32>
          %sub3A_1356 = arith.constant 1 : i32
          %sub3A_1357 = vector.broadcast %sub3A_1356 : i32 to vector<16xi32>
          %sub3A_1358 = arith.subi %sub3A_1357, %and3A_1355 : vector<16xi32>
          %xor3A_1359 = arith.xori %sub3A_1358, %broadcast_in_dim3A_420 : vector<16xi32>
          %lt3A_1360 = arith.cmpf olt, %gather3A_1339, %select_n3A_1325 : vector<16xf32>
          %select_n3A_1361 = arith.select %lt3A_1360, %broadcast_in_dim3A_420, %broadcast_in_dim3A_422 : vector<16xi1>, vector<16xi32>
          %eq3A_1362 = arith.cmpf oeq, %gather3A_1339, %select_n3A_1325 : vector<16xf32>
          %select_n3A_1363 = arith.select %eq3A_1362, %broadcast_in_dim3A_420, %broadcast_in_dim3A_422 : vector<16xi1>, vector<16xi32>
          %lt3A_1364 = arith.cmpi slt, %gather3A_1349, %select_n3A_1326 : vector<16xi32>
          %select_n3A_1365 = arith.select %lt3A_1364, %broadcast_in_dim3A_420, %broadcast_in_dim3A_422 : vector<16xi1>, vector<16xi32>
          %and3A_1366 = arith.andi %select_n3A_1363, %select_n3A_1365 : vector<16xi32>
          %or3A_1367 = arith.ori %select_n3A_1361, %and3A_1366 : vector<16xi32>
          %xor3A_1368 = arith.xori %xor3A_1359, %or3A_1367 : vector<16xi32>
          %eq3A_1369 = arith.constant 1 : i32
          %eq3A_1370 = vector.broadcast %eq3A_1369 : i32 to vector<16xi32>
          %eq3A_1371 = arith.cmpi eq, %xor3A_1368, %eq3A_1370 : vector<16xi32>
          %select_n3A_1372 = arith.select %eq3A_1371, %gather3A_1339, %select_n3A_1325 : vector<16xi1>, vector<16xf32>
          %select_n3A_1373 = arith.select %eq3A_1371, %gather3A_1349, %select_n3A_1326 : vector<16xi1>, vector<16xi32>
          %xor3A_1374 = arith.constant 2 : i32
          %xor3A_1375 = vector.broadcast %xor3A_1374 : i32 to vector<16xi32>
          %xor3A_1376 = arith.xori %iota3A, %xor3A_1375 : vector<16xi32>
          %lt3A_1377 = arith.constant 0 : i32
          %lt3A_1378 = vector.broadcast %lt3A_1377 : i32 to vector<16xi32>
          %lt3A_1379 = arith.cmpi slt, %xor3A_1376, %lt3A_1378 : vector<16xi32>
          %add3A_1380 = arith.constant 16 : i32
          %add3A_1381 = vector.broadcast %add3A_1380 : i32 to vector<16xi32>
          %add3A_1382 = arith.addi %xor3A_1376, %add3A_1381 : vector<16xi32>
          %select_n3A_1383 = arith.select %lt3A_1379, %add3A_1382, %xor3A_1376 : vector<16xi1>, vector<16xi32>
          %broadcast_in_dim3A_1384 = vector.shape_cast %select_n3A_1383 : vector<16xi32> to vector<16x1xi32>
          %gather3A_1385 = vector.shape_cast %broadcast_in_dim3A_1384 : vector<16x1xi32> to vector<16xi32>
          %gather3A_1386 = tpu.dynamic_gather %select_n3A_1372[%gather3A_1385] in [0] : vector<16xf32>, vector<16xi32> -> vector<16xf32>
          %lt3A_1387 = arith.constant 0 : i32
          %lt3A_1388 = vector.broadcast %lt3A_1387 : i32 to vector<16xi32>
          %lt3A_1389 = arith.cmpi slt, %xor3A_1376, %lt3A_1388 : vector<16xi32>
          %add3A_1390 = arith.constant 16 : i32
          %add3A_1391 = vector.broadcast %add3A_1390 : i32 to vector<16xi32>
          %add3A_1392 = arith.addi %xor3A_1376, %add3A_1391 : vector<16xi32>
          %select_n3A_1393 = arith.select %lt3A_1389, %add3A_1392, %xor3A_1376 : vector<16xi1>, vector<16xi32>
          %broadcast_in_dim3A_1394 = vector.shape_cast %select_n3A_1393 : vector<16xi32> to vector<16x1xi32>
          %gather3A_1395 = vector.shape_cast %broadcast_in_dim3A_1394 : vector<16x1xi32> to vector<16xi32>
          %gather3A_1396 = tpu.dynamic_gather %select_n3A_1373[%gather3A_1395] in [0] : vector<16xi32>, vector<16xi32> -> vector<16xi32>
          %shift_right_arithmetic3A_1397 = arith.constant 1 : i32
          %shift_right_arithmetic3A_1398 = vector.broadcast %shift_right_arithmetic3A_1397 : i32 to vector<16xi32>
          %shift_right_arithmetic3A_1399 = arith.shrsi %iota3A, %shift_right_arithmetic3A_1398 : vector<16xi32>
          %and3A_1400 = arith.constant 1 : i32
          %and3A_1401 = vector.broadcast %and3A_1400 : i32 to vector<16xi32>
          %and3A_1402 = arith.andi %shift_right_arithmetic3A_1399, %and3A_1401 : vector<16xi32>
          %sub3A_1403 = arith.constant 1 : i32
          %sub3A_1404 = vector.broadcast %sub3A_1403 : i32 to vector<16xi32>
          %sub3A_1405 = arith.subi %sub3A_1404, %and3A_1402 : vector<16xi32>
          %xor3A_1406 = arith.xori %sub3A_1405, %broadcast_in_dim3A_420 : vector<16xi32>
          %lt3A_1407 = arith.cmpf olt, %gather3A_1386, %select_n3A_1372 : vector<16xf32>
          %select_n3A_1408 = arith.select %lt3A_1407, %broadcast_in_dim3A_420, %broadcast_in_dim3A_422 : vector<16xi1>, vector<16xi32>
          %eq3A_1409 = arith.cmpf oeq, %gather3A_1386, %select_n3A_1372 : vector<16xf32>
          %select_n3A_1410 = arith.select %eq3A_1409, %broadcast_in_dim3A_420, %broadcast_in_dim3A_422 : vector<16xi1>, vector<16xi32>
          %lt3A_1411 = arith.cmpi slt, %gather3A_1396, %select_n3A_1373 : vector<16xi32>
          %select_n3A_1412 = arith.select %lt3A_1411, %broadcast_in_dim3A_420, %broadcast_in_dim3A_422 : vector<16xi1>, vector<16xi32>
          %and3A_1413 = arith.andi %select_n3A_1410, %select_n3A_1412 : vector<16xi32>
          %or3A_1414 = arith.ori %select_n3A_1408, %and3A_1413 : vector<16xi32>
          %xor3A_1415 = arith.xori %xor3A_1406, %or3A_1414 : vector<16xi32>
          %eq3A_1416 = arith.constant 1 : i32
          %eq3A_1417 = vector.broadcast %eq3A_1416 : i32 to vector<16xi32>
          %eq3A_1418 = arith.cmpi eq, %xor3A_1415, %eq3A_1417 : vector<16xi32>
          %select_n3A_1419 = arith.select %eq3A_1418, %gather3A_1386, %select_n3A_1372 : vector<16xi1>, vector<16xf32>
          %select_n3A_1420 = arith.select %eq3A_1418, %gather3A_1396, %select_n3A_1373 : vector<16xi1>, vector<16xi32>
          %xor3A_1421 = arith.constant 1 : i32
          %xor3A_1422 = vector.broadcast %xor3A_1421 : i32 to vector<16xi32>
          %xor3A_1423 = arith.xori %iota3A, %xor3A_1422 : vector<16xi32>
          %lt3A_1424 = arith.constant 0 : i32
          %lt3A_1425 = vector.broadcast %lt3A_1424 : i32 to vector<16xi32>
          %lt3A_1426 = arith.cmpi slt, %xor3A_1423, %lt3A_1425 : vector<16xi32>
          %add3A_1427 = arith.constant 16 : i32
          %add3A_1428 = vector.broadcast %add3A_1427 : i32 to vector<16xi32>
          %add3A_1429 = arith.addi %xor3A_1423, %add3A_1428 : vector<16xi32>
          %select_n3A_1430 = arith.select %lt3A_1426, %add3A_1429, %xor3A_1423 : vector<16xi1>, vector<16xi32>
          %broadcast_in_dim3A_1431 = vector.shape_cast %select_n3A_1430 : vector<16xi32> to vector<16x1xi32>
          %gather3A_1432 = vector.shape_cast %broadcast_in_dim3A_1431 : vector<16x1xi32> to vector<16xi32>
          %gather3A_1433 = tpu.dynamic_gather %select_n3A_1419[%gather3A_1432] in [0] : vector<16xf32>, vector<16xi32> -> vector<16xf32>
          %lt3A_1434 = arith.constant 0 : i32
          %lt3A_1435 = vector.broadcast %lt3A_1434 : i32 to vector<16xi32>
          %lt3A_1436 = arith.cmpi slt, %xor3A_1423, %lt3A_1435 : vector<16xi32>
          %add3A_1437 = arith.constant 16 : i32
          %add3A_1438 = vector.broadcast %add3A_1437 : i32 to vector<16xi32>
          %add3A_1439 = arith.addi %xor3A_1423, %add3A_1438 : vector<16xi32>
          %select_n3A_1440 = arith.select %lt3A_1436, %add3A_1439, %xor3A_1423 : vector<16xi1>, vector<16xi32>
          %broadcast_in_dim3A_1441 = vector.shape_cast %select_n3A_1440 : vector<16xi32> to vector<16x1xi32>
          %gather3A_1442 = vector.shape_cast %broadcast_in_dim3A_1441 : vector<16x1xi32> to vector<16xi32>
          %gather3A_1443 = tpu.dynamic_gather %select_n3A_1420[%gather3A_1442] in [0] : vector<16xi32>, vector<16xi32> -> vector<16xi32>
          %shift_right_arithmetic3A_1444 = arith.constant 0 : i32
          %shift_right_arithmetic3A_1445 = vector.broadcast %shift_right_arithmetic3A_1444 : i32 to vector<16xi32>
          %shift_right_arithmetic3A_1446 = arith.shrsi %iota3A, %shift_right_arithmetic3A_1445 : vector<16xi32>
          %and3A_1447 = arith.constant 1 : i32
          %and3A_1448 = vector.broadcast %and3A_1447 : i32 to vector<16xi32>
          %and3A_1449 = arith.andi %shift_right_arithmetic3A_1446, %and3A_1448 : vector<16xi32>
          %sub3A_1450 = arith.constant 1 : i32
          %sub3A_1451 = vector.broadcast %sub3A_1450 : i32 to vector<16xi32>
          %sub3A_1452 = arith.subi %sub3A_1451, %and3A_1449 : vector<16xi32>
          %xor3A_1453 = arith.xori %sub3A_1452, %broadcast_in_dim3A_420 : vector<16xi32>
          %lt3A_1454 = arith.cmpf olt, %gather3A_1433, %select_n3A_1419 : vector<16xf32>
          %select_n3A_1455 = arith.select %lt3A_1454, %broadcast_in_dim3A_420, %broadcast_in_dim3A_422 : vector<16xi1>, vector<16xi32>
          %eq3A_1456 = arith.cmpf oeq, %gather3A_1433, %select_n3A_1419 : vector<16xf32>
          %select_n3A_1457 = arith.select %eq3A_1456, %broadcast_in_dim3A_420, %broadcast_in_dim3A_422 : vector<16xi1>, vector<16xi32>
          %lt3A_1458 = arith.cmpi slt, %gather3A_1443, %select_n3A_1420 : vector<16xi32>
          %select_n3A_1459 = arith.select %lt3A_1458, %broadcast_in_dim3A_420, %broadcast_in_dim3A_422 : vector<16xi1>, vector<16xi32>
          %and3A_1460 = arith.andi %select_n3A_1457, %select_n3A_1459 : vector<16xi32>
          %or3A_1461 = arith.ori %select_n3A_1455, %and3A_1460 : vector<16xi32>
          %xor3A_1462 = arith.xori %xor3A_1453, %or3A_1461 : vector<16xi32>
          %eq3A_1463 = arith.constant 1 : i32
          %eq3A_1464 = vector.broadcast %eq3A_1463 : i32 to vector<16xi32>
          %eq3A_1465 = arith.cmpi eq, %xor3A_1462, %eq3A_1464 : vector<16xi32>
          %select_n3A_1466 = arith.select %eq3A_1465, %gather3A_1433, %select_n3A_1419 : vector<16xi1>, vector<16xf32>
          %select_n3A_1467 = arith.select %eq3A_1465, %gather3A_1443, %select_n3A_1420 : vector<16xi1>, vector<16xi32>
          %swap3A_1468 = arith.constant 0 : index
          %swap3A_1469 = tpu.vector_load %arg14[%swap3A_1468] {strides = array<i32>} : memref<16xf32, #tpu.memory_space<vmem>>, vector<16xf32>,
          %swap3A_1470 = vector.shape_cast %swap3A_1469 : vector<16xf32> to vector<16xf32>
          %swap3A_1471 = vector.shape_cast %select_n3A_1466 : vector<16xf32> to vector<16xf32>
          tpu.vector_store %arg14[%swap3A_1468], %swap3A_1471 {strides = array<i32>} : memref<16xf32, #tpu.memory_space<vmem>>, vector<16xf32>,
          %swap3A_1472 = arith.constant 0 : index
          %swap3A_1473 = tpu.vector_load %arg15[%swap3A_1472] {strides = array<i32>} : memref<16xi32, #tpu.memory_space<vmem>>, vector<16xi32>,
          %swap3A_1474 = vector.shape_cast %swap3A_1473 : vector<16xi32> to vector<16xi32>
          %swap3A_1475 = vector.shape_cast %select_n3A_1467 : vector<16xi32> to vector<16xi32>
          tpu.vector_store %arg15[%swap3A_1472], %swap3A_1475 {strides = array<i32>} : memref<16xi32, #tpu.memory_space<vmem>>, vector<16xi32>,
        } else {
        }
        %scan3A_733 = arith.constant 0 : i32
        scf.yield %scan3A_733 : i32
      }
      %scan3A_429 = arith.constant 256 : i32
      %get3A_430 = arith.constant 0 : index
      %get3A_431 = tpu.vector_load %arg15[%get3A_430] {strides = array<i32>} : memref<16xi32, #tpu.memory_space<vmem>>, vector<16xi32>,
      %get3A_432 = vector.shape_cast %get3A_431 : vector<16xi32> to vector<16xi32>
      %mul3A_433 = arith.constant 4096 : i32
      %mul3A_434 = arith.muli %select_n3A, %mul3A_433 : i32
      %add3A_435 = vector.broadcast %mul3A_434 : i32 to vector<16xi32>
      %add3A_436 = arith.addi %get3A_432, %add3A_435 : vector<16xi32>
      %swap3A_437 = arith.constant 16 : index
      %swap3A_438 = tpu.vector_load %arg16[%swap3A_437] {strides = array<i32>} : memref<64xi32, #tpu.memory_space<vmem>>, vector<16xi32>,
      %swap3A_439 = vector.shape_cast %swap3A_438 : vector<16xi32> to vector<16xi32>
      %swap3A_440 = vector.shape_cast %add3A_436 : vector<16xi32> to vector<16xi32>
      tpu.vector_store %arg16[%swap3A_437], %swap3A_440 {strides = array<i32>} : memref<64xi32, #tpu.memory_space<vmem>>, vector<16xi32>,
      %xor3A_441 = arith.constant 1 : i32
      %xor3A_442 = vector.broadcast %xor3A_441 : i32 to vector<16xi32>
      %xor3A_443 = arith.xori %iota3A, %xor3A_442 : vector<16xi32>
      %lt3A_444 = arith.constant 0 : i32
      %lt3A_445 = vector.broadcast %lt3A_444 : i32 to vector<16xi32>
      %lt3A_446 = arith.cmpi slt, %xor3A_443, %lt3A_445 : vector<16xi32>
      %add3A_447 = arith.constant 16 : i32
      %add3A_448 = vector.broadcast %add3A_447 : i32 to vector<16xi32>
      %add3A_449 = arith.addi %xor3A_443, %add3A_448 : vector<16xi32>
      %select_n3A_450 = arith.select %lt3A_446, %add3A_449, %xor3A_443 : vector<16xi1>, vector<16xi32>
      %broadcast_in_dim3A_451 = vector.shape_cast %select_n3A_450 : vector<16xi32> to vector<16x1xi32>
      %gather3A_452 = vector.shape_cast %broadcast_in_dim3A_451 : vector<16x1xi32> to vector<16xi32>
      %gather3A_453 = tpu.dynamic_gather %scan3A_264#2[%gather3A_452] in [0] : vector<16xf32>, vector<16xi32> -> vector<16xf32>
      %max3A_454 = arith.maximumf %scan3A_264#2, %gather3A_453 : vector<16xf32>
      %xor3A_455 = arith.constant 2 : i32
      %xor3A_456 = vector.broadcast %xor3A_455 : i32 to vector<16xi32>
      %xor3A_457 = arith.xori %iota3A, %xor3A_456 : vector<16xi32>
      %lt3A_458 = arith.constant 0 : i32
      %lt3A_459 = vector.broadcast %lt3A_458 : i32 to vector<16xi32>
      %lt3A_460 = arith.cmpi slt, %xor3A_457, %lt3A_459 : vector<16xi32>
      %add3A_461 = arith.constant 16 : i32
      %add3A_462 = vector.broadcast %add3A_461 : i32 to vector<16xi32>
      %add3A_463 = arith.addi %xor3A_457, %add3A_462 : vector<16xi32>
      %select_n3A_464 = arith.select %lt3A_460, %add3A_463, %xor3A_457 : vector<16xi1>, vector<16xi32>
      %broadcast_in_dim3A_465 = vector.shape_cast %select_n3A_464 : vector<16xi32> to vector<16x1xi32>
      %gather3A_466 = vector.shape_cast %broadcast_in_dim3A_465 : vector<16x1xi32> to vector<16xi32>
      %gather3A_467 = tpu.dynamic_gather %max3A_454[%gather3A_466] in [0] : vector<16xf32>, vector<16xi32> -> vector<16xf32>
      %max3A_468 = arith.maximumf %max3A_454, %gather3A_467 : vector<16xf32>
      %xor3A_469 = arith.constant 4 : i32
      %xor3A_470 = vector.broadcast %xor3A_469 : i32 to vector<16xi32>
      %xor3A_471 = arith.xori %iota3A, %xor3A_470 : vector<16xi32>
      %lt3A_472 = arith.constant 0 : i32
      %lt3A_473 = vector.broadcast %lt3A_472 : i32 to vector<16xi32>
      %lt3A_474 = arith.cmpi slt, %xor3A_471, %lt3A_473 : vector<16xi32>
      %add3A_475 = arith.constant 16 : i32
      %add3A_476 = vector.broadcast %add3A_475 : i32 to vector<16xi32>
      %add3A_477 = arith.addi %xor3A_471, %add3A_476 : vector<16xi32>
      %select_n3A_478 = arith.select %lt3A_474, %add3A_477, %xor3A_471 : vector<16xi1>, vector<16xi32>
      %broadcast_in_dim3A_479 = vector.shape_cast %select_n3A_478 : vector<16xi32> to vector<16x1xi32>
      %gather3A_480 = vector.shape_cast %broadcast_in_dim3A_479 : vector<16x1xi32> to vector<16xi32>
      %gather3A_481 = tpu.dynamic_gather %max3A_468[%gather3A_480] in [0] : vector<16xf32>, vector<16xi32> -> vector<16xf32>
      %max3A_482 = arith.maximumf %max3A_468, %gather3A_481 : vector<16xf32>
      %xor3A_483 = arith.constant 8 : i32
      %xor3A_484 = vector.broadcast %xor3A_483 : i32 to vector<16xi32>
      %xor3A_485 = arith.xori %iota3A, %xor3A_484 : vector<16xi32>
      %lt3A_486 = arith.constant 0 : i32
      %lt3A_487 = vector.broadcast %lt3A_486 : i32 to vector<16xi32>
      %lt3A_488 = arith.cmpi slt, %xor3A_485, %lt3A_487 : vector<16xi32>
      %add3A_489 = arith.constant 16 : i32
      %add3A_490 = vector.broadcast %add3A_489 : i32 to vector<16xi32>
      %add3A_491 = arith.addi %xor3A_485, %add3A_490 : vector<16xi32>
      %select_n3A_492 = arith.select %lt3A_488, %add3A_491, %xor3A_485 : vector<16xi1>, vector<16xi32>
      %broadcast_in_dim3A_493 = vector.shape_cast %select_n3A_492 : vector<16xi32> to vector<16x1xi32>
      %gather3A_494 = vector.shape_cast %broadcast_in_dim3A_493 : vector<16x1xi32> to vector<16xi32>
      %gather3A_495 = tpu.dynamic_gather %max3A_482[%gather3A_494] in [0] : vector<16xf32>, vector<16xi32> -> vector<16xf32>
      %max3A_496 = arith.maximumf %max3A_482, %gather3A_495 : vector<16xf32>
      %swap3A_497 = arith.constant 0 : index
      %swap3A_498 = tpu.vector_load %arg14[%swap3A_497] {strides = array<i32>} : memref<16xf32, #tpu.memory_space<vmem>>, vector<16xf32>,
      %swap3A_499 = vector.shape_cast %swap3A_498 : vector<16xf32> to vector<16xf32>
      %swap3A_500 = vector.shape_cast %broadcast_in_dim3A_17 : vector<16xf32> to vector<16xf32>
      tpu.vector_store %arg14[%swap3A_497], %swap3A_500 {strides = array<i32>} : memref<16xf32, #tpu.memory_space<vmem>>, vector<16xf32>,
      %broadcast_in_dim3A_501 = arith.constant 0 : i32
      %broadcast_in_dim3A_502 = vector.broadcast %broadcast_in_dim3A_501 : i32 to vector<16xi32>
      %swap3A_503 = arith.constant 0 : index
      %swap3A_504 = tpu.vector_load %arg15[%swap3A_503] {strides = array<i32>} : memref<16xi32, #tpu.memory_space<vmem>>, vector<16xi32>,
      %swap3A_505 = vector.shape_cast %swap3A_504 : vector<16xi32> to vector<16xi32>
      %swap3A_506 = vector.shape_cast %broadcast_in_dim3A_502 : vector<16xi32> to vector<16xi32>
      tpu.vector_store %arg15[%swap3A_503], %swap3A_506 {strides = array<i32>} : memref<16xi32, #tpu.memory_space<vmem>>, vector<16xi32>,
      %slice3A_507 = vector.extract_strided_slice %max3A_496 {offsets = [0], sizes = [1], strides = [1]} : vector<16xf32> to vector<1xf32>
      %squeeze3A_508 = vector.extract %slice3A_507[0] : f32 from vector<1xf32>
      %broadcast_in_dim3A_509 = arith.constant 1 : i32
      %broadcast_in_dim3A_510 = vector.broadcast %broadcast_in_dim3A_509 : i32 to vector<16xi32>
      %broadcast_in_dim3A_511 = arith.constant 0 : i32
      %broadcast_in_dim3A_512 = vector.broadcast %broadcast_in_dim3A_511 : i32 to vector<16xi32>
      %scan3A_513 = arith.constant 0 : i32
      %scan3A_514 = arith.constant 0 : i32
      %scan3A_515 = arith.constant 256 : i32
      %scan3A_516 = arith.addi %scan3A_514, %scan3A_515 : i32
      %scan3A_517 = arith.constant 1 : i32
      %scan3A_518 = scf.for %scan3A_658 = %scan3A_514 to %scan3A_516 step %scan3A_517 iter_args(%scan3A_659 = %scan3A_513) -> (i32)  : i32 {
        %mul3A_660 = arith.constant 16 : i32
        %mul3A_661 = arith.muli %scan3A_658, %mul3A_660 : i32
        %add3A_662 = arith.constant 8192 : i32
        %add3A_663 = arith.addi %add3A_662, %mul3A_661 : i32
        %get3A_664 = arith.index_cast %add3A_663 : i32 to index
        %get3A_665 = tpu.vector_load %arg13[%get3A_664] {strides = array<i32>} : memref<16384xf32, #tpu.memory_space<vmem>>, vector<16xf32>,
        %get3A_666 = vector.shape_cast %get3A_665 : vector<16xf32> to vector<16xf32>
        %get3A_667 = arith.constant 0 : index
        %get3A_668 = tpu.vector_load %arg14[%get3A_667] {strides = array<i32>} : memref<16xf32, #tpu.memory_space<vmem>>, vector<16xf32>,
        %get3A_669 = vector.shape_cast %get3A_668 : vector<16xf32> to vector<16xf32>
        %slice3A_670 = vector.extract_strided_slice %get3A_669 {offsets = [15], sizes = [1], strides = [1]} : vector<16xf32> to vector<1xf32>
        %squeeze3A_671 = vector.extract %slice3A_670[0] : f32 from vector<1xf32>
        %min3A = arith.minimumf %squeeze3A_508, %squeeze3A_671 : f32
        %xor3A_672 = arith.constant 1 : i32
        %xor3A_673 = vector.broadcast %xor3A_672 : i32 to vector<16xi32>
        %xor3A_674 = arith.xori %iota3A, %xor3A_673 : vector<16xi32>
        %lt3A_675 = arith.constant 0 : i32
        %lt3A_676 = vector.broadcast %lt3A_675 : i32 to vector<16xi32>
        %lt3A_677 = arith.cmpi slt, %xor3A_674, %lt3A_676 : vector<16xi32>
        %add3A_678 = arith.constant 16 : i32
        %add3A_679 = vector.broadcast %add3A_678 : i32 to vector<16xi32>
        %add3A_680 = arith.addi %xor3A_674, %add3A_679 : vector<16xi32>
        %select_n3A_681 = arith.select %lt3A_677, %add3A_680, %xor3A_674 : vector<16xi1>, vector<16xi32>
        %broadcast_in_dim3A_682 = vector.shape_cast %select_n3A_681 : vector<16xi32> to vector<16x1xi32>
        %gather3A_683 = vector.shape_cast %broadcast_in_dim3A_682 : vector<16x1xi32> to vector<16xi32>
        %gather3A_684 = tpu.dynamic_gather %get3A_666[%gather3A_683] in [0] : vector<16xf32>, vector<16xi32> -> vector<16xf32>
        %min3A_685 = arith.minimumf %get3A_666, %gather3A_684 : vector<16xf32>
        %xor3A_686 = arith.constant 2 : i32
        %xor3A_687 = vector.broadcast %xor3A_686 : i32 to vector<16xi32>
        %xor3A_688 = arith.xori %iota3A, %xor3A_687 : vector<16xi32>
        %lt3A_689 = arith.constant 0 : i32
        %lt3A_690 = vector.broadcast %lt3A_689 : i32 to vector<16xi32>
        %lt3A_691 = arith.cmpi slt, %xor3A_688, %lt3A_690 : vector<16xi32>
        %add3A_692 = arith.constant 16 : i32
        %add3A_693 = vector.broadcast %add3A_692 : i32 to vector<16xi32>
        %add3A_694 = arith.addi %xor3A_688, %add3A_693 : vector<16xi32>
        %select_n3A_695 = arith.select %lt3A_691, %add3A_694, %xor3A_688 : vector<16xi1>, vector<16xi32>
        %broadcast_in_dim3A_696 = vector.shape_cast %select_n3A_695 : vector<16xi32> to vector<16x1xi32>
        %gather3A_697 = vector.shape_cast %broadcast_in_dim3A_696 : vector<16x1xi32> to vector<16xi32>
        %gather3A_698 = tpu.dynamic_gather %min3A_685[%gather3A_697] in [0] : vector<16xf32>, vector<16xi32> -> vector<16xf32>
        %min3A_699 = arith.minimumf %min3A_685, %gather3A_698 : vector<16xf32>
        %xor3A_700 = arith.constant 4 : i32
        %xor3A_701 = vector.broadcast %xor3A_700 : i32 to vector<16xi32>
        %xor3A_702 = arith.xori %iota3A, %xor3A_701 : vector<16xi32>
        %lt3A_703 = arith.constant 0 : i32
        %lt3A_704 = vector.broadcast %lt3A_703 : i32 to vector<16xi32>
        %lt3A_705 = arith.cmpi slt, %xor3A_702, %lt3A_704 : vector<16xi32>
        %add3A_706 = arith.constant 16 : i32
        %add3A_707 = vector.broadcast %add3A_706 : i32 to vector<16xi32>
        %add3A_708 = arith.addi %xor3A_702, %add3A_707 : vector<16xi32>
        %select_n3A_709 = arith.select %lt3A_705, %add3A_708, %xor3A_702 : vector<16xi1>, vector<16xi32>
        %broadcast_in_dim3A_710 = vector.shape_cast %select_n3A_709 : vector<16xi32> to vector<16x1xi32>
        %gather3A_711 = vector.shape_cast %broadcast_in_dim3A_710 : vector<16x1xi32> to vector<16xi32>
        %gather3A_712 = tpu.dynamic_gather %min3A_699[%gather3A_711] in [0] : vector<16xf32>, vector<16xi32> -> vector<16xf32>
        %min3A_713 = arith.minimumf %min3A_699, %gather3A_712 : vector<16xf32>
        %xor3A_714 = arith.constant 8 : i32
        %xor3A_715 = vector.broadcast %xor3A_714 : i32 to vector<16xi32>
        %xor3A_716 = arith.xori %iota3A, %xor3A_715 : vector<16xi32>
        %lt3A_717 = arith.constant 0 : i32
        %lt3A_718 = vector.broadcast %lt3A_717 : i32 to vector<16xi32>
        %lt3A_719 = arith.cmpi slt, %xor3A_716, %lt3A_718 : vector<16xi32>
        %add3A_720 = arith.constant 16 : i32
        %add3A_721 = vector.broadcast %add3A_720 : i32 to vector<16xi32>
        %add3A_722 = arith.addi %xor3A_716, %add3A_721 : vector<16xi32>
        %select_n3A_723 = arith.select %lt3A_719, %add3A_722, %xor3A_716 : vector<16xi1>, vector<16xi32>
        %broadcast_in_dim3A_724 = vector.shape_cast %select_n3A_723 : vector<16xi32> to vector<16x1xi32>
        %gather3A_725 = vector.shape_cast %broadcast_in_dim3A_724 : vector<16x1xi32> to vector<16xi32>
        %gather3A_726 = tpu.dynamic_gather %min3A_713[%gather3A_725] in [0] : vector<16xf32>, vector<16xi32> -> vector<16xf32>
        %min3A_727 = arith.minimumf %min3A_713, %gather3A_726 : vector<16xf32>
        %slice3A_728 = vector.extract_strided_slice %min3A_727 {offsets = [0], sizes = [1], strides = [1]} : vector<16xf32> to vector<1xf32>
        %squeeze3A_729 = vector.extract %slice3A_728[0] : f32 from vector<1xf32>
        %le3A = arith.cmpf ole, %squeeze3A_729, %min3A : f32
        %convert_element_type3A_730 = arith.extui %le3A : i1 to i32
        %cond3A_731 = arith.constant 0 : i32
        %cond3A_732 = arith.cmpi ne, %convert_element_type3A_730, %cond3A_731 : i32
        scf.if %cond3A_732 {
          %mul3A_734 = arith.constant 16 : i32
          %mul3A_735 = arith.muli %scan3A_658, %mul3A_734 : i32
          %add3A_736 = vector.broadcast %mul3A_735 : i32 to vector<16xi32>
          %add3A_737 = arith.addi %add3A_736, %iota3A : vector<16xi32>
          %shift_right_arithmetic3A = arith.constant 1 : i32
          %shift_right_arithmetic3A_738 = vector.broadcast %shift_right_arithmetic3A : i32 to vector<16xi32>
          %shift_right_arithmetic3A_739 = arith.shrsi %iota3A, %shift_right_arithmetic3A_738 : vector<16xi32>
          %and3A_740 = arith.constant 1 : i32
          %and3A_741 = vector.broadcast %and3A_740 : i32 to vector<16xi32>
          %and3A_742 = arith.andi %shift_right_arithmetic3A_739, %and3A_741 : vector<16xi32>
          %sub3A_743 = arith.constant 1 : i32
          %sub3A_744 = vector.broadcast %sub3A_743 : i32 to vector<16xi32>
          %sub3A_745 = arith.subi %sub3A_744, %and3A_742 : vector<16xi32>
          %xor3A_746 = arith.constant 1 : i32
          %xor3A_747 = vector.broadcast %xor3A_746 : i32 to vector<16xi32>
          %xor3A_748 = arith.xori %iota3A, %xor3A_747 : vector<16xi32>
          %lt3A_749 = arith.constant 0 : i32
          %lt3A_750 = vector.broadcast %lt3A_749 : i32 to vector<16xi32>
          %lt3A_751 = arith.cmpi slt, %xor3A_748, %lt3A_750 : vector<16xi32>
          %add3A_752 = arith.constant 16 : i32
          %add3A_753 = vector.broadcast %add3A_752 : i32 to vector<16xi32>
          %add3A_754 = arith.addi %xor3A_748, %add3A_753 : vector<16xi32>
          %select_n3A_755 = arith.select %lt3A_751, %add3A_754, %xor3A_748 : vector<16xi1>, vector<16xi32>
          %broadcast_in_dim3A_756 = vector.shape_cast %select_n3A_755 : vector<16xi32> to vector<16x1xi32>
          %gather3A_757 = vector.shape_cast %broadcast_in_dim3A_756 : vector<16x1xi32> to vector<16xi32>
          %gather3A_758 = tpu.dynamic_gather %get3A_666[%gather3A_757] in [0] : vector<16xf32>, vector<16xi32> -> vector<16xf32>
          %lt3A_759 = arith.constant 0 : i32
          %lt3A_760 = vector.broadcast %lt3A_759 : i32 to vector<16xi32>
          %lt3A_761 = arith.cmpi slt, %xor3A_748, %lt3A_760 : vector<16xi32>
          %add3A_762 = arith.constant 16 : i32
          %add3A_763 = vector.broadcast %add3A_762 : i32 to vector<16xi32>
          %add3A_764 = arith.addi %xor3A_748, %add3A_763 : vector<16xi32>
          %select_n3A_765 = arith.select %lt3A_761, %add3A_764, %xor3A_748 : vector<16xi1>, vector<16xi32>
          %broadcast_in_dim3A_766 = vector.shape_cast %select_n3A_765 : vector<16xi32> to vector<16x1xi32>
          %gather3A_767 = vector.shape_cast %broadcast_in_dim3A_766 : vector<16x1xi32> to vector<16xi32>
          %gather3A_768 = tpu.dynamic_gather %add3A_737[%gather3A_767] in [0] : vector<16xi32>, vector<16xi32> -> vector<16xi32>
          %shift_right_arithmetic3A_769 = arith.constant 0 : i32
          %shift_right_arithmetic3A_770 = vector.broadcast %shift_right_arithmetic3A_769 : i32 to vector<16xi32>
          %shift_right_arithmetic3A_771 = arith.shrsi %iota3A, %shift_right_arithmetic3A_770 : vector<16xi32>
          %and3A_772 = arith.constant 1 : i32
          %and3A_773 = vector.broadcast %and3A_772 : i32 to vector<16xi32>
          %and3A_774 = arith.andi %shift_right_arithmetic3A_771, %and3A_773 : vector<16xi32>
          %sub3A_775 = arith.constant 1 : i32
          %sub3A_776 = vector.broadcast %sub3A_775 : i32 to vector<16xi32>
          %sub3A_777 = arith.subi %sub3A_776, %and3A_774 : vector<16xi32>
          %xor3A_778 = arith.xori %sub3A_777, %sub3A_745 : vector<16xi32>
          %lt3A_779 = arith.cmpf olt, %gather3A_758, %get3A_666 : vector<16xf32>
          %select_n3A_780 = arith.select %lt3A_779, %broadcast_in_dim3A_510, %broadcast_in_dim3A_512 : vector<16xi1>, vector<16xi32>
          %eq3A = arith.cmpf oeq, %gather3A_758, %get3A_666 : vector<16xf32>
          %select_n3A_781 = arith.select %eq3A, %broadcast_in_dim3A_510, %broadcast_in_dim3A_512 : vector<16xi1>, vector<16xi32>
          %lt3A_782 = arith.cmpi slt, %gather3A_768, %add3A_737 : vector<16xi32>
          %select_n3A_783 = arith.select %lt3A_782, %broadcast_in_dim3A_510, %broadcast_in_dim3A_512 : vector<16xi1>, vector<16xi32>
          %and3A_784 = arith.andi %select_n3A_781, %select_n3A_783 : vector<16xi32>
          %or3A = arith.ori %select_n3A_780, %and3A_784 : vector<16xi32>
          %xor3A_785 = arith.xori %xor3A_778, %or3A : vector<16xi32>
          %eq3A_786 = arith.constant 1 : i32
          %eq3A_787 = vector.broadcast %eq3A_786 : i32 to vector<16xi32>
          %eq3A_788 = arith.cmpi eq, %xor3A_785, %eq3A_787 : vector<16xi32>
          %select_n3A_789 = arith.select %eq3A_788, %gather3A_758, %get3A_666 : vector<16xi1>, vector<16xf32>
          %select_n3A_790 = arith.select %eq3A_788, %gather3A_768, %add3A_737 : vector<16xi1>, vector<16xi32>
          %shift_right_arithmetic3A_791 = arith.constant 2 : i32
          %shift_right_arithmetic3A_792 = vector.broadcast %shift_right_arithmetic3A_791 : i32 to vector<16xi32>
          %shift_right_arithmetic3A_793 = arith.shrsi %iota3A, %shift_right_arithmetic3A_792 : vector<16xi32>
          %and3A_794 = arith.constant 1 : i32
          %and3A_795 = vector.broadcast %and3A_794 : i32 to vector<16xi32>
          %and3A_796 = arith.andi %shift_right_arithmetic3A_793, %and3A_795 : vector<16xi32>
          %sub3A_797 = arith.constant 1 : i32
          %sub3A_798 = vector.broadcast %sub3A_797 : i32 to vector<16xi32>
          %sub3A_799 = arith.subi %sub3A_798, %and3A_796 : vector<16xi32>
          %xor3A_800 = arith.constant 2 : i32
          %xor3A_801 = vector.broadcast %xor3A_800 : i32 to vector<16xi32>
          %xor3A_802 = arith.xori %iota3A, %xor3A_801 : vector<16xi32>
          %lt3A_803 = arith.constant 0 : i32
          %lt3A_804 = vector.broadcast %lt3A_803 : i32 to vector<16xi32>
          %lt3A_805 = arith.cmpi slt, %xor3A_802, %lt3A_804 : vector<16xi32>
          %add3A_806 = arith.constant 16 : i32
          %add3A_807 = vector.broadcast %add3A_806 : i32 to vector<16xi32>
          %add3A_808 = arith.addi %xor3A_802, %add3A_807 : vector<16xi32>
          %select_n3A_809 = arith.select %lt3A_805, %add3A_808, %xor3A_802 : vector<16xi1>, vector<16xi32>
          %broadcast_in_dim3A_810 = vector.shape_cast %select_n3A_809 : vector<16xi32> to vector<16x1xi32>
          %gather3A_811 = vector.shape_cast %broadcast_in_dim3A_810 : vector<16x1xi32> to vector<16xi32>
          %gather3A_812 = tpu.dynamic_gather %select_n3A_789[%gather3A_811] in [0] : vector<16xf32>, vector<16xi32> -> vector<16xf32>
          %lt3A_813 = arith.constant 0 : i32
          %lt3A_814 = vector.broadcast %lt3A_813 : i32 to vector<16xi32>
          %lt3A_815 = arith.cmpi slt, %xor3A_802, %lt3A_814 : vector<16xi32>
          %add3A_816 = arith.constant 16 : i32
          %add3A_817 = vector.broadcast %add3A_816 : i32 to vector<16xi32>
          %add3A_818 = arith.addi %xor3A_802, %add3A_817 : vector<16xi32>
          %select_n3A_819 = arith.select %lt3A_815, %add3A_818, %xor3A_802 : vector<16xi1>, vector<16xi32>
          %broadcast_in_dim3A_820 = vector.shape_cast %select_n3A_819 : vector<16xi32> to vector<16x1xi32>
          %gather3A_821 = vector.shape_cast %broadcast_in_dim3A_820 : vector<16x1xi32> to vector<16xi32>
          %gather3A_822 = tpu.dynamic_gather %select_n3A_790[%gather3A_821] in [0] : vector<16xi32>, vector<16xi32> -> vector<16xi32>
          %shift_right_arithmetic3A_823 = arith.constant 1 : i32
          %shift_right_arithmetic3A_824 = vector.broadcast %shift_right_arithmetic3A_823 : i32 to vector<16xi32>
          %shift_right_arithmetic3A_825 = arith.shrsi %iota3A, %shift_right_arithmetic3A_824 : vector<16xi32>
          %and3A_826 = arith.constant 1 : i32
          %and3A_827 = vector.broadcast %and3A_826 : i32 to vector<16xi32>
          %and3A_828 = arith.andi %shift_right_arithmetic3A_825, %and3A_827 : vector<16xi32>
          %sub3A_829 = arith.constant 1 : i32
          %sub3A_830 = vector.broadcast %sub3A_829 : i32 to vector<16xi32>
          %sub3A_831 = arith.subi %sub3A_830, %and3A_828 : vector<16xi32>
          %xor3A_832 = arith.xori %sub3A_831, %sub3A_799 : vector<16xi32>
          %lt3A_833 = arith.cmpf olt, %gather3A_812, %select_n3A_789 : vector<16xf32>
          %select_n3A_834 = arith.select %lt3A_833, %broadcast_in_dim3A_510, %broadcast_in_dim3A_512 : vector<16xi1>, vector<16xi32>
          %eq3A_835 = arith.cmpf oeq, %gather3A_812, %select_n3A_789 : vector<16xf32>
          %select_n3A_836 = arith.select %eq3A_835, %broadcast_in_dim3A_510, %broadcast_in_dim3A_512 : vector<16xi1>, vector<16xi32>
          %lt3A_837 = arith.cmpi slt, %gather3A_822, %select_n3A_790 : vector<16xi32>
          %select_n3A_838 = arith.select %lt3A_837, %broadcast_in_dim3A_510, %broadcast_in_dim3A_512 : vector<16xi1>, vector<16xi32>
          %and3A_839 = arith.andi %select_n3A_836, %select_n3A_838 : vector<16xi32>
          %or3A_840 = arith.ori %select_n3A_834, %and3A_839 : vector<16xi32>
          %xor3A_841 = arith.xori %xor3A_832, %or3A_840 : vector<16xi32>
          %eq3A_842 = arith.constant 1 : i32
          %eq3A_843 = vector.broadcast %eq3A_842 : i32 to vector<16xi32>
          %eq3A_844 = arith.cmpi eq, %xor3A_841, %eq3A_843 : vector<16xi32>
          %select_n3A_845 = arith.select %eq3A_844, %gather3A_812, %select_n3A_789 : vector<16xi1>, vector<16xf32>
          %select_n3A_846 = arith.select %eq3A_844, %gather3A_822, %select_n3A_790 : vector<16xi1>, vector<16xi32>
          %xor3A_847 = arith.constant 1 : i32
          %xor3A_848 = vector.broadcast %xor3A_847 : i32 to vector<16xi32>
          %xor3A_849 = arith.xori %iota3A, %xor3A_848 : vector<16xi32>
          %lt3A_850 = arith.constant 0 : i32
          %lt3A_851 = vector.broadcast %lt3A_850 : i32 to vector<16xi32>
          %lt3A_852 = arith.cmpi slt, %xor3A_849, %lt3A_851 : vector<16xi32>
          %add3A_853 = arith.constant 16 : i32
          %add3A_854 = vector.broadcast %add3A_853 : i32 to vector<16xi32>
          %add3A_855 = arith.addi %xor3A_849, %add3A_854 : vector<16xi32>
          %select_n3A_856 = arith.select %lt3A_852, %add3A_855, %xor3A_849 : vector<16xi1>, vector<16xi32>
          %broadcast_in_dim3A_857 = vector.shape_cast %select_n3A_856 : vector<16xi32> to vector<16x1xi32>
          %gather3A_858 = vector.shape_cast %broadcast_in_dim3A_857 : vector<16x1xi32> to vector<16xi32>
          %gather3A_859 = tpu.dynamic_gather %select_n3A_845[%gather3A_858] in [0] : vector<16xf32>, vector<16xi32> -> vector<16xf32>
          %lt3A_860 = arith.constant 0 : i32
          %lt3A_861 = vector.broadcast %lt3A_860 : i32 to vector<16xi32>
          %lt3A_862 = arith.cmpi slt, %xor3A_849, %lt3A_861 : vector<16xi32>
          %add3A_863 = arith.constant 16 : i32
          %add3A_864 = vector.broadcast %add3A_863 : i32 to vector<16xi32>
          %add3A_865 = arith.addi %xor3A_849, %add3A_864 : vector<16xi32>
          %select_n3A_866 = arith.select %lt3A_862, %add3A_865, %xor3A_849 : vector<16xi1>, vector<16xi32>
          %broadcast_in_dim3A_867 = vector.shape_cast %select_n3A_866 : vector<16xi32> to vector<16x1xi32>
          %gather3A_868 = vector.shape_cast %broadcast_in_dim3A_867 : vector<16x1xi32> to vector<16xi32>
          %gather3A_869 = tpu.dynamic_gather %select_n3A_846[%gather3A_868] in [0] : vector<16xi32>, vector<16xi32> -> vector<16xi32>
          %shift_right_arithmetic3A_870 = arith.constant 0 : i32
          %shift_right_arithmetic3A_871 = vector.broadcast %shift_right_arithmetic3A_870 : i32 to vector<16xi32>
          %shift_right_arithmetic3A_872 = arith.shrsi %iota3A, %shift_right_arithmetic3A_871 : vector<16xi32>
          %and3A_873 = arith.constant 1 : i32
          %and3A_874 = vector.broadcast %and3A_873 : i32 to vector<16xi32>
          %and3A_875 = arith.andi %shift_right_arithmetic3A_872, %and3A_874 : vector<16xi32>
          %sub3A_876 = arith.constant 1 : i32
          %sub3A_877 = vector.broadcast %sub3A_876 : i32 to vector<16xi32>
          %sub3A_878 = arith.subi %sub3A_877, %and3A_875 : vector<16xi32>
          %xor3A_879 = arith.xori %sub3A_878, %sub3A_799 : vector<16xi32>
          %lt3A_880 = arith.cmpf olt, %gather3A_859, %select_n3A_845 : vector<16xf32>
          %select_n3A_881 = arith.select %lt3A_880, %broadcast_in_dim3A_510, %broadcast_in_dim3A_512 : vector<16xi1>, vector<16xi32>
          %eq3A_882 = arith.cmpf oeq, %gather3A_859, %select_n3A_845 : vector<16xf32>
          %select_n3A_883 = arith.select %eq3A_882, %broadcast_in_dim3A_510, %broadcast_in_dim3A_512 : vector<16xi1>, vector<16xi32>
          %lt3A_884 = arith.cmpi slt, %gather3A_869, %select_n3A_846 : vector<16xi32>
          %select_n3A_885 = arith.select %lt3A_884, %broadcast_in_dim3A_510, %broadcast_in_dim3A_512 : vector<16xi1>, vector<16xi32>
          %and3A_886 = arith.andi %select_n3A_883, %select_n3A_885 : vector<16xi32>
          %or3A_887 = arith.ori %select_n3A_881, %and3A_886 : vector<16xi32>
          %xor3A_888 = arith.xori %xor3A_879, %or3A_887 : vector<16xi32>
          %eq3A_889 = arith.constant 1 : i32
          %eq3A_890 = vector.broadcast %eq3A_889 : i32 to vector<16xi32>
          %eq3A_891 = arith.cmpi eq, %xor3A_888, %eq3A_890 : vector<16xi32>
          %select_n3A_892 = arith.select %eq3A_891, %gather3A_859, %select_n3A_845 : vector<16xi1>, vector<16xf32>
          %select_n3A_893 = arith.select %eq3A_891, %gather3A_869, %select_n3A_846 : vector<16xi1>, vector<16xi32>
          %shift_right_arithmetic3A_894 = arith.constant 3 : i32
          %shift_right_arithmetic3A_895 = vector.broadcast %shift_right_arithmetic3A_894 : i32 to vector<16xi32>
          %shift_right_arithmetic3A_896 = arith.shrsi %iota3A, %shift_right_arithmetic3A_895 : vector<16xi32>
          %and3A_897 = arith.constant 1 : i32
          %and3A_898 = vector.broadcast %and3A_897 : i32 to vector<16xi32>
          %and3A_899 = arith.andi %shift_right_arithmetic3A_896, %and3A_898 : vector<16xi32>
          %sub3A_900 = arith.constant 1 : i32
          %sub3A_901 = vector.broadcast %sub3A_900 : i32 to vector<16xi32>
          %sub3A_902 = arith.subi %sub3A_901, %and3A_899 : vector<16xi32>
          %xor3A_903 = arith.constant 4 : i32
          %xor3A_904 = vector.broadcast %xor3A_903 : i32 to vector<16xi32>
          %xor3A_905 = arith.xori %iota3A, %xor3A_904 : vector<16xi32>
          %lt3A_906 = arith.constant 0 : i32
          %lt3A_907 = vector.broadcast %lt3A_906 : i32 to vector<16xi32>
          %lt3A_908 = arith.cmpi slt, %xor3A_905, %lt3A_907 : vector<16xi32>
          %add3A_909 = arith.constant 16 : i32
          %add3A_910 = vector.broadcast %add3A_909 : i32 to vector<16xi32>
          %add3A_911 = arith.addi %xor3A_905, %add3A_910 : vector<16xi32>
          %select_n3A_912 = arith.select %lt3A_908, %add3A_911, %xor3A_905 : vector<16xi1>, vector<16xi32>
          %broadcast_in_dim3A_913 = vector.shape_cast %select_n3A_912 : vector<16xi32> to vector<16x1xi32>
          %gather3A_914 = vector.shape_cast %broadcast_in_dim3A_913 : vector<16x1xi32> to vector<16xi32>
          %gather3A_915 = tpu.dynamic_gather %select_n3A_892[%gather3A_914] in [0] : vector<16xf32>, vector<16xi32> -> vector<16xf32>
          %lt3A_916 = arith.constant 0 : i32
          %lt3A_917 = vector.broadcast %lt3A_916 : i32 to vector<16xi32>
          %lt3A_918 = arith.cmpi slt, %xor3A_905, %lt3A_917 : vector<16xi32>
          %add3A_919 = arith.constant 16 : i32
          %add3A_920 = vector.broadcast %add3A_919 : i32 to vector<16xi32>
          %add3A_921 = arith.addi %xor3A_905, %add3A_920 : vector<16xi32>
          %select_n3A_922 = arith.select %lt3A_918, %add3A_921, %xor3A_905 : vector<16xi1>, vector<16xi32>
          %broadcast_in_dim3A_923 = vector.shape_cast %select_n3A_922 : vector<16xi32> to vector<16x1xi32>
          %gather3A_924 = vector.shape_cast %broadcast_in_dim3A_923 : vector<16x1xi32> to vector<16xi32>
          %gather3A_925 = tpu.dynamic_gather %select_n3A_893[%gather3A_924] in [0] : vector<16xi32>, vector<16xi32> -> vector<16xi32>
          %shift_right_arithmetic3A_926 = arith.constant 2 : i32
          %shift_right_arithmetic3A_927 = vector.broadcast %shift_right_arithmetic3A_926 : i32 to vector<16xi32>
          %shift_right_arithmetic3A_928 = arith.shrsi %iota3A, %shift_right_arithmetic3A_927 : vector<16xi32>
          %and3A_929 = arith.constant 1 : i32
          %and3A_930 = vector.broadcast %and3A_929 : i32 to vector<16xi32>
          %and3A_931 = arith.andi %shift_right_arithmetic3A_928, %and3A_930 : vector<16xi32>
          %sub3A_932 = arith.constant 1 : i32
          %sub3A_933 = vector.broadcast %sub3A_932 : i32 to vector<16xi32>
          %sub3A_934 = arith.subi %sub3A_933, %and3A_931 : vector<16xi32>
          %xor3A_935 = arith.xori %sub3A_934, %sub3A_902 : vector<16xi32>
          %lt3A_936 = arith.cmpf olt, %gather3A_915, %select_n3A_892 : vector<16xf32>
          %select_n3A_937 = arith.select %lt3A_936, %broadcast_in_dim3A_510, %broadcast_in_dim3A_512 : vector<16xi1>, vector<16xi32>
          %eq3A_938 = arith.cmpf oeq, %gather3A_915, %select_n3A_892 : vector<16xf32>
          %select_n3A_939 = arith.select %eq3A_938, %broadcast_in_dim3A_510, %broadcast_in_dim3A_512 : vector<16xi1>, vector<16xi32>
          %lt3A_940 = arith.cmpi slt, %gather3A_925, %select_n3A_893 : vector<16xi32>
          %select_n3A_941 = arith.select %lt3A_940, %broadcast_in_dim3A_510, %broadcast_in_dim3A_512 : vector<16xi1>, vector<16xi32>
          %and3A_942 = arith.andi %select_n3A_939, %select_n3A_941 : vector<16xi32>
          %or3A_943 = arith.ori %select_n3A_937, %and3A_942 : vector<16xi32>
          %xor3A_944 = arith.xori %xor3A_935, %or3A_943 : vector<16xi32>
          %eq3A_945 = arith.constant 1 : i32
          %eq3A_946 = vector.broadcast %eq3A_945 : i32 to vector<16xi32>
          %eq3A_947 = arith.cmpi eq, %xor3A_944, %eq3A_946 : vector<16xi32>
          %select_n3A_948 = arith.select %eq3A_947, %gather3A_915, %select_n3A_892 : vector<16xi1>, vector<16xf32>
          %select_n3A_949 = arith.select %eq3A_947, %gather3A_925, %select_n3A_893 : vector<16xi1>, vector<16xi32>
          %xor3A_950 = arith.constant 2 : i32
          %xor3A_951 = vector.broadcast %xor3A_950 : i32 to vector<16xi32>
          %xor3A_952 = arith.xori %iota3A, %xor3A_951 : vector<16xi32>
          %lt3A_953 = arith.constant 0 : i32
          %lt3A_954 = vector.broadcast %lt3A_953 : i32 to vector<16xi32>
          %lt3A_955 = arith.cmpi slt, %xor3A_952, %lt3A_954 : vector<16xi32>
          %add3A_956 = arith.constant 16 : i32
          %add3A_957 = vector.broadcast %add3A_956 : i32 to vector<16xi32>
          %add3A_958 = arith.addi %xor3A_952, %add3A_957 : vector<16xi32>
          %select_n3A_959 = arith.select %lt3A_955, %add3A_958, %xor3A_952 : vector<16xi1>, vector<16xi32>
          %broadcast_in_dim3A_960 = vector.shape_cast %select_n3A_959 : vector<16xi32> to vector<16x1xi32>
          %gather3A_961 = vector.shape_cast %broadcast_in_dim3A_960 : vector<16x1xi32> to vector<16xi32>
          %gather3A_962 = tpu.dynamic_gather %select_n3A_948[%gather3A_961] in [0] : vector<16xf32>, vector<16xi32> -> vector<16xf32>
          %lt3A_963 = arith.constant 0 : i32
          %lt3A_964 = vector.broadcast %lt3A_963 : i32 to vector<16xi32>
          %lt3A_965 = arith.cmpi slt, %xor3A_952, %lt3A_964 : vector<16xi32>
          %add3A_966 = arith.constant 16 : i32
          %add3A_967 = vector.broadcast %add3A_966 : i32 to vector<16xi32>
          %add3A_968 = arith.addi %xor3A_952, %add3A_967 : vector<16xi32>
          %select_n3A_969 = arith.select %lt3A_965, %add3A_968, %xor3A_952 : vector<16xi1>, vector<16xi32>
          %broadcast_in_dim3A_970 = vector.shape_cast %select_n3A_969 : vector<16xi32> to vector<16x1xi32>
          %gather3A_971 = vector.shape_cast %broadcast_in_dim3A_970 : vector<16x1xi32> to vector<16xi32>
          %gather3A_972 = tpu.dynamic_gather %select_n3A_949[%gather3A_971] in [0] : vector<16xi32>, vector<16xi32> -> vector<16xi32>
          %shift_right_arithmetic3A_973 = arith.constant 1 : i32
          %shift_right_arithmetic3A_974 = vector.broadcast %shift_right_arithmetic3A_973 : i32 to vector<16xi32>
          %shift_right_arithmetic3A_975 = arith.shrsi %iota3A, %shift_right_arithmetic3A_974 : vector<16xi32>
          %and3A_976 = arith.constant 1 : i32
          %and3A_977 = vector.broadcast %and3A_976 : i32 to vector<16xi32>
          %and3A_978 = arith.andi %shift_right_arithmetic3A_975, %and3A_977 : vector<16xi32>
          %sub3A_979 = arith.constant 1 : i32
          %sub3A_980 = vector.broadcast %sub3A_979 : i32 to vector<16xi32>
          %sub3A_981 = arith.subi %sub3A_980, %and3A_978 : vector<16xi32>
          %xor3A_982 = arith.xori %sub3A_981, %sub3A_902 : vector<16xi32>
          %lt3A_983 = arith.cmpf olt, %gather3A_962, %select_n3A_948 : vector<16xf32>
          %select_n3A_984 = arith.select %lt3A_983, %broadcast_in_dim3A_510, %broadcast_in_dim3A_512 : vector<16xi1>, vector<16xi32>
          %eq3A_985 = arith.cmpf oeq, %gather3A_962, %select_n3A_948 : vector<16xf32>
          %select_n3A_986 = arith.select %eq3A_985, %broadcast_in_dim3A_510, %broadcast_in_dim3A_512 : vector<16xi1>, vector<16xi32>
          %lt3A_987 = arith.cmpi slt, %gather3A_972, %select_n3A_949 : vector<16xi32>
          %select_n3A_988 = arith.select %lt3A_987, %broadcast_in_dim3A_510, %broadcast_in_dim3A_512 : vector<16xi1>, vector<16xi32>
          %and3A_989 = arith.andi %select_n3A_986, %select_n3A_988 : vector<16xi32>
          %or3A_990 = arith.ori %select_n3A_984, %and3A_989 : vector<16xi32>
          %xor3A_991 = arith.xori %xor3A_982, %or3A_990 : vector<16xi32>
          %eq3A_992 = arith.constant 1 : i32
          %eq3A_993 = vector.broadcast %eq3A_992 : i32 to vector<16xi32>
          %eq3A_994 = arith.cmpi eq, %xor3A_991, %eq3A_993 : vector<16xi32>
          %select_n3A_995 = arith.select %eq3A_994, %gather3A_962, %select_n3A_948 : vector<16xi1>, vector<16xf32>
          %select_n3A_996 = arith.select %eq3A_994, %gather3A_972, %select_n3A_949 : vector<16xi1>, vector<16xi32>
          %xor3A_997 = arith.constant 1 : i32
          %xor3A_998 = vector.broadcast %xor3A_997 : i32 to vector<16xi32>
          %xor3A_999 = arith.xori %iota3A, %xor3A_998 : vector<16xi32>
          %lt3A_1000 = arith.constant 0 : i32
          %lt3A_1001 = vector.broadcast %lt3A_1000 : i32 to vector<16xi32>
          %lt3A_1002 = arith.cmpi slt, %xor3A_999, %lt3A_1001 : vector<16xi32>
          %add3A_1003 = arith.constant 16 : i32
          %add3A_1004 = vector.broadcast %add3A_1003 : i32 to vector<16xi32>
          %add3A_1005 = arith.addi %xor3A_999, %add3A_1004 : vector<16xi32>
          %select_n3A_1006 = arith.select %lt3A_1002, %add3A_1005, %xor3A_999 : vector<16xi1>, vector<16xi32>
          %broadcast_in_dim3A_1007 = vector.shape_cast %select_n3A_1006 : vector<16xi32> to vector<16x1xi32>
          %gather3A_1008 = vector.shape_cast %broadcast_in_dim3A_1007 : vector<16x1xi32> to vector<16xi32>
          %gather3A_1009 = tpu.dynamic_gather %select_n3A_995[%gather3A_1008] in [0] : vector<16xf32>, vector<16xi32> -> vector<16xf32>
          %lt3A_1010 = arith.constant 0 : i32
          %lt3A_1011 = vector.broadcast %lt3A_1010 : i32 to vector<16xi32>
          %lt3A_1012 = arith.cmpi slt, %xor3A_999, %lt3A_1011 : vector<16xi32>
          %add3A_1013 = arith.constant 16 : i32
          %add3A_1014 = vector.broadcast %add3A_1013 : i32 to vector<16xi32>
          %add3A_1015 = arith.addi %xor3A_999, %add3A_1014 : vector<16xi32>
          %select_n3A_1016 = arith.select %lt3A_1012, %add3A_1015, %xor3A_999 : vector<16xi1>, vector<16xi32>
          %broadcast_in_dim3A_1017 = vector.shape_cast %select_n3A_1016 : vector<16xi32> to vector<16x1xi32>
          %gather3A_1018 = vector.shape_cast %broadcast_in_dim3A_1017 : vector<16x1xi32> to vector<16xi32>
          %gather3A_1019 = tpu.dynamic_gather %select_n3A_996[%gather3A_1018] in [0] : vector<16xi32>, vector<16xi32> -> vector<16xi32>
          %shift_right_arithmetic3A_1020 = arith.constant 0 : i32
          %shift_right_arithmetic3A_1021 = vector.broadcast %shift_right_arithmetic3A_1020 : i32 to vector<16xi32>
          %shift_right_arithmetic3A_1022 = arith.shrsi %iota3A, %shift_right_arithmetic3A_1021 : vector<16xi32>
          %and3A_1023 = arith.constant 1 : i32
          %and3A_1024 = vector.broadcast %and3A_1023 : i32 to vector<16xi32>
          %and3A_1025 = arith.andi %shift_right_arithmetic3A_1022, %and3A_1024 : vector<16xi32>
          %sub3A_1026 = arith.constant 1 : i32
          %sub3A_1027 = vector.broadcast %sub3A_1026 : i32 to vector<16xi32>
          %sub3A_1028 = arith.subi %sub3A_1027, %and3A_1025 : vector<16xi32>
          %xor3A_1029 = arith.xori %sub3A_1028, %sub3A_902 : vector<16xi32>
          %lt3A_1030 = arith.cmpf olt, %gather3A_1009, %select_n3A_995 : vector<16xf32>
          %select_n3A_1031 = arith.select %lt3A_1030, %broadcast_in_dim3A_510, %broadcast_in_dim3A_512 : vector<16xi1>, vector<16xi32>
          %eq3A_1032 = arith.cmpf oeq, %gather3A_1009, %select_n3A_995 : vector<16xf32>
          %select_n3A_1033 = arith.select %eq3A_1032, %broadcast_in_dim3A_510, %broadcast_in_dim3A_512 : vector<16xi1>, vector<16xi32>
          %lt3A_1034 = arith.cmpi slt, %gather3A_1019, %select_n3A_996 : vector<16xi32>
          %select_n3A_1035 = arith.select %lt3A_1034, %broadcast_in_dim3A_510, %broadcast_in_dim3A_512 : vector<16xi1>, vector<16xi32>
          %and3A_1036 = arith.andi %select_n3A_1033, %select_n3A_1035 : vector<16xi32>
          %or3A_1037 = arith.ori %select_n3A_1031, %and3A_1036 : vector<16xi32>
          %xor3A_1038 = arith.xori %xor3A_1029, %or3A_1037 : vector<16xi32>
          %eq3A_1039 = arith.constant 1 : i32
          %eq3A_1040 = vector.broadcast %eq3A_1039 : i32 to vector<16xi32>
          %eq3A_1041 = arith.cmpi eq, %xor3A_1038, %eq3A_1040 : vector<16xi32>
          %select_n3A_1042 = arith.select %eq3A_1041, %gather3A_1009, %select_n3A_995 : vector<16xi1>, vector<16xf32>
          %select_n3A_1043 = arith.select %eq3A_1041, %gather3A_1019, %select_n3A_996 : vector<16xi1>, vector<16xi32>
          %shift_right_arithmetic3A_1044 = arith.constant 4 : i32
          %shift_right_arithmetic3A_1045 = vector.broadcast %shift_right_arithmetic3A_1044 : i32 to vector<16xi32>
          %shift_right_arithmetic3A_1046 = arith.shrsi %iota3A, %shift_right_arithmetic3A_1045 : vector<16xi32>
          %and3A_1047 = arith.constant 1 : i32
          %and3A_1048 = vector.broadcast %and3A_1047 : i32 to vector<16xi32>
          %and3A_1049 = arith.andi %shift_right_arithmetic3A_1046, %and3A_1048 : vector<16xi32>
          %sub3A_1050 = arith.constant 1 : i32
          %sub3A_1051 = vector.broadcast %sub3A_1050 : i32 to vector<16xi32>
          %sub3A_1052 = arith.subi %sub3A_1051, %and3A_1049 : vector<16xi32>
          %xor3A_1053 = arith.constant 8 : i32
          %xor3A_1054 = vector.broadcast %xor3A_1053 : i32 to vector<16xi32>
          %xor3A_1055 = arith.xori %iota3A, %xor3A_1054 : vector<16xi32>
          %lt3A_1056 = arith.constant 0 : i32
          %lt3A_1057 = vector.broadcast %lt3A_1056 : i32 to vector<16xi32>
          %lt3A_1058 = arith.cmpi slt, %xor3A_1055, %lt3A_1057 : vector<16xi32>
          %add3A_1059 = arith.constant 16 : i32
          %add3A_1060 = vector.broadcast %add3A_1059 : i32 to vector<16xi32>
          %add3A_1061 = arith.addi %xor3A_1055, %add3A_1060 : vector<16xi32>
          %select_n3A_1062 = arith.select %lt3A_1058, %add3A_1061, %xor3A_1055 : vector<16xi1>, vector<16xi32>
          %broadcast_in_dim3A_1063 = vector.shape_cast %select_n3A_1062 : vector<16xi32> to vector<16x1xi32>
          %gather3A_1064 = vector.shape_cast %broadcast_in_dim3A_1063 : vector<16x1xi32> to vector<16xi32>
          %gather3A_1065 = tpu.dynamic_gather %select_n3A_1042[%gather3A_1064] in [0] : vector<16xf32>, vector<16xi32> -> vector<16xf32>
          %lt3A_1066 = arith.constant 0 : i32
          %lt3A_1067 = vector.broadcast %lt3A_1066 : i32 to vector<16xi32>
          %lt3A_1068 = arith.cmpi slt, %xor3A_1055, %lt3A_1067 : vector<16xi32>
          %add3A_1069 = arith.constant 16 : i32
          %add3A_1070 = vector.broadcast %add3A_1069 : i32 to vector<16xi32>
          %add3A_1071 = arith.addi %xor3A_1055, %add3A_1070 : vector<16xi32>
          %select_n3A_1072 = arith.select %lt3A_1068, %add3A_1071, %xor3A_1055 : vector<16xi1>, vector<16xi32>
          %broadcast_in_dim3A_1073 = vector.shape_cast %select_n3A_1072 : vector<16xi32> to vector<16x1xi32>
          %gather3A_1074 = vector.shape_cast %broadcast_in_dim3A_1073 : vector<16x1xi32> to vector<16xi32>
          %gather3A_1075 = tpu.dynamic_gather %select_n3A_1043[%gather3A_1074] in [0] : vector<16xi32>, vector<16xi32> -> vector<16xi32>
          %shift_right_arithmetic3A_1076 = arith.constant 3 : i32
          %shift_right_arithmetic3A_1077 = vector.broadcast %shift_right_arithmetic3A_1076 : i32 to vector<16xi32>
          %shift_right_arithmetic3A_1078 = arith.shrsi %iota3A, %shift_right_arithmetic3A_1077 : vector<16xi32>
          %and3A_1079 = arith.constant 1 : i32
          %and3A_1080 = vector.broadcast %and3A_1079 : i32 to vector<16xi32>
          %and3A_1081 = arith.andi %shift_right_arithmetic3A_1078, %and3A_1080 : vector<16xi32>
          %sub3A_1082 = arith.constant 1 : i32
          %sub3A_1083 = vector.broadcast %sub3A_1082 : i32 to vector<16xi32>
          %sub3A_1084 = arith.subi %sub3A_1083, %and3A_1081 : vector<16xi32>
          %xor3A_1085 = arith.xori %sub3A_1084, %sub3A_1052 : vector<16xi32>
          %lt3A_1086 = arith.cmpf olt, %gather3A_1065, %select_n3A_1042 : vector<16xf32>
          %select_n3A_1087 = arith.select %lt3A_1086, %broadcast_in_dim3A_510, %broadcast_in_dim3A_512 : vector<16xi1>, vector<16xi32>
          %eq3A_1088 = arith.cmpf oeq, %gather3A_1065, %select_n3A_1042 : vector<16xf32>
          %select_n3A_1089 = arith.select %eq3A_1088, %broadcast_in_dim3A_510, %broadcast_in_dim3A_512 : vector<16xi1>, vector<16xi32>
          %lt3A_1090 = arith.cmpi slt, %gather3A_1075, %select_n3A_1043 : vector<16xi32>
          %select_n3A_1091 = arith.select %lt3A_1090, %broadcast_in_dim3A_510, %broadcast_in_dim3A_512 : vector<16xi1>, vector<16xi32>
          %and3A_1092 = arith.andi %select_n3A_1089, %select_n3A_1091 : vector<16xi32>
          %or3A_1093 = arith.ori %select_n3A_1087, %and3A_1092 : vector<16xi32>
          %xor3A_1094 = arith.xori %xor3A_1085, %or3A_1093 : vector<16xi32>
          %eq3A_1095 = arith.constant 1 : i32
          %eq3A_1096 = vector.broadcast %eq3A_1095 : i32 to vector<16xi32>
          %eq3A_1097 = arith.cmpi eq, %xor3A_1094, %eq3A_1096 : vector<16xi32>
          %select_n3A_1098 = arith.select %eq3A_1097, %gather3A_1065, %select_n3A_1042 : vector<16xi1>, vector<16xf32>
          %select_n3A_1099 = arith.select %eq3A_1097, %gather3A_1075, %select_n3A_1043 : vector<16xi1>, vector<16xi32>
          %xor3A_1100 = arith.constant 4 : i32
          %xor3A_1101 = vector.broadcast %xor3A_1100 : i32 to vector<16xi32>
          %xor3A_1102 = arith.xori %iota3A, %xor3A_1101 : vector<16xi32>
          %lt3A_1103 = arith.constant 0 : i32
          %lt3A_1104 = vector.broadcast %lt3A_1103 : i32 to vector<16xi32>
          %lt3A_1105 = arith.cmpi slt, %xor3A_1102, %lt3A_1104 : vector<16xi32>
          %add3A_1106 = arith.constant 16 : i32
          %add3A_1107 = vector.broadcast %add3A_1106 : i32 to vector<16xi32>
          %add3A_1108 = arith.addi %xor3A_1102, %add3A_1107 : vector<16xi32>
          %select_n3A_1109 = arith.select %lt3A_1105, %add3A_1108, %xor3A_1102 : vector<16xi1>, vector<16xi32>
          %broadcast_in_dim3A_1110 = vector.shape_cast %select_n3A_1109 : vector<16xi32> to vector<16x1xi32>
          %gather3A_1111 = vector.shape_cast %broadcast_in_dim3A_1110 : vector<16x1xi32> to vector<16xi32>
          %gather3A_1112 = tpu.dynamic_gather %select_n3A_1098[%gather3A_1111] in [0] : vector<16xf32>, vector<16xi32> -> vector<16xf32>
          %lt3A_1113 = arith.constant 0 : i32
          %lt3A_1114 = vector.broadcast %lt3A_1113 : i32 to vector<16xi32>
          %lt3A_1115 = arith.cmpi slt, %xor3A_1102, %lt3A_1114 : vector<16xi32>
          %add3A_1116 = arith.constant 16 : i32
          %add3A_1117 = vector.broadcast %add3A_1116 : i32 to vector<16xi32>
          %add3A_1118 = arith.addi %xor3A_1102, %add3A_1117 : vector<16xi32>
          %select_n3A_1119 = arith.select %lt3A_1115, %add3A_1118, %xor3A_1102 : vector<16xi1>, vector<16xi32>
          %broadcast_in_dim3A_1120 = vector.shape_cast %select_n3A_1119 : vector<16xi32> to vector<16x1xi32>
          %gather3A_1121 = vector.shape_cast %broadcast_in_dim3A_1120 : vector<16x1xi32> to vector<16xi32>
          %gather3A_1122 = tpu.dynamic_gather %select_n3A_1099[%gather3A_1121] in [0] : vector<16xi32>, vector<16xi32> -> vector<16xi32>
          %shift_right_arithmetic3A_1123 = arith.constant 2 : i32
          %shift_right_arithmetic3A_1124 = vector.broadcast %shift_right_arithmetic3A_1123 : i32 to vector<16xi32>
          %shift_right_arithmetic3A_1125 = arith.shrsi %iota3A, %shift_right_arithmetic3A_1124 : vector<16xi32>
          %and3A_1126 = arith.constant 1 : i32
          %and3A_1127 = vector.broadcast %and3A_1126 : i32 to vector<16xi32>
          %and3A_1128 = arith.andi %shift_right_arithmetic3A_1125, %and3A_1127 : vector<16xi32>
          %sub3A_1129 = arith.constant 1 : i32
          %sub3A_1130 = vector.broadcast %sub3A_1129 : i32 to vector<16xi32>
          %sub3A_1131 = arith.subi %sub3A_1130, %and3A_1128 : vector<16xi32>
          %xor3A_1132 = arith.xori %sub3A_1131, %sub3A_1052 : vector<16xi32>
          %lt3A_1133 = arith.cmpf olt, %gather3A_1112, %select_n3A_1098 : vector<16xf32>
          %select_n3A_1134 = arith.select %lt3A_1133, %broadcast_in_dim3A_510, %broadcast_in_dim3A_512 : vector<16xi1>, vector<16xi32>
          %eq3A_1135 = arith.cmpf oeq, %gather3A_1112, %select_n3A_1098 : vector<16xf32>
          %select_n3A_1136 = arith.select %eq3A_1135, %broadcast_in_dim3A_510, %broadcast_in_dim3A_512 : vector<16xi1>, vector<16xi32>
          %lt3A_1137 = arith.cmpi slt, %gather3A_1122, %select_n3A_1099 : vector<16xi32>
          %select_n3A_1138 = arith.select %lt3A_1137, %broadcast_in_dim3A_510, %broadcast_in_dim3A_512 : vector<16xi1>, vector<16xi32>
          %and3A_1139 = arith.andi %select_n3A_1136, %select_n3A_1138 : vector<16xi32>
          %or3A_1140 = arith.ori %select_n3A_1134, %and3A_1139 : vector<16xi32>
          %xor3A_1141 = arith.xori %xor3A_1132, %or3A_1140 : vector<16xi32>
          %eq3A_1142 = arith.constant 1 : i32
          %eq3A_1143 = vector.broadcast %eq3A_1142 : i32 to vector<16xi32>
          %eq3A_1144 = arith.cmpi eq, %xor3A_1141, %eq3A_1143 : vector<16xi32>
          %select_n3A_1145 = arith.select %eq3A_1144, %gather3A_1112, %select_n3A_1098 : vector<16xi1>, vector<16xf32>
          %select_n3A_1146 = arith.select %eq3A_1144, %gather3A_1122, %select_n3A_1099 : vector<16xi1>, vector<16xi32>
          %xor3A_1147 = arith.constant 2 : i32
          %xor3A_1148 = vector.broadcast %xor3A_1147 : i32 to vector<16xi32>
          %xor3A_1149 = arith.xori %iota3A, %xor3A_1148 : vector<16xi32>
          %lt3A_1150 = arith.constant 0 : i32
          %lt3A_1151 = vector.broadcast %lt3A_1150 : i32 to vector<16xi32>
          %lt3A_1152 = arith.cmpi slt, %xor3A_1149, %lt3A_1151 : vector<16xi32>
          %add3A_1153 = arith.constant 16 : i32
          %add3A_1154 = vector.broadcast %add3A_1153 : i32 to vector<16xi32>
          %add3A_1155 = arith.addi %xor3A_1149, %add3A_1154 : vector<16xi32>
          %select_n3A_1156 = arith.select %lt3A_1152, %add3A_1155, %xor3A_1149 : vector<16xi1>, vector<16xi32>
          %broadcast_in_dim3A_1157 = vector.shape_cast %select_n3A_1156 : vector<16xi32> to vector<16x1xi32>
          %gather3A_1158 = vector.shape_cast %broadcast_in_dim3A_1157 : vector<16x1xi32> to vector<16xi32>
          %gather3A_1159 = tpu.dynamic_gather %select_n3A_1145[%gather3A_1158] in [0] : vector<16xf32>, vector<16xi32> -> vector<16xf32>
          %lt3A_1160 = arith.constant 0 : i32
          %lt3A_1161 = vector.broadcast %lt3A_1160 : i32 to vector<16xi32>
          %lt3A_1162 = arith.cmpi slt, %xor3A_1149, %lt3A_1161 : vector<16xi32>
          %add3A_1163 = arith.constant 16 : i32
          %add3A_1164 = vector.broadcast %add3A_1163 : i32 to vector<16xi32>
          %add3A_1165 = arith.addi %xor3A_1149, %add3A_1164 : vector<16xi32>
          %select_n3A_1166 = arith.select %lt3A_1162, %add3A_1165, %xor3A_1149 : vector<16xi1>, vector<16xi32>
          %broadcast_in_dim3A_1167 = vector.shape_cast %select_n3A_1166 : vector<16xi32> to vector<16x1xi32>
          %gather3A_1168 = vector.shape_cast %broadcast_in_dim3A_1167 : vector<16x1xi32> to vector<16xi32>
          %gather3A_1169 = tpu.dynamic_gather %select_n3A_1146[%gather3A_1168] in [0] : vector<16xi32>, vector<16xi32> -> vector<16xi32>
          %shift_right_arithmetic3A_1170 = arith.constant 1 : i32
          %shift_right_arithmetic3A_1171 = vector.broadcast %shift_right_arithmetic3A_1170 : i32 to vector<16xi32>
          %shift_right_arithmetic3A_1172 = arith.shrsi %iota3A, %shift_right_arithmetic3A_1171 : vector<16xi32>
          %and3A_1173 = arith.constant 1 : i32
          %and3A_1174 = vector.broadcast %and3A_1173 : i32 to vector<16xi32>
          %and3A_1175 = arith.andi %shift_right_arithmetic3A_1172, %and3A_1174 : vector<16xi32>
          %sub3A_1176 = arith.constant 1 : i32
          %sub3A_1177 = vector.broadcast %sub3A_1176 : i32 to vector<16xi32>
          %sub3A_1178 = arith.subi %sub3A_1177, %and3A_1175 : vector<16xi32>
          %xor3A_1179 = arith.xori %sub3A_1178, %sub3A_1052 : vector<16xi32>
          %lt3A_1180 = arith.cmpf olt, %gather3A_1159, %select_n3A_1145 : vector<16xf32>
          %select_n3A_1181 = arith.select %lt3A_1180, %broadcast_in_dim3A_510, %broadcast_in_dim3A_512 : vector<16xi1>, vector<16xi32>
          %eq3A_1182 = arith.cmpf oeq, %gather3A_1159, %select_n3A_1145 : vector<16xf32>
          %select_n3A_1183 = arith.select %eq3A_1182, %broadcast_in_dim3A_510, %broadcast_in_dim3A_512 : vector<16xi1>, vector<16xi32>
          %lt3A_1184 = arith.cmpi slt, %gather3A_1169, %select_n3A_1146 : vector<16xi32>
          %select_n3A_1185 = arith.select %lt3A_1184, %broadcast_in_dim3A_510, %broadcast_in_dim3A_512 : vector<16xi1>, vector<16xi32>
          %and3A_1186 = arith.andi %select_n3A_1183, %select_n3A_1185 : vector<16xi32>
          %or3A_1187 = arith.ori %select_n3A_1181, %and3A_1186 : vector<16xi32>
          %xor3A_1188 = arith.xori %xor3A_1179, %or3A_1187 : vector<16xi32>
          %eq3A_1189 = arith.constant 1 : i32
          %eq3A_1190 = vector.broadcast %eq3A_1189 : i32 to vector<16xi32>
          %eq3A_1191 = arith.cmpi eq, %xor3A_1188, %eq3A_1190 : vector<16xi32>
          %select_n3A_1192 = arith.select %eq3A_1191, %gather3A_1159, %select_n3A_1145 : vector<16xi1>, vector<16xf32>
          %select_n3A_1193 = arith.select %eq3A_1191, %gather3A_1169, %select_n3A_1146 : vector<16xi1>, vector<16xi32>
          %xor3A_1194 = arith.constant 1 : i32
          %xor3A_1195 = vector.broadcast %xor3A_1194 : i32 to vector<16xi32>
          %xor3A_1196 = arith.xori %iota3A, %xor3A_1195 : vector<16xi32>
          %lt3A_1197 = arith.constant 0 : i32
          %lt3A_1198 = vector.broadcast %lt3A_1197 : i32 to vector<16xi32>
          %lt3A_1199 = arith.cmpi slt, %xor3A_1196, %lt3A_1198 : vector<16xi32>
          %add3A_1200 = arith.constant 16 : i32
          %add3A_1201 = vector.broadcast %add3A_1200 : i32 to vector<16xi32>
          %add3A_1202 = arith.addi %xor3A_1196, %add3A_1201 : vector<16xi32>
          %select_n3A_1203 = arith.select %lt3A_1199, %add3A_1202, %xor3A_1196 : vector<16xi1>, vector<16xi32>
          %broadcast_in_dim3A_1204 = vector.shape_cast %select_n3A_1203 : vector<16xi32> to vector<16x1xi32>
          %gather3A_1205 = vector.shape_cast %broadcast_in_dim3A_1204 : vector<16x1xi32> to vector<16xi32>
          %gather3A_1206 = tpu.dynamic_gather %select_n3A_1192[%gather3A_1205] in [0] : vector<16xf32>, vector<16xi32> -> vector<16xf32>
          %lt3A_1207 = arith.constant 0 : i32
          %lt3A_1208 = vector.broadcast %lt3A_1207 : i32 to vector<16xi32>
          %lt3A_1209 = arith.cmpi slt, %xor3A_1196, %lt3A_1208 : vector<16xi32>
          %add3A_1210 = arith.constant 16 : i32
          %add3A_1211 = vector.broadcast %add3A_1210 : i32 to vector<16xi32>
          %add3A_1212 = arith.addi %xor3A_1196, %add3A_1211 : vector<16xi32>
          %select_n3A_1213 = arith.select %lt3A_1209, %add3A_1212, %xor3A_1196 : vector<16xi1>, vector<16xi32>
          %broadcast_in_dim3A_1214 = vector.shape_cast %select_n3A_1213 : vector<16xi32> to vector<16x1xi32>
          %gather3A_1215 = vector.shape_cast %broadcast_in_dim3A_1214 : vector<16x1xi32> to vector<16xi32>
          %gather3A_1216 = tpu.dynamic_gather %select_n3A_1193[%gather3A_1215] in [0] : vector<16xi32>, vector<16xi32> -> vector<16xi32>
          %shift_right_arithmetic3A_1217 = arith.constant 0 : i32
          %shift_right_arithmetic3A_1218 = vector.broadcast %shift_right_arithmetic3A_1217 : i32 to vector<16xi32>
          %shift_right_arithmetic3A_1219 = arith.shrsi %iota3A, %shift_right_arithmetic3A_1218 : vector<16xi32>
          %and3A_1220 = arith.constant 1 : i32
          %and3A_1221 = vector.broadcast %and3A_1220 : i32 to vector<16xi32>
          %and3A_1222 = arith.andi %shift_right_arithmetic3A_1219, %and3A_1221 : vector<16xi32>
          %sub3A_1223 = arith.constant 1 : i32
          %sub3A_1224 = vector.broadcast %sub3A_1223 : i32 to vector<16xi32>
          %sub3A_1225 = arith.subi %sub3A_1224, %and3A_1222 : vector<16xi32>
          %xor3A_1226 = arith.xori %sub3A_1225, %sub3A_1052 : vector<16xi32>
          %lt3A_1227 = arith.cmpf olt, %gather3A_1206, %select_n3A_1192 : vector<16xf32>
          %select_n3A_1228 = arith.select %lt3A_1227, %broadcast_in_dim3A_510, %broadcast_in_dim3A_512 : vector<16xi1>, vector<16xi32>
          %eq3A_1229 = arith.cmpf oeq, %gather3A_1206, %select_n3A_1192 : vector<16xf32>
          %select_n3A_1230 = arith.select %eq3A_1229, %broadcast_in_dim3A_510, %broadcast_in_dim3A_512 : vector<16xi1>, vector<16xi32>
          %lt3A_1231 = arith.cmpi slt, %gather3A_1216, %select_n3A_1193 : vector<16xi32>
          %select_n3A_1232 = arith.select %lt3A_1231, %broadcast_in_dim3A_510, %broadcast_in_dim3A_512 : vector<16xi1>, vector<16xi32>
          %and3A_1233 = arith.andi %select_n3A_1230, %select_n3A_1232 : vector<16xi32>
          %or3A_1234 = arith.ori %select_n3A_1228, %and3A_1233 : vector<16xi32>
          %xor3A_1235 = arith.xori %xor3A_1226, %or3A_1234 : vector<16xi32>
          %eq3A_1236 = arith.constant 1 : i32
          %eq3A_1237 = vector.broadcast %eq3A_1236 : i32 to vector<16xi32>
          %eq3A_1238 = arith.cmpi eq, %xor3A_1235, %eq3A_1237 : vector<16xi32>
          %select_n3A_1239 = arith.select %eq3A_1238, %gather3A_1206, %select_n3A_1192 : vector<16xi1>, vector<16xf32>
          %select_n3A_1240 = arith.select %eq3A_1238, %gather3A_1216, %select_n3A_1193 : vector<16xi1>, vector<16xi32>
          %get3A_1241 = arith.constant 0 : index
          %get3A_1242 = tpu.vector_load %arg15[%get3A_1241] {strides = array<i32>} : memref<16xi32, #tpu.memory_space<vmem>>, vector<16xi32>,
          %get3A_1243 = vector.shape_cast %get3A_1242 : vector<16xi32> to vector<16xi32>
          %sub3A_1244 = arith.constant 15 : i32
          %sub3A_1245 = vector.broadcast %sub3A_1244 : i32 to vector<16xi32>
          %sub3A_1246 = arith.subi %sub3A_1245, %iota3A : vector<16xi32>
          %lt3A_1247 = arith.constant 0 : i32
          %lt3A_1248 = vector.broadcast %lt3A_1247 : i32 to vector<16xi32>
          %lt3A_1249 = arith.cmpi slt, %sub3A_1246, %lt3A_1248 : vector<16xi32>
          %add3A_1250 = arith.constant 16 : i32
          %add3A_1251 = vector.broadcast %add3A_1250 : i32 to vector<16xi32>
          %add3A_1252 = arith.addi %sub3A_1246, %add3A_1251 : vector<16xi32>
          %select_n3A_1253 = arith.select %lt3A_1249, %add3A_1252, %sub3A_1246 : vector<16xi1>, vector<16xi32>
          %broadcast_in_dim3A_1254 = vector.shape_cast %select_n3A_1253 : vector<16xi32> to vector<16x1xi32>
          %gather3A_1255 = vector.shape_cast %broadcast_in_dim3A_1254 : vector<16x1xi32> to vector<16xi32>
          %gather3A_1256 = tpu.dynamic_gather %select_n3A_1239[%gather3A_1255] in [0] : vector<16xf32>, vector<16xi32> -> vector<16xf32>
          %lt3A_1257 = arith.constant 0 : i32
          %lt3A_1258 = vector.broadcast %lt3A_1257 : i32 to vector<16xi32>
          %lt3A_1259 = arith.cmpi slt, %sub3A_1246, %lt3A_1258 : vector<16xi32>
          %add3A_1260 = arith.constant 16 : i32
          %add3A_1261 = vector.broadcast %add3A_1260 : i32 to vector<16xi32>
          %add3A_1262 = arith.addi %sub3A_1246, %add3A_1261 : vector<16xi32>
          %select_n3A_1263 = arith.select %lt3A_1259, %add3A_1262, %sub3A_1246 : vector<16xi1>, vector<16xi32>
          %broadcast_in_dim3A_1264 = vector.shape_cast %select_n3A_1263 : vector<16xi32> to vector<16x1xi32>
          %gather3A_1265 = vector.shape_cast %broadcast_in_dim3A_1264 : vector<16x1xi32> to vector<16xi32>
          %gather3A_1266 = tpu.dynamic_gather %select_n3A_1240[%gather3A_1265] in [0] : vector<16xi32>, vector<16xi32> -> vector<16xi32>
          %lt3A_1267 = arith.cmpf olt, %get3A_669, %gather3A_1256 : vector<16xf32>
          %select_n3A_1268 = arith.select %lt3A_1267, %broadcast_in_dim3A_510, %broadcast_in_dim3A_512 : vector<16xi1>, vector<16xi32>
          %eq3A_1269 = arith.cmpf oeq, %get3A_669, %gather3A_1256 : vector<16xf32>
          %select_n3A_1270 = arith.select %eq3A_1269, %broadcast_in_dim3A_510, %broadcast_in_dim3A_512 : vector<16xi1>, vector<16xi32>
          %lt3A_1271 = arith.cmpi slt, %get3A_1243, %gather3A_1266 : vector<16xi32>
          %select_n3A_1272 = arith.select %lt3A_1271, %broadcast_in_dim3A_510, %broadcast_in_dim3A_512 : vector<16xi1>, vector<16xi32>
          %and3A_1273 = arith.andi %select_n3A_1270, %select_n3A_1272 : vector<16xi32>
          %or3A_1274 = arith.ori %select_n3A_1268, %and3A_1273 : vector<16xi32>
          %eq3A_1275 = arith.constant 1 : i32
          %eq3A_1276 = vector.broadcast %eq3A_1275 : i32 to vector<16xi32>
          %eq3A_1277 = arith.cmpi eq, %or3A_1274, %eq3A_1276 : vector<16xi32>
          %select_n3A_1278 = arith.select %eq3A_1277, %get3A_669, %gather3A_1256 : vector<16xi1>, vector<16xf32>
          %select_n3A_1279 = arith.select %eq3A_1277, %get3A_1243, %gather3A_1266 : vector<16xi1>, vector<16xi32>
          %xor3A_1280 = arith.constant 8 : i32
          %xor3A_1281 = vector.broadcast %xor3A_1280 : i32 to vector<16xi32>
          %xor3A_1282 = arith.xori %iota3A, %xor3A_1281 : vector<16xi32>
          %lt3A_1283 = arith.constant 0 : i32
          %lt3A_1284 = vector.broadcast %lt3A_1283 : i32 to vector<16xi32>
          %lt3A_1285 = arith.cmpi slt, %xor3A_1282, %lt3A_1284 : vector<16xi32>
          %add3A_1286 = arith.constant 16 : i32
          %add3A_1287 = vector.broadcast %add3A_1286 : i32 to vector<16xi32>
          %add3A_1288 = arith.addi %xor3A_1282, %add3A_1287 : vector<16xi32>
          %select_n3A_1289 = arith.select %lt3A_1285, %add3A_1288, %xor3A_1282 : vector<16xi1>, vector<16xi32>
          %broadcast_in_dim3A_1290 = vector.shape_cast %select_n3A_1289 : vector<16xi32> to vector<16x1xi32>
          %gather3A_1291 = vector.shape_cast %broadcast_in_dim3A_1290 : vector<16x1xi32> to vector<16xi32>
          %gather3A_1292 = tpu.dynamic_gather %select_n3A_1278[%gather3A_1291] in [0] : vector<16xf32>, vector<16xi32> -> vector<16xf32>
          %lt3A_1293 = arith.constant 0 : i32
          %lt3A_1294 = vector.broadcast %lt3A_1293 : i32 to vector<16xi32>
          %lt3A_1295 = arith.cmpi slt, %xor3A_1282, %lt3A_1294 : vector<16xi32>
          %add3A_1296 = arith.constant 16 : i32
          %add3A_1297 = vector.broadcast %add3A_1296 : i32 to vector<16xi32>
          %add3A_1298 = arith.addi %xor3A_1282, %add3A_1297 : vector<16xi32>
          %select_n3A_1299 = arith.select %lt3A_1295, %add3A_1298, %xor3A_1282 : vector<16xi1>, vector<16xi32>
          %broadcast_in_dim3A_1300 = vector.shape_cast %select_n3A_1299 : vector<16xi32> to vector<16x1xi32>
          %gather3A_1301 = vector.shape_cast %broadcast_in_dim3A_1300 : vector<16x1xi32> to vector<16xi32>
          %gather3A_1302 = tpu.dynamic_gather %select_n3A_1279[%gather3A_1301] in [0] : vector<16xi32>, vector<16xi32> -> vector<16xi32>
          %shift_right_arithmetic3A_1303 = arith.constant 3 : i32
          %shift_right_arithmetic3A_1304 = vector.broadcast %shift_right_arithmetic3A_1303 : i32 to vector<16xi32>
          %shift_right_arithmetic3A_1305 = arith.shrsi %iota3A, %shift_right_arithmetic3A_1304 : vector<16xi32>
          %and3A_1306 = arith.constant 1 : i32
          %and3A_1307 = vector.broadcast %and3A_1306 : i32 to vector<16xi32>
          %and3A_1308 = arith.andi %shift_right_arithmetic3A_1305, %and3A_1307 : vector<16xi32>
          %sub3A_1309 = arith.constant 1 : i32
          %sub3A_1310 = vector.broadcast %sub3A_1309 : i32 to vector<16xi32>
          %sub3A_1311 = arith.subi %sub3A_1310, %and3A_1308 : vector<16xi32>
          %xor3A_1312 = arith.xori %sub3A_1311, %broadcast_in_dim3A_510 : vector<16xi32>
          %lt3A_1313 = arith.cmpf olt, %gather3A_1292, %select_n3A_1278 : vector<16xf32>
          %select_n3A_1314 = arith.select %lt3A_1313, %broadcast_in_dim3A_510, %broadcast_in_dim3A_512 : vector<16xi1>, vector<16xi32>
          %eq3A_1315 = arith.cmpf oeq, %gather3A_1292, %select_n3A_1278 : vector<16xf32>
          %select_n3A_1316 = arith.select %eq3A_1315, %broadcast_in_dim3A_510, %broadcast_in_dim3A_512 : vector<16xi1>, vector<16xi32>
          %lt3A_1317 = arith.cmpi slt, %gather3A_1302, %select_n3A_1279 : vector<16xi32>
          %select_n3A_1318 = arith.select %lt3A_1317, %broadcast_in_dim3A_510, %broadcast_in_dim3A_512 : vector<16xi1>, vector<16xi32>
          %and3A_1319 = arith.andi %select_n3A_1316, %select_n3A_1318 : vector<16xi32>
          %or3A_1320 = arith.ori %select_n3A_1314, %and3A_1319 : vector<16xi32>
          %xor3A_1321 = arith.xori %xor3A_1312, %or3A_1320 : vector<16xi32>
          %eq3A_1322 = arith.constant 1 : i32
          %eq3A_1323 = vector.broadcast %eq3A_1322 : i32 to vector<16xi32>
          %eq3A_1324 = arith.cmpi eq, %xor3A_1321, %eq3A_1323 : vector<16xi32>
          %select_n3A_1325 = arith.select %eq3A_1324, %gather3A_1292, %select_n3A_1278 : vector<16xi1>, vector<16xf32>
          %select_n3A_1326 = arith.select %eq3A_1324, %gather3A_1302, %select_n3A_1279 : vector<16xi1>, vector<16xi32>
          %xor3A_1327 = arith.constant 4 : i32
          %xor3A_1328 = vector.broadcast %xor3A_1327 : i32 to vector<16xi32>
          %xor3A_1329 = arith.xori %iota3A, %xor3A_1328 : vector<16xi32>
          %lt3A_1330 = arith.constant 0 : i32
          %lt3A_1331 = vector.broadcast %lt3A_1330 : i32 to vector<16xi32>
          %lt3A_1332 = arith.cmpi slt, %xor3A_1329, %lt3A_1331 : vector<16xi32>
          %add3A_1333 = arith.constant 16 : i32
          %add3A_1334 = vector.broadcast %add3A_1333 : i32 to vector<16xi32>
          %add3A_1335 = arith.addi %xor3A_1329, %add3A_1334 : vector<16xi32>
          %select_n3A_1336 = arith.select %lt3A_1332, %add3A_1335, %xor3A_1329 : vector<16xi1>, vector<16xi32>
          %broadcast_in_dim3A_1337 = vector.shape_cast %select_n3A_1336 : vector<16xi32> to vector<16x1xi32>
          %gather3A_1338 = vector.shape_cast %broadcast_in_dim3A_1337 : vector<16x1xi32> to vector<16xi32>
          %gather3A_1339 = tpu.dynamic_gather %select_n3A_1325[%gather3A_1338] in [0] : vector<16xf32>, vector<16xi32> -> vector<16xf32>
          %lt3A_1340 = arith.constant 0 : i32
          %lt3A_1341 = vector.broadcast %lt3A_1340 : i32 to vector<16xi32>
          %lt3A_1342 = arith.cmpi slt, %xor3A_1329, %lt3A_1341 : vector<16xi32>
          %add3A_1343 = arith.constant 16 : i32
          %add3A_1344 = vector.broadcast %add3A_1343 : i32 to vector<16xi32>
          %add3A_1345 = arith.addi %xor3A_1329, %add3A_1344 : vector<16xi32>
          %select_n3A_1346 = arith.select %lt3A_1342, %add3A_1345, %xor3A_1329 : vector<16xi1>, vector<16xi32>
          %broadcast_in_dim3A_1347 = vector.shape_cast %select_n3A_1346 : vector<16xi32> to vector<16x1xi32>
          %gather3A_1348 = vector.shape_cast %broadcast_in_dim3A_1347 : vector<16x1xi32> to vector<16xi32>
          %gather3A_1349 = tpu.dynamic_gather %select_n3A_1326[%gather3A_1348] in [0] : vector<16xi32>, vector<16xi32> -> vector<16xi32>
          %shift_right_arithmetic3A_1350 = arith.constant 2 : i32
          %shift_right_arithmetic3A_1351 = vector.broadcast %shift_right_arithmetic3A_1350 : i32 to vector<16xi32>
          %shift_right_arithmetic3A_1352 = arith.shrsi %iota3A, %shift_right_arithmetic3A_1351 : vector<16xi32>
          %and3A_1353 = arith.constant 1 : i32
          %and3A_1354 = vector.broadcast %and3A_1353 : i32 to vector<16xi32>
          %and3A_1355 = arith.andi %shift_right_arithmetic3A_1352, %and3A_1354 : vector<16xi32>
          %sub3A_1356 = arith.constant 1 : i32
          %sub3A_1357 = vector.broadcast %sub3A_1356 : i32 to vector<16xi32>
          %sub3A_1358 = arith.subi %sub3A_1357, %and3A_1355 : vector<16xi32>
          %xor3A_1359 = arith.xori %sub3A_1358, %broadcast_in_dim3A_510 : vector<16xi32>
          %lt3A_1360 = arith.cmpf olt, %gather3A_1339, %select_n3A_1325 : vector<16xf32>
          %select_n3A_1361 = arith.select %lt3A_1360, %broadcast_in_dim3A_510, %broadcast_in_dim3A_512 : vector<16xi1>, vector<16xi32>
          %eq3A_1362 = arith.cmpf oeq, %gather3A_1339, %select_n3A_1325 : vector<16xf32>
          %select_n3A_1363 = arith.select %eq3A_1362, %broadcast_in_dim3A_510, %broadcast_in_dim3A_512 : vector<16xi1>, vector<16xi32>
          %lt3A_1364 = arith.cmpi slt, %gather3A_1349, %select_n3A_1326 : vector<16xi32>
          %select_n3A_1365 = arith.select %lt3A_1364, %broadcast_in_dim3A_510, %broadcast_in_dim3A_512 : vector<16xi1>, vector<16xi32>
          %and3A_1366 = arith.andi %select_n3A_1363, %select_n3A_1365 : vector<16xi32>
          %or3A_1367 = arith.ori %select_n3A_1361, %and3A_1366 : vector<16xi32>
          %xor3A_1368 = arith.xori %xor3A_1359, %or3A_1367 : vector<16xi32>
          %eq3A_1369 = arith.constant 1 : i32
          %eq3A_1370 = vector.broadcast %eq3A_1369 : i32 to vector<16xi32>
          %eq3A_1371 = arith.cmpi eq, %xor3A_1368, %eq3A_1370 : vector<16xi32>
          %select_n3A_1372 = arith.select %eq3A_1371, %gather3A_1339, %select_n3A_1325 : vector<16xi1>, vector<16xf32>
          %select_n3A_1373 = arith.select %eq3A_1371, %gather3A_1349, %select_n3A_1326 : vector<16xi1>, vector<16xi32>
          %xor3A_1374 = arith.constant 2 : i32
          %xor3A_1375 = vector.broadcast %xor3A_1374 : i32 to vector<16xi32>
          %xor3A_1376 = arith.xori %iota3A, %xor3A_1375 : vector<16xi32>
          %lt3A_1377 = arith.constant 0 : i32
          %lt3A_1378 = vector.broadcast %lt3A_1377 : i32 to vector<16xi32>
          %lt3A_1379 = arith.cmpi slt, %xor3A_1376, %lt3A_1378 : vector<16xi32>
          %add3A_1380 = arith.constant 16 : i32
          %add3A_1381 = vector.broadcast %add3A_1380 : i32 to vector<16xi32>
          %add3A_1382 = arith.addi %xor3A_1376, %add3A_1381 : vector<16xi32>
          %select_n3A_1383 = arith.select %lt3A_1379, %add3A_1382, %xor3A_1376 : vector<16xi1>, vector<16xi32>
          %broadcast_in_dim3A_1384 = vector.shape_cast %select_n3A_1383 : vector<16xi32> to vector<16x1xi32>
          %gather3A_1385 = vector.shape_cast %broadcast_in_dim3A_1384 : vector<16x1xi32> to vector<16xi32>
          %gather3A_1386 = tpu.dynamic_gather %select_n3A_1372[%gather3A_1385] in [0] : vector<16xf32>, vector<16xi32> -> vector<16xf32>
          %lt3A_1387 = arith.constant 0 : i32
          %lt3A_1388 = vector.broadcast %lt3A_1387 : i32 to vector<16xi32>
          %lt3A_1389 = arith.cmpi slt, %xor3A_1376, %lt3A_1388 : vector<16xi32>
          %add3A_1390 = arith.constant 16 : i32
          %add3A_1391 = vector.broadcast %add3A_1390 : i32 to vector<16xi32>
          %add3A_1392 = arith.addi %xor3A_1376, %add3A_1391 : vector<16xi32>
          %select_n3A_1393 = arith.select %lt3A_1389, %add3A_1392, %xor3A_1376 : vector<16xi1>, vector<16xi32>
          %broadcast_in_dim3A_1394 = vector.shape_cast %select_n3A_1393 : vector<16xi32> to vector<16x1xi32>
          %gather3A_1395 = vector.shape_cast %broadcast_in_dim3A_1394 : vector<16x1xi32> to vector<16xi32>
          %gather3A_1396 = tpu.dynamic_gather %select_n3A_1373[%gather3A_1395] in [0] : vector<16xi32>, vector<16xi32> -> vector<16xi32>
          %shift_right_arithmetic3A_1397 = arith.constant 1 : i32
          %shift_right_arithmetic3A_1398 = vector.broadcast %shift_right_arithmetic3A_1397 : i32 to vector<16xi32>
          %shift_right_arithmetic3A_1399 = arith.shrsi %iota3A, %shift_right_arithmetic3A_1398 : vector<16xi32>
          %and3A_1400 = arith.constant 1 : i32
          %and3A_1401 = vector.broadcast %and3A_1400 : i32 to vector<16xi32>
          %and3A_1402 = arith.andi %shift_right_arithmetic3A_1399, %and3A_1401 : vector<16xi32>
          %sub3A_1403 = arith.constant 1 : i32
          %sub3A_1404 = vector.broadcast %sub3A_1403 : i32 to vector<16xi32>
          %sub3A_1405 = arith.subi %sub3A_1404, %and3A_1402 : vector<16xi32>
          %xor3A_1406 = arith.xori %sub3A_1405, %broadcast_in_dim3A_510 : vector<16xi32>
          %lt3A_1407 = arith.cmpf olt, %gather3A_1386, %select_n3A_1372 : vector<16xf32>
          %select_n3A_1408 = arith.select %lt3A_1407, %broadcast_in_dim3A_510, %broadcast_in_dim3A_512 : vector<16xi1>, vector<16xi32>
          %eq3A_1409 = arith.cmpf oeq, %gather3A_1386, %select_n3A_1372 : vector<16xf32>
          %select_n3A_1410 = arith.select %eq3A_1409, %broadcast_in_dim3A_510, %broadcast_in_dim3A_512 : vector<16xi1>, vector<16xi32>
          %lt3A_1411 = arith.cmpi slt, %gather3A_1396, %select_n3A_1373 : vector<16xi32>
          %select_n3A_1412 = arith.select %lt3A_1411, %broadcast_in_dim3A_510, %broadcast_in_dim3A_512 : vector<16xi1>, vector<16xi32>
          %and3A_1413 = arith.andi %select_n3A_1410, %select_n3A_1412 : vector<16xi32>
          %or3A_1414 = arith.ori %select_n3A_1408, %and3A_1413 : vector<16xi32>
          %xor3A_1415 = arith.xori %xor3A_1406, %or3A_1414 : vector<16xi32>
          %eq3A_1416 = arith.constant 1 : i32
          %eq3A_1417 = vector.broadcast %eq3A_1416 : i32 to vector<16xi32>
          %eq3A_1418 = arith.cmpi eq, %xor3A_1415, %eq3A_1417 : vector<16xi32>
          %select_n3A_1419 = arith.select %eq3A_1418, %gather3A_1386, %select_n3A_1372 : vector<16xi1>, vector<16xf32>
          %select_n3A_1420 = arith.select %eq3A_1418, %gather3A_1396, %select_n3A_1373 : vector<16xi1>, vector<16xi32>
          %xor3A_1421 = arith.constant 1 : i32
          %xor3A_1422 = vector.broadcast %xor3A_1421 : i32 to vector<16xi32>
          %xor3A_1423 = arith.xori %iota3A, %xor3A_1422 : vector<16xi32>
          %lt3A_1424 = arith.constant 0 : i32
          %lt3A_1425 = vector.broadcast %lt3A_1424 : i32 to vector<16xi32>
          %lt3A_1426 = arith.cmpi slt, %xor3A_1423, %lt3A_1425 : vector<16xi32>
          %add3A_1427 = arith.constant 16 : i32
          %add3A_1428 = vector.broadcast %add3A_1427 : i32 to vector<16xi32>
          %add3A_1429 = arith.addi %xor3A_1423, %add3A_1428 : vector<16xi32>
          %select_n3A_1430 = arith.select %lt3A_1426, %add3A_1429, %xor3A_1423 : vector<16xi1>, vector<16xi32>
          %broadcast_in_dim3A_1431 = vector.shape_cast %select_n3A_1430 : vector<16xi32> to vector<16x1xi32>
          %gather3A_1432 = vector.shape_cast %broadcast_in_dim3A_1431 : vector<16x1xi32> to vector<16xi32>
          %gather3A_1433 = tpu.dynamic_gather %select_n3A_1419[%gather3A_1432] in [0] : vector<16xf32>, vector<16xi32> -> vector<16xf32>
          %lt3A_1434 = arith.constant 0 : i32
          %lt3A_1435 = vector.broadcast %lt3A_1434 : i32 to vector<16xi32>
          %lt3A_1436 = arith.cmpi slt, %xor3A_1423, %lt3A_1435 : vector<16xi32>
          %add3A_1437 = arith.constant 16 : i32
          %add3A_1438 = vector.broadcast %add3A_1437 : i32 to vector<16xi32>
          %add3A_1439 = arith.addi %xor3A_1423, %add3A_1438 : vector<16xi32>
          %select_n3A_1440 = arith.select %lt3A_1436, %add3A_1439, %xor3A_1423 : vector<16xi1>, vector<16xi32>
          %broadcast_in_dim3A_1441 = vector.shape_cast %select_n3A_1440 : vector<16xi32> to vector<16x1xi32>
          %gather3A_1442 = vector.shape_cast %broadcast_in_dim3A_1441 : vector<16x1xi32> to vector<16xi32>
          %gather3A_1443 = tpu.dynamic_gather %select_n3A_1420[%gather3A_1442] in [0] : vector<16xi32>, vector<16xi32> -> vector<16xi32>
          %shift_right_arithmetic3A_1444 = arith.constant 0 : i32
          %shift_right_arithmetic3A_1445 = vector.broadcast %shift_right_arithmetic3A_1444 : i32 to vector<16xi32>
          %shift_right_arithmetic3A_1446 = arith.shrsi %iota3A, %shift_right_arithmetic3A_1445 : vector<16xi32>
          %and3A_1447 = arith.constant 1 : i32
          %and3A_1448 = vector.broadcast %and3A_1447 : i32 to vector<16xi32>
          %and3A_1449 = arith.andi %shift_right_arithmetic3A_1446, %and3A_1448 : vector<16xi32>
          %sub3A_1450 = arith.constant 1 : i32
          %sub3A_1451 = vector.broadcast %sub3A_1450 : i32 to vector<16xi32>
          %sub3A_1452 = arith.subi %sub3A_1451, %and3A_1449 : vector<16xi32>
          %xor3A_1453 = arith.xori %sub3A_1452, %broadcast_in_dim3A_510 : vector<16xi32>
          %lt3A_1454 = arith.cmpf olt, %gather3A_1433, %select_n3A_1419 : vector<16xf32>
          %select_n3A_1455 = arith.select %lt3A_1454, %broadcast_in_dim3A_510, %broadcast_in_dim3A_512 : vector<16xi1>, vector<16xi32>
          %eq3A_1456 = arith.cmpf oeq, %gather3A_1433, %select_n3A_1419 : vector<16xf32>
          %select_n3A_1457 = arith.select %eq3A_1456, %broadcast_in_dim3A_510, %broadcast_in_dim3A_512 : vector<16xi1>, vector<16xi32>
          %lt3A_1458 = arith.cmpi slt, %gather3A_1443, %select_n3A_1420 : vector<16xi32>
          %select_n3A_1459 = arith.select %lt3A_1458, %broadcast_in_dim3A_510, %broadcast_in_dim3A_512 : vector<16xi1>, vector<16xi32>
          %and3A_1460 = arith.andi %select_n3A_1457, %select_n3A_1459 : vector<16xi32>
          %or3A_1461 = arith.ori %select_n3A_1455, %and3A_1460 : vector<16xi32>
          %xor3A_1462 = arith.xori %xor3A_1453, %or3A_1461 : vector<16xi32>
          %eq3A_1463 = arith.constant 1 : i32
          %eq3A_1464 = vector.broadcast %eq3A_1463 : i32 to vector<16xi32>
          %eq3A_1465 = arith.cmpi eq, %xor3A_1462, %eq3A_1464 : vector<16xi32>
          %select_n3A_1466 = arith.select %eq3A_1465, %gather3A_1433, %select_n3A_1419 : vector<16xi1>, vector<16xf32>
          %select_n3A_1467 = arith.select %eq3A_1465, %gather3A_1443, %select_n3A_1420 : vector<16xi1>, vector<16xi32>
          %swap3A_1468 = arith.constant 0 : index
          %swap3A_1469 = tpu.vector_load %arg14[%swap3A_1468] {strides = array<i32>} : memref<16xf32, #tpu.memory_space<vmem>>, vector<16xf32>,
          %swap3A_1470 = vector.shape_cast %swap3A_1469 : vector<16xf32> to vector<16xf32>
          %swap3A_1471 = vector.shape_cast %select_n3A_1466 : vector<16xf32> to vector<16xf32>
          tpu.vector_store %arg14[%swap3A_1468], %swap3A_1471 {strides = array<i32>} : memref<16xf32, #tpu.memory_space<vmem>>, vector<16xf32>,
          %swap3A_1472 = arith.constant 0 : index
          %swap3A_1473 = tpu.vector_load %arg15[%swap3A_1472] {strides = array<i32>} : memref<16xi32, #tpu.memory_space<vmem>>, vector<16xi32>,
          %swap3A_1474 = vector.shape_cast %swap3A_1473 : vector<16xi32> to vector<16xi32>
          %swap3A_1475 = vector.shape_cast %select_n3A_1467 : vector<16xi32> to vector<16xi32>
          tpu.vector_store %arg15[%swap3A_1472], %swap3A_1475 {strides = array<i32>} : memref<16xi32, #tpu.memory_space<vmem>>, vector<16xi32>,
        } else {
        }
        %scan3A_733 = arith.constant 0 : i32
        scf.yield %scan3A_733 : i32
      }
      %scan3A_519 = arith.constant 256 : i32
      %get3A_520 = arith.constant 0 : index
      %get3A_521 = tpu.vector_load %arg15[%get3A_520] {strides = array<i32>} : memref<16xi32, #tpu.memory_space<vmem>>, vector<16xi32>,
      %get3A_522 = vector.shape_cast %get3A_521 : vector<16xi32> to vector<16xi32>
      %mul3A_523 = arith.constant 4096 : i32
      %mul3A_524 = arith.muli %select_n3A, %mul3A_523 : i32
      %add3A_525 = vector.broadcast %mul3A_524 : i32 to vector<16xi32>
      %add3A_526 = arith.addi %get3A_522, %add3A_525 : vector<16xi32>
      %swap3A_527 = arith.constant 32 : index
      %swap3A_528 = tpu.vector_load %arg16[%swap3A_527] {strides = array<i32>} : memref<64xi32, #tpu.memory_space<vmem>>, vector<16xi32>,
      %swap3A_529 = vector.shape_cast %swap3A_528 : vector<16xi32> to vector<16xi32>
      %swap3A_530 = vector.shape_cast %add3A_526 : vector<16xi32> to vector<16xi32>
      tpu.vector_store %arg16[%swap3A_527], %swap3A_530 {strides = array<i32>} : memref<64xi32, #tpu.memory_space<vmem>>, vector<16xi32>,
      %xor3A_531 = arith.constant 1 : i32
      %xor3A_532 = vector.broadcast %xor3A_531 : i32 to vector<16xi32>
      %xor3A_533 = arith.xori %iota3A, %xor3A_532 : vector<16xi32>
      %lt3A_534 = arith.constant 0 : i32
      %lt3A_535 = vector.broadcast %lt3A_534 : i32 to vector<16xi32>
      %lt3A_536 = arith.cmpi slt, %xor3A_533, %lt3A_535 : vector<16xi32>
      %add3A_537 = arith.constant 16 : i32
      %add3A_538 = vector.broadcast %add3A_537 : i32 to vector<16xi32>
      %add3A_539 = arith.addi %xor3A_533, %add3A_538 : vector<16xi32>
      %select_n3A_540 = arith.select %lt3A_536, %add3A_539, %xor3A_533 : vector<16xi1>, vector<16xi32>
      %broadcast_in_dim3A_541 = vector.shape_cast %select_n3A_540 : vector<16xi32> to vector<16x1xi32>
      %gather3A_542 = vector.shape_cast %broadcast_in_dim3A_541 : vector<16x1xi32> to vector<16xi32>
      %gather3A_543 = tpu.dynamic_gather %scan3A_264#3[%gather3A_542] in [0] : vector<16xf32>, vector<16xi32> -> vector<16xf32>
      %max3A_544 = arith.maximumf %scan3A_264#3, %gather3A_543 : vector<16xf32>
      %xor3A_545 = arith.constant 2 : i32
      %xor3A_546 = vector.broadcast %xor3A_545 : i32 to vector<16xi32>
      %xor3A_547 = arith.xori %iota3A, %xor3A_546 : vector<16xi32>
      %lt3A_548 = arith.constant 0 : i32
      %lt3A_549 = vector.broadcast %lt3A_548 : i32 to vector<16xi32>
      %lt3A_550 = arith.cmpi slt, %xor3A_547, %lt3A_549 : vector<16xi32>
      %add3A_551 = arith.constant 16 : i32
      %add3A_552 = vector.broadcast %add3A_551 : i32 to vector<16xi32>
      %add3A_553 = arith.addi %xor3A_547, %add3A_552 : vector<16xi32>
      %select_n3A_554 = arith.select %lt3A_550, %add3A_553, %xor3A_547 : vector<16xi1>, vector<16xi32>
      %broadcast_in_dim3A_555 = vector.shape_cast %select_n3A_554 : vector<16xi32> to vector<16x1xi32>
      %gather3A_556 = vector.shape_cast %broadcast_in_dim3A_555 : vector<16x1xi32> to vector<16xi32>
      %gather3A_557 = tpu.dynamic_gather %max3A_544[%gather3A_556] in [0] : vector<16xf32>, vector<16xi32> -> vector<16xf32>
      %max3A_558 = arith.maximumf %max3A_544, %gather3A_557 : vector<16xf32>
      %xor3A_559 = arith.constant 4 : i32
      %xor3A_560 = vector.broadcast %xor3A_559 : i32 to vector<16xi32>
      %xor3A_561 = arith.xori %iota3A, %xor3A_560 : vector<16xi32>
      %lt3A_562 = arith.constant 0 : i32
      %lt3A_563 = vector.broadcast %lt3A_562 : i32 to vector<16xi32>
      %lt3A_564 = arith.cmpi slt, %xor3A_561, %lt3A_563 : vector<16xi32>
      %add3A_565 = arith.constant 16 : i32
      %add3A_566 = vector.broadcast %add3A_565 : i32 to vector<16xi32>
      %add3A_567 = arith.addi %xor3A_561, %add3A_566 : vector<16xi32>
      %select_n3A_568 = arith.select %lt3A_564, %add3A_567, %xor3A_561 : vector<16xi1>, vector<16xi32>
      %broadcast_in_dim3A_569 = vector.shape_cast %select_n3A_568 : vector<16xi32> to vector<16x1xi32>
      %gather3A_570 = vector.shape_cast %broadcast_in_dim3A_569 : vector<16x1xi32> to vector<16xi32>
      %gather3A_571 = tpu.dynamic_gather %max3A_558[%gather3A_570] in [0] : vector<16xf32>, vector<16xi32> -> vector<16xf32>
      %max3A_572 = arith.maximumf %max3A_558, %gather3A_571 : vector<16xf32>
      %xor3A_573 = arith.constant 8 : i32
      %xor3A_574 = vector.broadcast %xor3A_573 : i32 to vector<16xi32>
      %xor3A_575 = arith.xori %iota3A, %xor3A_574 : vector<16xi32>
      %lt3A_576 = arith.constant 0 : i32
      %lt3A_577 = vector.broadcast %lt3A_576 : i32 to vector<16xi32>
      %lt3A_578 = arith.cmpi slt, %xor3A_575, %lt3A_577 : vector<16xi32>
      %add3A_579 = arith.constant 16 : i32
      %add3A_580 = vector.broadcast %add3A_579 : i32 to vector<16xi32>
      %add3A_581 = arith.addi %xor3A_575, %add3A_580 : vector<16xi32>
      %select_n3A_582 = arith.select %lt3A_578, %add3A_581, %xor3A_575 : vector<16xi1>, vector<16xi32>
      %broadcast_in_dim3A_583 = vector.shape_cast %select_n3A_582 : vector<16xi32> to vector<16x1xi32>
      %gather3A_584 = vector.shape_cast %broadcast_in_dim3A_583 : vector<16x1xi32> to vector<16xi32>
      %gather3A_585 = tpu.dynamic_gather %max3A_572[%gather3A_584] in [0] : vector<16xf32>, vector<16xi32> -> vector<16xf32>
      %max3A_586 = arith.maximumf %max3A_572, %gather3A_585 : vector<16xf32>
      %swap3A_587 = arith.constant 0 : index
      %swap3A_588 = tpu.vector_load %arg14[%swap3A_587] {strides = array<i32>} : memref<16xf32, #tpu.memory_space<vmem>>, vector<16xf32>,
      %swap3A_589 = vector.shape_cast %swap3A_588 : vector<16xf32> to vector<16xf32>
      %swap3A_590 = vector.shape_cast %broadcast_in_dim3A_17 : vector<16xf32> to vector<16xf32>
      tpu.vector_store %arg14[%swap3A_587], %swap3A_590 {strides = array<i32>} : memref<16xf32, #tpu.memory_space<vmem>>, vector<16xf32>,
      %broadcast_in_dim3A_591 = arith.constant 0 : i32
      %broadcast_in_dim3A_592 = vector.broadcast %broadcast_in_dim3A_591 : i32 to vector<16xi32>
      %swap3A_593 = arith.constant 0 : index
      %swap3A_594 = tpu.vector_load %arg15[%swap3A_593] {strides = array<i32>} : memref<16xi32, #tpu.memory_space<vmem>>, vector<16xi32>,
      %swap3A_595 = vector.shape_cast %swap3A_594 : vector<16xi32> to vector<16xi32>
      %swap3A_596 = vector.shape_cast %broadcast_in_dim3A_592 : vector<16xi32> to vector<16xi32>
      tpu.vector_store %arg15[%swap3A_593], %swap3A_596 {strides = array<i32>} : memref<16xi32, #tpu.memory_space<vmem>>, vector<16xi32>,
      %slice3A_597 = vector.extract_strided_slice %max3A_586 {offsets = [0], sizes = [1], strides = [1]} : vector<16xf32> to vector<1xf32>
      %squeeze3A_598 = vector.extract %slice3A_597[0] : f32 from vector<1xf32>
      %broadcast_in_dim3A_599 = arith.constant 1 : i32
      %broadcast_in_dim3A_600 = vector.broadcast %broadcast_in_dim3A_599 : i32 to vector<16xi32>
      %broadcast_in_dim3A_601 = arith.constant 0 : i32
      %broadcast_in_dim3A_602 = vector.broadcast %broadcast_in_dim3A_601 : i32 to vector<16xi32>
      %scan3A_603 = arith.constant 0 : i32
      %scan3A_604 = arith.constant 0 : i32
      %scan3A_605 = arith.constant 256 : i32
      %scan3A_606 = arith.addi %scan3A_604, %scan3A_605 : i32
      %scan3A_607 = arith.constant 1 : i32
      %scan3A_608 = scf.for %scan3A_658 = %scan3A_604 to %scan3A_606 step %scan3A_607 iter_args(%scan3A_659 = %scan3A_603) -> (i32)  : i32 {
        %mul3A_660 = arith.constant 16 : i32
        %mul3A_661 = arith.muli %scan3A_658, %mul3A_660 : i32
        %add3A_662 = arith.constant 12288 : i32
        %add3A_663 = arith.addi %add3A_662, %mul3A_661 : i32
        %get3A_664 = arith.index_cast %add3A_663 : i32 to index
        %get3A_665 = tpu.vector_load %arg13[%get3A_664] {strides = array<i32>} : memref<16384xf32, #tpu.memory_space<vmem>>, vector<16xf32>,
        %get3A_666 = vector.shape_cast %get3A_665 : vector<16xf32> to vector<16xf32>
        %get3A_667 = arith.constant 0 : index
        %get3A_668 = tpu.vector_load %arg14[%get3A_667] {strides = array<i32>} : memref<16xf32, #tpu.memory_space<vmem>>, vector<16xf32>,
        %get3A_669 = vector.shape_cast %get3A_668 : vector<16xf32> to vector<16xf32>
        %slice3A_670 = vector.extract_strided_slice %get3A_669 {offsets = [15], sizes = [1], strides = [1]} : vector<16xf32> to vector<1xf32>
        %squeeze3A_671 = vector.extract %slice3A_670[0] : f32 from vector<1xf32>
        %min3A = arith.minimumf %squeeze3A_598, %squeeze3A_671 : f32
        %xor3A_672 = arith.constant 1 : i32
        %xor3A_673 = vector.broadcast %xor3A_672 : i32 to vector<16xi32>
        %xor3A_674 = arith.xori %iota3A, %xor3A_673 : vector<16xi32>
        %lt3A_675 = arith.constant 0 : i32
        %lt3A_676 = vector.broadcast %lt3A_675 : i32 to vector<16xi32>
        %lt3A_677 = arith.cmpi slt, %xor3A_674, %lt3A_676 : vector<16xi32>
        %add3A_678 = arith.constant 16 : i32
        %add3A_679 = vector.broadcast %add3A_678 : i32 to vector<16xi32>
        %add3A_680 = arith.addi %xor3A_674, %add3A_679 : vector<16xi32>
        %select_n3A_681 = arith.select %lt3A_677, %add3A_680, %xor3A_674 : vector<16xi1>, vector<16xi32>
        %broadcast_in_dim3A_682 = vector.shape_cast %select_n3A_681 : vector<16xi32> to vector<16x1xi32>
        %gather3A_683 = vector.shape_cast %broadcast_in_dim3A_682 : vector<16x1xi32> to vector<16xi32>
        %gather3A_684 = tpu.dynamic_gather %get3A_666[%gather3A_683] in [0] : vector<16xf32>, vector<16xi32> -> vector<16xf32>
        %min3A_685 = arith.minimumf %get3A_666, %gather3A_684 : vector<16xf32>
        %xor3A_686 = arith.constant 2 : i32
        %xor3A_687 = vector.broadcast %xor3A_686 : i32 to vector<16xi32>
        %xor3A_688 = arith.xori %iota3A, %xor3A_687 : vector<16xi32>
        %lt3A_689 = arith.constant 0 : i32
        %lt3A_690 = vector.broadcast %lt3A_689 : i32 to vector<16xi32>
        %lt3A_691 = arith.cmpi slt, %xor3A_688, %lt3A_690 : vector<16xi32>
        %add3A_692 = arith.constant 16 : i32
        %add3A_693 = vector.broadcast %add3A_692 : i32 to vector<16xi32>
        %add3A_694 = arith.addi %xor3A_688, %add3A_693 : vector<16xi32>
        %select_n3A_695 = arith.select %lt3A_691, %add3A_694, %xor3A_688 : vector<16xi1>, vector<16xi32>
        %broadcast_in_dim3A_696 = vector.shape_cast %select_n3A_695 : vector<16xi32> to vector<16x1xi32>
        %gather3A_697 = vector.shape_cast %broadcast_in_dim3A_696 : vector<16x1xi32> to vector<16xi32>
        %gather3A_698 = tpu.dynamic_gather %min3A_685[%gather3A_697] in [0] : vector<16xf32>, vector<16xi32> -> vector<16xf32>
        %min3A_699 = arith.minimumf %min3A_685, %gather3A_698 : vector<16xf32>
        %xor3A_700 = arith.constant 4 : i32
        %xor3A_701 = vector.broadcast %xor3A_700 : i32 to vector<16xi32>
        %xor3A_702 = arith.xori %iota3A, %xor3A_701 : vector<16xi32>
        %lt3A_703 = arith.constant 0 : i32
        %lt3A_704 = vector.broadcast %lt3A_703 : i32 to vector<16xi32>
        %lt3A_705 = arith.cmpi slt, %xor3A_702, %lt3A_704 : vector<16xi32>
        %add3A_706 = arith.constant 16 : i32
        %add3A_707 = vector.broadcast %add3A_706 : i32 to vector<16xi32>
        %add3A_708 = arith.addi %xor3A_702, %add3A_707 : vector<16xi32>
        %select_n3A_709 = arith.select %lt3A_705, %add3A_708, %xor3A_702 : vector<16xi1>, vector<16xi32>
        %broadcast_in_dim3A_710 = vector.shape_cast %select_n3A_709 : vector<16xi32> to vector<16x1xi32>
        %gather3A_711 = vector.shape_cast %broadcast_in_dim3A_710 : vector<16x1xi32> to vector<16xi32>
        %gather3A_712 = tpu.dynamic_gather %min3A_699[%gather3A_711] in [0] : vector<16xf32>, vector<16xi32> -> vector<16xf32>
        %min3A_713 = arith.minimumf %min3A_699, %gather3A_712 : vector<16xf32>
        %xor3A_714 = arith.constant 8 : i32
        %xor3A_715 = vector.broadcast %xor3A_714 : i32 to vector<16xi32>
        %xor3A_716 = arith.xori %iota3A, %xor3A_715 : vector<16xi32>
        %lt3A_717 = arith.constant 0 : i32
        %lt3A_718 = vector.broadcast %lt3A_717 : i32 to vector<16xi32>
        %lt3A_719 = arith.cmpi slt, %xor3A_716, %lt3A_718 : vector<16xi32>
        %add3A_720 = arith.constant 16 : i32
        %add3A_721 = vector.broadcast %add3A_720 : i32 to vector<16xi32>
        %add3A_722 = arith.addi %xor3A_716, %add3A_721 : vector<16xi32>
        %select_n3A_723 = arith.select %lt3A_719, %add3A_722, %xor3A_716 : vector<16xi1>, vector<16xi32>
        %broadcast_in_dim3A_724 = vector.shape_cast %select_n3A_723 : vector<16xi32> to vector<16x1xi32>
        %gather3A_725 = vector.shape_cast %broadcast_in_dim3A_724 : vector<16x1xi32> to vector<16xi32>
        %gather3A_726 = tpu.dynamic_gather %min3A_713[%gather3A_725] in [0] : vector<16xf32>, vector<16xi32> -> vector<16xf32>
        %min3A_727 = arith.minimumf %min3A_713, %gather3A_726 : vector<16xf32>
        %slice3A_728 = vector.extract_strided_slice %min3A_727 {offsets = [0], sizes = [1], strides = [1]} : vector<16xf32> to vector<1xf32>
        %squeeze3A_729 = vector.extract %slice3A_728[0] : f32 from vector<1xf32>
        %le3A = arith.cmpf ole, %squeeze3A_729, %min3A : f32
        %convert_element_type3A_730 = arith.extui %le3A : i1 to i32
        %cond3A_731 = arith.constant 0 : i32
        %cond3A_732 = arith.cmpi ne, %convert_element_type3A_730, %cond3A_731 : i32
        scf.if %cond3A_732 {
          %mul3A_734 = arith.constant 16 : i32
          %mul3A_735 = arith.muli %scan3A_658, %mul3A_734 : i32
          %add3A_736 = vector.broadcast %mul3A_735 : i32 to vector<16xi32>
          %add3A_737 = arith.addi %add3A_736, %iota3A : vector<16xi32>
          %shift_right_arithmetic3A = arith.constant 1 : i32
          %shift_right_arithmetic3A_738 = vector.broadcast %shift_right_arithmetic3A : i32 to vector<16xi32>
          %shift_right_arithmetic3A_739 = arith.shrsi %iota3A, %shift_right_arithmetic3A_738 : vector<16xi32>
          %and3A_740 = arith.constant 1 : i32
          %and3A_741 = vector.broadcast %and3A_740 : i32 to vector<16xi32>
          %and3A_742 = arith.andi %shift_right_arithmetic3A_739, %and3A_741 : vector<16xi32>
          %sub3A_743 = arith.constant 1 : i32
          %sub3A_744 = vector.broadcast %sub3A_743 : i32 to vector<16xi32>
          %sub3A_745 = arith.subi %sub3A_744, %and3A_742 : vector<16xi32>
          %xor3A_746 = arith.constant 1 : i32
          %xor3A_747 = vector.broadcast %xor3A_746 : i32 to vector<16xi32>
          %xor3A_748 = arith.xori %iota3A, %xor3A_747 : vector<16xi32>
          %lt3A_749 = arith.constant 0 : i32
          %lt3A_750 = vector.broadcast %lt3A_749 : i32 to vector<16xi32>
          %lt3A_751 = arith.cmpi slt, %xor3A_748, %lt3A_750 : vector<16xi32>
          %add3A_752 = arith.constant 16 : i32
          %add3A_753 = vector.broadcast %add3A_752 : i32 to vector<16xi32>
          %add3A_754 = arith.addi %xor3A_748, %add3A_753 : vector<16xi32>
          %select_n3A_755 = arith.select %lt3A_751, %add3A_754, %xor3A_748 : vector<16xi1>, vector<16xi32>
          %broadcast_in_dim3A_756 = vector.shape_cast %select_n3A_755 : vector<16xi32> to vector<16x1xi32>
          %gather3A_757 = vector.shape_cast %broadcast_in_dim3A_756 : vector<16x1xi32> to vector<16xi32>
          %gather3A_758 = tpu.dynamic_gather %get3A_666[%gather3A_757] in [0] : vector<16xf32>, vector<16xi32> -> vector<16xf32>
          %lt3A_759 = arith.constant 0 : i32
          %lt3A_760 = vector.broadcast %lt3A_759 : i32 to vector<16xi32>
          %lt3A_761 = arith.cmpi slt, %xor3A_748, %lt3A_760 : vector<16xi32>
          %add3A_762 = arith.constant 16 : i32
          %add3A_763 = vector.broadcast %add3A_762 : i32 to vector<16xi32>
          %add3A_764 = arith.addi %xor3A_748, %add3A_763 : vector<16xi32>
          %select_n3A_765 = arith.select %lt3A_761, %add3A_764, %xor3A_748 : vector<16xi1>, vector<16xi32>
          %broadcast_in_dim3A_766 = vector.shape_cast %select_n3A_765 : vector<16xi32> to vector<16x1xi32>
          %gather3A_767 = vector.shape_cast %broadcast_in_dim3A_766 : vector<16x1xi32> to vector<16xi32>
          %gather3A_768 = tpu.dynamic_gather %add3A_737[%gather3A_767] in [0] : vector<16xi32>, vector<16xi32> -> vector<16xi32>
          %shift_right_arithmetic3A_769 = arith.constant 0 : i32
          %shift_right_arithmetic3A_770 = vector.broadcast %shift_right_arithmetic3A_769 : i32 to vector<16xi32>
          %shift_right_arithmetic3A_771 = arith.shrsi %iota3A, %shift_right_arithmetic3A_770 : vector<16xi32>
          %and3A_772 = arith.constant 1 : i32
          %and3A_773 = vector.broadcast %and3A_772 : i32 to vector<16xi32>
          %and3A_774 = arith.andi %shift_right_arithmetic3A_771, %and3A_773 : vector<16xi32>
          %sub3A_775 = arith.constant 1 : i32
          %sub3A_776 = vector.broadcast %sub3A_775 : i32 to vector<16xi32>
          %sub3A_777 = arith.subi %sub3A_776, %and3A_774 : vector<16xi32>
          %xor3A_778 = arith.xori %sub3A_777, %sub3A_745 : vector<16xi32>
          %lt3A_779 = arith.cmpf olt, %gather3A_758, %get3A_666 : vector<16xf32>
          %select_n3A_780 = arith.select %lt3A_779, %broadcast_in_dim3A_600, %broadcast_in_dim3A_602 : vector<16xi1>, vector<16xi32>
          %eq3A = arith.cmpf oeq, %gather3A_758, %get3A_666 : vector<16xf32>
          %select_n3A_781 = arith.select %eq3A, %broadcast_in_dim3A_600, %broadcast_in_dim3A_602 : vector<16xi1>, vector<16xi32>
          %lt3A_782 = arith.cmpi slt, %gather3A_768, %add3A_737 : vector<16xi32>
          %select_n3A_783 = arith.select %lt3A_782, %broadcast_in_dim3A_600, %broadcast_in_dim3A_602 : vector<16xi1>, vector<16xi32>
          %and3A_784 = arith.andi %select_n3A_781, %select_n3A_783 : vector<16xi32>
          %or3A = arith.ori %select_n3A_780, %and3A_784 : vector<16xi32>
          %xor3A_785 = arith.xori %xor3A_778, %or3A : vector<16xi32>
          %eq3A_786 = arith.constant 1 : i32
          %eq3A_787 = vector.broadcast %eq3A_786 : i32 to vector<16xi32>
          %eq3A_788 = arith.cmpi eq, %xor3A_785, %eq3A_787 : vector<16xi32>
          %select_n3A_789 = arith.select %eq3A_788, %gather3A_758, %get3A_666 : vector<16xi1>, vector<16xf32>
          %select_n3A_790 = arith.select %eq3A_788, %gather3A_768, %add3A_737 : vector<16xi1>, vector<16xi32>
          %shift_right_arithmetic3A_791 = arith.constant 2 : i32
          %shift_right_arithmetic3A_792 = vector.broadcast %shift_right_arithmetic3A_791 : i32 to vector<16xi32>
          %shift_right_arithmetic3A_793 = arith.shrsi %iota3A, %shift_right_arithmetic3A_792 : vector<16xi32>
          %and3A_794 = arith.constant 1 : i32
          %and3A_795 = vector.broadcast %and3A_794 : i32 to vector<16xi32>
          %and3A_796 = arith.andi %shift_right_arithmetic3A_793, %and3A_795 : vector<16xi32>
          %sub3A_797 = arith.constant 1 : i32
          %sub3A_798 = vector.broadcast %sub3A_797 : i32 to vector<16xi32>
          %sub3A_799 = arith.subi %sub3A_798, %and3A_796 : vector<16xi32>
          %xor3A_800 = arith.constant 2 : i32
          %xor3A_801 = vector.broadcast %xor3A_800 : i32 to vector<16xi32>
          %xor3A_802 = arith.xori %iota3A, %xor3A_801 : vector<16xi32>
          %lt3A_803 = arith.constant 0 : i32
          %lt3A_804 = vector.broadcast %lt3A_803 : i32 to vector<16xi32>
          %lt3A_805 = arith.cmpi slt, %xor3A_802, %lt3A_804 : vector<16xi32>
          %add3A_806 = arith.constant 16 : i32
          %add3A_807 = vector.broadcast %add3A_806 : i32 to vector<16xi32>
          %add3A_808 = arith.addi %xor3A_802, %add3A_807 : vector<16xi32>
          %select_n3A_809 = arith.select %lt3A_805, %add3A_808, %xor3A_802 : vector<16xi1>, vector<16xi32>
          %broadcast_in_dim3A_810 = vector.shape_cast %select_n3A_809 : vector<16xi32> to vector<16x1xi32>
          %gather3A_811 = vector.shape_cast %broadcast_in_dim3A_810 : vector<16x1xi32> to vector<16xi32>
          %gather3A_812 = tpu.dynamic_gather %select_n3A_789[%gather3A_811] in [0] : vector<16xf32>, vector<16xi32> -> vector<16xf32>
          %lt3A_813 = arith.constant 0 : i32
          %lt3A_814 = vector.broadcast %lt3A_813 : i32 to vector<16xi32>
          %lt3A_815 = arith.cmpi slt, %xor3A_802, %lt3A_814 : vector<16xi32>
          %add3A_816 = arith.constant 16 : i32
          %add3A_817 = vector.broadcast %add3A_816 : i32 to vector<16xi32>
          %add3A_818 = arith.addi %xor3A_802, %add3A_817 : vector<16xi32>
          %select_n3A_819 = arith.select %lt3A_815, %add3A_818, %xor3A_802 : vector<16xi1>, vector<16xi32>
          %broadcast_in_dim3A_820 = vector.shape_cast %select_n3A_819 : vector<16xi32> to vector<16x1xi32>
          %gather3A_821 = vector.shape_cast %broadcast_in_dim3A_820 : vector<16x1xi32> to vector<16xi32>
          %gather3A_822 = tpu.dynamic_gather %select_n3A_790[%gather3A_821] in [0] : vector<16xi32>, vector<16xi32> -> vector<16xi32>
          %shift_right_arithmetic3A_823 = arith.constant 1 : i32
          %shift_right_arithmetic3A_824 = vector.broadcast %shift_right_arithmetic3A_823 : i32 to vector<16xi32>
          %shift_right_arithmetic3A_825 = arith.shrsi %iota3A, %shift_right_arithmetic3A_824 : vector<16xi32>
          %and3A_826 = arith.constant 1 : i32
          %and3A_827 = vector.broadcast %and3A_826 : i32 to vector<16xi32>
          %and3A_828 = arith.andi %shift_right_arithmetic3A_825, %and3A_827 : vector<16xi32>
          %sub3A_829 = arith.constant 1 : i32
          %sub3A_830 = vector.broadcast %sub3A_829 : i32 to vector<16xi32>
          %sub3A_831 = arith.subi %sub3A_830, %and3A_828 : vector<16xi32>
          %xor3A_832 = arith.xori %sub3A_831, %sub3A_799 : vector<16xi32>
          %lt3A_833 = arith.cmpf olt, %gather3A_812, %select_n3A_789 : vector<16xf32>
          %select_n3A_834 = arith.select %lt3A_833, %broadcast_in_dim3A_600, %broadcast_in_dim3A_602 : vector<16xi1>, vector<16xi32>
          %eq3A_835 = arith.cmpf oeq, %gather3A_812, %select_n3A_789 : vector<16xf32>
          %select_n3A_836 = arith.select %eq3A_835, %broadcast_in_dim3A_600, %broadcast_in_dim3A_602 : vector<16xi1>, vector<16xi32>
          %lt3A_837 = arith.cmpi slt, %gather3A_822, %select_n3A_790 : vector<16xi32>
          %select_n3A_838 = arith.select %lt3A_837, %broadcast_in_dim3A_600, %broadcast_in_dim3A_602 : vector<16xi1>, vector<16xi32>
          %and3A_839 = arith.andi %select_n3A_836, %select_n3A_838 : vector<16xi32>
          %or3A_840 = arith.ori %select_n3A_834, %and3A_839 : vector<16xi32>
          %xor3A_841 = arith.xori %xor3A_832, %or3A_840 : vector<16xi32>
          %eq3A_842 = arith.constant 1 : i32
          %eq3A_843 = vector.broadcast %eq3A_842 : i32 to vector<16xi32>
          %eq3A_844 = arith.cmpi eq, %xor3A_841, %eq3A_843 : vector<16xi32>
          %select_n3A_845 = arith.select %eq3A_844, %gather3A_812, %select_n3A_789 : vector<16xi1>, vector<16xf32>
          %select_n3A_846 = arith.select %eq3A_844, %gather3A_822, %select_n3A_790 : vector<16xi1>, vector<16xi32>
          %xor3A_847 = arith.constant 1 : i32
          %xor3A_848 = vector.broadcast %xor3A_847 : i32 to vector<16xi32>
          %xor3A_849 = arith.xori %iota3A, %xor3A_848 : vector<16xi32>
          %lt3A_850 = arith.constant 0 : i32
          %lt3A_851 = vector.broadcast %lt3A_850 : i32 to vector<16xi32>
          %lt3A_852 = arith.cmpi slt, %xor3A_849, %lt3A_851 : vector<16xi32>
          %add3A_853 = arith.constant 16 : i32
          %add3A_854 = vector.broadcast %add3A_853 : i32 to vector<16xi32>
          %add3A_855 = arith.addi %xor3A_849, %add3A_854 : vector<16xi32>
          %select_n3A_856 = arith.select %lt3A_852, %add3A_855, %xor3A_849 : vector<16xi1>, vector<16xi32>
          %broadcast_in_dim3A_857 = vector.shape_cast %select_n3A_856 : vector<16xi32> to vector<16x1xi32>
          %gather3A_858 = vector.shape_cast %broadcast_in_dim3A_857 : vector<16x1xi32> to vector<16xi32>
          %gather3A_859 = tpu.dynamic_gather %select_n3A_845[%gather3A_858] in [0] : vector<16xf32>, vector<16xi32> -> vector<16xf32>
          %lt3A_860 = arith.constant 0 : i32
          %lt3A_861 = vector.broadcast %lt3A_860 : i32 to vector<16xi32>
          %lt3A_862 = arith.cmpi slt, %xor3A_849, %lt3A_861 : vector<16xi32>
          %add3A_863 = arith.constant 16 : i32
          %add3A_864 = vector.broadcast %add3A_863 : i32 to vector<16xi32>
          %add3A_865 = arith.addi %xor3A_849, %add3A_864 : vector<16xi32>
          %select_n3A_866 = arith.select %lt3A_862, %add3A_865, %xor3A_849 : vector<16xi1>, vector<16xi32>
          %broadcast_in_dim3A_867 = vector.shape_cast %select_n3A_866 : vector<16xi32> to vector<16x1xi32>
          %gather3A_868 = vector.shape_cast %broadcast_in_dim3A_867 : vector<16x1xi32> to vector<16xi32>
          %gather3A_869 = tpu.dynamic_gather %select_n3A_846[%gather3A_868] in [0] : vector<16xi32>, vector<16xi32> -> vector<16xi32>
          %shift_right_arithmetic3A_870 = arith.constant 0 : i32
          %shift_right_arithmetic3A_871 = vector.broadcast %shift_right_arithmetic3A_870 : i32 to vector<16xi32>
          %shift_right_arithmetic3A_872 = arith.shrsi %iota3A, %shift_right_arithmetic3A_871 : vector<16xi32>
          %and3A_873 = arith.constant 1 : i32
          %and3A_874 = vector.broadcast %and3A_873 : i32 to vector<16xi32>
          %and3A_875 = arith.andi %shift_right_arithmetic3A_872, %and3A_874 : vector<16xi32>
          %sub3A_876 = arith.constant 1 : i32
          %sub3A_877 = vector.broadcast %sub3A_876 : i32 to vector<16xi32>
          %sub3A_878 = arith.subi %sub3A_877, %and3A_875 : vector<16xi32>
          %xor3A_879 = arith.xori %sub3A_878, %sub3A_799 : vector<16xi32>
          %lt3A_880 = arith.cmpf olt, %gather3A_859, %select_n3A_845 : vector<16xf32>
          %select_n3A_881 = arith.select %lt3A_880, %broadcast_in_dim3A_600, %broadcast_in_dim3A_602 : vector<16xi1>, vector<16xi32>
          %eq3A_882 = arith.cmpf oeq, %gather3A_859, %select_n3A_845 : vector<16xf32>
          %select_n3A_883 = arith.select %eq3A_882, %broadcast_in_dim3A_600, %broadcast_in_dim3A_602 : vector<16xi1>, vector<16xi32>
          %lt3A_884 = arith.cmpi slt, %gather3A_869, %select_n3A_846 : vector<16xi32>
          %select_n3A_885 = arith.select %lt3A_884, %broadcast_in_dim3A_600, %broadcast_in_dim3A_602 : vector<16xi1>, vector<16xi32>
          %and3A_886 = arith.andi %select_n3A_883, %select_n3A_885 : vector<16xi32>
          %or3A_887 = arith.ori %select_n3A_881, %and3A_886 : vector<16xi32>
          %xor3A_888 = arith.xori %xor3A_879, %or3A_887 : vector<16xi32>
          %eq3A_889 = arith.constant 1 : i32
          %eq3A_890 = vector.broadcast %eq3A_889 : i32 to vector<16xi32>
          %eq3A_891 = arith.cmpi eq, %xor3A_888, %eq3A_890 : vector<16xi32>
          %select_n3A_892 = arith.select %eq3A_891, %gather3A_859, %select_n3A_845 : vector<16xi1>, vector<16xf32>
          %select_n3A_893 = arith.select %eq3A_891, %gather3A_869, %select_n3A_846 : vector<16xi1>, vector<16xi32>
          %shift_right_arithmetic3A_894 = arith.constant 3 : i32
          %shift_right_arithmetic3A_895 = vector.broadcast %shift_right_arithmetic3A_894 : i32 to vector<16xi32>
          %shift_right_arithmetic3A_896 = arith.shrsi %iota3A, %shift_right_arithmetic3A_895 : vector<16xi32>
          %and3A_897 = arith.constant 1 : i32
          %and3A_898 = vector.broadcast %and3A_897 : i32 to vector<16xi32>
          %and3A_899 = arith.andi %shift_right_arithmetic3A_896, %and3A_898 : vector<16xi32>
          %sub3A_900 = arith.constant 1 : i32
          %sub3A_901 = vector.broadcast %sub3A_900 : i32 to vector<16xi32>
          %sub3A_902 = arith.subi %sub3A_901, %and3A_899 : vector<16xi32>
          %xor3A_903 = arith.constant 4 : i32
          %xor3A_904 = vector.broadcast %xor3A_903 : i32 to vector<16xi32>
          %xor3A_905 = arith.xori %iota3A, %xor3A_904 : vector<16xi32>
          %lt3A_906 = arith.constant 0 : i32
          %lt3A_907 = vector.broadcast %lt3A_906 : i32 to vector<16xi32>
          %lt3A_908 = arith.cmpi slt, %xor3A_905, %lt3A_907 : vector<16xi32>
          %add3A_909 = arith.constant 16 : i32
          %add3A_910 = vector.broadcast %add3A_909 : i32 to vector<16xi32>
          %add3A_911 = arith.addi %xor3A_905, %add3A_910 : vector<16xi32>
          %select_n3A_912 = arith.select %lt3A_908, %add3A_911, %xor3A_905 : vector<16xi1>, vector<16xi32>
          %broadcast_in_dim3A_913 = vector.shape_cast %select_n3A_912 : vector<16xi32> to vector<16x1xi32>
          %gather3A_914 = vector.shape_cast %broadcast_in_dim3A_913 : vector<16x1xi32> to vector<16xi32>
          %gather3A_915 = tpu.dynamic_gather %select_n3A_892[%gather3A_914] in [0] : vector<16xf32>, vector<16xi32> -> vector<16xf32>
          %lt3A_916 = arith.constant 0 : i32
          %lt3A_917 = vector.broadcast %lt3A_916 : i32 to vector<16xi32>
          %lt3A_918 = arith.cmpi slt, %xor3A_905, %lt3A_917 : vector<16xi32>
          %add3A_919 = arith.constant 16 : i32
          %add3A_920 = vector.broadcast %add3A_919 : i32 to vector<16xi32>
          %add3A_921 = arith.addi %xor3A_905, %add3A_920 : vector<16xi32>
          %select_n3A_922 = arith.select %lt3A_918, %add3A_921, %xor3A_905 : vector<16xi1>, vector<16xi32>
          %broadcast_in_dim3A_923 = vector.shape_cast %select_n3A_922 : vector<16xi32> to vector<16x1xi32>
          %gather3A_924 = vector.shape_cast %broadcast_in_dim3A_923 : vector<16x1xi32> to vector<16xi32>
          %gather3A_925 = tpu.dynamic_gather %select_n3A_893[%gather3A_924] in [0] : vector<16xi32>, vector<16xi32> -> vector<16xi32>
          %shift_right_arithmetic3A_926 = arith.constant 2 : i32
          %shift_right_arithmetic3A_927 = vector.broadcast %shift_right_arithmetic3A_926 : i32 to vector<16xi32>
          %shift_right_arithmetic3A_928 = arith.shrsi %iota3A, %shift_right_arithmetic3A_927 : vector<16xi32>
          %and3A_929 = arith.constant 1 : i32
          %and3A_930 = vector.broadcast %and3A_929 : i32 to vector<16xi32>
          %and3A_931 = arith.andi %shift_right_arithmetic3A_928, %and3A_930 : vector<16xi32>
          %sub3A_932 = arith.constant 1 : i32
          %sub3A_933 = vector.broadcast %sub3A_932 : i32 to vector<16xi32>
          %sub3A_934 = arith.subi %sub3A_933, %and3A_931 : vector<16xi32>
          %xor3A_935 = arith.xori %sub3A_934, %sub3A_902 : vector<16xi32>
          %lt3A_936 = arith.cmpf olt, %gather3A_915, %select_n3A_892 : vector<16xf32>
          %select_n3A_937 = arith.select %lt3A_936, %broadcast_in_dim3A_600, %broadcast_in_dim3A_602 : vector<16xi1>, vector<16xi32>
          %eq3A_938 = arith.cmpf oeq, %gather3A_915, %select_n3A_892 : vector<16xf32>
          %select_n3A_939 = arith.select %eq3A_938, %broadcast_in_dim3A_600, %broadcast_in_dim3A_602 : vector<16xi1>, vector<16xi32>
          %lt3A_940 = arith.cmpi slt, %gather3A_925, %select_n3A_893 : vector<16xi32>
          %select_n3A_941 = arith.select %lt3A_940, %broadcast_in_dim3A_600, %broadcast_in_dim3A_602 : vector<16xi1>, vector<16xi32>
          %and3A_942 = arith.andi %select_n3A_939, %select_n3A_941 : vector<16xi32>
          %or3A_943 = arith.ori %select_n3A_937, %and3A_942 : vector<16xi32>
          %xor3A_944 = arith.xori %xor3A_935, %or3A_943 : vector<16xi32>
          %eq3A_945 = arith.constant 1 : i32
          %eq3A_946 = vector.broadcast %eq3A_945 : i32 to vector<16xi32>
          %eq3A_947 = arith.cmpi eq, %xor3A_944, %eq3A_946 : vector<16xi32>
          %select_n3A_948 = arith.select %eq3A_947, %gather3A_915, %select_n3A_892 : vector<16xi1>, vector<16xf32>
          %select_n3A_949 = arith.select %eq3A_947, %gather3A_925, %select_n3A_893 : vector<16xi1>, vector<16xi32>
          %xor3A_950 = arith.constant 2 : i32
          %xor3A_951 = vector.broadcast %xor3A_950 : i32 to vector<16xi32>
          %xor3A_952 = arith.xori %iota3A, %xor3A_951 : vector<16xi32>
          %lt3A_953 = arith.constant 0 : i32
          %lt3A_954 = vector.broadcast %lt3A_953 : i32 to vector<16xi32>
          %lt3A_955 = arith.cmpi slt, %xor3A_952, %lt3A_954 : vector<16xi32>
          %add3A_956 = arith.constant 16 : i32
          %add3A_957 = vector.broadcast %add3A_956 : i32 to vector<16xi32>
          %add3A_958 = arith.addi %xor3A_952, %add3A_957 : vector<16xi32>
          %select_n3A_959 = arith.select %lt3A_955, %add3A_958, %xor3A_952 : vector<16xi1>, vector<16xi32>
          %broadcast_in_dim3A_960 = vector.shape_cast %select_n3A_959 : vector<16xi32> to vector<16x1xi32>
          %gather3A_961 = vector.shape_cast %broadcast_in_dim3A_960 : vector<16x1xi32> to vector<16xi32>
          %gather3A_962 = tpu.dynamic_gather %select_n3A_948[%gather3A_961] in [0] : vector<16xf32>, vector<16xi32> -> vector<16xf32>
          %lt3A_963 = arith.constant 0 : i32
          %lt3A_964 = vector.broadcast %lt3A_963 : i32 to vector<16xi32>
          %lt3A_965 = arith.cmpi slt, %xor3A_952, %lt3A_964 : vector<16xi32>
          %add3A_966 = arith.constant 16 : i32
          %add3A_967 = vector.broadcast %add3A_966 : i32 to vector<16xi32>
          %add3A_968 = arith.addi %xor3A_952, %add3A_967 : vector<16xi32>
          %select_n3A_969 = arith.select %lt3A_965, %add3A_968, %xor3A_952 : vector<16xi1>, vector<16xi32>
          %broadcast_in_dim3A_970 = vector.shape_cast %select_n3A_969 : vector<16xi32> to vector<16x1xi32>
          %gather3A_971 = vector.shape_cast %broadcast_in_dim3A_970 : vector<16x1xi32> to vector<16xi32>
          %gather3A_972 = tpu.dynamic_gather %select_n3A_949[%gather3A_971] in [0] : vector<16xi32>, vector<16xi32> -> vector<16xi32>
          %shift_right_arithmetic3A_973 = arith.constant 1 : i32
          %shift_right_arithmetic3A_974 = vector.broadcast %shift_right_arithmetic3A_973 : i32 to vector<16xi32>
          %shift_right_arithmetic3A_975 = arith.shrsi %iota3A, %shift_right_arithmetic3A_974 : vector<16xi32>
          %and3A_976 = arith.constant 1 : i32
          %and3A_977 = vector.broadcast %and3A_976 : i32 to vector<16xi32>
          %and3A_978 = arith.andi %shift_right_arithmetic3A_975, %and3A_977 : vector<16xi32>
          %sub3A_979 = arith.constant 1 : i32
          %sub3A_980 = vector.broadcast %sub3A_979 : i32 to vector<16xi32>
          %sub3A_981 = arith.subi %sub3A_980, %and3A_978 : vector<16xi32>
          %xor3A_982 = arith.xori %sub3A_981, %sub3A_902 : vector<16xi32>
          %lt3A_983 = arith.cmpf olt, %gather3A_962, %select_n3A_948 : vector<16xf32>
          %select_n3A_984 = arith.select %lt3A_983, %broadcast_in_dim3A_600, %broadcast_in_dim3A_602 : vector<16xi1>, vector<16xi32>
          %eq3A_985 = arith.cmpf oeq, %gather3A_962, %select_n3A_948 : vector<16xf32>
          %select_n3A_986 = arith.select %eq3A_985, %broadcast_in_dim3A_600, %broadcast_in_dim3A_602 : vector<16xi1>, vector<16xi32>
          %lt3A_987 = arith.cmpi slt, %gather3A_972, %select_n3A_949 : vector<16xi32>
          %select_n3A_988 = arith.select %lt3A_987, %broadcast_in_dim3A_600, %broadcast_in_dim3A_602 : vector<16xi1>, vector<16xi32>
          %and3A_989 = arith.andi %select_n3A_986, %select_n3A_988 : vector<16xi32>
          %or3A_990 = arith.ori %select_n3A_984, %and3A_989 : vector<16xi32>
          %xor3A_991 = arith.xori %xor3A_982, %or3A_990 : vector<16xi32>
          %eq3A_992 = arith.constant 1 : i32
          %eq3A_993 = vector.broadcast %eq3A_992 : i32 to vector<16xi32>
          %eq3A_994 = arith.cmpi eq, %xor3A_991, %eq3A_993 : vector<16xi32>
          %select_n3A_995 = arith.select %eq3A_994, %gather3A_962, %select_n3A_948 : vector<16xi1>, vector<16xf32>
          %select_n3A_996 = arith.select %eq3A_994, %gather3A_972, %select_n3A_949 : vector<16xi1>, vector<16xi32>
          %xor3A_997 = arith.constant 1 : i32
          %xor3A_998 = vector.broadcast %xor3A_997 : i32 to vector<16xi32>
          %xor3A_999 = arith.xori %iota3A, %xor3A_998 : vector<16xi32>
          %lt3A_1000 = arith.constant 0 : i32
          %lt3A_1001 = vector.broadcast %lt3A_1000 : i32 to vector<16xi32>
          %lt3A_1002 = arith.cmpi slt, %xor3A_999, %lt3A_1001 : vector<16xi32>
          %add3A_1003 = arith.constant 16 : i32
          %add3A_1004 = vector.broadcast %add3A_1003 : i32 to vector<16xi32>
          %add3A_1005 = arith.addi %xor3A_999, %add3A_1004 : vector<16xi32>
          %select_n3A_1006 = arith.select %lt3A_1002, %add3A_1005, %xor3A_999 : vector<16xi1>, vector<16xi32>
          %broadcast_in_dim3A_1007 = vector.shape_cast %select_n3A_1006 : vector<16xi32> to vector<16x1xi32>
          %gather3A_1008 = vector.shape_cast %broadcast_in_dim3A_1007 : vector<16x1xi32> to vector<16xi32>
          %gather3A_1009 = tpu.dynamic_gather %select_n3A_995[%gather3A_1008] in [0] : vector<16xf32>, vector<16xi32> -> vector<16xf32>
          %lt3A_1010 = arith.constant 0 : i32
          %lt3A_1011 = vector.broadcast %lt3A_1010 : i32 to vector<16xi32>
          %lt3A_1012 = arith.cmpi slt, %xor3A_999, %lt3A_1011 : vector<16xi32>
          %add3A_1013 = arith.constant 16 : i32
          %add3A_1014 = vector.broadcast %add3A_1013 : i32 to vector<16xi32>
          %add3A_1015 = arith.addi %xor3A_999, %add3A_1014 : vector<16xi32>
          %select_n3A_1016 = arith.select %lt3A_1012, %add3A_1015, %xor3A_999 : vector<16xi1>, vector<16xi32>
          %broadcast_in_dim3A_1017 = vector.shape_cast %select_n3A_1016 : vector<16xi32> to vector<16x1xi32>
          %gather3A_1018 = vector.shape_cast %broadcast_in_dim3A_1017 : vector<16x1xi32> to vector<16xi32>
          %gather3A_1019 = tpu.dynamic_gather %select_n3A_996[%gather3A_1018] in [0] : vector<16xi32>, vector<16xi32> -> vector<16xi32>
          %shift_right_arithmetic3A_1020 = arith.constant 0 : i32
          %shift_right_arithmetic3A_1021 = vector.broadcast %shift_right_arithmetic3A_1020 : i32 to vector<16xi32>
          %shift_right_arithmetic3A_1022 = arith.shrsi %iota3A, %shift_right_arithmetic3A_1021 : vector<16xi32>
          %and3A_1023 = arith.constant 1 : i32
          %and3A_1024 = vector.broadcast %and3A_1023 : i32 to vector<16xi32>
          %and3A_1025 = arith.andi %shift_right_arithmetic3A_1022, %and3A_1024 : vector<16xi32>
          %sub3A_1026 = arith.constant 1 : i32
          %sub3A_1027 = vector.broadcast %sub3A_1026 : i32 to vector<16xi32>
          %sub3A_1028 = arith.subi %sub3A_1027, %and3A_1025 : vector<16xi32>
          %xor3A_1029 = arith.xori %sub3A_1028, %sub3A_902 : vector<16xi32>
          %lt3A_1030 = arith.cmpf olt, %gather3A_1009, %select_n3A_995 : vector<16xf32>
          %select_n3A_1031 = arith.select %lt3A_1030, %broadcast_in_dim3A_600, %broadcast_in_dim3A_602 : vector<16xi1>, vector<16xi32>
          %eq3A_1032 = arith.cmpf oeq, %gather3A_1009, %select_n3A_995 : vector<16xf32>
          %select_n3A_1033 = arith.select %eq3A_1032, %broadcast_in_dim3A_600, %broadcast_in_dim3A_602 : vector<16xi1>, vector<16xi32>
          %lt3A_1034 = arith.cmpi slt, %gather3A_1019, %select_n3A_996 : vector<16xi32>
          %select_n3A_1035 = arith.select %lt3A_1034, %broadcast_in_dim3A_600, %broadcast_in_dim3A_602 : vector<16xi1>, vector<16xi32>
          %and3A_1036 = arith.andi %select_n3A_1033, %select_n3A_1035 : vector<16xi32>
          %or3A_1037 = arith.ori %select_n3A_1031, %and3A_1036 : vector<16xi32>
          %xor3A_1038 = arith.xori %xor3A_1029, %or3A_1037 : vector<16xi32>
          %eq3A_1039 = arith.constant 1 : i32
          %eq3A_1040 = vector.broadcast %eq3A_1039 : i32 to vector<16xi32>
          %eq3A_1041 = arith.cmpi eq, %xor3A_1038, %eq3A_1040 : vector<16xi32>
          %select_n3A_1042 = arith.select %eq3A_1041, %gather3A_1009, %select_n3A_995 : vector<16xi1>, vector<16xf32>
          %select_n3A_1043 = arith.select %eq3A_1041, %gather3A_1019, %select_n3A_996 : vector<16xi1>, vector<16xi32>
          %shift_right_arithmetic3A_1044 = arith.constant 4 : i32
          %shift_right_arithmetic3A_1045 = vector.broadcast %shift_right_arithmetic3A_1044 : i32 to vector<16xi32>
          %shift_right_arithmetic3A_1046 = arith.shrsi %iota3A, %shift_right_arithmetic3A_1045 : vector<16xi32>
          %and3A_1047 = arith.constant 1 : i32
          %and3A_1048 = vector.broadcast %and3A_1047 : i32 to vector<16xi32>
          %and3A_1049 = arith.andi %shift_right_arithmetic3A_1046, %and3A_1048 : vector<16xi32>
          %sub3A_1050 = arith.constant 1 : i32
          %sub3A_1051 = vector.broadcast %sub3A_1050 : i32 to vector<16xi32>
          %sub3A_1052 = arith.subi %sub3A_1051, %and3A_1049 : vector<16xi32>
          %xor3A_1053 = arith.constant 8 : i32
          %xor3A_1054 = vector.broadcast %xor3A_1053 : i32 to vector<16xi32>
          %xor3A_1055 = arith.xori %iota3A, %xor3A_1054 : vector<16xi32>
          %lt3A_1056 = arith.constant 0 : i32
          %lt3A_1057 = vector.broadcast %lt3A_1056 : i32 to vector<16xi32>
          %lt3A_1058 = arith.cmpi slt, %xor3A_1055, %lt3A_1057 : vector<16xi32>
          %add3A_1059 = arith.constant 16 : i32
          %add3A_1060 = vector.broadcast %add3A_1059 : i32 to vector<16xi32>
          %add3A_1061 = arith.addi %xor3A_1055, %add3A_1060 : vector<16xi32>
          %select_n3A_1062 = arith.select %lt3A_1058, %add3A_1061, %xor3A_1055 : vector<16xi1>, vector<16xi32>
          %broadcast_in_dim3A_1063 = vector.shape_cast %select_n3A_1062 : vector<16xi32> to vector<16x1xi32>
          %gather3A_1064 = vector.shape_cast %broadcast_in_dim3A_1063 : vector<16x1xi32> to vector<16xi32>
          %gather3A_1065 = tpu.dynamic_gather %select_n3A_1042[%gather3A_1064] in [0] : vector<16xf32>, vector<16xi32> -> vector<16xf32>
          %lt3A_1066 = arith.constant 0 : i32
          %lt3A_1067 = vector.broadcast %lt3A_1066 : i32 to vector<16xi32>
          %lt3A_1068 = arith.cmpi slt, %xor3A_1055, %lt3A_1067 : vector<16xi32>
          %add3A_1069 = arith.constant 16 : i32
          %add3A_1070 = vector.broadcast %add3A_1069 : i32 to vector<16xi32>
          %add3A_1071 = arith.addi %xor3A_1055, %add3A_1070 : vector<16xi32>
          %select_n3A_1072 = arith.select %lt3A_1068, %add3A_1071, %xor3A_1055 : vector<16xi1>, vector<16xi32>
          %broadcast_in_dim3A_1073 = vector.shape_cast %select_n3A_1072 : vector<16xi32> to vector<16x1xi32>
          %gather3A_1074 = vector.shape_cast %broadcast_in_dim3A_1073 : vector<16x1xi32> to vector<16xi32>
          %gather3A_1075 = tpu.dynamic_gather %select_n3A_1043[%gather3A_1074] in [0] : vector<16xi32>, vector<16xi32> -> vector<16xi32>
          %shift_right_arithmetic3A_1076 = arith.constant 3 : i32
          %shift_right_arithmetic3A_1077 = vector.broadcast %shift_right_arithmetic3A_1076 : i32 to vector<16xi32>
          %shift_right_arithmetic3A_1078 = arith.shrsi %iota3A, %shift_right_arithmetic3A_1077 : vector<16xi32>
          %and3A_1079 = arith.constant 1 : i32
          %and3A_1080 = vector.broadcast %and3A_1079 : i32 to vector<16xi32>
          %and3A_1081 = arith.andi %shift_right_arithmetic3A_1078, %and3A_1080 : vector<16xi32>
          %sub3A_1082 = arith.constant 1 : i32
          %sub3A_1083 = vector.broadcast %sub3A_1082 : i32 to vector<16xi32>
          %sub3A_1084 = arith.subi %sub3A_1083, %and3A_1081 : vector<16xi32>
          %xor3A_1085 = arith.xori %sub3A_1084, %sub3A_1052 : vector<16xi32>
          %lt3A_1086 = arith.cmpf olt, %gather3A_1065, %select_n3A_1042 : vector<16xf32>
          %select_n3A_1087 = arith.select %lt3A_1086, %broadcast_in_dim3A_600, %broadcast_in_dim3A_602 : vector<16xi1>, vector<16xi32>
          %eq3A_1088 = arith.cmpf oeq, %gather3A_1065, %select_n3A_1042 : vector<16xf32>
          %select_n3A_1089 = arith.select %eq3A_1088, %broadcast_in_dim3A_600, %broadcast_in_dim3A_602 : vector<16xi1>, vector<16xi32>
          %lt3A_1090 = arith.cmpi slt, %gather3A_1075, %select_n3A_1043 : vector<16xi32>
          %select_n3A_1091 = arith.select %lt3A_1090, %broadcast_in_dim3A_600, %broadcast_in_dim3A_602 : vector<16xi1>, vector<16xi32>
          %and3A_1092 = arith.andi %select_n3A_1089, %select_n3A_1091 : vector<16xi32>
          %or3A_1093 = arith.ori %select_n3A_1087, %and3A_1092 : vector<16xi32>
          %xor3A_1094 = arith.xori %xor3A_1085, %or3A_1093 : vector<16xi32>
          %eq3A_1095 = arith.constant 1 : i32
          %eq3A_1096 = vector.broadcast %eq3A_1095 : i32 to vector<16xi32>
          %eq3A_1097 = arith.cmpi eq, %xor3A_1094, %eq3A_1096 : vector<16xi32>
          %select_n3A_1098 = arith.select %eq3A_1097, %gather3A_1065, %select_n3A_1042 : vector<16xi1>, vector<16xf32>
          %select_n3A_1099 = arith.select %eq3A_1097, %gather3A_1075, %select_n3A_1043 : vector<16xi1>, vector<16xi32>
          %xor3A_1100 = arith.constant 4 : i32
          %xor3A_1101 = vector.broadcast %xor3A_1100 : i32 to vector<16xi32>
          %xor3A_1102 = arith.xori %iota3A, %xor3A_1101 : vector<16xi32>
          %lt3A_1103 = arith.constant 0 : i32
          %lt3A_1104 = vector.broadcast %lt3A_1103 : i32 to vector<16xi32>
          %lt3A_1105 = arith.cmpi slt, %xor3A_1102, %lt3A_1104 : vector<16xi32>
          %add3A_1106 = arith.constant 16 : i32
          %add3A_1107 = vector.broadcast %add3A_1106 : i32 to vector<16xi32>
          %add3A_1108 = arith.addi %xor3A_1102, %add3A_1107 : vector<16xi32>
          %select_n3A_1109 = arith.select %lt3A_1105, %add3A_1108, %xor3A_1102 : vector<16xi1>, vector<16xi32>
          %broadcast_in_dim3A_1110 = vector.shape_cast %select_n3A_1109 : vector<16xi32> to vector<16x1xi32>
          %gather3A_1111 = vector.shape_cast %broadcast_in_dim3A_1110 : vector<16x1xi32> to vector<16xi32>
          %gather3A_1112 = tpu.dynamic_gather %select_n3A_1098[%gather3A_1111] in [0] : vector<16xf32>, vector<16xi32> -> vector<16xf32>
          %lt3A_1113 = arith.constant 0 : i32
          %lt3A_1114 = vector.broadcast %lt3A_1113 : i32 to vector<16xi32>
          %lt3A_1115 = arith.cmpi slt, %xor3A_1102, %lt3A_1114 : vector<16xi32>
          %add3A_1116 = arith.constant 16 : i32
          %add3A_1117 = vector.broadcast %add3A_1116 : i32 to vector<16xi32>
          %add3A_1118 = arith.addi %xor3A_1102, %add3A_1117 : vector<16xi32>
          %select_n3A_1119 = arith.select %lt3A_1115, %add3A_1118, %xor3A_1102 : vector<16xi1>, vector<16xi32>
          %broadcast_in_dim3A_1120 = vector.shape_cast %select_n3A_1119 : vector<16xi32> to vector<16x1xi32>
          %gather3A_1121 = vector.shape_cast %broadcast_in_dim3A_1120 : vector<16x1xi32> to vector<16xi32>
          %gather3A_1122 = tpu.dynamic_gather %select_n3A_1099[%gather3A_1121] in [0] : vector<16xi32>, vector<16xi32> -> vector<16xi32>
          %shift_right_arithmetic3A_1123 = arith.constant 2 : i32
          %shift_right_arithmetic3A_1124 = vector.broadcast %shift_right_arithmetic3A_1123 : i32 to vector<16xi32>
          %shift_right_arithmetic3A_1125 = arith.shrsi %iota3A, %shift_right_arithmetic3A_1124 : vector<16xi32>
          %and3A_1126 = arith.constant 1 : i32
          %and3A_1127 = vector.broadcast %and3A_1126 : i32 to vector<16xi32>
          %and3A_1128 = arith.andi %shift_right_arithmetic3A_1125, %and3A_1127 : vector<16xi32>
          %sub3A_1129 = arith.constant 1 : i32
          %sub3A_1130 = vector.broadcast %sub3A_1129 : i32 to vector<16xi32>
          %sub3A_1131 = arith.subi %sub3A_1130, %and3A_1128 : vector<16xi32>
          %xor3A_1132 = arith.xori %sub3A_1131, %sub3A_1052 : vector<16xi32>
          %lt3A_1133 = arith.cmpf olt, %gather3A_1112, %select_n3A_1098 : vector<16xf32>
          %select_n3A_1134 = arith.select %lt3A_1133, %broadcast_in_dim3A_600, %broadcast_in_dim3A_602 : vector<16xi1>, vector<16xi32>
          %eq3A_1135 = arith.cmpf oeq, %gather3A_1112, %select_n3A_1098 : vector<16xf32>
          %select_n3A_1136 = arith.select %eq3A_1135, %broadcast_in_dim3A_600, %broadcast_in_dim3A_602 : vector<16xi1>, vector<16xi32>
          %lt3A_1137 = arith.cmpi slt, %gather3A_1122, %select_n3A_1099 : vector<16xi32>
          %select_n3A_1138 = arith.select %lt3A_1137, %broadcast_in_dim3A_600, %broadcast_in_dim3A_602 : vector<16xi1>, vector<16xi32>
          %and3A_1139 = arith.andi %select_n3A_1136, %select_n3A_1138 : vector<16xi32>
          %or3A_1140 = arith.ori %select_n3A_1134, %and3A_1139 : vector<16xi32>
          %xor3A_1141 = arith.xori %xor3A_1132, %or3A_1140 : vector<16xi32>
          %eq3A_1142 = arith.constant 1 : i32
          %eq3A_1143 = vector.broadcast %eq3A_1142 : i32 to vector<16xi32>
          %eq3A_1144 = arith.cmpi eq, %xor3A_1141, %eq3A_1143 : vector<16xi32>
          %select_n3A_1145 = arith.select %eq3A_1144, %gather3A_1112, %select_n3A_1098 : vector<16xi1>, vector<16xf32>
          %select_n3A_1146 = arith.select %eq3A_1144, %gather3A_1122, %select_n3A_1099 : vector<16xi1>, vector<16xi32>
          %xor3A_1147 = arith.constant 2 : i32
          %xor3A_1148 = vector.broadcast %xor3A_1147 : i32 to vector<16xi32>
          %xor3A_1149 = arith.xori %iota3A, %xor3A_1148 : vector<16xi32>
          %lt3A_1150 = arith.constant 0 : i32
          %lt3A_1151 = vector.broadcast %lt3A_1150 : i32 to vector<16xi32>
          %lt3A_1152 = arith.cmpi slt, %xor3A_1149, %lt3A_1151 : vector<16xi32>
          %add3A_1153 = arith.constant 16 : i32
          %add3A_1154 = vector.broadcast %add3A_1153 : i32 to vector<16xi32>
          %add3A_1155 = arith.addi %xor3A_1149, %add3A_1154 : vector<16xi32>
          %select_n3A_1156 = arith.select %lt3A_1152, %add3A_1155, %xor3A_1149 : vector<16xi1>, vector<16xi32>
          %broadcast_in_dim3A_1157 = vector.shape_cast %select_n3A_1156 : vector<16xi32> to vector<16x1xi32>
          %gather3A_1158 = vector.shape_cast %broadcast_in_dim3A_1157 : vector<16x1xi32> to vector<16xi32>
          %gather3A_1159 = tpu.dynamic_gather %select_n3A_1145[%gather3A_1158] in [0] : vector<16xf32>, vector<16xi32> -> vector<16xf32>
          %lt3A_1160 = arith.constant 0 : i32
          %lt3A_1161 = vector.broadcast %lt3A_1160 : i32 to vector<16xi32>
          %lt3A_1162 = arith.cmpi slt, %xor3A_1149, %lt3A_1161 : vector<16xi32>
          %add3A_1163 = arith.constant 16 : i32
          %add3A_1164 = vector.broadcast %add3A_1163 : i32 to vector<16xi32>
          %add3A_1165 = arith.addi %xor3A_1149, %add3A_1164 : vector<16xi32>
          %select_n3A_1166 = arith.select %lt3A_1162, %add3A_1165, %xor3A_1149 : vector<16xi1>, vector<16xi32>
          %broadcast_in_dim3A_1167 = vector.shape_cast %select_n3A_1166 : vector<16xi32> to vector<16x1xi32>
          %gather3A_1168 = vector.shape_cast %broadcast_in_dim3A_1167 : vector<16x1xi32> to vector<16xi32>
          %gather3A_1169 = tpu.dynamic_gather %select_n3A_1146[%gather3A_1168] in [0] : vector<16xi32>, vector<16xi32> -> vector<16xi32>
          %shift_right_arithmetic3A_1170 = arith.constant 1 : i32
          %shift_right_arithmetic3A_1171 = vector.broadcast %shift_right_arithmetic3A_1170 : i32 to vector<16xi32>
          %shift_right_arithmetic3A_1172 = arith.shrsi %iota3A, %shift_right_arithmetic3A_1171 : vector<16xi32>
          %and3A_1173 = arith.constant 1 : i32
          %and3A_1174 = vector.broadcast %and3A_1173 : i32 to vector<16xi32>
          %and3A_1175 = arith.andi %shift_right_arithmetic3A_1172, %and3A_1174 : vector<16xi32>
          %sub3A_1176 = arith.constant 1 : i32
          %sub3A_1177 = vector.broadcast %sub3A_1176 : i32 to vector<16xi32>
          %sub3A_1178 = arith.subi %sub3A_1177, %and3A_1175 : vector<16xi32>
          %xor3A_1179 = arith.xori %sub3A_1178, %sub3A_1052 : vector<16xi32>
          %lt3A_1180 = arith.cmpf olt, %gather3A_1159, %select_n3A_1145 : vector<16xf32>
          %select_n3A_1181 = arith.select %lt3A_1180, %broadcast_in_dim3A_600, %broadcast_in_dim3A_602 : vector<16xi1>, vector<16xi32>
          %eq3A_1182 = arith.cmpf oeq, %gather3A_1159, %select_n3A_1145 : vector<16xf32>
          %select_n3A_1183 = arith.select %eq3A_1182, %broadcast_in_dim3A_600, %broadcast_in_dim3A_602 : vector<16xi1>, vector<16xi32>
          %lt3A_1184 = arith.cmpi slt, %gather3A_1169, %select_n3A_1146 : vector<16xi32>
          %select_n3A_1185 = arith.select %lt3A_1184, %broadcast_in_dim3A_600, %broadcast_in_dim3A_602 : vector<16xi1>, vector<16xi32>
          %and3A_1186 = arith.andi %select_n3A_1183, %select_n3A_1185 : vector<16xi32>
          %or3A_1187 = arith.ori %select_n3A_1181, %and3A_1186 : vector<16xi32>
          %xor3A_1188 = arith.xori %xor3A_1179, %or3A_1187 : vector<16xi32>
          %eq3A_1189 = arith.constant 1 : i32
          %eq3A_1190 = vector.broadcast %eq3A_1189 : i32 to vector<16xi32>
          %eq3A_1191 = arith.cmpi eq, %xor3A_1188, %eq3A_1190 : vector<16xi32>
          %select_n3A_1192 = arith.select %eq3A_1191, %gather3A_1159, %select_n3A_1145 : vector<16xi1>, vector<16xf32>
          %select_n3A_1193 = arith.select %eq3A_1191, %gather3A_1169, %select_n3A_1146 : vector<16xi1>, vector<16xi32>
          %xor3A_1194 = arith.constant 1 : i32
          %xor3A_1195 = vector.broadcast %xor3A_1194 : i32 to vector<16xi32>
          %xor3A_1196 = arith.xori %iota3A, %xor3A_1195 : vector<16xi32>
          %lt3A_1197 = arith.constant 0 : i32
          %lt3A_1198 = vector.broadcast %lt3A_1197 : i32 to vector<16xi32>
          %lt3A_1199 = arith.cmpi slt, %xor3A_1196, %lt3A_1198 : vector<16xi32>
          %add3A_1200 = arith.constant 16 : i32
          %add3A_1201 = vector.broadcast %add3A_1200 : i32 to vector<16xi32>
          %add3A_1202 = arith.addi %xor3A_1196, %add3A_1201 : vector<16xi32>
          %select_n3A_1203 = arith.select %lt3A_1199, %add3A_1202, %xor3A_1196 : vector<16xi1>, vector<16xi32>
          %broadcast_in_dim3A_1204 = vector.shape_cast %select_n3A_1203 : vector<16xi32> to vector<16x1xi32>
          %gather3A_1205 = vector.shape_cast %broadcast_in_dim3A_1204 : vector<16x1xi32> to vector<16xi32>
          %gather3A_1206 = tpu.dynamic_gather %select_n3A_1192[%gather3A_1205] in [0] : vector<16xf32>, vector<16xi32> -> vector<16xf32>
          %lt3A_1207 = arith.constant 0 : i32
          %lt3A_1208 = vector.broadcast %lt3A_1207 : i32 to vector<16xi32>
          %lt3A_1209 = arith.cmpi slt, %xor3A_1196, %lt3A_1208 : vector<16xi32>
          %add3A_1210 = arith.constant 16 : i32
          %add3A_1211 = vector.broadcast %add3A_1210 : i32 to vector<16xi32>
          %add3A_1212 = arith.addi %xor3A_1196, %add3A_1211 : vector<16xi32>
          %select_n3A_1213 = arith.select %lt3A_1209, %add3A_1212, %xor3A_1196 : vector<16xi1>, vector<16xi32>
          %broadcast_in_dim3A_1214 = vector.shape_cast %select_n3A_1213 : vector<16xi32> to vector<16x1xi32>
          %gather3A_1215 = vector.shape_cast %broadcast_in_dim3A_1214 : vector<16x1xi32> to vector<16xi32>
          %gather3A_1216 = tpu.dynamic_gather %select_n3A_1193[%gather3A_1215] in [0] : vector<16xi32>, vector<16xi32> -> vector<16xi32>
          %shift_right_arithmetic3A_1217 = arith.constant 0 : i32
          %shift_right_arithmetic3A_1218 = vector.broadcast %shift_right_arithmetic3A_1217 : i32 to vector<16xi32>
          %shift_right_arithmetic3A_1219 = arith.shrsi %iota3A, %shift_right_arithmetic3A_1218 : vector<16xi32>
          %and3A_1220 = arith.constant 1 : i32
          %and3A_1221 = vector.broadcast %and3A_1220 : i32 to vector<16xi32>
          %and3A_1222 = arith.andi %shift_right_arithmetic3A_1219, %and3A_1221 : vector<16xi32>
          %sub3A_1223 = arith.constant 1 : i32
          %sub3A_1224 = vector.broadcast %sub3A_1223 : i32 to vector<16xi32>
          %sub3A_1225 = arith.subi %sub3A_1224, %and3A_1222 : vector<16xi32>
          %xor3A_1226 = arith.xori %sub3A_1225, %sub3A_1052 : vector<16xi32>
          %lt3A_1227 = arith.cmpf olt, %gather3A_1206, %select_n3A_1192 : vector<16xf32>
          %select_n3A_1228 = arith.select %lt3A_1227, %broadcast_in_dim3A_600, %broadcast_in_dim3A_602 : vector<16xi1>, vector<16xi32>
          %eq3A_1229 = arith.cmpf oeq, %gather3A_1206, %select_n3A_1192 : vector<16xf32>
          %select_n3A_1230 = arith.select %eq3A_1229, %broadcast_in_dim3A_600, %broadcast_in_dim3A_602 : vector<16xi1>, vector<16xi32>
          %lt3A_1231 = arith.cmpi slt, %gather3A_1216, %select_n3A_1193 : vector<16xi32>
          %select_n3A_1232 = arith.select %lt3A_1231, %broadcast_in_dim3A_600, %broadcast_in_dim3A_602 : vector<16xi1>, vector<16xi32>
          %and3A_1233 = arith.andi %select_n3A_1230, %select_n3A_1232 : vector<16xi32>
          %or3A_1234 = arith.ori %select_n3A_1228, %and3A_1233 : vector<16xi32>
          %xor3A_1235 = arith.xori %xor3A_1226, %or3A_1234 : vector<16xi32>
          %eq3A_1236 = arith.constant 1 : i32
          %eq3A_1237 = vector.broadcast %eq3A_1236 : i32 to vector<16xi32>
          %eq3A_1238 = arith.cmpi eq, %xor3A_1235, %eq3A_1237 : vector<16xi32>
          %select_n3A_1239 = arith.select %eq3A_1238, %gather3A_1206, %select_n3A_1192 : vector<16xi1>, vector<16xf32>
          %select_n3A_1240 = arith.select %eq3A_1238, %gather3A_1216, %select_n3A_1193 : vector<16xi1>, vector<16xi32>
          %get3A_1241 = arith.constant 0 : index
          %get3A_1242 = tpu.vector_load %arg15[%get3A_1241] {strides = array<i32>} : memref<16xi32, #tpu.memory_space<vmem>>, vector<16xi32>,
          %get3A_1243 = vector.shape_cast %get3A_1242 : vector<16xi32> to vector<16xi32>
          %sub3A_1244 = arith.constant 15 : i32
          %sub3A_1245 = vector.broadcast %sub3A_1244 : i32 to vector<16xi32>
          %sub3A_1246 = arith.subi %sub3A_1245, %iota3A : vector<16xi32>
          %lt3A_1247 = arith.constant 0 : i32
          %lt3A_1248 = vector.broadcast %lt3A_1247 : i32 to vector<16xi32>
          %lt3A_1249 = arith.cmpi slt, %sub3A_1246, %lt3A_1248 : vector<16xi32>
          %add3A_1250 = arith.constant 16 : i32
          %add3A_1251 = vector.broadcast %add3A_1250 : i32 to vector<16xi32>
          %add3A_1252 = arith.addi %sub3A_1246, %add3A_1251 : vector<16xi32>
          %select_n3A_1253 = arith.select %lt3A_1249, %add3A_1252, %sub3A_1246 : vector<16xi1>, vector<16xi32>
          %broadcast_in_dim3A_1254 = vector.shape_cast %select_n3A_1253 : vector<16xi32> to vector<16x1xi32>
          %gather3A_1255 = vector.shape_cast %broadcast_in_dim3A_1254 : vector<16x1xi32> to vector<16xi32>
          %gather3A_1256 = tpu.dynamic_gather %select_n3A_1239[%gather3A_1255] in [0] : vector<16xf32>, vector<16xi32> -> vector<16xf32>
          %lt3A_1257 = arith.constant 0 : i32
          %lt3A_1258 = vector.broadcast %lt3A_1257 : i32 to vector<16xi32>
          %lt3A_1259 = arith.cmpi slt, %sub3A_1246, %lt3A_1258 : vector<16xi32>
          %add3A_1260 = arith.constant 16 : i32
          %add3A_1261 = vector.broadcast %add3A_1260 : i32 to vector<16xi32>
          %add3A_1262 = arith.addi %sub3A_1246, %add3A_1261 : vector<16xi32>
          %select_n3A_1263 = arith.select %lt3A_1259, %add3A_1262, %sub3A_1246 : vector<16xi1>, vector<16xi32>
          %broadcast_in_dim3A_1264 = vector.shape_cast %select_n3A_1263 : vector<16xi32> to vector<16x1xi32>
          %gather3A_1265 = vector.shape_cast %broadcast_in_dim3A_1264 : vector<16x1xi32> to vector<16xi32>
          %gather3A_1266 = tpu.dynamic_gather %select_n3A_1240[%gather3A_1265] in [0] : vector<16xi32>, vector<16xi32> -> vector<16xi32>
          %lt3A_1267 = arith.cmpf olt, %get3A_669, %gather3A_1256 : vector<16xf32>
          %select_n3A_1268 = arith.select %lt3A_1267, %broadcast_in_dim3A_600, %broadcast_in_dim3A_602 : vector<16xi1>, vector<16xi32>
          %eq3A_1269 = arith.cmpf oeq, %get3A_669, %gather3A_1256 : vector<16xf32>
          %select_n3A_1270 = arith.select %eq3A_1269, %broadcast_in_dim3A_600, %broadcast_in_dim3A_602 : vector<16xi1>, vector<16xi32>
          %lt3A_1271 = arith.cmpi slt, %get3A_1243, %gather3A_1266 : vector<16xi32>
          %select_n3A_1272 = arith.select %lt3A_1271, %broadcast_in_dim3A_600, %broadcast_in_dim3A_602 : vector<16xi1>, vector<16xi32>
          %and3A_1273 = arith.andi %select_n3A_1270, %select_n3A_1272 : vector<16xi32>
          %or3A_1274 = arith.ori %select_n3A_1268, %and3A_1273 : vector<16xi32>
          %eq3A_1275 = arith.constant 1 : i32
          %eq3A_1276 = vector.broadcast %eq3A_1275 : i32 to vector<16xi32>
          %eq3A_1277 = arith.cmpi eq, %or3A_1274, %eq3A_1276 : vector<16xi32>
          %select_n3A_1278 = arith.select %eq3A_1277, %get3A_669, %gather3A_1256 : vector<16xi1>, vector<16xf32>
          %select_n3A_1279 = arith.select %eq3A_1277, %get3A_1243, %gather3A_1266 : vector<16xi1>, vector<16xi32>
          %xor3A_1280 = arith.constant 8 : i32
          %xor3A_1281 = vector.broadcast %xor3A_1280 : i32 to vector<16xi32>
          %xor3A_1282 = arith.xori %iota3A, %xor3A_1281 : vector<16xi32>
          %lt3A_1283 = arith.constant 0 : i32
          %lt3A_1284 = vector.broadcast %lt3A_1283 : i32 to vector<16xi32>
          %lt3A_1285 = arith.cmpi slt, %xor3A_1282, %lt3A_1284 : vector<16xi32>
          %add3A_1286 = arith.constant 16 : i32
          %add3A_1287 = vector.broadcast %add3A_1286 : i32 to vector<16xi32>
          %add3A_1288 = arith.addi %xor3A_1282, %add3A_1287 : vector<16xi32>
          %select_n3A_1289 = arith.select %lt3A_1285, %add3A_1288, %xor3A_1282 : vector<16xi1>, vector<16xi32>
          %broadcast_in_dim3A_1290 = vector.shape_cast %select_n3A_1289 : vector<16xi32> to vector<16x1xi32>
          %gather3A_1291 = vector.shape_cast %broadcast_in_dim3A_1290 : vector<16x1xi32> to vector<16xi32>
          %gather3A_1292 = tpu.dynamic_gather %select_n3A_1278[%gather3A_1291] in [0] : vector<16xf32>, vector<16xi32> -> vector<16xf32>
          %lt3A_1293 = arith.constant 0 : i32
          %lt3A_1294 = vector.broadcast %lt3A_1293 : i32 to vector<16xi32>
          %lt3A_1295 = arith.cmpi slt, %xor3A_1282, %lt3A_1294 : vector<16xi32>
          %add3A_1296 = arith.constant 16 : i32
          %add3A_1297 = vector.broadcast %add3A_1296 : i32 to vector<16xi32>
          %add3A_1298 = arith.addi %xor3A_1282, %add3A_1297 : vector<16xi32>
          %select_n3A_1299 = arith.select %lt3A_1295, %add3A_1298, %xor3A_1282 : vector<16xi1>, vector<16xi32>
          %broadcast_in_dim3A_1300 = vector.shape_cast %select_n3A_1299 : vector<16xi32> to vector<16x1xi32>
          %gather3A_1301 = vector.shape_cast %broadcast_in_dim3A_1300 : vector<16x1xi32> to vector<16xi32>
          %gather3A_1302 = tpu.dynamic_gather %select_n3A_1279[%gather3A_1301] in [0] : vector<16xi32>, vector<16xi32> -> vector<16xi32>
          %shift_right_arithmetic3A_1303 = arith.constant 3 : i32
          %shift_right_arithmetic3A_1304 = vector.broadcast %shift_right_arithmetic3A_1303 : i32 to vector<16xi32>
          %shift_right_arithmetic3A_1305 = arith.shrsi %iota3A, %shift_right_arithmetic3A_1304 : vector<16xi32>
          %and3A_1306 = arith.constant 1 : i32
          %and3A_1307 = vector.broadcast %and3A_1306 : i32 to vector<16xi32>
          %and3A_1308 = arith.andi %shift_right_arithmetic3A_1305, %and3A_1307 : vector<16xi32>
          %sub3A_1309 = arith.constant 1 : i32
          %sub3A_1310 = vector.broadcast %sub3A_1309 : i32 to vector<16xi32>
          %sub3A_1311 = arith.subi %sub3A_1310, %and3A_1308 : vector<16xi32>
          %xor3A_1312 = arith.xori %sub3A_1311, %broadcast_in_dim3A_600 : vector<16xi32>
          %lt3A_1313 = arith.cmpf olt, %gather3A_1292, %select_n3A_1278 : vector<16xf32>
          %select_n3A_1314 = arith.select %lt3A_1313, %broadcast_in_dim3A_600, %broadcast_in_dim3A_602 : vector<16xi1>, vector<16xi32>
          %eq3A_1315 = arith.cmpf oeq, %gather3A_1292, %select_n3A_1278 : vector<16xf32>
          %select_n3A_1316 = arith.select %eq3A_1315, %broadcast_in_dim3A_600, %broadcast_in_dim3A_602 : vector<16xi1>, vector<16xi32>
          %lt3A_1317 = arith.cmpi slt, %gather3A_1302, %select_n3A_1279 : vector<16xi32>
          %select_n3A_1318 = arith.select %lt3A_1317, %broadcast_in_dim3A_600, %broadcast_in_dim3A_602 : vector<16xi1>, vector<16xi32>
          %and3A_1319 = arith.andi %select_n3A_1316, %select_n3A_1318 : vector<16xi32>
          %or3A_1320 = arith.ori %select_n3A_1314, %and3A_1319 : vector<16xi32>
          %xor3A_1321 = arith.xori %xor3A_1312, %or3A_1320 : vector<16xi32>
          %eq3A_1322 = arith.constant 1 : i32
          %eq3A_1323 = vector.broadcast %eq3A_1322 : i32 to vector<16xi32>
          %eq3A_1324 = arith.cmpi eq, %xor3A_1321, %eq3A_1323 : vector<16xi32>
          %select_n3A_1325 = arith.select %eq3A_1324, %gather3A_1292, %select_n3A_1278 : vector<16xi1>, vector<16xf32>
          %select_n3A_1326 = arith.select %eq3A_1324, %gather3A_1302, %select_n3A_1279 : vector<16xi1>, vector<16xi32>
          %xor3A_1327 = arith.constant 4 : i32
          %xor3A_1328 = vector.broadcast %xor3A_1327 : i32 to vector<16xi32>
          %xor3A_1329 = arith.xori %iota3A, %xor3A_1328 : vector<16xi32>
          %lt3A_1330 = arith.constant 0 : i32
          %lt3A_1331 = vector.broadcast %lt3A_1330 : i32 to vector<16xi32>
          %lt3A_1332 = arith.cmpi slt, %xor3A_1329, %lt3A_1331 : vector<16xi32>
          %add3A_1333 = arith.constant 16 : i32
          %add3A_1334 = vector.broadcast %add3A_1333 : i32 to vector<16xi32>
          %add3A_1335 = arith.addi %xor3A_1329, %add3A_1334 : vector<16xi32>
          %select_n3A_1336 = arith.select %lt3A_1332, %add3A_1335, %xor3A_1329 : vector<16xi1>, vector<16xi32>
          %broadcast_in_dim3A_1337 = vector.shape_cast %select_n3A_1336 : vector<16xi32> to vector<16x1xi32>
          %gather3A_1338 = vector.shape_cast %broadcast_in_dim3A_1337 : vector<16x1xi32> to vector<16xi32>
          %gather3A_1339 = tpu.dynamic_gather %select_n3A_1325[%gather3A_1338] in [0] : vector<16xf32>, vector<16xi32> -> vector<16xf32>
          %lt3A_1340 = arith.constant 0 : i32
          %lt3A_1341 = vector.broadcast %lt3A_1340 : i32 to vector<16xi32>
          %lt3A_1342 = arith.cmpi slt, %xor3A_1329, %lt3A_1341 : vector<16xi32>
          %add3A_1343 = arith.constant 16 : i32
          %add3A_1344 = vector.broadcast %add3A_1343 : i32 to vector<16xi32>
          %add3A_1345 = arith.addi %xor3A_1329, %add3A_1344 : vector<16xi32>
          %select_n3A_1346 = arith.select %lt3A_1342, %add3A_1345, %xor3A_1329 : vector<16xi1>, vector<16xi32>
          %broadcast_in_dim3A_1347 = vector.shape_cast %select_n3A_1346 : vector<16xi32> to vector<16x1xi32>
          %gather3A_1348 = vector.shape_cast %broadcast_in_dim3A_1347 : vector<16x1xi32> to vector<16xi32>
          %gather3A_1349 = tpu.dynamic_gather %select_n3A_1326[%gather3A_1348] in [0] : vector<16xi32>, vector<16xi32> -> vector<16xi32>
          %shift_right_arithmetic3A_1350 = arith.constant 2 : i32
          %shift_right_arithmetic3A_1351 = vector.broadcast %shift_right_arithmetic3A_1350 : i32 to vector<16xi32>
          %shift_right_arithmetic3A_1352 = arith.shrsi %iota3A, %shift_right_arithmetic3A_1351 : vector<16xi32>
          %and3A_1353 = arith.constant 1 : i32
          %and3A_1354 = vector.broadcast %and3A_1353 : i32 to vector<16xi32>
          %and3A_1355 = arith.andi %shift_right_arithmetic3A_1352, %and3A_1354 : vector<16xi32>
          %sub3A_1356 = arith.constant 1 : i32
          %sub3A_1357 = vector.broadcast %sub3A_1356 : i32 to vector<16xi32>
          %sub3A_1358 = arith.subi %sub3A_1357, %and3A_1355 : vector<16xi32>
          %xor3A_1359 = arith.xori %sub3A_1358, %broadcast_in_dim3A_600 : vector<16xi32>
          %lt3A_1360 = arith.cmpf olt, %gather3A_1339, %select_n3A_1325 : vector<16xf32>
          %select_n3A_1361 = arith.select %lt3A_1360, %broadcast_in_dim3A_600, %broadcast_in_dim3A_602 : vector<16xi1>, vector<16xi32>
          %eq3A_1362 = arith.cmpf oeq, %gather3A_1339, %select_n3A_1325 : vector<16xf32>
          %select_n3A_1363 = arith.select %eq3A_1362, %broadcast_in_dim3A_600, %broadcast_in_dim3A_602 : vector<16xi1>, vector<16xi32>
          %lt3A_1364 = arith.cmpi slt, %gather3A_1349, %select_n3A_1326 : vector<16xi32>
          %select_n3A_1365 = arith.select %lt3A_1364, %broadcast_in_dim3A_600, %broadcast_in_dim3A_602 : vector<16xi1>, vector<16xi32>
          %and3A_1366 = arith.andi %select_n3A_1363, %select_n3A_1365 : vector<16xi32>
          %or3A_1367 = arith.ori %select_n3A_1361, %and3A_1366 : vector<16xi32>
          %xor3A_1368 = arith.xori %xor3A_1359, %or3A_1367 : vector<16xi32>
          %eq3A_1369 = arith.constant 1 : i32
          %eq3A_1370 = vector.broadcast %eq3A_1369 : i32 to vector<16xi32>
          %eq3A_1371 = arith.cmpi eq, %xor3A_1368, %eq3A_1370 : vector<16xi32>
          %select_n3A_1372 = arith.select %eq3A_1371, %gather3A_1339, %select_n3A_1325 : vector<16xi1>, vector<16xf32>
          %select_n3A_1373 = arith.select %eq3A_1371, %gather3A_1349, %select_n3A_1326 : vector<16xi1>, vector<16xi32>
          %xor3A_1374 = arith.constant 2 : i32
          %xor3A_1375 = vector.broadcast %xor3A_1374 : i32 to vector<16xi32>
          %xor3A_1376 = arith.xori %iota3A, %xor3A_1375 : vector<16xi32>
          %lt3A_1377 = arith.constant 0 : i32
          %lt3A_1378 = vector.broadcast %lt3A_1377 : i32 to vector<16xi32>
          %lt3A_1379 = arith.cmpi slt, %xor3A_1376, %lt3A_1378 : vector<16xi32>
          %add3A_1380 = arith.constant 16 : i32
          %add3A_1381 = vector.broadcast %add3A_1380 : i32 to vector<16xi32>
          %add3A_1382 = arith.addi %xor3A_1376, %add3A_1381 : vector<16xi32>
          %select_n3A_1383 = arith.select %lt3A_1379, %add3A_1382, %xor3A_1376 : vector<16xi1>, vector<16xi32>
          %broadcast_in_dim3A_1384 = vector.shape_cast %select_n3A_1383 : vector<16xi32> to vector<16x1xi32>
          %gather3A_1385 = vector.shape_cast %broadcast_in_dim3A_1384 : vector<16x1xi32> to vector<16xi32>
          %gather3A_1386 = tpu.dynamic_gather %select_n3A_1372[%gather3A_1385] in [0] : vector<16xf32>, vector<16xi32> -> vector<16xf32>
          %lt3A_1387 = arith.constant 0 : i32
          %lt3A_1388 = vector.broadcast %lt3A_1387 : i32 to vector<16xi32>
          %lt3A_1389 = arith.cmpi slt, %xor3A_1376, %lt3A_1388 : vector<16xi32>
          %add3A_1390 = arith.constant 16 : i32
          %add3A_1391 = vector.broadcast %add3A_1390 : i32 to vector<16xi32>
          %add3A_1392 = arith.addi %xor3A_1376, %add3A_1391 : vector<16xi32>
          %select_n3A_1393 = arith.select %lt3A_1389, %add3A_1392, %xor3A_1376 : vector<16xi1>, vector<16xi32>
          %broadcast_in_dim3A_1394 = vector.shape_cast %select_n3A_1393 : vector<16xi32> to vector<16x1xi32>
          %gather3A_1395 = vector.shape_cast %broadcast_in_dim3A_1394 : vector<16x1xi32> to vector<16xi32>
          %gather3A_1396 = tpu.dynamic_gather %select_n3A_1373[%gather3A_1395] in [0] : vector<16xi32>, vector<16xi32> -> vector<16xi32>
          %shift_right_arithmetic3A_1397 = arith.constant 1 : i32
          %shift_right_arithmetic3A_1398 = vector.broadcast %shift_right_arithmetic3A_1397 : i32 to vector<16xi32>
          %shift_right_arithmetic3A_1399 = arith.shrsi %iota3A, %shift_right_arithmetic3A_1398 : vector<16xi32>
          %and3A_1400 = arith.constant 1 : i32
          %and3A_1401 = vector.broadcast %and3A_1400 : i32 to vector<16xi32>
          %and3A_1402 = arith.andi %shift_right_arithmetic3A_1399, %and3A_1401 : vector<16xi32>
          %sub3A_1403 = arith.constant 1 : i32
          %sub3A_1404 = vector.broadcast %sub3A_1403 : i32 to vector<16xi32>
          %sub3A_1405 = arith.subi %sub3A_1404, %and3A_1402 : vector<16xi32>
          %xor3A_1406 = arith.xori %sub3A_1405, %broadcast_in_dim3A_600 : vector<16xi32>
          %lt3A_1407 = arith.cmpf olt, %gather3A_1386, %select_n3A_1372 : vector<16xf32>
          %select_n3A_1408 = arith.select %lt3A_1407, %broadcast_in_dim3A_600, %broadcast_in_dim3A_602 : vector<16xi1>, vector<16xi32>
          %eq3A_1409 = arith.cmpf oeq, %gather3A_1386, %select_n3A_1372 : vector<16xf32>
          %select_n3A_1410 = arith.select %eq3A_1409, %broadcast_in_dim3A_600, %broadcast_in_dim3A_602 : vector<16xi1>, vector<16xi32>
          %lt3A_1411 = arith.cmpi slt, %gather3A_1396, %select_n3A_1373 : vector<16xi32>
          %select_n3A_1412 = arith.select %lt3A_1411, %broadcast_in_dim3A_600, %broadcast_in_dim3A_602 : vector<16xi1>, vector<16xi32>
          %and3A_1413 = arith.andi %select_n3A_1410, %select_n3A_1412 : vector<16xi32>
          %or3A_1414 = arith.ori %select_n3A_1408, %and3A_1413 : vector<16xi32>
          %xor3A_1415 = arith.xori %xor3A_1406, %or3A_1414 : vector<16xi32>
          %eq3A_1416 = arith.constant 1 : i32
          %eq3A_1417 = vector.broadcast %eq3A_1416 : i32 to vector<16xi32>
          %eq3A_1418 = arith.cmpi eq, %xor3A_1415, %eq3A_1417 : vector<16xi32>
          %select_n3A_1419 = arith.select %eq3A_1418, %gather3A_1386, %select_n3A_1372 : vector<16xi1>, vector<16xf32>
          %select_n3A_1420 = arith.select %eq3A_1418, %gather3A_1396, %select_n3A_1373 : vector<16xi1>, vector<16xi32>
          %xor3A_1421 = arith.constant 1 : i32
          %xor3A_1422 = vector.broadcast %xor3A_1421 : i32 to vector<16xi32>
          %xor3A_1423 = arith.xori %iota3A, %xor3A_1422 : vector<16xi32>
          %lt3A_1424 = arith.constant 0 : i32
          %lt3A_1425 = vector.broadcast %lt3A_1424 : i32 to vector<16xi32>
          %lt3A_1426 = arith.cmpi slt, %xor3A_1423, %lt3A_1425 : vector<16xi32>
          %add3A_1427 = arith.constant 16 : i32
          %add3A_1428 = vector.broadcast %add3A_1427 : i32 to vector<16xi32>
          %add3A_1429 = arith.addi %xor3A_1423, %add3A_1428 : vector<16xi32>
          %select_n3A_1430 = arith.select %lt3A_1426, %add3A_1429, %xor3A_1423 : vector<16xi1>, vector<16xi32>
          %broadcast_in_dim3A_1431 = vector.shape_cast %select_n3A_1430 : vector<16xi32> to vector<16x1xi32>
          %gather3A_1432 = vector.shape_cast %broadcast_in_dim3A_1431 : vector<16x1xi32> to vector<16xi32>
          %gather3A_1433 = tpu.dynamic_gather %select_n3A_1419[%gather3A_1432] in [0] : vector<16xf32>, vector<16xi32> -> vector<16xf32>
          %lt3A_1434 = arith.constant 0 : i32
          %lt3A_1435 = vector.broadcast %lt3A_1434 : i32 to vector<16xi32>
          %lt3A_1436 = arith.cmpi slt, %xor3A_1423, %lt3A_1435 : vector<16xi32>
          %add3A_1437 = arith.constant 16 : i32
          %add3A_1438 = vector.broadcast %add3A_1437 : i32 to vector<16xi32>
          %add3A_1439 = arith.addi %xor3A_1423, %add3A_1438 : vector<16xi32>
          %select_n3A_1440 = arith.select %lt3A_1436, %add3A_1439, %xor3A_1423 : vector<16xi1>, vector<16xi32>
          %broadcast_in_dim3A_1441 = vector.shape_cast %select_n3A_1440 : vector<16xi32> to vector<16x1xi32>
          %gather3A_1442 = vector.shape_cast %broadcast_in_dim3A_1441 : vector<16x1xi32> to vector<16xi32>
          %gather3A_1443 = tpu.dynamic_gather %select_n3A_1420[%gather3A_1442] in [0] : vector<16xi32>, vector<16xi32> -> vector<16xi32>
          %shift_right_arithmetic3A_1444 = arith.constant 0 : i32
          %shift_right_arithmetic3A_1445 = vector.broadcast %shift_right_arithmetic3A_1444 : i32 to vector<16xi32>
          %shift_right_arithmetic3A_1446 = arith.shrsi %iota3A, %shift_right_arithmetic3A_1445 : vector<16xi32>
          %and3A_1447 = arith.constant 1 : i32
          %and3A_1448 = vector.broadcast %and3A_1447 : i32 to vector<16xi32>
          %and3A_1449 = arith.andi %shift_right_arithmetic3A_1446, %and3A_1448 : vector<16xi32>
          %sub3A_1450 = arith.constant 1 : i32
          %sub3A_1451 = vector.broadcast %sub3A_1450 : i32 to vector<16xi32>
          %sub3A_1452 = arith.subi %sub3A_1451, %and3A_1449 : vector<16xi32>
          %xor3A_1453 = arith.xori %sub3A_1452, %broadcast_in_dim3A_600 : vector<16xi32>
          %lt3A_1454 = arith.cmpf olt, %gather3A_1433, %select_n3A_1419 : vector<16xf32>
          %select_n3A_1455 = arith.select %lt3A_1454, %broadcast_in_dim3A_600, %broadcast_in_dim3A_602 : vector<16xi1>, vector<16xi32>
          %eq3A_1456 = arith.cmpf oeq, %gather3A_1433, %select_n3A_1419 : vector<16xf32>
          %select_n3A_1457 = arith.select %eq3A_1456, %broadcast_in_dim3A_600, %broadcast_in_dim3A_602 : vector<16xi1>, vector<16xi32>
          %lt3A_1458 = arith.cmpi slt, %gather3A_1443, %select_n3A_1420 : vector<16xi32>
          %select_n3A_1459 = arith.select %lt3A_1458, %broadcast_in_dim3A_600, %broadcast_in_dim3A_602 : vector<16xi1>, vector<16xi32>
          %and3A_1460 = arith.andi %select_n3A_1457, %select_n3A_1459 : vector<16xi32>
          %or3A_1461 = arith.ori %select_n3A_1455, %and3A_1460 : vector<16xi32>
          %xor3A_1462 = arith.xori %xor3A_1453, %or3A_1461 : vector<16xi32>
          %eq3A_1463 = arith.constant 1 : i32
          %eq3A_1464 = vector.broadcast %eq3A_1463 : i32 to vector<16xi32>
          %eq3A_1465 = arith.cmpi eq, %xor3A_1462, %eq3A_1464 : vector<16xi32>
          %select_n3A_1466 = arith.select %eq3A_1465, %gather3A_1433, %select_n3A_1419 : vector<16xi1>, vector<16xf32>
          %select_n3A_1467 = arith.select %eq3A_1465, %gather3A_1443, %select_n3A_1420 : vector<16xi1>, vector<16xi32>
          %swap3A_1468 = arith.constant 0 : index
          %swap3A_1469 = tpu.vector_load %arg14[%swap3A_1468] {strides = array<i32>} : memref<16xf32, #tpu.memory_space<vmem>>, vector<16xf32>,
          %swap3A_1470 = vector.shape_cast %swap3A_1469 : vector<16xf32> to vector<16xf32>
          %swap3A_1471 = vector.shape_cast %select_n3A_1466 : vector<16xf32> to vector<16xf32>
          tpu.vector_store %arg14[%swap3A_1468], %swap3A_1471 {strides = array<i32>} : memref<16xf32, #tpu.memory_space<vmem>>, vector<16xf32>,
          %swap3A_1472 = arith.constant 0 : index
          %swap3A_1473 = tpu.vector_load %arg15[%swap3A_1472] {strides = array<i32>} : memref<16xi32, #tpu.memory_space<vmem>>, vector<16xi32>,
          %swap3A_1474 = vector.shape_cast %swap3A_1473 : vector<16xi32> to vector<16xi32>
          %swap3A_1475 = vector.shape_cast %select_n3A_1467 : vector<16xi32> to vector<16xi32>
          tpu.vector_store %arg15[%swap3A_1472], %swap3A_1475 {strides = array<i32>} : memref<16xi32, #tpu.memory_space<vmem>>, vector<16xi32>,
        } else {
        }
        %scan3A_733 = arith.constant 0 : i32
        scf.yield %scan3A_733 : i32
      }
      %scan3A_609 = arith.constant 256 : i32
      %get3A_610 = arith.constant 0 : index
      %get3A_611 = tpu.vector_load %arg15[%get3A_610] {strides = array<i32>} : memref<16xi32, #tpu.memory_space<vmem>>, vector<16xi32>,
      %get3A_612 = vector.shape_cast %get3A_611 : vector<16xi32> to vector<16xi32>
      %mul3A_613 = arith.constant 4096 : i32
      %mul3A_614 = arith.muli %select_n3A, %mul3A_613 : i32
      %add3A_615 = vector.broadcast %mul3A_614 : i32 to vector<16xi32>
      %add3A_616 = arith.addi %get3A_612, %add3A_615 : vector<16xi32>
      %swap3A_617 = arith.constant 48 : index
      %swap3A_618 = tpu.vector_load %arg16[%swap3A_617] {strides = array<i32>} : memref<64xi32, #tpu.memory_space<vmem>>, vector<16xi32>,
      %swap3A_619 = vector.shape_cast %swap3A_618 : vector<16xi32> to vector<16xi32>
      %swap3A_620 = vector.shape_cast %add3A_616 : vector<16xi32> to vector<16xi32>
      tpu.vector_store %arg16[%swap3A_617], %swap3A_620 {strides = array<i32>} : memref<64xi32, #tpu.memory_space<vmem>>, vector<16xi32>,
      %mul3A_621 = arith.constant 256 : i32
      %mul3A_622 = arith.muli %add3A, %mul3A_621 : i32
      %add3A_623 = arith.addi %mul3A_622, %mul3A_76 : i32
      %mul3A_624 = arith.constant 16 : i32
      %mul3A_625 = arith.muli %add3A_623, %mul3A_624 : i32
      %gt3A = arith.constant 0 : i32
      %gt3A_626 = arith.cmpi sgt, %scan3A_73, %gt3A : i32
      %convert_element_type3A = arith.extui %gt3A_626 : i1 to i32
      %cond3A = arith.constant 0 : i32
      %cond3A_627 = arith.cmpi ne, %convert_element_type3A, %cond3A : i32
      scf.if %cond3A_627 {
        %mul3A_658 = arith.constant 256 : i32
        %mul3A_659 = arith.muli %add3A, %mul3A_658 : i32
        %add3A_660 = arith.addi %mul3A_659, %mul3A_76 : i32
        %sub3A_661 = arith.constant 4 : i32
        %sub3A_662 = arith.subi %add3A_660, %sub3A_661 : i32
        %mul3A_663 = arith.constant 16 : i32
        %mul3A_664 = arith.muli %sub3A_662, %mul3A_663 : i32
        %dma_wait3A_665 = arith.constant 0 : i32
        %dma_wait3A_666 = tpu.memref_slice %arg7[%mul3A_664, %dma_wait3A_665] : memref<131072x256xf32, #tpu.memory_space<hbm>> -> memref<64x256xf32, #tpu.memory_space<hbm>>
        %dma_wait3A_667 = arith.constant 0 : i32
        %dma_wait3A_668 = tpu.memref_slice %arg7[%mul3A_664, %dma_wait3A_667] : memref<131072x256xf32, #tpu.memory_space<hbm>> -> memref<64x256xf32, #tpu.memory_space<hbm>>
        tpu.wait_dma2 semaphore(%arg23 : memref<!tpu.dma_semaphore, #tpu.memory_space<semaphore_mem>>) src(%arg17 : memref<64x256xf32, #tpu.memory_space<vmem>>) dst(%dma_wait3A_668 : memref<64x256xf32, #tpu.memory_space<hbm>>)
        %dma_wait3A_669 = arith.constant 0 : i32
        %dma_wait3A_670 = tpu.memref_slice %arg8[%mul3A_664, %dma_wait3A_669] : memref<131072x256xf32, #tpu.memory_space<hbm>> -> memref<64x256xf32, #tpu.memory_space<hbm>>
        %dma_wait3A_671 = arith.constant 0 : i32
        %dma_wait3A_672 = tpu.memref_slice %arg8[%mul3A_664, %dma_wait3A_671] : memref<131072x256xf32, #tpu.memory_space<hbm>> -> memref<64x256xf32, #tpu.memory_space<hbm>>
        tpu.wait_dma2 semaphore(%arg24 : memref<!tpu.dma_semaphore, #tpu.memory_space<semaphore_mem>>) src(%arg18 : memref<64x256xf32, #tpu.memory_space<vmem>>) dst(%dma_wait3A_672 : memref<64x256xf32, #tpu.memory_space<hbm>>)
        %dma_wait3A_673 = arith.constant 0 : i32
        %dma_wait3A_674 = tpu.memref_slice %arg9[%mul3A_664, %dma_wait3A_673] : memref<131072x128xf32, #tpu.memory_space<hbm>> -> memref<64x128xf32, #tpu.memory_space<hbm>>
        %dma_wait3A_675 = arith.constant 0 : i32
        %dma_wait3A_676 = tpu.memref_slice %arg9[%mul3A_664, %dma_wait3A_675] : memref<131072x128xf32, #tpu.memory_space<hbm>> -> memref<64x128xf32, #tpu.memory_space<hbm>>
        tpu.wait_dma2 semaphore(%arg25 : memref<!tpu.dma_semaphore, #tpu.memory_space<semaphore_mem>>) src(%arg19 : memref<64x128xf32, #tpu.memory_space<vmem>>) dst(%dma_wait3A_676 : memref<64x128xf32, #tpu.memory_space<hbm>>)
      } else {
      }
      "tpu.region"() ({
        %run_scoped3A = tpu.sem_alloc : memref<!tpu.dma_semaphore, #tpu.memory_space<semaphore_mem>>
        %dma_start3A_658 = tpu.memref_slice %arg10[%mul3A_625] : memref<131072xi32, #tpu.memory_space<hbm>> -> memref<64xi32, #tpu.memory_space<hbm>>
        %dma_start3A_659 = tpu.memref_slice %arg10[%mul3A_625] : memref<131072xi32, #tpu.memory_space<hbm>> -> memref<64xi32, #tpu.memory_space<hbm>>
        tpu.enqueue_dma source(%arg16 : memref<64xi32, #tpu.memory_space<vmem>>) target(%dma_start3A_659 : memref<64xi32, #tpu.memory_space<hbm>>) target_semaphore(%run_scoped3A : memref<!tpu.dma_semaphore, #tpu.memory_space<semaphore_mem>>)
        %dma_wait3A_660 = tpu.memref_slice %arg10[%mul3A_625] : memref<131072xi32, #tpu.memory_space<hbm>> -> memref<64xi32, #tpu.memory_space<hbm>>
        %dma_wait3A_661 = tpu.memref_slice %arg10[%mul3A_625] : memref<131072xi32, #tpu.memory_space<hbm>> -> memref<64xi32, #tpu.memory_space<hbm>>
        tpu.wait_dma2 semaphore(%run_scoped3A : memref<!tpu.dma_semaphore, #tpu.memory_space<semaphore_mem>>) src(%arg16 : memref<64xi32, #tpu.memory_space<vmem>>) dst(%dma_wait3A_661 : memref<64xi32, #tpu.memory_space<hbm>>)
        tpu.yield
      }) : () -> ()
      %dma_start3A = arith.constant 0 : i32
      %dma_start3A_628 = arith.constant 0 : i32
      %dma_start3A_629 = tpu.memref_slice %arg4[%dma_start3A, %dma_start3A_628] : memref<16384x256xf32, #tpu.memory_space<hbm>> -> memref<16384x256xf32, #tpu.memory_space<hbm>>
      tpu.enqueue_indirect_dma source(%dma_start3A_629 : memref<16384x256xf32, #tpu.memory_space<hbm>>) target(%arg17 : memref<64x256xf32, #tpu.memory_space<vmem>>) offsets(%arg16 : memref<64xi32, #tpu.memory_space<vmem>>) semaphore(%arg20 : memref<!tpu.dma_semaphore, #tpu.memory_space<semaphore_mem>>)
      %dma_start3A_630 = arith.constant 0 : i32
      %dma_start3A_631 = arith.constant 0 : i32
      %dma_start3A_632 = tpu.memref_slice %arg5[%dma_start3A_630, %dma_start3A_631] : memref<16384x256xf32, #tpu.memory_space<hbm>> -> memref<16384x256xf32, #tpu.memory_space<hbm>>
      tpu.enqueue_indirect_dma source(%dma_start3A_632 : memref<16384x256xf32, #tpu.memory_space<hbm>>) target(%arg18 : memref<64x256xf32, #tpu.memory_space<vmem>>) offsets(%arg16 : memref<64xi32, #tpu.memory_space<vmem>>) semaphore(%arg21 : memref<!tpu.dma_semaphore, #tpu.memory_space<semaphore_mem>>)
      %dma_start3A_633 = arith.constant 0 : i32
      %dma_start3A_634 = arith.constant 0 : i32
      %dma_start3A_635 = tpu.memref_slice %arg6[%dma_start3A_633, %dma_start3A_634] : memref<16384x128xf32, #tpu.memory_space<hbm>> -> memref<16384x128xf32, #tpu.memory_space<hbm>>
      tpu.enqueue_indirect_dma source(%dma_start3A_635 : memref<16384x128xf32, #tpu.memory_space<hbm>>) target(%arg19 : memref<64x128xf32, #tpu.memory_space<vmem>>) offsets(%arg16 : memref<64xi32, #tpu.memory_space<vmem>>) semaphore(%arg22 : memref<!tpu.dma_semaphore, #tpu.memory_space<semaphore_mem>>)
      %dma_wait3A_636 = arith.constant 0 : i32
      %dma_wait3A_637 = arith.constant 0 : i32
      %dma_wait3A_638 = tpu.memref_slice %arg4[%dma_wait3A_636, %dma_wait3A_637] : memref<16384x256xf32, #tpu.memory_space<hbm>> -> memref<16384x256xf32, #tpu.memory_space<hbm>>
      tpu.wait_indirect_dma semaphore(%arg20 : memref<!tpu.dma_semaphore, #tpu.memory_space<semaphore_mem>>) src(%dma_wait3A_638 : memref<16384x256xf32, #tpu.memory_space<hbm>>) dst(%arg17 : memref<64x256xf32, #tpu.memory_space<vmem>>)
      %dma_wait3A_639 = arith.constant 0 : i32
      %dma_wait3A_640 = arith.constant 0 : i32
      %dma_wait3A_641 = tpu.memref_slice %arg5[%dma_wait3A_639, %dma_wait3A_640] : memref<16384x256xf32, #tpu.memory_space<hbm>> -> memref<16384x256xf32, #tpu.memory_space<hbm>>
      tpu.wait_indirect_dma semaphore(%arg21 : memref<!tpu.dma_semaphore, #tpu.memory_space<semaphore_mem>>) src(%dma_wait3A_641 : memref<16384x256xf32, #tpu.memory_space<hbm>>) dst(%arg18 : memref<64x256xf32, #tpu.memory_space<vmem>>)
      %dma_wait3A_642 = arith.constant 0 : i32
      %dma_wait3A_643 = arith.constant 0 : i32
      %dma_wait3A_644 = tpu.memref_slice %arg6[%dma_wait3A_642, %dma_wait3A_643] : memref<16384x128xf32, #tpu.memory_space<hbm>> -> memref<16384x128xf32, #tpu.memory_space<hbm>>
      tpu.wait_indirect_dma semaphore(%arg22 : memref<!tpu.dma_semaphore, #tpu.memory_space<semaphore_mem>>) src(%dma_wait3A_644 : memref<16384x128xf32, #tpu.memory_space<hbm>>) dst(%arg19 : memref<64x128xf32, #tpu.memory_space<vmem>>)
      %dma_start3A_645 = arith.constant 0 : i32
      %dma_start3A_646 = tpu.memref_slice %arg7[%mul3A_625, %dma_start3A_645] : memref<131072x256xf32, #tpu.memory_space<hbm>> -> memref<64x256xf32, #tpu.memory_space<hbm>>
      %dma_start3A_647 = arith.constant 0 : i32
      %dma_start3A_648 = tpu.memref_slice %arg7[%mul3A_625, %dma_start3A_647] : memref<131072x256xf32, #tpu.memory_space<hbm>> -> memref<64x256xf32, #tpu.memory_space<hbm>>
      tpu.enqueue_dma source(%arg17 : memref<64x256xf32, #tpu.memory_space<vmem>>) target(%dma_start3A_648 : memref<64x256xf32, #tpu.memory_space<hbm>>) target_semaphore(%arg23 : memref<!tpu.dma_semaphore, #tpu.memory_space<semaphore_mem>>)
      %dma_start3A_649 = arith.constant 0 : i32
      %dma_start3A_650 = tpu.memref_slice %arg8[%mul3A_625, %dma_start3A_649] : memref<131072x256xf32, #tpu.memory_space<hbm>> -> memref<64x256xf32, #tpu.memory_space<hbm>>
      %dma_start3A_651 = arith.constant 0 : i32
      %dma_start3A_652 = tpu.memref_slice %arg8[%mul3A_625, %dma_start3A_651] : memref<131072x256xf32, #tpu.memory_space<hbm>> -> memref<64x256xf32, #tpu.memory_space<hbm>>
      tpu.enqueue_dma source(%arg18 : memref<64x256xf32, #tpu.memory_space<vmem>>) target(%dma_start3A_652 : memref<64x256xf32, #tpu.memory_space<hbm>>) target_semaphore(%arg24 : memref<!tpu.dma_semaphore, #tpu.memory_space<semaphore_mem>>)
      %dma_start3A_653 = arith.constant 0 : i32
      %dma_start3A_654 = tpu.memref_slice %arg9[%mul3A_625, %dma_start3A_653] : memref<131072x128xf32, #tpu.memory_space<hbm>> -> memref<64x128xf32, #tpu.memory_space<hbm>>
      %dma_start3A_655 = arith.constant 0 : i32
      %dma_start3A_656 = tpu.memref_slice %arg9[%mul3A_625, %dma_start3A_655] : memref<131072x128xf32, #tpu.memory_space<hbm>> -> memref<64x128xf32, #tpu.memory_space<hbm>>
      tpu.enqueue_dma source(%arg19 : memref<64x128xf32, #tpu.memory_space<vmem>>) target(%dma_start3A_656 : memref<64x128xf32, #tpu.memory_space<hbm>>) target_semaphore(%arg25 : memref<!tpu.dma_semaphore, #tpu.memory_space<semaphore_mem>>)
      %scan3A_657 = arith.constant 0 : i32
      scf.yield %scan3A_657 : i32
    }
    %scan3A_55 = arith.constant 64 : i32
    %mul3A_56 = arith.constant 256 : i32
    %mul3A_57 = arith.muli %add3A, %mul3A_56 : i32
    %add3A_58 = arith.constant 252 : i32
    %add3A_59 = arith.addi %mul3A_57, %add3A_58 : i32
    %mul3A_60 = arith.constant 16 : i32
    %mul3A_61 = arith.muli %add3A_59, %mul3A_60 : i32
    %dma_wait3A = arith.constant 0 : i32
    %dma_wait3A_62 = tpu.memref_slice %arg7[%mul3A_61, %dma_wait3A] : memref<131072x256xf32, #tpu.memory_space<hbm>> -> memref<64x256xf32, #tpu.memory_space<hbm>>
    %dma_wait3A_63 = arith.constant 0 : i32
    %dma_wait3A_64 = tpu.memref_slice %arg7[%mul3A_61, %dma_wait3A_63] : memref<131072x256xf32, #tpu.memory_space<hbm>> -> memref<64x256xf32, #tpu.memory_space<hbm>>
    tpu.wait_dma2 semaphore(%arg23 : memref<!tpu.dma_semaphore, #tpu.memory_space<semaphore_mem>>) src(%arg17 : memref<64x256xf32, #tpu.memory_space<vmem>>) dst(%dma_wait3A_64 : memref<64x256xf32, #tpu.memory_space<hbm>>)
    %dma_wait3A_65 = arith.constant 0 : i32
    %dma_wait3A_66 = tpu.memref_slice %arg8[%mul3A_61, %dma_wait3A_65] : memref<131072x256xf32, #tpu.memory_space<hbm>> -> memref<64x256xf32, #tpu.memory_space<hbm>>
    %dma_wait3A_67 = arith.constant 0 : i32
    %dma_wait3A_68 = tpu.memref_slice %arg8[%mul3A_61, %dma_wait3A_67] : memref<131072x256xf32, #tpu.memory_space<hbm>> -> memref<64x256xf32, #tpu.memory_space<hbm>>
    tpu.wait_dma2 semaphore(%arg24 : memref<!tpu.dma_semaphore, #tpu.memory_space<semaphore_mem>>) src(%arg18 : memref<64x256xf32, #tpu.memory_space<vmem>>) dst(%dma_wait3A_68 : memref<64x256xf32, #tpu.memory_space<hbm>>)
    %dma_wait3A_69 = arith.constant 0 : i32
    %dma_wait3A_70 = tpu.memref_slice %arg9[%mul3A_61, %dma_wait3A_69] : memref<131072x128xf32, #tpu.memory_space<hbm>> -> memref<64x128xf32, #tpu.memory_space<hbm>>
    %dma_wait3A_71 = arith.constant 0 : i32
    %dma_wait3A_72 = tpu.memref_slice %arg9[%mul3A_61, %dma_wait3A_71] : memref<131072x128xf32, #tpu.memory_space<hbm>> -> memref<64x128xf32, #tpu.memory_space<hbm>>
    tpu.wait_dma2 semaphore(%arg25 : memref<!tpu.dma_semaphore, #tpu.memory_space<semaphore_mem>>) src(%arg19 : memref<64x128xf32, #tpu.memory_space<vmem>>) dst(%dma_wait3A_72 : memref<64x128xf32, #tpu.memory_space<hbm>>)
    return
  }
}

module attributes {stable_mosaic.version = 14 : i64} {
  func.func @_proj_body(%arg0: i32, %arg1: i32, %arg2: memref<1x512x256xf32, #tpu.memory_space<vmem>>, %arg3: memref<256x256xf32, #tpu.memory_space<vmem>>, %arg4: memref<256x256xf32, #tpu.memory_space<vmem>>, %arg5: memref<1x512x256xf32, #tpu.memory_space<vmem>>, %arg6: memref<1x512x256xf32, #tpu.memory_space<vmem>>) attributes {dimension_semantics = [#tpu.dimension_semantics<arbitrary>, #tpu.dimension_semantics<arbitrary>], iteration_bounds = array<i64: 4, 8>, scalar_prefetch = 0 : i64, scratch_operands = 0 : i64, tpu.core_type = #tpu.core_type<tc>, window_params = [{transform_indices = @transform_0, window_bounds = array<i64: 1, 512, 256>}, {pipeline_mode = #tpu.pipeline_mode<synchronous>, transform_indices = @transform_1, window_bounds = array<i64: 256, 256>}, {pipeline_mode = #tpu.pipeline_mode<synchronous>, transform_indices = @transform_2, window_bounds = array<i64: 256, 256>}, {transform_indices = @transform_3, window_bounds = array<i64: 1, 512, 256>}, {transform_indices = @transform_4, window_bounds = array<i64: 1, 512, 256>}]} {
    %get3A = arith.constant 0 : index
    %get3A_0 = arith.constant 0 : index
    %get3A_1 = arith.constant 0 : index
    %get3A_2 = vector.load %arg2[%get3A, %get3A_0, %get3A_1] : memref<1x512x256xf32, #tpu.memory_space<vmem>>, vector<1x512x256xf32>
    %get3A_3 = vector.shape_cast %get3A_2 : vector<1x512x256xf32> to vector<512x256xf32>
    %get3A_4 = arith.constant 0 : index
    %get3A_5 = arith.constant 0 : index
    %get3A_6 = vector.load %arg3[%get3A_4, %get3A_5] : memref<256x256xf32, #tpu.memory_space<vmem>>, vector<256x256xf32>
    %dot_general3A = arith.constant dense<0.000000e+00> : vector<512x256xf32>
    %dot_general3A_7 = tpu.matmul %get3A_3, %get3A_6, %dot_general3A {dimension_numbers = #tpu.dot_dimension_numbers<[1], [0], [0], [1], [0, 0, 1, 1], [], []>, transpose_lhs_hint = false} : vector<512x256xf32>, vector<256x256xf32>, vector<512x256xf32> -> vector<512x256xf32>
    %swap3A = arith.constant 0 : index
    %swap3A_8 = arith.constant 0 : index
    %swap3A_9 = arith.constant 0 : index
    %swap3A_10 = vector.load %arg5[%swap3A, %swap3A_8, %swap3A_9] : memref<1x512x256xf32, #tpu.memory_space<vmem>>, vector<1x512x256xf32>
    %swap3A_11 = vector.shape_cast %swap3A_10 : vector<1x512x256xf32> to vector<512x256xf32>
    %swap3A_12 = vector.shape_cast %dot_general3A_7 : vector<512x256xf32> to vector<1x512x256xf32>
    tpu.vector_store %arg5[%swap3A, %swap3A_8, %swap3A_9], %swap3A_12 {strides = array<i32>} : memref<1x512x256xf32, #tpu.memory_space<vmem>>, vector<1x512x256xf32>,
    %get3A_13 = arith.constant 0 : index
    %get3A_14 = arith.constant 0 : index
    %get3A_15 = vector.load %arg4[%get3A_13, %get3A_14] : memref<256x256xf32, #tpu.memory_space<vmem>>, vector<256x256xf32>
    %dot_general3A_16 = arith.constant dense<0.000000e+00> : vector<512x256xf32>
    %dot_general3A_17 = tpu.matmul %get3A_3, %get3A_15, %dot_general3A_16 {dimension_numbers = #tpu.dot_dimension_numbers<[1], [0], [0], [1], [0, 0, 1, 1], [], []>, transpose_lhs_hint = false} : vector<512x256xf32>, vector<256x256xf32>, vector<512x256xf32> -> vector<512x256xf32>
    %swap3A_18 = arith.constant 0 : index
    %swap3A_19 = arith.constant 0 : index
    %swap3A_20 = arith.constant 0 : index
    %swap3A_21 = vector.load %arg6[%swap3A_18, %swap3A_19, %swap3A_20] : memref<1x512x256xf32, #tpu.memory_space<vmem>>, vector<1x512x256xf32>
    %swap3A_22 = vector.shape_cast %swap3A_21 : vector<1x512x256xf32> to vector<512x256xf32>
    %swap3A_23 = vector.shape_cast %dot_general3A_17 : vector<512x256xf32> to vector<1x512x256xf32>
    tpu.vector_store %arg6[%swap3A_18, %swap3A_19, %swap3A_20], %swap3A_23 {strides = array<i32>} : memref<1x512x256xf32, #tpu.memory_space<vmem>>, vector<1x512x256xf32>,
    return
  }
  func.func @transform_0(%arg0: i32, %arg1: i32) -> (i32, i32, i32) {
    %c0_i32 = arith.constant 0 : i32
    %c0_i32_0 = arith.constant 0 : i32
    return %arg0, %arg1, %c0_i32 : i32, i32, i32
  }
  func.func @transform_1(%arg0: i32, %arg1: i32) -> (i32, i32) {
    %c0_i32 = arith.constant 0 : i32
    %c0_i32_0 = arith.constant 0 : i32
    %c0_i32_1 = arith.constant 0 : i32
    return %c0_i32, %c0_i32_0 : i32, i32
  }
  func.func @transform_2(%arg0: i32, %arg1: i32) -> (i32, i32) {
    %c0_i32 = arith.constant 0 : i32
    %c0_i32_0 = arith.constant 0 : i32
    %c0_i32_1 = arith.constant 0 : i32
    return %c0_i32, %c0_i32_0 : i32, i32
  }
  func.func @transform_3(%arg0: i32, %arg1: i32) -> (i32, i32, i32) {
    %c0_i32 = arith.constant 0 : i32
    %c0_i32_0 = arith.constant 0 : i32
    return %arg0, %arg1, %c0_i32 : i32, i32, i32
  }
  func.func @transform_4(%arg0: i32, %arg1: i32) -> (i32, i32, i32) {
    %c0_i32 = arith.constant 0 : i32
    %c0_i32_0 = arith.constant 0 : i32
    return %arg0, %arg1, %c0_i32 : i32, i32, i32
  }
}

module attributes {stable_mosaic.version = 14 : i64} {
  func.func @_globals_body(%arg0: memref<4x256xf32, #tpu.memory_space<vmem>>, %arg1: memref<256x256xf32, #tpu.memory_space<vmem>>, %arg2: memref<256x256xf32, #tpu.memory_space<vmem>>, %arg3: memref<256x256xf32, #tpu.memory_space<vmem>>, %arg4: memref<256x256xf32, #tpu.memory_space<vmem>>, %arg5: memref<1x256xf32, #tpu.memory_space<vmem>>, %arg6: memref<256x256xf32, #tpu.memory_space<vmem>>, %arg7: memref<1x256xf32, #tpu.memory_space<vmem>>, %arg8: memref<4x256xf32, #tpu.memory_space<vmem>>, %arg9: memref<4x256xf32, #tpu.memory_space<vmem>>, %arg10: memref<4x256xf32, #tpu.memory_space<vmem>>) attributes {dimension_semantics = [], scalar_prefetch = 0 : i64, scratch_operands = 0 : i64, tpu.core_type = #tpu.core_type<tc>} {
    %get3A = arith.constant 0 : index
    %get3A_0 = arith.constant 0 : index
    %get3A_1 = vector.load %arg0[%get3A, %get3A_0] : memref<4x256xf32, #tpu.memory_space<vmem>>, vector<4x256xf32>
    %get3A_2 = arith.constant 0 : index
    %get3A_3 = arith.constant 0 : index
    %get3A_4 = vector.load %arg1[%get3A_2, %get3A_3] : memref<256x256xf32, #tpu.memory_space<vmem>>, vector<256x256xf32>
    %dot_general3A = arith.constant dense<0.000000e+00> : vector<4x256xf32>
    %dot_general3A_5 = tpu.matmul %get3A_1, %get3A_4, %dot_general3A {dimension_numbers = #tpu.dot_dimension_numbers<[1], [0], [0], [1], [0, 0, 1, 1], [], []>, transpose_lhs_hint = false} : vector<4x256xf32>, vector<256x256xf32>, vector<4x256xf32> -> vector<4x256xf32>
    %get3A_6 = arith.constant 0 : index
    %get3A_7 = arith.constant 0 : index
    %get3A_8 = vector.load %arg2[%get3A_6, %get3A_7] : memref<256x256xf32, #tpu.memory_space<vmem>>, vector<256x256xf32>
    %dot_general3A_9 = arith.constant dense<0.000000e+00> : vector<4x256xf32>
    %dot_general3A_10 = tpu.matmul %get3A_1, %get3A_8, %dot_general3A_9 {dimension_numbers = #tpu.dot_dimension_numbers<[1], [0], [0], [1], [0, 0, 1, 1], [], []>, transpose_lhs_hint = false} : vector<4x256xf32>, vector<256x256xf32>, vector<4x256xf32> -> vector<4x256xf32>
    %get3A_11 = arith.constant 0 : index
    %get3A_12 = arith.constant 0 : index
    %get3A_13 = vector.load %arg3[%get3A_11, %get3A_12] : memref<256x256xf32, #tpu.memory_space<vmem>>, vector<256x256xf32>
    %dot_general3A_14 = arith.constant dense<0.000000e+00> : vector<4x256xf32>
    %dot_general3A_15 = tpu.matmul %get3A_1, %get3A_13, %dot_general3A_14 {dimension_numbers = #tpu.dot_dimension_numbers<[1], [0], [0], [1], [0, 0, 1, 1], [], []>, transpose_lhs_hint = false} : vector<4x256xf32>, vector<256x256xf32>, vector<4x256xf32> -> vector<4x256xf32>
    %sub3A = arith.subf %dot_general3A_5, %dot_general3A_10 : vector<4x256xf32>
    %get3A_16 = arith.constant 0 : index
    %get3A_17 = arith.constant 0 : index
    %get3A_18 = vector.load %arg4[%get3A_16, %get3A_17] : memref<256x256xf32, #tpu.memory_space<vmem>>, vector<256x256xf32>
    %dot_general3A_19 = arith.constant dense<0.000000e+00> : vector<4x256xf32>
    %dot_general3A_20 = tpu.matmul %sub3A, %get3A_18, %dot_general3A_19 {dimension_numbers = #tpu.dot_dimension_numbers<[1], [0], [0], [1], [0, 0, 1, 1], [], []>, transpose_lhs_hint = false} : vector<4x256xf32>, vector<256x256xf32>, vector<4x256xf32> -> vector<4x256xf32>
    %get3A_21 = arith.constant 0 : index
    %get3A_22 = arith.constant 0 : index
    %get3A_23 = vector.load %arg5[%get3A_21, %get3A_22] : memref<1x256xf32, #tpu.memory_space<vmem>>, vector<1x256xf32>
    %add3A = vector.broadcast %get3A_23 : vector<1x256xf32> to vector<4x256xf32>
    %add3A_24 = arith.addf %dot_general3A_20, %add3A : vector<4x256xf32>
    %max3A = arith.constant 0.000000e+00 : f32
    %max3A_25 = vector.broadcast %max3A : f32 to vector<4x256xf32>
    %max3A_26 = arith.maximumf %add3A_24, %max3A_25 : vector<4x256xf32>
    %get3A_27 = arith.constant 0 : index
    %get3A_28 = arith.constant 0 : index
    %get3A_29 = vector.load %arg6[%get3A_27, %get3A_28] : memref<256x256xf32, #tpu.memory_space<vmem>>, vector<256x256xf32>
    %dot_general3A_30 = arith.constant dense<0.000000e+00> : vector<4x256xf32>
    %dot_general3A_31 = tpu.matmul %max3A_26, %get3A_29, %dot_general3A_30 {dimension_numbers = #tpu.dot_dimension_numbers<[1], [0], [0], [1], [0, 0, 1, 1], [], []>, transpose_lhs_hint = false} : vector<4x256xf32>, vector<256x256xf32>, vector<4x256xf32> -> vector<4x256xf32>
    %get3A_32 = arith.constant 0 : index
    %get3A_33 = arith.constant 0 : index
    %get3A_34 = vector.load %arg7[%get3A_32, %get3A_33] : memref<1x256xf32, #tpu.memory_space<vmem>>, vector<1x256xf32>
    %add3A_35 = vector.broadcast %get3A_34 : vector<1x256xf32> to vector<4x256xf32>
    %add3A_36 = arith.addf %dot_general3A_31, %add3A_35 : vector<4x256xf32>
    %swap3A = arith.constant 0 : index
    %swap3A_37 = arith.constant 0 : index
    %swap3A_38 = vector.load %arg8[%swap3A, %swap3A_37] : memref<4x256xf32, #tpu.memory_space<vmem>>, vector<4x256xf32>
    tpu.vector_store %arg8[%swap3A, %swap3A_37], %dot_general3A_5 {strides = array<i32>} : memref<4x256xf32, #tpu.memory_space<vmem>>, vector<4x256xf32>,
    %swap3A_39 = arith.constant 0 : index
    %swap3A_40 = arith.constant 0 : index
    %swap3A_41 = vector.load %arg9[%swap3A_39, %swap3A_40] : memref<4x256xf32, #tpu.memory_space<vmem>>, vector<4x256xf32>
    tpu.vector_store %arg9[%swap3A_39, %swap3A_40], %dot_general3A_15 {strides = array<i32>} : memref<4x256xf32, #tpu.memory_space<vmem>>, vector<4x256xf32>,
    %swap3A_42 = arith.constant 0 : index
    %swap3A_43 = arith.constant 0 : index
    %swap3A_44 = vector.load %arg10[%swap3A_42, %swap3A_43] : memref<4x256xf32, #tpu.memory_space<vmem>>, vector<4x256xf32>
    tpu.vector_store %arg10[%swap3A_42, %swap3A_43], %add3A_36 {strides = array<i32>} : memref<4x256xf32, #tpu.memory_space<vmem>>, vector<4x256xf32>,
    return
  }
}

module attributes {stable_mosaic.version = 14 : i64} {
  func.func @_mlp_body(%arg0: i32, %arg1: i32, %arg2: memref<1x2048x256xf32, #tpu.memory_space<vmem>>, %arg3: memref<1x2048x256xf32, #tpu.memory_space<vmem>>, %arg4: memref<1x2048x128xf32, #tpu.memory_space<vmem>>, %arg5: memref<1x128x128xf32, #tpu.memory_space<vmem>>, %arg6: memref<1x1x256xf32, #tpu.memory_space<vmem>>, %arg7: memref<1x1x256xf32, #tpu.memory_space<vmem>>, %arg8: memref<1x1x256xf32, #tpu.memory_space<vmem>>, %arg9: memref<128x256xf32, #tpu.memory_space<vmem>>, %arg10: memref<1x256xf32, #tpu.memory_space<vmem>>, %arg11: memref<256x256xf32, #tpu.memory_space<vmem>>, %arg12: memref<1x256xf32, #tpu.memory_space<vmem>>, %arg13: memref<256x256xf32, #tpu.memory_space<vmem>>, %arg14: memref<1x256xf32, #tpu.memory_space<vmem>>, %arg15: memref<256x256xf32, #tpu.memory_space<vmem>>, %arg16: memref<1x256xf32, #tpu.memory_space<vmem>>, %arg17: memref<1x128x256xf32, #tpu.memory_space<vmem>>) attributes {dimension_semantics = [#tpu.dimension_semantics<arbitrary>, #tpu.dimension_semantics<arbitrary>], iteration_bounds = array<i64: 4, 16>, scalar_prefetch = 0 : i64, scratch_operands = 0 : i64, tpu.core_type = #tpu.core_type<tc>, window_params = [{transform_indices = @transform_0, window_bounds = array<i64: 1, 2048, 256>}, {transform_indices = @transform_1, window_bounds = array<i64: 1, 2048, 256>}, {transform_indices = @transform_2, window_bounds = array<i64: 1, 2048, 128>}, {transform_indices = @transform_3, window_bounds = array<i64: 1, 128, 128>}, {transform_indices = @transform_4, window_bounds = array<i64: 1, 1, 256>}, {transform_indices = @transform_5, window_bounds = array<i64: 1, 1, 256>}, {transform_indices = @transform_6, window_bounds = array<i64: 1, 1, 256>}, {pipeline_mode = #tpu.pipeline_mode<synchronous>, transform_indices = @transform_7, window_bounds = array<i64: 128, 256>}, {pipeline_mode = #tpu.pipeline_mode<synchronous>, transform_indices = @transform_8, window_bounds = array<i64: 1, 256>}, {pipeline_mode = #tpu.pipeline_mode<synchronous>, transform_indices = @transform_9, window_bounds = array<i64: 256, 256>}, {pipeline_mode = #tpu.pipeline_mode<synchronous>, transform_indices = @transform_10, window_bounds = array<i64: 1, 256>}, {pipeline_mode = #tpu.pipeline_mode<synchronous>, transform_indices = @transform_11, window_bounds = array<i64: 256, 256>}, {pipeline_mode = #tpu.pipeline_mode<synchronous>, transform_indices = @transform_12, window_bounds = array<i64: 1, 256>}, {pipeline_mode = #tpu.pipeline_mode<synchronous>, transform_indices = @transform_13, window_bounds = array<i64: 256, 256>}, {pipeline_mode = #tpu.pipeline_mode<synchronous>, transform_indices = @transform_14, window_bounds = array<i64: 1, 256>}, {transform_indices = @transform_15, window_bounds = array<i64: 1, 128, 256>}]} {
    %get3A = arith.constant 0 : index
    %get3A_0 = arith.constant 0 : index
    %get3A_1 = arith.constant 0 : index
    %get3A_2 = vector.load %arg2[%get3A, %get3A_0, %get3A_1] : memref<1x2048x256xf32, #tpu.memory_space<vmem>>, vector<1x2048x256xf32>
    %get3A_3 = vector.shape_cast %get3A_2 : vector<1x2048x256xf32> to vector<2048x256xf32>
    %get3A_4 = arith.constant 0 : index
    %get3A_5 = arith.constant 0 : index
    %get3A_6 = arith.constant 0 : index
    %get3A_7 = vector.load %arg3[%get3A_4, %get3A_5, %get3A_6] : memref<1x2048x256xf32, #tpu.memory_space<vmem>>, vector<1x2048x256xf32>
    %get3A_8 = vector.shape_cast %get3A_7 : vector<1x2048x256xf32> to vector<2048x256xf32>
    %get3A_9 = arith.constant 0 : index
    %get3A_10 = arith.constant 0 : index
    %get3A_11 = arith.constant 0 : index
    %get3A_12 = vector.load %arg5[%get3A_9, %get3A_10, %get3A_11] : memref<1x128x128xf32, #tpu.memory_space<vmem>>, vector<1x128x128xf32>
    %get3A_13 = vector.shape_cast %get3A_12 : vector<1x128x128xf32> to vector<128x128xf32>
    %broadcast_in_dim3A = vector.shape_cast %get3A_13 : vector<128x128xf32> to vector<128x1x128xf32>
    %get3A_14 = arith.constant 0 : index
    %get3A_15 = arith.constant 0 : index
    %get3A_16 = arith.constant 0 : index
    %get3A_17 = vector.load %arg4[%get3A_14, %get3A_15, %get3A_16] : memref<1x2048x128xf32, #tpu.memory_space<vmem>>, vector<1x2048x128xf32>
    %get3A_18 = vector.shape_cast %get3A_17 : vector<1x2048x128xf32> to vector<2048x128xf32>
    %reshape3A = vector.shape_cast %get3A_18 : vector<2048x128xf32> to vector<128x16x128xf32>
    %sub3A = vector.broadcast %broadcast_in_dim3A : vector<128x1x128xf32> to vector<128x16x128xf32>
    %sub3A_19 = arith.subf %sub3A, %reshape3A : vector<128x16x128xf32>
    %reshape3A_20 = vector.shape_cast %sub3A_19 : vector<128x16x128xf32> to vector<2048x128xf32>
    %get3A_21 = arith.constant 0 : index
    %get3A_22 = arith.constant 0 : index
    %get3A_23 = vector.load %arg9[%get3A_21, %get3A_22] : memref<128x256xf32, #tpu.memory_space<vmem>>, vector<128x256xf32>
    %dot_general3A = arith.constant dense<0.000000e+00> : vector<2048x256xf32>
    %dot_general3A_24 = tpu.matmul %reshape3A_20, %get3A_23, %dot_general3A {dimension_numbers = #tpu.dot_dimension_numbers<[1], [0], [0], [1], [0, 0, 1, 1], [], []>, transpose_lhs_hint = false} : vector<2048x128xf32>, vector<128x256xf32>, vector<2048x256xf32> -> vector<2048x256xf32>
    %get3A_25 = arith.constant 0 : index
    %get3A_26 = arith.constant 0 : index
    %get3A_27 = vector.load %arg10[%get3A_25, %get3A_26] : memref<1x256xf32, #tpu.memory_space<vmem>>, vector<1x256xf32>
    %add3A = vector.broadcast %get3A_27 : vector<1x256xf32> to vector<2048x256xf32>
    %add3A_28 = arith.addf %dot_general3A_24, %add3A : vector<2048x256xf32>
    %max3A = arith.constant 0.000000e+00 : f32
    %max3A_29 = vector.broadcast %max3A : f32 to vector<2048x256xf32>
    %max3A_30 = arith.maximumf %add3A_28, %max3A_29 : vector<2048x256xf32>
    %get3A_31 = arith.constant 0 : index
    %get3A_32 = arith.constant 0 : index
    %get3A_33 = vector.load %arg11[%get3A_31, %get3A_32] : memref<256x256xf32, #tpu.memory_space<vmem>>, vector<256x256xf32>
    %dot_general3A_34 = arith.constant dense<0.000000e+00> : vector<2048x256xf32>
    %dot_general3A_35 = tpu.matmul %max3A_30, %get3A_33, %dot_general3A_34 {dimension_numbers = #tpu.dot_dimension_numbers<[1], [0], [0], [1], [0, 0, 1, 1], [], []>, transpose_lhs_hint = false} : vector<2048x256xf32>, vector<256x256xf32>, vector<2048x256xf32> -> vector<2048x256xf32>
    %get3A_36 = arith.constant 0 : index
    %get3A_37 = arith.constant 0 : index
    %get3A_38 = vector.load %arg12[%get3A_36, %get3A_37] : memref<1x256xf32, #tpu.memory_space<vmem>>, vector<1x256xf32>
    %add3A_39 = vector.broadcast %get3A_38 : vector<1x256xf32> to vector<2048x256xf32>
    %add3A_40 = arith.addf %dot_general3A_35, %add3A_39 : vector<2048x256xf32>
    %get3A_41 = arith.constant 0 : index
    %get3A_42 = arith.constant 0 : index
    %get3A_43 = arith.constant 0 : index
    %get3A_44 = vector.load %arg6[%get3A_41, %get3A_42, %get3A_43] : memref<1x1x256xf32, #tpu.memory_space<vmem>>, vector<1x1x256xf32>
    %get3A_45 = vector.shape_cast %get3A_44 : vector<1x1x256xf32> to vector<1x256xf32>
    %sub3A_46 = vector.broadcast %get3A_45 : vector<1x256xf32> to vector<2048x256xf32>
    %sub3A_47 = arith.subf %sub3A_46, %get3A_3 : vector<2048x256xf32>
    %add3A_48 = arith.addf %sub3A_47, %add3A_40 : vector<2048x256xf32>
    %get3A_49 = arith.constant 0 : index
    %get3A_50 = arith.constant 0 : index
    %get3A_51 = vector.load %arg13[%get3A_49, %get3A_50] : memref<256x256xf32, #tpu.memory_space<vmem>>, vector<256x256xf32>
    %dot_general3A_52 = arith.constant dense<0.000000e+00> : vector<2048x256xf32>
    %dot_general3A_53 = tpu.matmul %add3A_48, %get3A_51, %dot_general3A_52 {dimension_numbers = #tpu.dot_dimension_numbers<[1], [0], [0], [1], [0, 0, 1, 1], [], []>, transpose_lhs_hint = false} : vector<2048x256xf32>, vector<256x256xf32>, vector<2048x256xf32> -> vector<2048x256xf32>
    %get3A_54 = arith.constant 0 : index
    %get3A_55 = arith.constant 0 : index
    %get3A_56 = vector.load %arg14[%get3A_54, %get3A_55] : memref<1x256xf32, #tpu.memory_space<vmem>>, vector<1x256xf32>
    %add3A_57 = vector.broadcast %get3A_56 : vector<1x256xf32> to vector<2048x256xf32>
    %add3A_58 = arith.addf %dot_general3A_53, %add3A_57 : vector<2048x256xf32>
    %max3A_59 = arith.constant 0.000000e+00 : f32
    %max3A_60 = vector.broadcast %max3A_59 : f32 to vector<2048x256xf32>
    %max3A_61 = arith.maximumf %add3A_58, %max3A_60 : vector<2048x256xf32>
    %get3A_62 = arith.constant 0 : index
    %get3A_63 = arith.constant 0 : index
    %get3A_64 = vector.load %arg15[%get3A_62, %get3A_63] : memref<256x256xf32, #tpu.memory_space<vmem>>, vector<256x256xf32>
    %dot_general3A_65 = arith.constant dense<0.000000e+00> : vector<2048x256xf32>
    %dot_general3A_66 = tpu.matmul %max3A_61, %get3A_64, %dot_general3A_65 {dimension_numbers = #tpu.dot_dimension_numbers<[1], [0], [0], [1], [0, 0, 1, 1], [], []>, transpose_lhs_hint = false} : vector<2048x256xf32>, vector<256x256xf32>, vector<2048x256xf32> -> vector<2048x256xf32>
    %get3A_67 = arith.constant 0 : index
    %get3A_68 = arith.constant 0 : index
    %get3A_69 = vector.load %arg16[%get3A_67, %get3A_68] : memref<1x256xf32, #tpu.memory_space<vmem>>, vector<1x256xf32>
    %add3A_70 = vector.broadcast %get3A_69 : vector<1x256xf32> to vector<2048x256xf32>
    %add3A_71 = arith.addf %dot_general3A_66, %add3A_70 : vector<2048x256xf32>
    %reshape3A_72 = vector.shape_cast %add3A_71 : vector<2048x256xf32> to vector<128x16x256xf32>
    %reshape3A_73 = vector.shape_cast %add3A_40 : vector<2048x256xf32> to vector<128x16x256xf32>
    %reshape3A_74 = vector.shape_cast %get3A_8 : vector<2048x256xf32> to vector<128x16x256xf32>
    %get3A_75 = arith.constant 0 : index
    %get3A_76 = arith.constant 0 : index
    %get3A_77 = arith.constant 0 : index
    %get3A_78 = vector.load %arg8[%get3A_75, %get3A_76, %get3A_77] : memref<1x1x256xf32, #tpu.memory_space<vmem>>, vector<1x1x256xf32>
    %get3A_79 = vector.shape_cast %get3A_78 : vector<1x1x256xf32> to vector<1x256xf32>
    %reduce_max3A = arith.constant dense<0xFF800000> : vector<128x256xf32>
    %reduce_max3A_80 = vector.multi_reduction <maximumf>, %reshape3A_72, %reduce_max3A [1] : vector<128x16x256xf32> to vector<128x256xf32>
    %max3A_81 = vector.broadcast %get3A_79 : vector<1x256xf32> to vector<128x256xf32>
    %max3A_82 = arith.maximumf %reduce_max3A_80, %max3A_81 : vector<128x256xf32>
    %broadcast_in_dim3A_83 = vector.shape_cast %max3A_82 : vector<128x256xf32> to vector<128x1x256xf32>
    %sub3A_84 = vector.broadcast %broadcast_in_dim3A_83 : vector<128x1x256xf32> to vector<128x16x256xf32>
    %sub3A_85 = arith.subf %reshape3A_72, %sub3A_84 : vector<128x16x256xf32>
    %exp3A = math.exp %sub3A_85 : vector<128x16x256xf32>
    %sub3A_86 = vector.broadcast %get3A_79 : vector<1x256xf32> to vector<128x256xf32>
    %sub3A_87 = arith.subf %sub3A_86, %max3A_82 : vector<128x256xf32>
    %exp3A_88 = math.exp %sub3A_87 : vector<128x256xf32>
    %reduce_sum3A = arith.constant dense<0.000000e+00> : vector<128x256xf32>
    %reduce_sum3A_89 = vector.multi_reduction <add>, %exp3A, %reduce_sum3A [1] : vector<128x16x256xf32> to vector<128x256xf32>
    %add3A_90 = arith.addf %reduce_sum3A_89, %exp3A_88 : vector<128x256xf32>
    %add3A_91 = arith.addf %reshape3A_74, %reshape3A_73 : vector<128x16x256xf32>
    %mul3A = arith.mulf %exp3A, %add3A_91 : vector<128x16x256xf32>
    %reduce_sum3A_92 = arith.constant dense<0.000000e+00> : vector<128x256xf32>
    %reduce_sum3A_93 = vector.multi_reduction <add>, %mul3A, %reduce_sum3A_92 [1] : vector<128x16x256xf32> to vector<128x256xf32>
    %get3A_94 = arith.constant 0 : index
    %get3A_95 = arith.constant 0 : index
    %get3A_96 = arith.constant 0 : index
    %get3A_97 = vector.load %arg7[%get3A_94, %get3A_95, %get3A_96] : memref<1x1x256xf32, #tpu.memory_space<vmem>>, vector<1x1x256xf32>
    %get3A_98 = vector.shape_cast %get3A_97 : vector<1x1x256xf32> to vector<1x256xf32>
    %mul3A_99 = vector.broadcast %get3A_98 : vector<1x256xf32> to vector<128x256xf32>
    %mul3A_100 = arith.mulf %exp3A_88, %mul3A_99 : vector<128x256xf32>
    %add3A_101 = arith.addf %reduce_sum3A_93, %mul3A_100 : vector<128x256xf32>
    %div3A = arith.divf %add3A_101, %add3A_90 : vector<128x256xf32>
    %swap3A = arith.constant 0 : index
    %swap3A_102 = arith.constant 0 : index
    %swap3A_103 = arith.constant 0 : index
    %swap3A_104 = vector.load %arg17[%swap3A, %swap3A_102, %swap3A_103] : memref<1x128x256xf32, #tpu.memory_space<vmem>>, vector<1x128x256xf32>
    %swap3A_105 = vector.shape_cast %swap3A_104 : vector<1x128x256xf32> to vector<128x256xf32>
    %swap3A_106 = vector.shape_cast %div3A : vector<128x256xf32> to vector<1x128x256xf32>
    tpu.vector_store %arg17[%swap3A, %swap3A_102, %swap3A_103], %swap3A_106 {strides = array<i32>} : memref<1x128x256xf32, #tpu.memory_space<vmem>>, vector<1x128x256xf32>,
    return
  }
  func.func @transform_0(%arg0: i32, %arg1: i32) -> (i32, i32, i32) {
    %c0_i32 = arith.constant 0 : i32
    %c0_i32_0 = arith.constant 0 : i32
    return %arg0, %arg1, %c0_i32 : i32, i32, i32
  }
  func.func @transform_1(%arg0: i32, %arg1: i32) -> (i32, i32, i32) {
    %c0_i32 = arith.constant 0 : i32
    %c0_i32_0 = arith.constant 0 : i32
    return %arg0, %arg1, %c0_i32 : i32, i32, i32
  }
  func.func @transform_2(%arg0: i32, %arg1: i32) -> (i32, i32, i32) {
    %c0_i32 = arith.constant 0 : i32
    %c0_i32_0 = arith.constant 0 : i32
    return %arg0, %arg1, %c0_i32 : i32, i32, i32
  }
  func.func @transform_3(%arg0: i32, %arg1: i32) -> (i32, i32, i32) {
    %c0_i32 = arith.constant 0 : i32
    %c0_i32_0 = arith.constant 0 : i32
    return %arg0, %arg1, %c0_i32 : i32, i32, i32
  }
  func.func @transform_4(%arg0: i32, %arg1: i32) -> (i32, i32, i32) {
    %c0_i32 = arith.constant 0 : i32
    %c0_i32_0 = arith.constant 0 : i32
    %c0_i32_1 = arith.constant 0 : i32
    return %arg0, %c0_i32, %c0_i32_0 : i32, i32, i32
  }
  func.func @transform_5(%arg0: i32, %arg1: i32) -> (i32, i32, i32) {
    %c0_i32 = arith.constant 0 : i32
    %c0_i32_0 = arith.constant 0 : i32
    %c0_i32_1 = arith.constant 0 : i32
    return %arg0, %c0_i32, %c0_i32_0 : i32, i32, i32
  }
  func.func @transform_6(%arg0: i32, %arg1: i32) -> (i32, i32, i32) {
    %c0_i32 = arith.constant 0 : i32
    %c0_i32_0 = arith.constant 0 : i32
    %c0_i32_1 = arith.constant 0 : i32
    return %arg0, %c0_i32, %c0_i32_0 : i32, i32, i32
  }
  func.func @transform_7(%arg0: i32, %arg1: i32) -> (i32, i32) {
    %c0_i32 = arith.constant 0 : i32
    %c0_i32_0 = arith.constant 0 : i32
    %c0_i32_1 = arith.constant 0 : i32
    return %c0_i32, %c0_i32_0 : i32, i32
  }
  func.func @transform_8(%arg0: i32, %arg1: i32) -> (i32, i32) {
    %c0_i32 = arith.constant 0 : i32
    %c0_i32_0 = arith.constant 0 : i32
    %c0_i32_1 = arith.constant 0 : i32
    return %c0_i32, %c0_i32_0 : i32, i32
  }
  func.func @transform_9(%arg0: i32, %arg1: i32) -> (i32, i32) {
    %c0_i32 = arith.constant 0 : i32
    %c0_i32_0 = arith.constant 0 : i32
    %c0_i32_1 = arith.constant 0 : i32
    return %c0_i32, %c0_i32_0 : i32, i32
  }
  func.func @transform_10(%arg0: i32, %arg1: i32) -> (i32, i32) {
    %c0_i32 = arith.constant 0 : i32
    %c0_i32_0 = arith.constant 0 : i32
    %c0_i32_1 = arith.constant 0 : i32
    return %c0_i32, %c0_i32_0 : i32, i32
  }
  func.func @transform_11(%arg0: i32, %arg1: i32) -> (i32, i32) {
    %c0_i32 = arith.constant 0 : i32
    %c0_i32_0 = arith.constant 0 : i32
    %c0_i32_1 = arith.constant 0 : i32
    return %c0_i32, %c0_i32_0 : i32, i32
  }
  func.func @transform_12(%arg0: i32, %arg1: i32) -> (i32, i32) {
    %c0_i32 = arith.constant 0 : i32
    %c0_i32_0 = arith.constant 0 : i32
    %c0_i32_1 = arith.constant 0 : i32
    return %c0_i32, %c0_i32_0 : i32, i32
  }
  func.func @transform_13(%arg0: i32, %arg1: i32) -> (i32, i32) {
    %c0_i32 = arith.constant 0 : i32
    %c0_i32_0 = arith.constant 0 : i32
    %c0_i32_1 = arith.constant 0 : i32
    return %c0_i32, %c0_i32_0 : i32, i32
  }
  func.func @transform_14(%arg0: i32, %arg1: i32) -> (i32, i32) {
    %c0_i32 = arith.constant 0 : i32
    %c0_i32_0 = arith.constant 0 : i32
    %c0_i32_1 = arith.constant 0 : i32
    return %c0_i32, %c0_i32_0 : i32, i32
  }
  func.func @transform_15(%arg0: i32, %arg1: i32) -> (i32, i32, i32) {
    %c0_i32 = arith.constant 0 : i32
    %c0_i32_0 = arith.constant 0 : i32
    return %arg0, %arg1, %c0_i32 : i32, i32, i32
  }
}

</mosaic_0001>

<sc_bundles>
// kernel: kernel.6.cloned.1.call-start
scs
__scs_entry_jumppad:
0x0: {  	(pc) =	sbr.rel $0x88, $3  }
0x1: {  	(tag) =	ssettag $0x0;
	lr =	simm.s32 $0x1  }
0x2: {  	[smem:$0x3F90] =	sst lr;
	_ =	strace $0xD0000000  }
0x3: {  	_ = 	snop  }
0x4: {  	_ = 	snop  }
0x5: {  	_ = 	snop  }
0x6: {  	_ = 	snop  }
0x7: {  	_ = 	snop  }
__scs_overlays_trampoline_lowered:
0x8: {  	[smem:$0x3F9F] =	sst s0  }
0x9: {  	[smem:$0x3FA0] =	sst s1  }
0xa: {  	[smem:$0x3FA1] =	sst s2  }
0xb: {  	[smem:$0x3FA2] =	sst s3  }
0xc: {  	[smem:$0x3FA3] =	sst s4  }
0xd: {  	[smem:$0x3FA4] =	sst s5  }
0xe: {  	[smem:$0x3FA5] =	sst s6  }
0xf: {  	[smem:$0x3FA6] =	sst s7  }
0x10: {  	[smem:$0x3FA7] =	sst s8  }
0x11: {  	[smem:$0x3FA8] =	sst s9;
	s0 =	simm.s32 @!p0 $0x0  }
0x12: {  	s1 =	sld [smem:$0x3F8E];
	s0 =	simm.s32 @p0 $0x1  }
0x13: {  	[smem:$0x3FA9] =	sst s0;
	s0 =	simm.s32 @!p1 $0x0  }
0x14: {  	s2 =	sld [smem:$0x3F8D];
	s0 =	simm.s32 @p1 $0x1  }
0x15: {  	[smem:$0x3FAA] =	sst s0;
	s0 =	simm.s32 @!p2 $0x0  }
0x16: {  	s3 =	sld [smem:$0x3FDB];
	s0 =	simm.s32 @p2 $0x1  }
0x17: {  	s4 =	simm.s32 $0x1BF5;
	[smem:$0x3FAC] =	sst s0  }
0x18: {  	s0 =	sld [smem:$0x3F8F];
	_ =	swait.ge [sflag:s4], $0x0  }
0x19: {  	s7 =	sld [smem:$0x3F90]  }
0x1a: {  	s8 =	sadd.s32 $0xFFFFE003, lr  }
0x1b: {  	s9 =	sadd.s32 $0xFFFFFEF7, lr;
	s5 =	simm.s32 $0xFFFFFFFF;
	p2 =	slt.u32 s8, $0xFFFFF086  }
0x1c: {  	p1 =	slt.u32 s9, $0xF7A;
	s5 =	simm.s32 @!p2 $0x0  }
0x1d: {  	s5 =	simm.s32 @p1 $0x1;
	p0 =	seq.s32 s7, s2  }
0x1e: {  	s7 =	smul.u32 @!p0 $0xF7A, s2;
	p2 =	seq.s32 @!p0 s5, $0x0  }
0x1f: {  	s9 =	smul.u32 $0xF7A, s1;
	s8 =	simm.s32 @!p0 $0x1BF5;
	p2 =	por !p2, p0  }
0x20: {  	[sflag:s8] =	ssyncset.s32 @!p0 $0xFFFFF086;
	s6 =	sadd.s32 @!p0 s3, s7;
	s7 =	simm.s32 @!p0 $0x108  }
0x21: {  	s3 =	sadd.s32 s3, s9;
	s6 =	sadd.s32 @!p0 $0x88, s6;
	s7 =	simm.s32 @p2 $0x1082  }
0x22: {  	[simem:s7], [sflag:s8] =	dma.local @!p0 [hbm:s6], $0xF7A  }
0x23: {  	s9 =	sor.u32 $0xD0000000, s2;
	s6 =	simm.s32 $0x108;
	_ =	swait.ge @!p0 [sflag:s8], $0x0  }
0x24: {  	s3 =	sadd.s32 $0x88, s3;
	s6 =	simm.s32 @!p1 $0x1082;
	[sflag:s4] =	ssyncset.s32 $0xFFFFF086  }
0x25: {  	[simem:s6], [sflag:s4] =	dma.local [hbm:s3], $0xF7A  }
0x26: {  	[smem:$0x3F90] =	sst s1;
	(tag) =	ssettag s2;
	_ =	strace s9  }
0x27: {  	s1 =	sld [smem:$0x3FA0]  }
0x28: {  	s2 =	sld [smem:$0x3FA1]  }
0x29: {  	s4 =	sld [smem:$0x3FA3]  }
0x2a: {  	p0 =	seq.s32 s5, $0x0;
	s5 =	sld [smem:$0x3FA4]  }
0x2b: {  	s6 =	sld [smem:$0x3FA5]  }
0x2c: {  	s7 =	sld [smem:$0x3FA6]  }
0x2d: {  	s3 =	simm.s32 $0x108;
	s8 =	sld [smem:$0x3FA7]  }
0x2e: {  	s3 =	simm.s32 @!p0 $0x1082;
	s9 =	sld [smem:$0x3FA8]  }
0x2f: {  	lr =	sadd.s32 s0, s3;
	s0 =	sld [smem:$0x3F9F]  }
0x30: {  	s3 =	sld [smem:$0x3FA2]  }
0x31: {  	[smem:$0x3FAB] =	sst s10  }
0x32: {  	s10 =	sld [smem:$0x3FA9];
	_ =	sdelay $0x3  }
0x33: {  	p0 =	seq.s32 s10, $0x1;
	s10 =	sld [smem:$0x3FAB];
	_ =	sdelay $0x3  }
0x34: {  	[smem:$0x3FAB] =	sst s10  }
0x35: {  	s10 =	sld [smem:$0x3FAA];
	_ =	sdelay $0x3  }
0x36: {  	p1 =	seq.s32 s10, $0x1;
	s10 =	sld [smem:$0x3FAB];
	_ =	sdelay $0x3  }
0x37: {  	[smem:$0x3FAB] =	sst s10  }
0x38: {  	s10 =	sld [smem:$0x3FAC]  }
0x39: {  	_ = 	snop;
	(pc) =	sbr.ind lr, $3  }
0x3a: {  	_ = 	snop  }
0x3b: {  	_ = 	snop  }
0x3c: {  	p2 =	seq.s32 s10, $0x1;
	s10 =	sld [smem:$0x3FAB]  }
0x3d: {  	_ =	shalt  }
0x3e: {  	_ =	shalt  }
0x3f: {  	_ =	shalt  }
0x40: {  	_ =	shalt  }
0x41: {  	_ =	shalt  }
0x42: {  	_ =	shalt  }
0x43: {  	_ =	shalt  }
0x44: {  	_ =	shalt  }
0x45: {  	_ =	shalt  }
0x46: {  	_ =	shalt  }
0x47: {  	_ =	shalt  }
0x48: {  	_ =	shalt  }
0x49: {  	_ =	shalt  }
0x4a: {  	_ =	shalt  }
0x4b: {  	_ =	shalt  }
0x4c: {  	_ =	shalt  }
0x4d: {  	_ =	shalt  }
0x4e: {  	_ =	shalt  }
0x4f: {  	_ =	shalt  }
0x50: {  	_ =	shalt  }
0x51: {  	_ =	shalt  }
0x52: {  	_ =	shalt  }
0x53: {  	_ =	shalt  }
0x54: {  	_ =	shalt  }
0x55: {  	_ =	shalt  }
0x56: {  	_ =	shalt  }
0x57: {  	_ =	shalt  }
0x58: {  	_ =	shalt  }
0x59: {  	_ =	shalt  }
0x5a: {  	_ =	shalt  }
0x5b: {  	_ =	shalt  }
0x5c: {  	_ =	shalt  }
0x5d: {  	_ =	shalt  }
0x5e: {  	_ =	shalt  }
0x5f: {  	_ =	shalt  }
0x60: {  	_ =	shalt  }
0x61: {  	_ =	shalt  }
0x62: {  	_ =	shalt  }
0x63: {  	_ =	shalt  }
0x64: {  	_ =	shalt  }
0x65: {  	_ =	shalt  }
0x66: {  	_ =	shalt  }
0x67: {  	_ =	shalt  }
0x68: {  	_ =	shalt  }
0x69: {  	_ =	shalt  }
0x6a: {  	_ =	shalt  }
0x6b: {  	_ =	shalt  }
0x6c: {  	_ =	shalt  }
0x6d: {  	_ =	shalt  }
0x6e: {  	_ =	shalt  }
0x6f: {  	_ =	shalt  }
0x70: {  	_ =	shalt  }
0x71: {  	_ =	shalt  }
0x72: {  	_ =	shalt  }
0x73: {  	_ =	shalt  }
0x74: {  	_ =	shalt  }
0x75: {  	_ =	shalt  }
0x76: {  	_ =	shalt  }
0x77: {  	_ =	shalt  }
0x78: {  	_ =	shalt  }
0x79: {  	_ =	shalt  }
0x7a: {  	_ =	shalt  }
0x7b: {  	_ =	shalt  }
0x7c: {  	_ =	shalt  }
0x7d: {  	_ =	shalt  }
0x7e: {  	_ =	shalt  }
0x7f: {  	_ =	shalt  }
0x80: {  	_ =	shalt  }
0x81: {  	_ =	shalt  }
0x82: {  	_ =	shalt  }
0x83: {  	_ =	shalt  }
0x84: {  	_ =	shalt  }
0x85: {  	_ =	shalt  }
0x86: {  	_ =	shalt  }
0x87: {  	_ =	shalt  }
.Lfunc_end0:
.L_simem_size_0:
called_computation_lowered:
.L_overlay_start_0:
0x88: {  	s2 =	sld [smem:$0x3FD9]  }
0x89: {  	s3 =	sld [smem:$0x3FFE];
	_ =	sdelay $0x1  }
0x8a: {  	s1 =	srdreg.scid  }
0x8b: {  	s0 =	sand.u32 $0x1, s1  }
0x8c: {  	s17 =	sshll.u32 s0, $0xA;
	s2 =	sadd.s32 s3, s2  }
0x8d: {  	s2 =	sadd.s32 s2, s17  }
0x8e: {  	[smem:$0x3FB7] =	sst s2  }
0x8f: {  	_ = 	snop  }
0x90: {  	s2 =	sld [smem:$0x3FD0];
	(tm) =	ssettm $0x1  }
0x91: {  	s18 =	sld [smem:$0x3FFB];
	_ =	sdelay $0x3  }
0x92: {  	_ =	strace s18  }
0x93: {  	s3 =	sld [smem:$0x3FFC];
	_ =	sdelay $0x3  }
0x94: {  	_ =	strace s3  }
0x95: {  	s3 =	sld [smem:$0x3FFD];
	_ =	sdelay $0x3  }
0x96: {  	_ =	strace s3  }
0x97: {  	_ =	strace $0x8FFFFFFF  }
0x98: {  	s19 =	sld [smem:$0x3FDB];
	_ =	sdelay $0x1  }
0x99: {  	s4 =	simm.s32 $_scs_section_size  }
0x9a: {  	s5 =	simm.s32 $_size__tile_overlayer_lowered;
	s6 =	simm.s32 $_tile_overlayer_lowered  }
0x9b: {  	s22 =	simm.s32 $0x1BFF;
	s21 =	sshll.u32 s6, $0x1;
	s3 =	sadd.s32 s4, s19  }
0x9c: {  	s7 =	simm.s32 $0x0;
	s20 =	sshll.u32 s5, $0x1;
	s5 =	sadd.s32 s21, s3  }
0x9d: {  	[timem:s7], [sflag:s22] =	dma.local [hbm:s5], s20  }
0x9e: {  	_ =	swait.ge [sflag:s22], s20  }
0x9f: {  	s4 =	ssub.s32 $0x0, s20;
	[sflag:s22] =	ssyncset.done $0x0  }
0xa0: {  	[sflag:s22] =	ssyncadd.s32 s4;
	_ =	sdelay $0x1  }
0xa1: {  	s23 =	simm.s32 $0x1B8B  }
0xa2: {  	_ =	swait.ge [sflag:s23], $0x1  }
0xa3: {  	[sflag:s23] =	ssyncset.done $0x0  }
0xa4: {  	s25 =	simm.s32 $0x1B8E;
	s24 =	sld [smem:$0x3FFE];
	[sflag:s23] =	ssyncadd.s32 $0xFFFFFFFF  }
0xa5: {  	s26 =	simm.s32 $execute0_lowered;
	[smem:$0x3FD2] =	sst s25  }
0xa6: {  	s5 =	sshll.u32 s26, $0x1;
	_ =	strace $0x80000046;
	[dreg:$0x1] =	wrdreg $0xFFFFFFFF  }
0xa7: {  	s28 =	simm.s32 $_size_execute0_lowered;
	s3 =	sadd.s32 s3, s5;
	[dreg:$0x0] =	wrdreg $0x0  }
0xa8: {  	s5 =	sshll.u32 s28, $0x1;
	[dreg:$0x2] =	wrdreg s3  }
0xa9: {  	[dreg:$0x3] =	wrdreg s5  }
0xaa: {  	[dreg:$0x4] =	wrdreg $0xC0  }
0xab: {  	_ =	task [dreg:s7], $0x5FFFF  }
0xac: {  	[dreg:$0x1] =	wrdreg $0xFFFFFFFF  }
0xad: {  	[dreg:$0x0] =	wrdreg $0x60  }
0xae: {  	[dreg:$0x2] =	wrdreg s24  }
0xaf: {  	[dreg:$0x3] =	wrdreg s2  }
0xb0: {  	[dreg:$0x4] =	wrdreg $0x9  }
0xb1: {  	_ =	task.clear_ibuf [dreg:s7], $0x5FFFF;
	_ =	strace $0x90000046  }
0xb2: {  	s29 =	simm.s32 $0x9;
	_ =	strace $0x80000048  }
0xb3: {  	_ =	swait.ge [sflag:s29], $0x1  }
0xb4: {  	[sflag:s29] =	ssyncadd.s32 $0xFFFFFFFF  }
0xb5: {  	_ =	strace $0x90000048  }
0xb6: {  	_ =	sfence  }
0xb7: {  	s30 =	sld [smem:$0x0];
	_ =	sdelay $0x2  }
0xb8: {  	s31 =	sshll.u32 s1, $0xD;
	s1 =	sshrl.u32 s1, $0x2  }
0xb9: {  	s3 =	sand.u32 $0x4000, s31;
	s1 =	sadd.s32 s1, s30  }
0xba: {  	s0 =	sor.u32 s3, s0;
	s1 =	sshll.u32 s1, $0x11  }
0xbb: {  	s0 =	sor.u32 s1, s0  }
0xbc: {  	s0 =	sadd.s32 $0x8F2B, s0  }
0xbd: {  	[sflag:s0] =	ssyncadd.remote.s32 $0x1  }
0xbe: {  	_ =	sfence.sel $0xFFFF  }
0xbf: {  	[dreg:$0x0] =	wrdreg $0xFFFFFFFF;
	(pc) =	sbr.abs _section_cstart, $3  }
0xc0: {  	[dreg:$0x1] =	wrdreg $0xFFFFFFFF  }
0xc1: {  	_ =	task.clear_ibuf [dreg:s7], $0x2FFFF;
	_ =	strace $0x9FFFFFFF  }
0xc2: {  	(tm) =	ssettm $0x7FFFFFFF  }
0xc3: {  	_ =	shalt  }
tec
execute0_lowered:
.L_overlay_start_1:
0x0: {  	(tag) =	ssettag $0x1  }
0x1: {  	v0 =	vimm.s32 $0xEFCDAB89  }
0x2: {  	v1 =	vimm.s32 $0x67452301;
	v5 =	vimm.s32 $0xDCFE98BA;
	v6 =	vimm.s32 $0xBA98FEDC  }
0x3: {  	v7 =	vimm.s32 $0xFEDCBA98;
	v8 =	vimm.s32 $0x32107654;
	v9 =	vimm.s32 $0x76543210  }
0x4: {  	vm0 =	vcmask $0x1B14;
	vm1 =	vcmask $0xB04;
	vm2 =	vcmask $0x2B24  }
0x5: {  	vm3 =	vcmask $0x704;
	vm4 =	vcmask $0x3728;
	vm5 =	vcmask $0x1B18  }
0x6: {  	vm6 =	vcmask $0x1708;
	vm8 =	vcmask $0x2724;
	vm7 =	vcmask $0x2718  }
0x7: {  	vm9 =	vcmask $0xF08;
	vm11 =	vcmask $0x3730;
	vm12 =	vcmask $0x3330  }
0x8: {  	s3 =	stileid.u32;
	v2 =	vunpack.c.l.s4.s8 v0;
	v1 =	vunpack.c.l.s4.s8 v1;
	v7 =	vunpack.c.l.s4.s8 v7  }
0x9: {  	s0 =	sshll.u32 s3, $0xA;
	v6 =	vunpack.c.l.s4.s8 v6;
	v8 =	vunpack.c.l.s4.s8 v8;
	vm1 =	vmor vm1, vm0  }
0xa: {  	v9 =	vunpack.c.l.s4.s8 v9;
	vm0 =	vmmov $0xffff;
	s0 =	sand.u32 $0x3000, s0;
	vm1 =	vmor vm1, vm2  }
0xb: {  	vm2 =	vcmask $0x3B34;
	v0 =	vmov s0;
	v3 =	vunpack.c.0.s8.s32 v2  }
0xc: {  	v4 =	vunpack.c.0.s8.s32 v1;
	v1 =	vimm.s32 $0x0;
	v2 =	vimm.s32 $0x1  }
0xd: {  	s1 =	rddreg [dreg:$0x0];
	v7 =	vunpack.c.0.s8.s32 v7;
	v11 =	vunpack.c.0.s8.s32 v6;
	v8 =	vunpack.c.0.s8.s32 v8  }
0xe: {  	s2 =	srdreg.scid;
	s29 =	simm.s32 $0x8580;
	s30 =	simm.s32 $0x8600;
	v9 =	vunpack.c.0.s8.s32 v9;
	vm1 =	vmor vm1, vm2;
	vm2 =	vcmask $0x130C  }
0xf: {  	s28 =	simm.s32 $0xD600;
	s12 =	simm.s32 $0xE600;
	s13 =	simm.s32 $0xEE00;
	v6 =	vimm.s32 $0x3;
	vm2 =	vmor vm3, vm2;
	v3 =	vcombine.low v4, v3  }
0x10: {  	s14 =	simm.s32 $0xF600;
	s15 =	simm.s32 $0xFE00;
	s16 =	simm.s32 $0x40;
	v4 =	vunpack.c.l.s4.s8 v5;
	v5 =	vimm.s32 $0x54761032;
	vm5 =	vmor vm2, vm5  }
0x11: {  	s17 =	simm.s32 $0x10600;
	s18 =	simm.s32 $0x1;
	s2 =	sand.u32 $0x1, s2;
	vm2 =	vmor vm6, vm4;
	vm6 =	vcmask $0xF0C;
	v5 =	vunpack.c.l.s4.s8 v5  }
0x12: {  	s4 =	sshll.u32 s3, $0x1;
	s3 =	simm.s32 $0x0;
	s5 =	sadd.s32 $0x5600, s1;
	vm4 =	vmor vm5, vm8;
	vm5 =	vcmask $0x332C;
	vm3 =	vmor vm3, vm6  }
0x13: {  	s6 =	sadd.s32 $0x109600, s1;
	s7 =	sadd.s32 $0x509600, s1;
	s10 =	sor.u32 s2, s4;
	vm6 =	vcmask $0x1714;
	v10 =	vunpack.c.0.s8.s32 v4;
	v4 =	vimm.s32 $0x2  }
0x14: {  	s8 =	sadd.s32 $0x909600, s1;
	s9 =	sadd.s32 $0x105600, s1;
	s4 =	sshll.u32 s10, $0x5;
	vm4 =	vmor vm4, vm5;
	vm10 =	vmor vm3, vm6;
	vm3 =	vcmask $0x231C  }
0x15: {  	[smem:$0x7FF] =	sst s3;
	s0 =	sshrl.u32 s0, $0x3;
	s11 =	sadd.s32 s4, s1;
	vm6 =	vmor vm9, vm7;
	vm7 =	vcmask $0x2B28;
	vm3 =	vmor vm10, vm3  }
0x16: {  	s2 =	ssub.s32 $0x2, s2;
	s0 =	sadd.s32 s0, s1;
	s20 =	sadd.s32 $0x4600, s11;
	vm5 =	vcmask $0x3B38;
	v5 =	vunpack.c.0.s8.s32 v5;
	vm7 =	vmor vm3, vm7  }
0x17: {  	_ =	strace $0x80000047;
	s21 =	sadd.s32 $0x2600, s0;
	[dreg:$0x3] =	wrdreg s20;
	vm3 =	vmor vm4, vm5;
	vm4 =	vmor vm6, vm11;
	vm11 =	vcmask $0x1F18  }
0x18: {  	s19 =	sshrl.u32 s2, $0x1;
	s22 =	sadd.s32 $0x4A00, s11;
	[dreg:$0x4] =	wrdreg s21;
	v5 =	vcombine.low v5, v10;
	v10 =	vand.u32 $0xF, v7;
	v7 =	vcombine.low v8, v11  }
0x19: {  	s10 =	sshll.u32 s10, $0x8;
	s23 =	sadd.s32 $0x2E00, s0;
	[dreg:$0x5] =	wrdreg s22;
	vm6 =	vmor vm7, vm12;
	vm7 =	vcmask $0x1F10;
	vm12 =	vcmask $0x1F1C  }
0x1a: {  	s4 =	sadd.s32 $0x85600, s1;
	s24 =	sadd.s32 $0x4E00, s11;
	[dreg:$0x6] =	wrdreg s23;
	vm9 =	vmor vm9, vm11;
	vm11 =	vcmask $0x2F28;
	v8 =	vcombine.low v10, v9  }
0x1b: {  	s1 =	ssub.s32 s2, s19;
	s25 =	sadd.s32 $0x3600, s0;
	[dreg:$0x7] =	wrdreg s24;
	v9 =	vimm.f32 $+Inf;
	v10 =	vlaneseq.u32;
	vm5 =	vmor vm6, vm5  }
.Ltmp0:
0x1c: {  	s26 =	sadd.s32 $0x5200, s11;
	[dreg:$0x8] =	wrdreg s25;
	vm6 =	vcmask $0x3F30;
	vm10 =	vmor vm10, vm12;
	vm9 =	vmor vm9, vm11;
	(pc) =	sbr.rel .LBB2_1-.Ltmp0, $4  }
0x1d: {  	s19 =	simm.s32 $0x2;
	s0 =	sadd.s32 $0x3E00, s0;
	[dreg:$0x9] =	wrdreg s26;
	vm11 =	vcmask $0x3F38;
	vm8 =	vmor vm10, vm8;
	vm10 =	vcmask $0x2F2C  }
0x1e: {  	s2 =	simm.s32 $0x3;
	s31 =	smax.u32 s1, $0x1;
	[dreg:$0xa] =	wrdreg s0;
	vm12 =	vcmask $0x3F3C;
	vm8 =	vmor vm8, vm10;
	vm10 =	vcmask $0x3734  }
0x1f: {  	s11 =	simm.s32 $0xDE00;
	[dreg:$0xb] =	wrdreg s31;
	s20 =	simm.s32 $0x7;
	vm6 =	vmor vm7, vm6;
	vm7 =	vcmask $0x2F10;
	vm10 =	vmor vm8, vm10  }
0x20: {  	s25 =	simm.s32 $0xC600;
	s26 =	simm.s32 $0xCE00;
	s21 =	simm.s32 $0x0;
	vm9 =	vmor vm9, vm11;
	vm8 =	vcmask $0x3F20;
	vm10 =	vmor vm10, vm12  }
.LBB2_21:
0x21: {  	s0 =	simm.s32 $0x4  }
0x22: {  	_ =	swait.ge [sflag:s0], $0x4000  }
0x23: {  	[sflag:s0] =	ssyncset.done $0x0  }
0x24: {  	s24 =	simm.s32 $0x5;
	[sflag:s0] =	ssyncadd.s32 $0xFFFFC000  }
0x25: {  	_ =	swait.ge [sflag:s24], $0x4000  }
0x26: {  	[sflag:s24] =	ssyncset.done $0x0  }
0x27: {  	s1 =	simm.s32 $0x6;
	[sflag:s24] =	ssyncadd.s32 $0xFFFFC000  }
0x28: {  	_ =	swait.ge [sflag:s1], $0x2000  }
0x29: {  	s21 =	rddreg [dreg:$0xc]  }
0x2a: {  	s31 =	rddreg [dreg:$0xb];
	s21 =	sadd.s32 $0x1, s21  }
0x2b: {  	p0 =	sne.s32 s21, s31  }
.Ltmp1:
0x2c: {  	_ = 	snop;
	(pc) =	sbr.rel @!p0 .LBB2_22-.Ltmp1, $3  }
0x2d: {  	_ =	sdelay $0x1  }
0x2e: {  	[sflag:s1] =	ssyncset.done $0x0  }
0x2f: {  	[sflag:s1] =	ssyncadd.s32 $0xFFFFE000  }
.LBB2_1:
0x30: {  	[dreg:$0xc] =	wrdreg s21  }
0x31: {  	s0 =	rddreg [dreg:$0x3]  }
0x32: {  	[tilespmem:s3], [sflag:$0x7] =	stream.linear.gather [hbm4b:s0+s3], $0x100, $0x38;
	[tilespmem:$0x12600] =	vst v63  }
0x33: {  	_ =	swait.ge [sflag:s20], $0x100  }
0x34: {  	[sflag:s20] =	ssyncset.done $0x0  }
0x35: {  	s1 =	simm.s32 $0x480;
	s24 =	rddreg [dreg:$0x4];
	[sflag:s20] =	ssyncadd.s32 $0xFFFFFF00  }
0x36: {  	[tilespmem:s1], [sflag:$0x7] =	stream.linear.gather [hbm4b:s24+s3], $0x1000, $0x38;
	[tilespmem:$0x12600] =	vst v63  }
0x37: {  	_ =	swait.ge [sflag:s20], $0x1000  }
0x38: {  	[sflag:s20] =	ssyncset.done $0x0  }
0x39: {  	s22 =	simm.s32 $0x100;
	s21 =	rddreg [dreg:$0x5];
	[sflag:s20] =	ssyncadd.s32 $0xFFFFF000  }
0x3a: {  	[tilespmem:s22], [sflag:$0x7] =	stream.linear.gather [hbm4b:s21+s3], $0x100, $0x38;
	[tilespmem:$0x12600] =	vst v63  }
0x3b: {  	_ =	swait.ge [sflag:s20], $0x100  }
0x3c: {  	[sflag:s20] =	ssyncset.done $0x0  }
0x3d: {  	s24 =	simm.s32 $0x1480;
	s23 =	rddreg [dreg:$0x6];
	[sflag:s20] =	ssyncadd.s32 $0xFFFFFF00  }
0x3e: {  	[tilespmem:s24], [sflag:$0x7] =	stream.linear.gather [hbm4b:s23+s3], $0x1000, $0x38;
	[tilespmem:$0x12600] =	vst v63  }
0x3f: {  	_ =	swait.ge [sflag:s20], $0x1000  }
0x40: {  	[sflag:s20] =	ssyncset.done $0x0  }
0x41: {  	s22 =	simm.s32 $0x200;
	s21 =	rddreg [dreg:$0x7];
	[sflag:s20] =	ssyncadd.s32 $0xFFFFF000  }
0x42: {  	[tilespmem:s22], [sflag:$0x7] =	stream.linear.gather [hbm4b:s21+s3], $0x100, $0x38;
	[tilespmem:$0x12600] =	vst v63  }
0x43: {  	_ =	swait.ge [sflag:s20], $0x100  }
0x44: {  	[sflag:s20] =	ssyncset.done $0x0  }
0x45: {  	s24 =	simm.s32 $0x2480;
	s23 =	rddreg [dreg:$0x8];
	[sflag:s20] =	ssyncadd.s32 $0xFFFFFF00  }
0x46: {  	[tilespmem:s24], [sflag:$0x7] =	stream.linear.gather [hbm4b:s23+s3], $0x1000, $0x38;
	[tilespmem:$0x12600] =	vst v63  }
0x47: {  	_ =	swait.ge [sflag:s20], $0x1000  }
0x48: {  	[sflag:s20] =	ssyncset.done $0x0  }
0x49: {  	s22 =	simm.s32 $0x300;
	s21 =	rddreg [dreg:$0x9];
	[sflag:s20] =	ssyncadd.s32 $0xFFFFF000  }
0x4a: {  	[tilespmem:s22], [sflag:$0x7] =	stream.linear.gather [hbm4b:s21+s3], $0x100, $0x38;
	[tilespmem:$0x12600] =	vst v63  }
0x4b: {  	_ =	swait.ge [sflag:s20], $0x100  }
0x4c: {  	s24 =	simm.s32 $0x3480;
	[sflag:s20] =	ssyncset.done $0x0  }
.Ltmp2:
0x4d: {  	s23 =	rddreg [dreg:$0xa];
	[sflag:s20] =	ssyncadd.s32 $0xFFFFFF00;
	(pc) =	sbr.rel .LBB2_2-.Ltmp2, $4  }
0x4e: {  	[tilespmem:s24], [sflag:$0x7] =	stream.linear.gather [hbm4b:s23+s3], $0x1000, $0x38;
	[tilespmem:$0x12600] =	vst v63  }
0x4f: {  	_ =	swait.ge [sflag:s20], $0x1000  }
0x50: {  	[sflag:s20] =	ssyncset.done $0x0  }
0x51: {  	s31 =	simm.s32 $0x0;
	[sflag:s20] =	ssyncadd.s32 $0xFFFFF000  }
.LBB2_20:
0x52: {  	v11 =	vadd.s32 v0, v11;
	p0 =	seq.s32 s31, $0x0  }
0x53: {  	[tilespmem:$0x85B0] =	vst v11;
	s0 =	simm.s32 @!p0 $0x4  }
0x54: {  	_ =	swait.ge @!p0 [sflag:s0], $0x4000  }
0x55: {  	[sflag:s0] =	ssyncset.done @!p0 $0x0  }
0x56: {  	[sflag:s0] =	ssyncadd.s32 @!p0 $0xFFFFC000;
	s0 =	simm.s32 @!p0 $0x5  }
0x57: {  	_ =	swait.ge @!p0 [sflag:s0], $0x4000  }
0x58: {  	[sflag:s0] =	ssyncset.done @!p0 $0x0  }
0x59: {  	s21 =	simm.s32 @!p0 $0x6;
	[sflag:s0] =	ssyncadd.s32 @!p0 $0xFFFFC000  }
0x5a: {  	s0 =	sadd.s32 s10, s1;
	_ =	swait.ge @!p0 [sflag:s21], $0x2000  }
0x5b: {  	s1 =	sshll.u32 s0, $0x1;
	[sflag:s21] =	ssyncset.done @!p0 $0x0  }
0x5c: {  	s1 =	sadd.s32 s9, s1;
	[sflag:s21] =	ssyncadd.s32 @!p0 $0xFFFFE000  }
0x5d: {  	[hbm4b:s1+s3] =	stream.linear.scatter [tilespmem:s29], [sflag:$0x7], $0x40, $0x38;
	[tilespmem:$0x12600] =	vst v63  }
0x5e: {  	_ =	swait.ge [sflag:s20], $0x40  }
0x5f: {  	[sflag:s20] =	ssyncset.done $0x0  }
0x60: {  	[sflag:s20] =	ssyncadd.s32 $0xFFFFFFC0  }
0x61: {  	v11 =	vld [tilespmem:$0x8580];
	_ =	sdelay $0x4  }
0x62: {  	v12 =	vshll.u32 v11, $0x1  }
0x63: {  	v11 =	vand.u32 $0x7, v11;
	v12 =	vand.u32 $0xFFFFFFF0, v12  }
0x64: {  	v56 =	vand.u32 $0x7, v10;
	v13 =	vshrl.u32 v10, $0x3;
	v11 =	vor.u32 v11, v12  }
0x65: {  	v13 =	vmul.u32 $0x8, v13;
	v14 =	vperm.xlane v11, v56  }
0x66: {  	v15 =	vor.u32 $0x8, v10  }
0x67: {  	v11 =	vperm.xlane v11, v15;
	v14 =	vadd.s32 v13, v14;
	_ =	sdelay $0x1  }
0x68: {  	v11 =	vadd.s32 v13, v11;
	_ =	sdelay $0x2  }
0x69: {  	[tilespmem:s30], [sflag:$0x1] =	stream.indirect_vreg.gather [hbm4b:s4+s3], $0x80, v14, vm0, $0xb8;
	[tilespmem:$0x12600] =	vst v63  }
0x6a: {  	s23 =	simm.s32 $0x8E00  }
0x6b: {  	[tilespmem:s23], [sflag:$0x1] =	stream.indirect_vreg.gather [hbm4b:s4+s3], $0x80, v11, vm0, $0xb8;
	[tilespmem:$0x12600] =	vst v63  }
0x6c: {  	v11 =	vld [tilespmem:$0x8590];
	_ =	sdelay $0x4  }
0x6d: {  	v57 =	vshll.u32 v11, $0x1  }
0x6e: {  	v11 =	vand.u32 $0x7, v11;
	v14 =	vand.u32 $0xFFFFFFF0, v57  }
0x6f: {  	v11 =	vor.u32 v11, v14  }
0x70: {  	v14 =	vperm.xlane v11, v56;
	_ =	sdelay $0x1  }
0x71: {  	v11 =	vperm.xlane v11, v15;
	v14 =	vadd.s32 v13, v14;
	_ =	sdelay $0x1  }
0x72: {  	v11 =	vadd.s32 v13, v11;
	_ =	sdelay $0x1  }
0x73: {  	s24 =	simm.s32 $0x9600  }
0x74: {  	[tilespmem:s24], [sflag:$0x1] =	stream.indirect_vreg.gather [hbm4b:s4+s3], $0x80, v14, vm0, $0xb8;
	[tilespmem:$0x12600] =	vst v63  }
0x75: {  	s21 =	simm.s32 $0x9E00  }
0x76: {  	[tilespmem:s21], [sflag:$0x1] =	stream.indirect_vreg.gather [hbm4b:s4+s3], $0x80, v11, vm0, $0xb8;
	[tilespmem:$0x12600] =	vst v63  }
0x77: {  	v11 =	vld [tilespmem:$0x85A0];
	_ =	sdelay $0x4  }
0x78: {  	v58 =	vshll.u32 v11, $0x1  }
0x79: {  	v11 =	vand.u32 $0x7, v11;
	v14 =	vand.u32 $0xFFFFFFF0, v58  }
0x7a: {  	v11 =	vor.u32 v11, v14  }
0x7b: {  	v14 =	vperm.xlane v11, v56;
	_ =	sdelay $0x1  }
0x7c: {  	v11 =	vperm.xlane v11, v15;
	v14 =	vadd.s32 v13, v14;
	_ =	sdelay $0x1  }
0x7d: {  	v11 =	vadd.s32 v13, v11;
	_ =	sdelay $0x1  }
0x7e: {  	s22 =	simm.s32 $0xA600  }
0x7f: {  	[tilespmem:s22], [sflag:$0x1] =	stream.indirect_vreg.gather [hbm4b:s4+s3], $0x80, v14, vm0, $0xb8;
	[tilespmem:$0x12600] =	vst v63  }
0x80: {  	s23 =	simm.s32 $0xAE00  }
0x81: {  	[tilespmem:s23], [sflag:$0x1] =	stream.indirect_vreg.gather [hbm4b:s4+s3], $0x80, v11, vm0, $0xb8;
	[tilespmem:$0x12600] =	vst v63  }
0x82: {  	v11 =	vld [tilespmem:$0x85B0];
	_ =	sdelay $0x4  }
0x83: {  	v59 =	vshll.u32 v11, $0x1  }
0x84: {  	v11 =	vand.u32 $0x7, v11;
	v14 =	vand.u32 $0xFFFFFFF0, v59  }
0x85: {  	v11 =	vor.u32 v11, v14  }
0x86: {  	v14 =	vperm.xlane v11, v56;
	_ =	sdelay $0x1  }
0x87: {  	v11 =	vperm.xlane v11, v15;
	v14 =	vadd.s32 v13, v14;
	_ =	sdelay $0x1  }
0x88: {  	v11 =	vadd.s32 v13, v11;
	_ =	sdelay $0x1  }
0x89: {  	s24 =	simm.s32 $0xB600  }
0x8a: {  	[tilespmem:s24], [sflag:$0x1] =	stream.indirect_vreg.gather [hbm4b:s4+s3], $0x80, v14, vm0, $0xb8;
	[tilespmem:$0x12600] =	vst v63  }
0x8b: {  	s21 =	simm.s32 $0xBE00  }
0x8c: {  	[tilespmem:s21], [sflag:$0x1] =	stream.indirect_vreg.gather [hbm4b:s4+s3], $0x80, v11, vm0, $0xb8;
	[tilespmem:$0x12600] =	vst v63  }
0x8d: {  	v11 =	vld [tilespmem:$0x8580];
	_ =	sdelay $0x4  }
0x8e: {  	v60 =	vshll.u32 v11, $0x1  }
0x8f: {  	v11 =	vand.u32 $0x7, v11;
	v14 =	vand.u32 $0xFFFFFFF0, v60  }
0x90: {  	v11 =	vor.u32 v11, v14  }
0x91: {  	v14 =	vperm.xlane v11, v56;
	_ =	sdelay $0x1  }
0x92: {  	v11 =	vperm.xlane v11, v15;
	v14 =	vadd.s32 v13, v14;
	_ =	sdelay $0x1  }
0x93: {  	v11 =	vadd.s32 v13, v11;
	_ =	sdelay $0x2  }
0x94: {  	[tilespmem:s25], [sflag:$0x2] =	stream.indirect_vreg.gather [hbm4b:s5+s3], $0x80, v14, vm0, $0xb8;
	[tilespmem:$0x12600] =	vst v63  }
0x95: {  	_ = 	snop  }
0x96: {  	[tilespmem:s26], [sflag:$0x2] =	stream.indirect_vreg.gather [hbm4b:s5+s3], $0x80, v11, vm0, $0xb8;
	[tilespmem:$0x12600] =	vst v63  }
0x97: {  	v11 =	vld [tilespmem:$0x8590];
	_ =	sdelay $0x4  }
0x98: {  	v61 =	vshll.u32 v11, $0x1  }
0x99: {  	v11 =	vand.u32 $0x7, v11;
	v14 =	vand.u32 $0xFFFFFFF0, v61  }
0x9a: {  	v11 =	vor.u32 v11, v14  }
0x9b: {  	v14 =	vperm.xlane v11, v56;
	_ =	sdelay $0x1  }
0x9c: {  	v11 =	vperm.xlane v11, v15;
	v14 =	vadd.s32 v13, v14;
	_ =	sdelay $0x1  }
0x9d: {  	v11 =	vadd.s32 v13, v11;
	_ =	sdelay $0x2  }
0x9e: {  	[tilespmem:s28], [sflag:$0x2] =	stream.indirect_vreg.gather [hbm4b:s5+s3], $0x80, v14, vm0, $0xb8;
	[tilespmem:$0x12600] =	vst v63  }
0x9f: {  	_ = 	snop  }
0xa0: {  	[tilespmem:s11], [sflag:$0x2] =	stream.indirect_vreg.gather [hbm4b:s5+s3], $0x80, v11, vm0, $0xb8;
	[tilespmem:$0x12600] =	vst v63  }
0xa1: {  	v11 =	vld [tilespmem:$0x85A0];
	_ =	sdelay $0x4  }
0xa2: {  	v62 =	vshll.u32 v11, $0x1  }
0xa3: {  	v11 =	vand.u32 $0x7, v11;
	v14 =	vand.u32 $0xFFFFFFF0, v62  }
0xa4: {  	v11 =	vor.u32 v11, v14  }
0xa5: {  	v14 =	vperm.xlane v11, v56;
	_ =	sdelay $0x1  }
0xa6: {  	v11 =	vperm.xlane v11, v15;
	v14 =	vadd.s32 v13, v14;
	_ =	sdelay $0x1  }
0xa7: {  	v11 =	vadd.s32 v13, v11;
	_ =	sdelay $0x2  }
0xa8: {  	[tilespmem:s12], [sflag:$0x2] =	stream.indirect_vreg.gather [hbm4b:s5+s3], $0x80, v14, vm0, $0xb8;
	[tilespmem:$0x12600] =	vst v63  }
0xa9: {  	_ = 	snop  }
0xaa: {  	[tilespmem:s13], [sflag:$0x2] =	stream.indirect_vreg.gather [hbm4b:s5+s3], $0x80, v11, vm0, $0xb8;
	[tilespmem:$0x12600] =	vst v63  }
0xab: {  	v11 =	vld [tilespmem:$0x85B0];
	_ =	sdelay $0x4  }
0xac: {  	v63 =	vshll.u32 v11, $0x1  }
0xad: {  	v11 =	vand.u32 $0x7, v11;
	v14 =	vand.u32 $0xFFFFFFF0, v63  }
0xae: {  	v11 =	vor.u32 v11, v14  }
0xaf: {  	v12 =	vperm.xlane v11, v56;
	_ =	sdelay $0x1  }
0xb0: {  	v11 =	vperm.xlane v11, v15;
	v12 =	vadd.s32 v13, v12;
	_ =	sdelay $0x1  }
0xb1: {  	v11 =	vadd.s32 v13, v11;
	_ =	sdelay $0x2  }
0xb2: {  	[tilespmem:s14], [sflag:$0x2] =	stream.indirect_vreg.gather [hbm4b:s5+s3], $0x80, v12, vm0, $0xb8;
	[tilespmem:$0x12600] =	vst v63  }
0xb3: {  	_ = 	snop  }
0xb4: {  	[tilespmem:s15], [sflag:$0x2] =	stream.indirect_vreg.gather [hbm4b:s5+s3], $0x80, v11, vm0, $0xb8;
	[tilespmem:$0x12600] =	vst v63  }
0xb5: {  	s22 =	rddreg [dreg:$0x1]  }
0xb6: {  	[tilespmem:s17], [sflag:$0x3] =	stream.indirect.gather [hbm4b:s22+s16], $0x80, s29, s16, $0xb8;
	[tilespmem:$0x12600] =	vst v63  }
0xb7: {  	_ =	swait.ge [sflag:s18], $0x4000  }
0xb8: {  	[sflag:s18] =	ssyncset.done $0x0  }
0xb9: {  	[sflag:s18] =	ssyncadd.s32 $0xFFFFC000  }
0xba: {  	_ =	swait.ge [sflag:s19], $0x4000  }
0xbb: {  	[sflag:s19] =	ssyncset.done $0x0  }
0xbc: {  	[sflag:s19] =	ssyncadd.s32 $0xFFFFC000  }
0xbd: {  	_ =	swait.ge [sflag:s2], $0x2000  }
0xbe: {  	s31 =	sadd.s32 $0x1, s31;
	s23 =	sshll.u32 s0, $0x9;
	[sflag:s2] =	ssyncset.done $0x0  }
0xbf: {  	p0 =	sne.s32 s31, $0x40;
	s24 =	sadd.s32 s6, s23;
	[sflag:s2] =	ssyncadd.s32 $0xFFFFE000  }
0xc0: {  	[hbm4b:s24+s3] =	stream.linear.scatter [tilespmem:s30], [sflag:$0x4], $0x4000, $0x38;
	[tilespmem:$0x12600] =	vst v63  }
.Ltmp3:
0xc1: {  	_ = 	snop;
	(pc) =	sbr.rel @!p0 .LBB2_21-.Ltmp3, $4  }
0xc2: {  	s0 =	sshll.u32 s0, $0x8;
	s1 =	sadd.s32 s7, s23  }
0xc3: {  	[hbm4b:s1+s3] =	stream.linear.scatter [tilespmem:s25], [sflag:$0x5], $0x4000, $0x38;
	[tilespmem:$0x12600] =	vst v63  }
0xc4: {  	s0 =	sadd.s32 s8, s0  }
0xc5: {  	[hbm4b:s0+s3] =	stream.linear.scatter [tilespmem:s17], [sflag:$0x6], $0x2000, $0x38;
	[tilespmem:$0x12600] =	vst v63  }
.LBB2_2:
0xc6: {  	s1 =	sshll.u32 s31, $0x2  }
0xc7: {  	v12 =	vld [tilespmem:s1+$0x0];
	s0 =	sand.u32 $0xFC, s1  }
0xc8: {  	v13 =	vld [tilespmem:s0+$0x100]  }
0xc9: {  	v17 =	vld [tilespmem:s0+$0x200]  }
0xca: {  	v28 =	vld [tilespmem:s0+$0x300];
	_ =	sdelay $0x1  }
0xcb: {  	v15 =	vperm.xlane v12, v1  }
0xcc: {  	v20 =	vperm.xlane v12, v2;
	v23 =	vperm.xlane v12, v4  }
0xcd: {  	s0 =	simm.s32 $0x0;
	v14 =	vperm.xlane v12, v6;
	v16 =	vperm.xlane v13, v1  }
0xce: {  	v34 =	vld [tilespmem:s0+$0x480];
	v18 =	vperm.xlane v17, v1;
	v19 =	vperm.xlane v28, v1  }
0xcf: {  	v29 =	vld [tilespmem:s0+$0x3480];
	v11 =	vperm.xlane v13, v2;
	v21 =	vperm.xlane v17, v2  }
0xd0: {  	v33 =	vld [tilespmem:s0+$0x1480];
	v22 =	vperm.xlane v28, v2;
	v24 =	vperm.xlane v13, v4  }
0xd1: {  	v25 =	vperm.xlane v17, v4;
	v26 =	vperm.xlane v28, v4  }
0xd2: {  	s21 =	simm.s32 $0x10;
	v35 =	vld [tilespmem:s0+$0x2480];
	v27 =	vperm.xlane v13, v6;
	v13 =	vperm.xlane v17, v6  }
0xd3: {  	v44 =	vld [tilespmem:s21+$0x3480];
	v30 =	vperm.xlane v28, v6;
	v17 =	vmul.f32 v34, v15  }
0xd4: {  	v36 =	vmul.f32 v34, v23;
	v41 =	vmul.f32 v34, v20  }
0xd5: {  	v42 =	vmul.f32 v34, v14;
	v12 =	vadd.f32 v29, v22;
	v28 =	vmul.f32 v33, v16  }
0xd6: {  	v32 =	vadd.f32 v29, v30;
	v31 =	vmul.f32 v33, v24;
	v38 =	vmul.f32 v33, v27  }
0xd7: {  	v34 =	vld [tilespmem:s21+$0x480];
	v39 =	vmul.f32 v35, v18;
	v37 =	vadd.f32 v29, v19;
	v45 =	vadd.f32 v29, v26  }
0xd8: {  	v29 =	vmul.f32 v33, v11;
	v33 =	vld [tilespmem:s21+$0x2480];
	v50 =	vadd.f32 v44, v19;
	v17 =	vadd.f32 v28, v17  }
0xd9: {  	v28 =	vmul.f32 v35, v25;
	v36 =	vadd.f32 v31, v36;
	v62 =	vadd.f32 v38, v42  }
0xda: {  	v31 =	vld [tilespmem:s21+$0x1480];
	v38 =	vmul.f32 v35, v21;
	v43 =	vadd.f32 v29, v41;
	v29 =	vadd.f32 v44, v30  }
0xdb: {  	v35 =	vmul.f32 v35, v13;
	v39 =	vadd.f32 v39, v17;
	v28 =	vadd.f32 v28, v36  }
0xdc: {  	v17 =	vimm.f32 $+Inf;
	v48 =	vmul.f32 v34, v15;
	v49 =	vmul.f32 v34, v23  }
0xdd: {  	v35 =	vadd.f32 v35, v62;
	v36 =	vimm.f32 $+Inf;
	v47 =	vmul.f32 v33, v21  }
0xde: {  	v52 =	vmul.f32 v33, v18;
	v40 =	vadd.f32 v39, v39;
	v63 =	vadd.f32 v28, v28  }
0xdf: {  	v28 =	vadd.f32 v44, v22;
	v39 =	vadd.f32 v44, v26;
	v51 =	vmul.f32 v31, v16  }
0xe0: {  	v44 =	vimm.f32 $+Inf;
	v46 =	vmul.f32 v31, v24;
	v42 =	vsub.f32 v45, v63  }
0xe1: {  	v41 =	vmul.f32 v31, v27;
	v45 =	vmul.f32 v34, v20;
	v53 =	vadd.f32 v51, v48  }
0xe2: {  	s22 =	simm.s32 $0x80;
	v51 =	vmul.f32 v33, v25;
	v48 =	vadd.f32 v35, v35;
	v35 =	vimm.f32 $+Inf;
	[tilespmem:s0+$0x6480] =	vst v42  }
.LBB2_3:
0xe3: {  	s23 =	sshra.s32 s22, $0x2;
	p0 =	sne.s32 s22, $0x3FC0;
	s22 =	sadd.s32 $0x40, s22;
	v46 =	vadd.f32 v46, v49;
	v43 =	vadd.f32 v38, v43;
	v17 =	vmin.f32 v17, v42;
	v38 =	vmovc v47  }
0xe4: {  	v47 =	vmul.f32 v31, v11;
	v49 =	vsub.f32 v37, v40;
	v37 =	vmovc v50;
	v54 =	vld [tilespmem:s23+$0x3480];
	v42 =	vadd.f32 v52, v53  }
0xe5: {  	v50 =	vmul.f32 v34, v14;
	v31 =	vld [tilespmem:s23+$0x1480];
	v46 =	vadd.f32 v51, v46;
	v43 =	vadd.f32 v43, v43  }
0xe6: {  	v32 =	vsub.f32 v32, v48;
	v44 =	vmin.f32 v44, v49;
	v34 =	vld [tilespmem:s23+$0x480];
	v40 =	vadd.f32 v42, v42;
	[tilespmem:s0+$0x4480] =	vst v49  }
0xe7: {  	v48 =	vadd.f32 v41, v50;
	v51 =	vmul.f32 v33, v13;
	v33 =	vld [tilespmem:s23+$0x2480];
	v41 =	vsub.f32 v12, v43;
	v12 =	vmovc v28  }
0xe8: {  	v35 =	vmin.f32 v35, v32;
	v43 =	vadd.f32 v47, v45;
	v42 =	vadd.f32 v46, v46;
	[tilespmem:s0+$0x7480] =	vst v32  }
0xe9: {  	v28 =	vadd.f32 v54, v22;
	v45 =	vadd.f32 v54, v30;
	[tilespmem:s0+$0x5480] =	vst v41;
	v36 =	vmin.f32 v36, v41;
	s0 =	smov.u32 s21;
	s21 =	smov.u32 s23  }
.Ltmp4:
0xea: {  	v32 =	vmovc v29;
	v42 =	vsub.f32 v39, v42;
	v46 =	vmul.f32 v31, v24;
	v41 =	vmul.f32 v31, v27;
	(pc) =	sbr.rel @p0 .LBB2_3-.Ltmp4, $4  }
0xeb: {  	v50 =	vadd.f32 v54, v19;
	v53 =	vmul.f32 v34, v15;
	v49 =	vmul.f32 v34, v23;
	v29 =	vmovc v45  }
0xec: {  	v48 =	vadd.f32 v51, v48;
	v55 =	vmul.f32 v31, v16;
	v47 =	vmul.f32 v33, v21;
	[tilespmem:s0+$0x6480] =	vst v42  }
0xed: {  	v39 =	vadd.f32 v54, v26;
	v45 =	vmul.f32 v34, v20;
	v52 =	vmul.f32 v33, v18  }
0xee: {  	v48 =	vadd.f32 v48, v48;
	v51 =	vmul.f32 v33, v25;
	v53 =	vadd.f32 v55, v53  }
0xef: {  	_ = 	snop  }
0xf0: {  	v15 =	vadd.f32 v52, v53;
	_ =	sdelay $0x1  }
0xf1: {  	v15 =	vadd.f32 v15, v15  }
0xf2: {  	v16 =	vsub.f32 v37, v40  }
0xf3: {  	v15 =	vsub.f32 v50, v15  }
0xf4: {  	v18 =	vmin.f32 v44, v16  }
0xf5: {  	v18 =	vmin.f32 v18, v15  }
0xf6: {  	v19 =	vperm.xlane v18, v3;
	_ =	sdelay $0x1  }
0xf7: {  	v18 =	vmax.f32 v18, v19  }
0xf8: {  	v19 =	vperm.xlane v18, v5;
	_ =	sdelay $0x1  }
0xf9: {  	v18 =	vmax.f32 v18, v19  }
0xfa: {  	v19 =	vperm.xlane v18, v7;
	_ =	sdelay $0x1  }
0xfb: {  	v18 =	vmax.f32 v18, v19  }
0xfc: {  	v19 =	vperm.xlane v18, v8;
	_ =	sdelay $0x1  }
0xfd: {  	v18 =	vmax.f32 v18, v19  }
0xfe: {  	(v2sf) =	vpush v18, $0x0  }
0xff: {  	v14 =	vmul.f32 v34, v14  }
0x100: {  	v59 =	vadd.f32 v46, v49;
	v11 =	vmul.f32 v31, v11  }
0x101: {  	v60 =	vadd.f32 v38, v43;
	v13 =	vmul.f32 v33, v13;
	v14 =	vadd.f32 v41, v14  }
0x102: {  	v20 =	vsub.f32 v32, v48;
	v11 =	vadd.f32 v11, v45  }
0x103: {  	v13 =	vadd.f32 v13, v14;
	v19 =	vadd.f32 v60, v60  }
0x104: {  	v11 =	vadd.f32 v47, v11;
	v18 =	vadd.f32 v51, v59  }
0x105: {  	[tilespmem:s0+$0x4480] =	vst v16;
	v13 =	vadd.f32 v13, v13;
	v12 =	vsub.f32 v12, v19  }
0x106: {  	[tilespmem:s0+$0x7480] =	vst v20;
	v18 =	vadd.f32 v18, v18  }
0x107: {  	v11 =	vadd.f32 v11, v11;
	v13 =	vsub.f32 v29, v13;
	[tilespmem:s0+$0x5480] =	vst v12  }
0x108: {  	v61 =	vsub.f32 v39, v18;
	[tilespmem:s21+$0x4480] =	vst v15  }
.Ltmp5:
0x109: {  	v15 =	vsub.f32 v28, v11;
	[tilespmem:s21+$0x7480] =	vst v13;
	(pc) =	sbr.rel .LBB2_5-.Ltmp5, $4  }
0x10a: {  	[tilespmem:s21+$0x6480] =	vst v61  }
0x10b: {  	v62 =	vmin.f32 v35, v20;
	[tilespmem:s21+$0x5480] =	vst v15  }
0x10c: {  	v14 =	vimm.s32 $0x0;
	v63 =	vmin.f32 v36, v12;
	v11 =	vmin.f32 v17, v42;
	[tilespmem:$0x8480] =	vst v9  }
0x10d: {  	s22 =	simm.s32 $0x4480;
	v12 =	vmin.f32 v11, v61;
	v11 =	vmin.f32 v62, v13;
	v13 =	vmin.f32 v63, v15;
	s21 =	simm.s32 $0x0;
	[tilespmem:$0x8500] =	vst v14;
	s0 =	spop (v2sf)  }
.LBB2_7:
0x10e: {  	s21 =	sadd.s32 $0x10, s21  }
0x10f: {  	p0 =	sne.s32 s21, $0x1000  }
.Ltmp6:
0x110: {  	_ = 	snop;
	(pc) =	sbr.rel @!p0 .LBB2_8-.Ltmp6, $2  }
0x111: {  	_ =	sdelay $0x2  }
0x112: {  	s22 =	sadd.s32 $0x10, s22  }
.LBB2_5:
0x113: {  	v16 =	vld [tilespmem:s22+$0x0];
	_ =	sdelay $0x4  }
0x114: {  	v17 =	vperm.xlane v16, v3;
	_ =	sdelay $0x1  }
0x115: {  	v15 =	vmin.f32 v16, v17  }
0x116: {  	v18 =	vperm.xlane v15, v5;
	_ =	sdelay $0x1  }
0x117: {  	v18 =	vmin.f32 v15, v18  }
0x118: {  	v15 =	vld [tilespmem:$0x8480];
	v19 =	vperm.xlane v18, v7;
	_ =	sdelay $0x1  }
0x119: {  	v18 =	vmin.f32 v18, v19  }
0x11a: {  	v19 =	vperm.xlane v18, v8;
	_ =	sdelay $0x1  }
0x11b: {  	(v2sf) =	vpush v15, $0xF;
	v18 =	vmin.f32 v18, v19  }
0x11c: {  	(v2sf) =	vpush v18, $0x0;
	_ =	sdelay $0xd  }
0x11d: {  	s23 =	spop (v2sf)  }
0x11e: {  	s23 =	smin.f32 s0, s23;
	s24 =	spop (v2sf)  }
0x11f: {  	p0 =	sle.f32 s24, s23  }
.Ltmp7:
0x120: {  	_ = 	snop;
	(pc) =	sbr.rel @!p0 .LBB2_7-.Ltmp7, $1  }
0x121: {  	_ =	sdelay $0x3  }
0x122: {  	v18 =	vor.u32 s21, v10;
	v14 =	vand.u32 $0xF, v3  }
0x123: {  	v19 =	vperm.xlane v18, v14;
	_ =	sdelay $0x1  }
0x124: {  	vm11 =	veq.f32 v17, v16;
	vm12 =	vlt.s32 v19, v18  }
0x125: {  	vm13 =	vlt.f32 v17, v16;
	vm11 =	vmand vm11, vm12  }
0x126: {  	vm11 =	vmor vm13, vm11  }
0x127: {  	vm11 =	vmxor vm11, vm1  }
0x128: {  	v56 =	vand.u32 $0xF, v5;
	v54 =	vsel vm11, v17, v16;
	v55 =	vsel vm11, v19, v18  }
0x129: {  	v57 =	vperm.xlane v54, v56;
	v20 =	vperm.xlane v55, v56;
	_ =	sdelay $0x1  }
0x12a: {  	vm11 =	veq.f32 v57, v54;
	vm12 =	vlt.s32 v20, v55  }
0x12b: {  	vm13 =	vlt.f32 v57, v54;
	vm11 =	vmand vm11, vm12  }
0x12c: {  	vm11 =	vmor vm13, vm11  }
0x12d: {  	vm11 =	vmxor vm11, vm2  }
0x12e: {  	v16 =	vsel vm11, v57, v54;
	v17 =	vsel vm11, v20, v55  }
0x12f: {  	v19 =	vperm.xlane v16, v14;
	v20 =	vperm.xlane v17, v14;
	_ =	sdelay $0x1  }
0x130: {  	vm11 =	veq.f32 v19, v16;
	vm12 =	vlt.s32 v20, v17  }
0x131: {  	vm13 =	vlt.f32 v19, v16;
	vm11 =	vmand vm11, vm12  }
0x132: {  	vm11 =	vmor vm13, vm11  }
0x133: {  	vm11 =	vmxor vm11, vm3  }
0x134: {  	v58 =	vand.u32 $0xF, v7;
	v16 =	vsel vm11, v19, v16;
	v17 =	vsel vm11, v20, v17  }
0x135: {  	v59 =	vperm.xlane v16, v58;
	v21 =	vperm.xlane v17, v58;
	_ =	sdelay $0x1  }
0x136: {  	vm11 =	veq.f32 v59, v16;
	vm12 =	vlt.s32 v21, v17  }
0x137: {  	vm13 =	vlt.f32 v59, v16;
	vm11 =	vmand vm11, vm12  }
0x138: {  	vm11 =	vmor vm13, vm11  }
0x139: {  	vm11 =	vmxor vm11, vm7  }
0x13a: {  	v16 =	vsel vm11, v59, v16;
	v17 =	vsel vm11, v21, v17  }
0x13b: {  	v20 =	vperm.xlane v16, v56;
	v21 =	vperm.xlane v17, v56;
	_ =	sdelay $0x1  }
0x13c: {  	vm11 =	veq.f32 v20, v16;
	vm12 =	vlt.s32 v21, v17  }
0x13d: {  	vm13 =	vlt.f32 v20, v16;
	vm11 =	vmand vm11, vm12  }
0x13e: {  	vm11 =	vmor vm13, vm11  }
0x13f: {  	vm11 =	vmxor vm11, vm4  }
0x140: {  	v16 =	vsel vm11, v20, v16;
	v17 =	vsel vm11, v21, v17  }
0x141: {  	v20 =	vperm.xlane v16, v14;
	v21 =	vperm.xlane v17, v14;
	_ =	sdelay $0x1  }
0x142: {  	vm11 =	veq.f32 v20, v16;
	vm12 =	vlt.s32 v21, v17  }
0x143: {  	vm13 =	vlt.f32 v20, v16;
	vm11 =	vmand vm11, vm12  }
0x144: {  	vm11 =	vmor vm13, vm11  }
0x145: {  	vm11 =	vmxor vm11, vm5  }
0x146: {  	v16 =	vsel vm11, v20, v16;
	v17 =	vsel vm11, v21, v17  }
0x147: {  	v20 =	vperm.xlane v16, v8;
	v21 =	vperm.xlane v17, v8;
	_ =	sdelay $0x1  }
0x148: {  	vm11 =	veq.f32 v20, v16;
	vm12 =	vlt.s32 v21, v17  }
0x149: {  	vm13 =	vlt.f32 v20, v16;
	vm11 =	vmand vm11, vm12  }
0x14a: {  	vm11 =	vmor vm13, vm11  }
0x14b: {  	vm11 =	vmxor vm11, vm8  }
0x14c: {  	v16 =	vsel vm11, v20, v16;
	v17 =	vsel vm11, v21, v17  }
0x14d: {  	v20 =	vperm.xlane v16, v58;
	v21 =	vperm.xlane v17, v58;
	_ =	sdelay $0x1  }
0x14e: {  	vm11 =	veq.f32 v20, v16;
	vm12 =	vlt.s32 v21, v17  }
0x14f: {  	vm13 =	vlt.f32 v20, v16;
	vm11 =	vmand vm11, vm12  }
0x150: {  	vm11 =	vmor vm13, vm11  }
0x151: {  	vm11 =	vmxor vm11, vm6  }
0x152: {  	v16 =	vsel vm11, v20, v16;
	v17 =	vsel vm11, v21, v17  }
0x153: {  	v20 =	vperm.xlane v16, v56;
	v21 =	vperm.xlane v17, v56;
	_ =	sdelay $0x1  }
0x154: {  	vm11 =	veq.f32 v20, v16;
	vm12 =	vlt.s32 v21, v17  }
0x155: {  	vm13 =	vlt.f32 v20, v16;
	vm11 =	vmand vm11, vm12  }
0x156: {  	vm11 =	vmor vm13, vm11  }
0x157: {  	vm11 =	vmxor vm11, vm9  }
0x158: {  	v16 =	vsel vm11, v20, v16;
	v17 =	vsel vm11, v21, v17  }
0x159: {  	v20 =	vperm.xlane v16, v14;
	v21 =	vperm.xlane v17, v14;
	_ =	sdelay $0x1  }
0x15a: {  	vm11 =	veq.f32 v20, v16;
	vm12 =	vlt.s32 v21, v17  }
0x15b: {  	vm13 =	vlt.f32 v20, v16;
	vm11 =	vmand vm11, vm12  }
0x15c: {  	v22 =	vld [tilespmem:$0x8500];
	v23 =	vmul.u32 $0xFFFFFFFF, v10;
	vm11 =	vmor vm13, vm11  }
0x15d: {  	vm11 =	vmxor vm11, vm10  }
0x15e: {  	v60 =	vadd.s32 $0xF, v23;
	v16 =	vsel vm11, v20, v16;
	v17 =	vsel vm11, v21, v17  }
0x15f: {  	v16 =	vperm.xlane v16, v60;
	v17 =	vperm.xlane v17, v60;
	_ =	sdelay $0x1  }
0x160: {  	vm11 =	veq.f32 v15, v16;
	vm12 =	vlt.s32 v22, v17  }
0x161: {  	vm13 =	vlt.f32 v15, v16;
	vm11 =	vmand vm11, vm12  }
0x162: {  	vm11 =	vmor vm13, vm11  }
0x163: {  	v15 =	vsel vm11, v15, v16;
	v61 =	vsel vm11, v22, v17  }
0x164: {  	v62 =	vperm.xlane v15, v8;
	v63 =	vperm.xlane v61, v8;
	_ =	sdelay $0x1  }
0x165: {  	vm11 =	veq.f32 v62, v15;
	vm12 =	vlt.s32 v63, v61  }
0x166: {  	vm13 =	vlt.f32 v62, v15;
	vm11 =	vmand vm11, vm12  }
0x167: {  	vm11 =	vmor vm13, vm11  }
0x168: {  	vm11 =	vmxor vm11, vm8  }
0x169: {  	v15 =	vsel vm11, v62, v15;
	v16 =	vsel vm11, v63, v61  }
0x16a: {  	v17 =	vperm.xlane v15, v58;
	v19 =	vperm.xlane v16, v58;
	_ =	sdelay $0x1  }
0x16b: {  	vm11 =	veq.f32 v17, v15;
	vm12 =	vlt.s32 v19, v16  }
0x16c: {  	vm13 =	vlt.f32 v17, v15;
	vm11 =	vmand vm11, vm12  }
0x16d: {  	vm11 =	vmor vm13, vm11  }
0x16e: {  	vm11 =	vmxor vm11, vm6  }
0x16f: {  	v15 =	vsel vm11, v17, v15;
	v16 =	vsel vm11, v19, v16  }
0x170: {  	v17 =	vperm.xlane v15, v56;
	v18 =	vperm.xlane v16, v56;
	_ =	sdelay $0x1  }
0x171: {  	vm11 =	veq.f32 v17, v15;
	vm12 =	vlt.s32 v18, v16  }
0x172: {  	vm13 =	vlt.f32 v17, v15;
	vm11 =	vmand vm11, vm12  }
0x173: {  	vm11 =	vmor vm13, vm11  }
0x174: {  	vm11 =	vmxor vm11, vm9  }
0x175: {  	v15 =	vsel vm11, v17, v15;
	v16 =	vsel vm11, v18, v16  }
0x176: {  	v17 =	vperm.xlane v15, v14;
	v14 =	vperm.xlane v16, v14;
	_ =	sdelay $0x1  }
0x177: {  	vm11 =	veq.f32 v17, v15;
	vm12 =	vlt.s32 v14, v16  }
0x178: {  	vm13 =	vlt.f32 v17, v15;
	vm11 =	vmand vm11, vm12  }
.Ltmp8:
0x179: {  	vm11 =	vmor vm13, vm11;
	(pc) =	sbr.rel .LBB2_7-.Ltmp8, $4  }
0x17a: {  	vm11 =	vmxor vm11, vm10  }
0x17b: {  	v15 =	vsel vm11, v17, v15  }
0x17c: {  	v14 =	vsel vm11, v14, v16;
	[tilespmem:$0x8480] =	vst v15  }
0x17d: {  	[tilespmem:$0x8500] =	vst v14  }
.LBB2_8:
0x17e: {  	v15 =	vperm.xlane v13, v3;
	_ =	sdelay $0x1  }
0x17f: {  	v13 =	vmax.f32 v13, v15  }
0x180: {  	v15 =	vperm.xlane v13, v5;
	_ =	sdelay $0x1  }
0x181: {  	v13 =	vmax.f32 v13, v15  }
0x182: {  	v15 =	vperm.xlane v13, v7;
	_ =	sdelay $0x1  }
0x183: {  	v13 =	vmax.f32 v13, v15  }
0x184: {  	v15 =	vperm.xlane v13, v8;
	_ =	sdelay $0x1  }
0x185: {  	v13 =	vmax.f32 v13, v15  }
0x186: {  	(v2sf) =	vpush v13, $0x0;
	_ =	sdelay $0xa  }
.Ltmp9:
0x187: {  	_ = 	snop;
	(pc) =	sbr.rel .LBB2_9-.Ltmp9, $4  }
0x188: {  	_ = 	snop  }
0x189: {  	[tilespmem:$0x8480] =	vst v9;
	v13 =	vadd.s32 v0, v14  }
0x18a: {  	[tilespmem:$0x8580] =	vst v13;
	v13 =	vimm.s32 $0x0  }
0x18b: {  	s21 =	simm.s32 $0x0;
	[tilespmem:$0x8500] =	vst v13;
	s0 =	spop (v2sf)  }
.LBB2_11:
0x18c: {  	s21 =	sadd.s32 $0x10, s21  }
0x18d: {  	p0 =	sne.s32 s21, $0x1000  }
.Ltmp10:
0x18e: {  	_ = 	snop;
	(pc) =	sbr.rel @!p0 .LBB2_12-.Ltmp10, $1  }
0x18f: {  	_ =	sdelay $0x3  }
.LBB2_9:
0x190: {  	s22 =	sand.u32 $0xFF0, s21  }
0x191: {  	v15 =	vld [tilespmem:s22+$0x5480];
	_ =	sdelay $0x4  }
0x192: {  	v16 =	vperm.xlane v15, v3;
	_ =	sdelay $0x1  }
0x193: {  	v14 =	vmin.f32 v15, v16  }
0x194: {  	v17 =	vperm.xlane v14, v5;
	_ =	sdelay $0x1  }
0x195: {  	v17 =	vmin.f32 v14, v17  }
0x196: {  	v14 =	vld [tilespmem:$0x8480];
	v18 =	vperm.xlane v17, v7;
	_ =	sdelay $0x1  }
0x197: {  	v17 =	vmin.f32 v17, v18  }
0x198: {  	v18 =	vperm.xlane v17, v8;
	_ =	sdelay $0x1  }
0x199: {  	(v2sf) =	vpush v14, $0xF;
	v17 =	vmin.f32 v17, v18  }
0x19a: {  	(v2sf) =	vpush v17, $0x0;
	_ =	sdelay $0xd  }
0x19b: {  	s24 =	spop (v2sf)  }
0x19c: {  	s22 =	smin.f32 s0, s24;
	s23 =	spop (v2sf)  }
0x19d: {  	p0 =	sle.f32 s23, s22  }
.Ltmp11:
0x19e: {  	_ = 	snop;
	(pc) =	sbr.rel @!p0 .LBB2_11-.Ltmp11, $1  }
0x19f: {  	_ =	sdelay $0x3  }
0x1a0: {  	v17 =	vor.u32 s21, v10;
	v13 =	vand.u32 $0xF, v3  }
0x1a1: {  	v18 =	vperm.xlane v17, v13;
	_ =	sdelay $0x1  }
0x1a2: {  	vm11 =	veq.f32 v16, v15;
	vm12 =	vlt.s32 v18, v17  }
0x1a3: {  	vm13 =	vlt.f32 v16, v15;
	vm11 =	vmand vm11, vm12  }
0x1a4: {  	vm11 =	vmor vm13, vm11  }
0x1a5: {  	vm11 =	vmxor vm11, vm1  }
0x1a6: {  	v57 =	vand.u32 $0xF, v5;
	v15 =	vsel vm11, v16, v15;
	v56 =	vsel vm11, v18, v17  }
0x1a7: {  	v58 =	vperm.xlane v15, v57;
	v19 =	vperm.xlane v56, v57;
	_ =	sdelay $0x1  }
0x1a8: {  	vm11 =	veq.f32 v58, v15;
	vm12 =	vlt.s32 v19, v56  }
0x1a9: {  	vm13 =	vlt.f32 v58, v15;
	vm11 =	vmand vm11, vm12  }
0x1aa: {  	vm11 =	vmor vm13, vm11  }
0x1ab: {  	vm11 =	vmxor vm11, vm2  }
0x1ac: {  	v15 =	vsel vm11, v58, v15;
	v16 =	vsel vm11, v19, v56  }
0x1ad: {  	v18 =	vperm.xlane v15, v13;
	v19 =	vperm.xlane v16, v13;
	_ =	sdelay $0x1  }
0x1ae: {  	vm11 =	veq.f32 v18, v15;
	vm12 =	vlt.s32 v19, v16  }
0x1af: {  	vm13 =	vlt.f32 v18, v15;
	vm11 =	vmand vm11, vm12  }
0x1b0: {  	vm11 =	vmor vm13, vm11  }
0x1b1: {  	vm11 =	vmxor vm11, vm3  }
0x1b2: {  	v59 =	vand.u32 $0xF, v7;
	v15 =	vsel vm11, v18, v15;
	v16 =	vsel vm11, v19, v16  }
0x1b3: {  	v60 =	vperm.xlane v15, v59;
	v20 =	vperm.xlane v16, v59;
	_ =	sdelay $0x1  }
0x1b4: {  	vm11 =	veq.f32 v60, v15;
	vm12 =	vlt.s32 v20, v16  }
0x1b5: {  	vm13 =	vlt.f32 v60, v15;
	vm11 =	vmand vm11, vm12  }
0x1b6: {  	vm11 =	vmor vm13, vm11  }
0x1b7: {  	vm11 =	vmxor vm11, vm7  }
0x1b8: {  	v15 =	vsel vm11, v60, v15;
	v16 =	vsel vm11, v20, v16  }
0x1b9: {  	v19 =	vperm.xlane v15, v57;
	v20 =	vperm.xlane v16, v57;
	_ =	sdelay $0x1  }
0x1ba: {  	vm11 =	veq.f32 v19, v15;
	vm12 =	vlt.s32 v20, v16  }
0x1bb: {  	vm13 =	vlt.f32 v19, v15;
	vm11 =	vmand vm11, vm12  }
0x1bc: {  	vm11 =	vmor vm13, vm11  }
0x1bd: {  	vm11 =	vmxor vm11, vm4  }
0x1be: {  	v15 =	vsel vm11, v19, v15;
	v16 =	vsel vm11, v20, v16  }
0x1bf: {  	v19 =	vperm.xlane v15, v13;
	v20 =	vperm.xlane v16, v13;
	_ =	sdelay $0x1  }
0x1c0: {  	vm11 =	veq.f32 v19, v15;
	vm12 =	vlt.s32 v20, v16  }
0x1c1: {  	vm13 =	vlt.f32 v19, v15;
	vm11 =	vmand vm11, vm12  }
0x1c2: {  	vm11 =	vmor vm13, vm11  }
0x1c3: {  	vm11 =	vmxor vm11, vm5  }
0x1c4: {  	v15 =	vsel vm11, v19, v15;
	v16 =	vsel vm11, v20, v16  }
0x1c5: {  	v19 =	vperm.xlane v15, v8;
	v20 =	vperm.xlane v16, v8;
	_ =	sdelay $0x1  }
0x1c6: {  	vm11 =	veq.f32 v19, v15;
	vm12 =	vlt.s32 v20, v16  }
0x1c7: {  	vm13 =	vlt.f32 v19, v15;
	vm11 =	vmand vm11, vm12  }
0x1c8: {  	vm11 =	vmor vm13, vm11  }
0x1c9: {  	vm11 =	vmxor vm11, vm8  }
0x1ca: {  	v15 =	vsel vm11, v19, v15;
	v16 =	vsel vm11, v20, v16  }
0x1cb: {  	v19 =	vperm.xlane v15, v59;
	v20 =	vperm.xlane v16, v59;
	_ =	sdelay $0x1  }
0x1cc: {  	vm11 =	veq.f32 v19, v15;
	vm12 =	vlt.s32 v20, v16  }
0x1cd: {  	vm13 =	vlt.f32 v19, v15;
	vm11 =	vmand vm11, vm12  }
0x1ce: {  	vm11 =	vmor vm13, vm11  }
0x1cf: {  	vm11 =	vmxor vm11, vm6  }
0x1d0: {  	v15 =	vsel vm11, v19, v15;
	v16 =	vsel vm11, v20, v16  }
0x1d1: {  	v19 =	vperm.xlane v15, v57;
	v20 =	vperm.xlane v16, v57;
	_ =	sdelay $0x1  }
0x1d2: {  	vm11 =	veq.f32 v19, v15;
	vm12 =	vlt.s32 v20, v16  }
0x1d3: {  	vm13 =	vlt.f32 v19, v15;
	vm11 =	vmand vm11, vm12  }
0x1d4: {  	vm11 =	vmor vm13, vm11  }
0x1d5: {  	vm11 =	vmxor vm11, vm9  }
0x1d6: {  	v15 =	vsel vm11, v19, v15;
	v16 =	vsel vm11, v20, v16  }
0x1d7: {  	v19 =	vperm.xlane v15, v13;
	v20 =	vperm.xlane v16, v13;
	_ =	sdelay $0x1  }
0x1d8: {  	vm11 =	veq.f32 v19, v15;
	vm12 =	vlt.s32 v20, v16  }
0x1d9: {  	vm13 =	vlt.f32 v19, v15;
	vm11 =	vmand vm11, vm12  }
0x1da: {  	v21 =	vld [tilespmem:$0x8500];
	v22 =	vmul.u32 $0xFFFFFFFF, v10;
	vm11 =	vmor vm13, vm11  }
0x1db: {  	vm11 =	vmxor vm11, vm10  }
0x1dc: {  	v61 =	vadd.s32 $0xF, v22;
	v15 =	vsel vm11, v19, v15;
	v16 =	vsel vm11, v20, v16  }
0x1dd: {  	v15 =	vperm.xlane v15, v61;
	v16 =	vperm.xlane v16, v61;
	_ =	sdelay $0x1  }
0x1de: {  	vm11 =	veq.f32 v14, v15;
	vm12 =	vlt.s32 v21, v16  }
0x1df: {  	vm13 =	vlt.f32 v14, v15;
	vm11 =	vmand vm11, vm12  }
0x1e0: {  	vm11 =	vmor vm13, vm11  }
0x1e1: {  	v14 =	vsel vm11, v14, v15;
	v15 =	vsel vm11, v21, v16  }
0x1e2: {  	v62 =	vperm.xlane v14, v8;
	v63 =	vperm.xlane v15, v8;
	_ =	sdelay $0x1  }
0x1e3: {  	vm11 =	veq.f32 v62, v14;
	vm12 =	vlt.s32 v63, v15  }
0x1e4: {  	vm13 =	vlt.f32 v62, v14;
	vm11 =	vmand vm11, vm12  }
0x1e5: {  	vm11 =	vmor vm13, vm11  }
0x1e6: {  	vm11 =	vmxor vm11, vm8  }
0x1e7: {  	v14 =	vsel vm11, v62, v14;
	v15 =	vsel vm11, v63, v15  }
0x1e8: {  	v16 =	vperm.xlane v14, v59;
	v18 =	vperm.xlane v15, v59;
	_ =	sdelay $0x1  }
0x1e9: {  	vm11 =	veq.f32 v16, v14;
	vm12 =	vlt.s32 v18, v15  }
0x1ea: {  	vm13 =	vlt.f32 v16, v14;
	vm11 =	vmand vm11, vm12  }
0x1eb: {  	vm11 =	vmor vm13, vm11  }
0x1ec: {  	vm11 =	vmxor vm11, vm6  }
0x1ed: {  	v14 =	vsel vm11, v16, v14;
	v15 =	vsel vm11, v18, v15  }
0x1ee: {  	v16 =	vperm.xlane v14, v57;
	v17 =	vperm.xlane v15, v57;
	_ =	sdelay $0x1  }
0x1ef: {  	vm11 =	veq.f32 v16, v14;
	vm12 =	vlt.s32 v17, v15  }
0x1f0: {  	vm13 =	vlt.f32 v16, v14;
	vm11 =	vmand vm11, vm12  }
0x1f1: {  	vm11 =	vmor vm13, vm11  }
0x1f2: {  	vm11 =	vmxor vm11, vm9  }
0x1f3: {  	v14 =	vsel vm11, v16, v14;
	v15 =	vsel vm11, v17, v15  }
0x1f4: {  	v16 =	vperm.xlane v14, v13;
	v13 =	vperm.xlane v15, v13;
	_ =	sdelay $0x1  }
0x1f5: {  	vm11 =	veq.f32 v16, v14;
	vm12 =	vlt.s32 v13, v15  }
0x1f6: {  	vm13 =	vlt.f32 v16, v14;
	vm11 =	vmand vm11, vm12  }
.Ltmp12:
0x1f7: {  	vm11 =	vmor vm13, vm11;
	(pc) =	sbr.rel .LBB2_11-.Ltmp12, $4  }
0x1f8: {  	vm11 =	vmxor vm11, vm10  }
0x1f9: {  	v14 =	vsel vm11, v16, v14  }
0x1fa: {  	v13 =	vsel vm11, v13, v15;
	[tilespmem:$0x8480] =	vst v14  }
0x1fb: {  	[tilespmem:$0x8500] =	vst v13  }
.LBB2_12:
0x1fc: {  	v14 =	vperm.xlane v12, v3;
	_ =	sdelay $0x1  }
0x1fd: {  	v12 =	vmax.f32 v12, v14  }
0x1fe: {  	v14 =	vperm.xlane v12, v5;
	_ =	sdelay $0x1  }
0x1ff: {  	v12 =	vmax.f32 v12, v14  }
0x200: {  	v14 =	vperm.xlane v12, v7;
	_ =	sdelay $0x1  }
0x201: {  	v12 =	vmax.f32 v12, v14  }
0x202: {  	v14 =	vperm.xlane v12, v8;
	_ =	sdelay $0x1  }
0x203: {  	v12 =	vmax.f32 v12, v14  }
0x204: {  	(v2sf) =	vpush v12, $0x0;
	_ =	sdelay $0xa  }
.Ltmp13:
0x205: {  	_ = 	snop;
	(pc) =	sbr.rel .LBB2_13-.Ltmp13, $4  }
0x206: {  	_ = 	snop  }
0x207: {  	[tilespmem:$0x8480] =	vst v9;
	v12 =	vadd.s32 v0, v13  }
0x208: {  	[tilespmem:$0x8590] =	vst v12;
	v12 =	vimm.s32 $0x0  }
0x209: {  	s21 =	simm.s32 $0x0;
	[tilespmem:$0x8500] =	vst v12;
	s0 =	spop (v2sf)  }
.LBB2_15:
0x20a: {  	s21 =	sadd.s32 $0x10, s21  }
0x20b: {  	p0 =	sne.s32 s21, $0x1000  }
.Ltmp14:
0x20c: {  	_ = 	snop;
	(pc) =	sbr.rel @!p0 .LBB2_16-.Ltmp14, $1  }
0x20d: {  	_ =	sdelay $0x3  }
.LBB2_13:
0x20e: {  	s22 =	sand.u32 $0xFF0, s21  }
0x20f: {  	v14 =	vld [tilespmem:s22+$0x6480];
	_ =	sdelay $0x4  }
0x210: {  	v15 =	vperm.xlane v14, v3;
	_ =	sdelay $0x1  }
0x211: {  	v13 =	vmin.f32 v14, v15  }
0x212: {  	v16 =	vperm.xlane v13, v5;
	_ =	sdelay $0x1  }
0x213: {  	v16 =	vmin.f32 v13, v16  }
0x214: {  	v13 =	vld [tilespmem:$0x8480];
	v17 =	vperm.xlane v16, v7;
	_ =	sdelay $0x1  }
0x215: {  	v16 =	vmin.f32 v16, v17  }
0x216: {  	v17 =	vperm.xlane v16, v8;
	_ =	sdelay $0x1  }
0x217: {  	(v2sf) =	vpush v13, $0xF;
	v16 =	vmin.f32 v16, v17  }
0x218: {  	(v2sf) =	vpush v16, $0x0;
	_ =	sdelay $0xd  }
0x219: {  	s24 =	spop (v2sf)  }
0x21a: {  	s22 =	smin.f32 s0, s24;
	s23 =	spop (v2sf)  }
0x21b: {  	p0 =	sle.f32 s23, s22  }
.Ltmp15:
0x21c: {  	_ = 	snop;
	(pc) =	sbr.rel @!p0 .LBB2_15-.Ltmp15, $1  }
0x21d: {  	_ =	sdelay $0x3  }
0x21e: {  	v16 =	vor.u32 s21, v10;
	v12 =	vand.u32 $0xF, v3  }
0x21f: {  	v17 =	vperm.xlane v16, v12;
	_ =	sdelay $0x1  }
0x220: {  	vm11 =	veq.f32 v15, v14;
	vm12 =	vlt.s32 v17, v16  }
0x221: {  	vm13 =	vlt.f32 v15, v14;
	vm11 =	vmand vm11, vm12  }
0x222: {  	vm11 =	vmor vm13, vm11  }
0x223: {  	vm11 =	vmxor vm11, vm1  }
0x224: {  	v58 =	vand.u32 $0xF, v5;
	v14 =	vsel vm11, v15, v14;
	v15 =	vsel vm11, v17, v16  }
0x225: {  	v59 =	vperm.xlane v14, v58;
	v18 =	vperm.xlane v15, v58;
	_ =	sdelay $0x1  }
0x226: {  	vm11 =	veq.f32 v59, v14;
	vm12 =	vlt.s32 v18, v15  }
0x227: {  	vm13 =	vlt.f32 v59, v14;
	vm11 =	vmand vm11, vm12  }
0x228: {  	vm11 =	vmor vm13, vm11  }
0x229: {  	vm11 =	vmxor vm11, vm2  }
0x22a: {  	v14 =	vsel vm11, v59, v14;
	v15 =	vsel vm11, v18, v15  }
0x22b: {  	v17 =	vperm.xlane v14, v12;
	v18 =	vperm.xlane v15, v12;
	_ =	sdelay $0x1  }
0x22c: {  	vm11 =	veq.f32 v17, v14;
	vm12 =	vlt.s32 v18, v15  }
0x22d: {  	vm13 =	vlt.f32 v17, v14;
	vm11 =	vmand vm11, vm12  }
0x22e: {  	vm11 =	vmor vm13, vm11  }
0x22f: {  	vm11 =	vmxor vm11, vm3  }
0x230: {  	v60 =	vand.u32 $0xF, v7;
	v14 =	vsel vm11, v17, v14;
	v15 =	vsel vm11, v18, v15  }
0x231: {  	v61 =	vperm.xlane v14, v60;
	v19 =	vperm.xlane v15, v60;
	_ =	sdelay $0x1  }
0x232: {  	vm11 =	veq.f32 v61, v14;
	vm12 =	vlt.s32 v19, v15  }
0x233: {  	vm13 =	vlt.f32 v61, v14;
	vm11 =	vmand vm11, vm12  }
0x234: {  	vm11 =	vmor vm13, vm11  }
0x235: {  	vm11 =	vmxor vm11, vm7  }
0x236: {  	v14 =	vsel vm11, v61, v14;
	v15 =	vsel vm11, v19, v15  }
0x237: {  	v18 =	vperm.xlane v14, v58;
	v19 =	vperm.xlane v15, v58;
	_ =	sdelay $0x1  }
0x238: {  	vm11 =	veq.f32 v18, v14;
	vm12 =	vlt.s32 v19, v15  }
0x239: {  	vm13 =	vlt.f32 v18, v14;
	vm11 =	vmand vm11, vm12  }
0x23a: {  	vm11 =	vmor vm13, vm11  }
0x23b: {  	vm11 =	vmxor vm11, vm4  }
0x23c: {  	v14 =	vsel vm11, v18, v14;
	v15 =	vsel vm11, v19, v15  }
0x23d: {  	v18 =	vperm.xlane v14, v12;
	v19 =	vperm.xlane v15, v12;
	_ =	sdelay $0x1  }
0x23e: {  	vm11 =	veq.f32 v18, v14;
	vm12 =	vlt.s32 v19, v15  }
0x23f: {  	vm13 =	vlt.f32 v18, v14;
	vm11 =	vmand vm11, vm12  }
0x240: {  	vm11 =	vmor vm13, vm11  }
0x241: {  	vm11 =	vmxor vm11, vm5  }
0x242: {  	v14 =	vsel vm11, v18, v14;
	v15 =	vsel vm11, v19, v15  }
0x243: {  	v18 =	vperm.xlane v14, v8;
	v19 =	vperm.xlane v15, v8;
	_ =	sdelay $0x1  }
0x244: {  	vm11 =	veq.f32 v18, v14;
	vm12 =	vlt.s32 v19, v15  }
0x245: {  	vm13 =	vlt.f32 v18, v14;
	vm11 =	vmand vm11, vm12  }
0x246: {  	vm11 =	vmor vm13, vm11  }
0x247: {  	vm11 =	vmxor vm11, vm8  }
0x248: {  	v14 =	vsel vm11, v18, v14;
	v15 =	vsel vm11, v19, v15  }
0x249: {  	v18 =	vperm.xlane v14, v60;
	v19 =	vperm.xlane v15, v60;
	_ =	sdelay $0x1  }
0x24a: {  	vm11 =	veq.f32 v18, v14;
	vm12 =	vlt.s32 v19, v15  }
0x24b: {  	vm13 =	vlt.f32 v18, v14;
	vm11 =	vmand vm11, vm12  }
0x24c: {  	vm11 =	vmor vm13, vm11  }
0x24d: {  	vm11 =	vmxor vm11, vm6  }
0x24e: {  	v14 =	vsel vm11, v18, v14;
	v15 =	vsel vm11, v19, v15  }
0x24f: {  	v18 =	vperm.xlane v14, v58;
	v19 =	vperm.xlane v15, v58;
	_ =	sdelay $0x1  }
0x250: {  	vm11 =	veq.f32 v18, v14;
	vm12 =	vlt.s32 v19, v15  }
0x251: {  	vm13 =	vlt.f32 v18, v14;
	vm11 =	vmand vm11, vm12  }
0x252: {  	vm11 =	vmor vm13, vm11  }
0x253: {  	vm11 =	vmxor vm11, vm9  }
0x254: {  	v14 =	vsel vm11, v18, v14;
	v15 =	vsel vm11, v19, v15  }
0x255: {  	v18 =	vperm.xlane v14, v12;
	v19 =	vperm.xlane v15, v12;
	_ =	sdelay $0x1  }
0x256: {  	vm11 =	veq.f32 v18, v14;
	vm12 =	vlt.s32 v19, v15  }
0x257: {  	vm13 =	vlt.f32 v18, v14;
	vm11 =	vmand vm11, vm12  }
0x258: {  	v20 =	vld [tilespmem:$0x8500];
	v21 =	vmul.u32 $0xFFFFFFFF, v10;
	vm11 =	vmor vm13, vm11  }
0x259: {  	vm11 =	vmxor vm11, vm10  }
0x25a: {  	v62 =	vadd.s32 $0xF, v21;
	v14 =	vsel vm11, v18, v14;
	v15 =	vsel vm11, v19, v15  }
0x25b: {  	v14 =	vperm.xlane v14, v62;
	v15 =	vperm.xlane v15, v62;
	_ =	sdelay $0x1  }
0x25c: {  	vm11 =	veq.f32 v13, v14;
	vm12 =	vlt.s32 v20, v15  }
0x25d: {  	vm13 =	vlt.f32 v13, v14;
	vm11 =	vmand vm11, vm12  }
0x25e: {  	vm11 =	vmor vm13, vm11  }
0x25f: {  	v13 =	vsel vm11, v13, v14;
	v14 =	vsel vm11, v20, v15  }
0x260: {  	v15 =	vperm.xlane v13, v8;
	v63 =	vperm.xlane v14, v8;
	_ =	sdelay $0x1  }
0x261: {  	vm11 =	veq.f32 v15, v13;
	vm12 =	vlt.s32 v63, v14  }
0x262: {  	vm13 =	vlt.f32 v15, v13;
	vm11 =	vmand vm11, vm12  }
0x263: {  	vm11 =	vmor vm13, vm11  }
0x264: {  	vm11 =	vmxor vm11, vm8  }
0x265: {  	v13 =	vsel vm11, v15, v13;
	v14 =	vsel vm11, v63, v14  }
0x266: {  	v15 =	vperm.xlane v13, v60;
	v17 =	vperm.xlane v14, v60;
	_ =	sdelay $0x1  }
0x267: {  	vm11 =	veq.f32 v15, v13;
	vm12 =	vlt.s32 v17, v14  }
0x268: {  	vm13 =	vlt.f32 v15, v13;
	vm11 =	vmand vm11, vm12  }
0x269: {  	vm11 =	vmor vm13, vm11  }
0x26a: {  	vm11 =	vmxor vm11, vm6  }
0x26b: {  	v13 =	vsel vm11, v15, v13;
	v14 =	vsel vm11, v17, v14  }
0x26c: {  	v15 =	vperm.xlane v13, v58;
	v16 =	vperm.xlane v14, v58;
	_ =	sdelay $0x1  }
0x26d: {  	vm11 =	veq.f32 v15, v13;
	vm12 =	vlt.s32 v16, v14  }
0x26e: {  	vm13 =	vlt.f32 v15, v13;
	vm11 =	vmand vm11, vm12  }
0x26f: {  	vm11 =	vmor vm13, vm11  }
0x270: {  	vm11 =	vmxor vm11, vm9  }
0x271: {  	v13 =	vsel vm11, v15, v13;
	v14 =	vsel vm11, v16, v14  }
0x272: {  	v15 =	vperm.xlane v13, v12;
	v12 =	vperm.xlane v14, v12;
	_ =	sdelay $0x1  }
0x273: {  	vm11 =	veq.f32 v15, v13;
	vm12 =	vlt.s32 v12, v14  }
0x274: {  	vm13 =	vlt.f32 v15, v13;
	vm11 =	vmand vm11, vm12  }
.Ltmp16:
0x275: {  	vm11 =	vmor vm13, vm11;
	(pc) =	sbr.rel .LBB2_15-.Ltmp16, $4  }
0x276: {  	vm11 =	vmxor vm11, vm10  }
0x277: {  	v13 =	vsel vm11, v15, v13  }
0x278: {  	v12 =	vsel vm11, v12, v14;
	[tilespmem:$0x8480] =	vst v13  }
0x279: {  	[tilespmem:$0x8500] =	vst v12  }
.LBB2_16:
0x27a: {  	v13 =	vperm.xlane v11, v3;
	_ =	sdelay $0x1  }
0x27b: {  	v11 =	vmax.f32 v11, v13  }
0x27c: {  	v13 =	vperm.xlane v11, v5;
	_ =	sdelay $0x1  }
0x27d: {  	v11 =	vmax.f32 v11, v13  }
0x27e: {  	v13 =	vperm.xlane v11, v7;
	_ =	sdelay $0x1  }
0x27f: {  	v11 =	vmax.f32 v11, v13  }
0x280: {  	v13 =	vperm.xlane v11, v8;
	_ =	sdelay $0x1  }
0x281: {  	v11 =	vmax.f32 v11, v13  }
0x282: {  	(v2sf) =	vpush v11, $0x0;
	_ =	sdelay $0xa  }
.Ltmp17:
0x283: {  	_ = 	snop;
	(pc) =	sbr.rel .LBB2_17-.Ltmp17, $4  }
0x284: {  	_ = 	snop  }
0x285: {  	[tilespmem:$0x8480] =	vst v9;
	v11 =	vadd.s32 v0, v12  }
0x286: {  	[tilespmem:$0x85A0] =	vst v11;
	v11 =	vimm.s32 $0x0  }
0x287: {  	s21 =	simm.s32 $0x0;
	[tilespmem:$0x8500] =	vst v11;
	s0 =	spop (v2sf)  }
.LBB2_19:
0x288: {  	s21 =	sadd.s32 $0x10, s21  }
0x289: {  	p0 =	sne.s32 s21, $0x1000  }
.Ltmp18:
0x28a: {  	_ = 	snop;
	(pc) =	sbr.rel @!p0 .LBB2_20-.Ltmp18, $1  }
0x28b: {  	_ =	sdelay $0x3  }
.LBB2_17:
0x28c: {  	s22 =	sand.u32 $0xFF0, s21  }
0x28d: {  	v13 =	vld [tilespmem:s22+$0x7480];
	_ =	sdelay $0x4  }
0x28e: {  	v14 =	vperm.xlane v13, v3;
	_ =	sdelay $0x1  }
0x28f: {  	v12 =	vmin.f32 v13, v14  }
0x290: {  	v15 =	vperm.xlane v12, v5;
	_ =	sdelay $0x1  }
0x291: {  	v15 =	vmin.f32 v12, v15  }
0x292: {  	v12 =	vld [tilespmem:$0x8480];
	v16 =	vperm.xlane v15, v7;
	_ =	sdelay $0x1  }
0x293: {  	v15 =	vmin.f32 v15, v16  }
0x294: {  	v16 =	vperm.xlane v15, v8;
	_ =	sdelay $0x1  }
0x295: {  	(v2sf) =	vpush v12, $0xF;
	v15 =	vmin.f32 v15, v16  }
0x296: {  	(v2sf) =	vpush v15, $0x0;
	_ =	sdelay $0xd  }
0x297: {  	s24 =	spop (v2sf)  }
0x298: {  	s22 =	smin.f32 s0, s24;
	s23 =	spop (v2sf)  }
0x299: {  	p0 =	sle.f32 s23, s22  }
.Ltmp19:
0x29a: {  	_ = 	snop;
	(pc) =	sbr.rel @!p0 .LBB2_19-.Ltmp19, $1  }
0x29b: {  	_ =	sdelay $0x3  }
0x29c: {  	v15 =	vor.u32 s21, v10;
	v11 =	vand.u32 $0xF, v3  }
0x29d: {  	v16 =	vperm.xlane v15, v11;
	_ =	sdelay $0x1  }
0x29e: {  	vm11 =	veq.f32 v14, v13;
	vm12 =	vlt.s32 v16, v15  }
0x29f: {  	vm13 =	vlt.f32 v14, v13;
	vm11 =	vmand vm11, vm12  }
0x2a0: {  	vm11 =	vmor vm13, vm11  }
0x2a1: {  	vm11 =	vmxor vm11, vm1  }
0x2a2: {  	v55 =	vand.u32 $0xF, v5;
	v53 =	vsel vm11, v14, v13;
	v54 =	vsel vm11, v16, v15  }
0x2a3: {  	v56 =	vperm.xlane v53, v55;
	v17 =	vperm.xlane v54, v55;
	_ =	sdelay $0x1  }
0x2a4: {  	vm11 =	veq.f32 v56, v53;
	vm12 =	vlt.s32 v17, v54  }
0x2a5: {  	vm13 =	vlt.f32 v56, v53;
	vm11 =	vmand vm11, vm12  }
0x2a6: {  	vm11 =	vmor vm13, vm11  }
0x2a7: {  	vm11 =	vmxor vm11, vm2  }
0x2a8: {  	v13 =	vsel vm11, v56, v53;
	v14 =	vsel vm11, v17, v54  }
0x2a9: {  	v16 =	vperm.xlane v13, v11;
	v17 =	vperm.xlane v14, v11;
	_ =	sdelay $0x1  }
0x2aa: {  	vm11 =	veq.f32 v16, v13;
	vm12 =	vlt.s32 v17, v14  }
0x2ab: {  	vm13 =	vlt.f32 v16, v13;
	vm11 =	vmand vm11, vm12  }
0x2ac: {  	vm11 =	vmor vm13, vm11  }
0x2ad: {  	vm11 =	vmxor vm11, vm3  }
0x2ae: {  	v57 =	vand.u32 $0xF, v7;
	v13 =	vsel vm11, v16, v13;
	v14 =	vsel vm11, v17, v14  }
0x2af: {  	v58 =	vperm.xlane v13, v57;
	v18 =	vperm.xlane v14, v57;
	_ =	sdelay $0x1  }
0x2b0: {  	vm11 =	veq.f32 v58, v13;
	vm12 =	vlt.s32 v18, v14  }
0x2b1: {  	vm13 =	vlt.f32 v58, v13;
	vm11 =	vmand vm11, vm12  }
0x2b2: {  	vm11 =	vmor vm13, vm11  }
0x2b3: {  	vm11 =	vmxor vm11, vm7  }
0x2b4: {  	v13 =	vsel vm11, v58, v13;
	v14 =	vsel vm11, v18, v14  }
0x2b5: {  	v17 =	vperm.xlane v13, v55;
	v18 =	vperm.xlane v14, v55;
	_ =	sdelay $0x1  }
0x2b6: {  	vm11 =	veq.f32 v17, v13;
	vm12 =	vlt.s32 v18, v14  }
0x2b7: {  	vm13 =	vlt.f32 v17, v13;
	vm11 =	vmand vm11, vm12  }
0x2b8: {  	vm11 =	vmor vm13, vm11  }
0x2b9: {  	vm11 =	vmxor vm11, vm4  }
0x2ba: {  	v13 =	vsel vm11, v17, v13;
	v14 =	vsel vm11, v18, v14  }
0x2bb: {  	v17 =	vperm.xlane v13, v11;
	v18 =	vperm.xlane v14, v11;
	_ =	sdelay $0x1  }
0x2bc: {  	vm11 =	veq.f32 v17, v13;
	vm12 =	vlt.s32 v18, v14  }
0x2bd: {  	vm13 =	vlt.f32 v17, v13;
	vm11 =	vmand vm11, vm12  }
0x2be: {  	vm11 =	vmor vm13, vm11  }
0x2bf: {  	vm11 =	vmxor vm11, vm5  }
0x2c0: {  	v13 =	vsel vm11, v17, v13;
	v14 =	vsel vm11, v18, v14  }
0x2c1: {  	v17 =	vperm.xlane v13, v8;
	v18 =	vperm.xlane v14, v8;
	_ =	sdelay $0x1  }
0x2c2: {  	vm11 =	veq.f32 v17, v13;
	vm12 =	vlt.s32 v18, v14  }
0x2c3: {  	vm13 =	vlt.f32 v17, v13;
	vm11 =	vmand vm11, vm12  }
0x2c4: {  	vm11 =	vmor vm13, vm11  }
0x2c5: {  	vm11 =	vmxor vm11, vm8  }
0x2c6: {  	v13 =	vsel vm11, v17, v13;
	v14 =	vsel vm11, v18, v14  }
0x2c7: {  	v17 =	vperm.xlane v13, v57;
	v18 =	vperm.xlane v14, v57;
	_ =	sdelay $0x1  }
0x2c8: {  	vm11 =	veq.f32 v17, v13;
	vm12 =	vlt.s32 v18, v14  }
0x2c9: {  	vm13 =	vlt.f32 v17, v13;
	vm11 =	vmand vm11, vm12  }
0x2ca: {  	vm11 =	vmor vm13, vm11  }
0x2cb: {  	vm11 =	vmxor vm11, vm6  }
0x2cc: {  	v13 =	vsel vm11, v17, v13;
	v14 =	vsel vm11, v18, v14  }
0x2cd: {  	v17 =	vperm.xlane v13, v55;
	v18 =	vperm.xlane v14, v55;
	_ =	sdelay $0x1  }
0x2ce: {  	vm11 =	veq.f32 v17, v13;
	vm12 =	vlt.s32 v18, v14  }
0x2cf: {  	vm13 =	vlt.f32 v17, v13;
	vm11 =	vmand vm11, vm12  }
0x2d0: {  	vm11 =	vmor vm13, vm11  }
0x2d1: {  	vm11 =	vmxor vm11, vm9  }
0x2d2: {  	v13 =	vsel vm11, v17, v13;
	v14 =	vsel vm11, v18, v14  }
0x2d3: {  	v17 =	vperm.xlane v13, v11;
	v18 =	vperm.xlane v14, v11;
	_ =	sdelay $0x1  }
0x2d4: {  	vm11 =	veq.f32 v17, v13;
	vm12 =	vlt.s32 v18, v14  }
0x2d5: {  	vm13 =	vlt.f32 v17, v13;
	vm11 =	vmand vm11, vm12  }
0x2d6: {  	v19 =	vld [tilespmem:$0x8500];
	v20 =	vmul.u32 $0xFFFFFFFF, v10;
	vm11 =	vmor vm13, vm11  }
0x2d7: {  	vm11 =	vmxor vm11, vm10  }
0x2d8: {  	v59 =	vadd.s32 $0xF, v20;
	v13 =	vsel vm11, v17, v13;
	v14 =	vsel vm11, v18, v14  }
0x2d9: {  	v13 =	vperm.xlane v13, v59;
	v14 =	vperm.xlane v14, v59;
	_ =	sdelay $0x1  }
0x2da: {  	vm11 =	veq.f32 v12, v13;
	vm12 =	vlt.s32 v19, v14  }
0x2db: {  	vm13 =	vlt.f32 v12, v13;
	vm11 =	vmand vm11, vm12  }
0x2dc: {  	vm11 =	vmor vm13, vm11  }
0x2dd: {  	v60 =	vsel vm11, v12, v13;
	v61 =	vsel vm11, v19, v14  }
0x2de: {  	v62 =	vperm.xlane v60, v8;
	v63 =	vperm.xlane v61, v8;
	_ =	sdelay $0x1  }
0x2df: {  	vm11 =	veq.f32 v62, v60;
	vm12 =	vlt.s32 v63, v61  }
0x2e0: {  	vm13 =	vlt.f32 v62, v60;
	vm11 =	vmand vm11, vm12  }
0x2e1: {  	vm11 =	vmor vm13, vm11  }
0x2e2: {  	vm11 =	vmxor vm11, vm8  }
0x2e3: {  	v12 =	vsel vm11, v62, v60;
	v13 =	vsel vm11, v63, v61  }
0x2e4: {  	v14 =	vperm.xlane v12, v57;
	v16 =	vperm.xlane v13, v57;
	_ =	sdelay $0x1  }
0x2e5: {  	vm11 =	veq.f32 v14, v12;
	vm12 =	vlt.s32 v16, v13  }
0x2e6: {  	vm13 =	vlt.f32 v14, v12;
	vm11 =	vmand vm11, vm12  }
0x2e7: {  	vm11 =	vmor vm13, vm11  }
0x2e8: {  	vm11 =	vmxor vm11, vm6  }
0x2e9: {  	v12 =	vsel vm11, v14, v12;
	v13 =	vsel vm11, v16, v13  }
0x2ea: {  	v14 =	vperm.xlane v12, v55;
	v15 =	vperm.xlane v13, v55;
	_ =	sdelay $0x1  }
0x2eb: {  	vm11 =	veq.f32 v14, v12;
	vm12 =	vlt.s32 v15, v13  }
0x2ec: {  	vm13 =	vlt.f32 v14, v12;
	vm11 =	vmand vm11, vm12  }
0x2ed: {  	vm11 =	vmor vm13, vm11  }
0x2ee: {  	vm11 =	vmxor vm11, vm9  }
0x2ef: {  	v12 =	vsel vm11, v14, v12;
	v13 =	vsel vm11, v15, v13  }
0x2f0: {  	v14 =	vperm.xlane v12, v11;
	v11 =	vperm.xlane v13, v11;
	_ =	sdelay $0x1  }
0x2f1: {  	vm11 =	veq.f32 v14, v12;
	vm12 =	vlt.s32 v11, v13  }
0x2f2: {  	vm13 =	vlt.f32 v14, v12;
	vm11 =	vmand vm11, vm12  }
.Ltmp20:
0x2f3: {  	vm11 =	vmor vm13, vm11;
	(pc) =	sbr.rel .LBB2_19-.Ltmp20, $4  }
0x2f4: {  	vm11 =	vmxor vm11, vm10  }
0x2f5: {  	v12 =	vsel vm11, v14, v12  }
0x2f6: {  	v11 =	vsel vm11, v11, v13;
	[tilespmem:$0x8480] =	vst v12  }
0x2f7: {  	[tilespmem:$0x8500] =	vst v11  }
.LBB2_22:
0x2f8: {  	_ =	sfence.sel $0x180000  }
0x2f9: {  	[bflag:$0x0] =	sbarrier.arrive $0xFFFF  }
0x2fa: {  	_ =	strace $0x90000047  }
0x2fb: {  	s0 =	stileid.u32;
	[bflag:$0x2] =	sbarrier.arrive $0xFFFF  }
0x2fc: {  	p0 =	sne.s32 s0, $0x0;
	s0 =	rddreg [dreg:$0x2]  }
0x2fd: {  	s0 =	sadd.s32 @!p0 $0x100000, s0  }
0x2fe: {  	[sflag:s0] =	ssyncadd.tile.s32 @!p0 $0x1;
	_ =	shalt  }
.Lfunc_end2:
_tile_overlayer_lowered:
.L_overlay_start_2:
0x2ff: {  	(tag) =	ssettag $0x2  }
0x300: {  	s0 =	rddreg [dreg:$0x0];
	s2 =	stileid.u32  }
0x301: {  	s1 =	rddreg [dreg:$0x1];
	p0 =	sne.s32 s2, $0x0  }
0x302: {  	s3 =	rddreg [dreg:$0x2];
	[bflag:$0x3] =	sbarrier.arrive $0xFFFF;
	s2 =	simm.s32 @!p0 $0x1C07  }
0x303: {  	[timem:s3], [sflag:s2] =	dma.local @!p0 [hbm:s0], s1  }
0x304: {  	s0 =	simm.s32 @!p0 $0x7  }
0x305: {  	_ =	swait.ge @!p0 [sflag:s0], s1  }
0x306: {  	s1 =	ssub.s32 @!p0 $0x0, s1;
	[sflag:s0] =	ssyncset.done @!p0 $0x0  }
0x307: {  	[sflag:s0] =	ssyncadd.s32 @!p0 s1  }
0x308: {  	[bflag:$0x3] =	sbarrier.arrive $0xFFFF  }
0x309: {  	_ =	shalt  }

</sc_bundles>
